<compile_context>
chip_gen: v7x
topology: tpu7x:2x2x1
jax: 0.10.2.dev20260603
libtpu: 0.0.44.dev20260713+nightly
codegen_flags: <defaults>
</compile_context>

<pallas_src>
import functools

import jax
import jax.numpy as jnp
from jax import lax
from jax.experimental import pallas as pl
from jax.experimental.pallas import tpu as pltpu
from jax.experimental.pallas import tpu_sc as plsc

_NUM_CLASSES = 80
_IMG_SIZE = 512.0
_B = 16
_N = 32
_GRIDS = (16, 32, 64)
_TOTALS = tuple(_B * 3 * g * g for g in _GRIDS)
_ANCHORS_416 = [
    [(10, 13), (16, 30), (33, 23)],
    [(30, 61), (62, 45), (59, 119)],
    [(116, 90), (156, 198), (373, 326)],
]
_ANCHORS = [
    [(w * _IMG_SIZE / 416.0, h * _IMG_SIZE / 416.0) for (w, h) in a]
    for a in _ANCHORS_416
]

_sc_mesh = plsc.VectorSubcoreMesh(core_axis_name="c", subcore_axis_name="s")


def _half_targets(boxes_v, labels_v, b, q2, s):
    g = _GRIDS[s]
    iota16 = lax.broadcasted_iota(jnp.int32, (16,), 0)
    nsel = q2 * 16 + iota16
    x0 = plsc.load_gather(boxes_v, [nsel, jnp.zeros((16,), jnp.int32)])
    y0 = plsc.load_gather(boxes_v, [nsel, jnp.full((16,), 1, jnp.int32)])
    x1 = plsc.load_gather(boxes_v, [nsel, jnp.full((16,), 2, jnp.int32)])
    y1 = plsc.load_gather(boxes_v, [nsel, jnp.full((16,), 3, jnp.int32)])
    lab = labels_v[pl.ds(q2 * 16, 16)]
    gf = float(g)
    cx = (x0 + x1) * 0.5 * gf
    cy = (y0 + y1) * 0.5 * gf
    w = (x1 - x0) * _IMG_SIZE
    h = (y1 - y0) * _IMG_SIZE
    gx = cx.astype(jnp.int32)
    gy = cy.astype(jnp.int32)
    valid = (lab >= 0) & (gx >= 0) & (gx < g) & (gy >= 0) & (gy < g)
    ious = []
    for (aw, ah) in _ANCHORS[s]:
        inter = jnp.minimum(w, aw) * jnp.minimum(h, ah)
        union = w * h + (aw * ah) - inter
        ious.append(inter / (union + 1e-16))
    b01 = ious[1] > ious[0]
    bi = jnp.where(b01, ious[1], ious[0])
    best = jnp.where(b01, 1, 0)
    b2 = ious[2] > bi
    best = jnp.where(b2, 2, best)
    aw0, ah0 = _ANCHORS[s][0]
    aw1, ah1 = _ANCHORS[s][1]
    aw2, ah2 = _ANCHORS[s][2]
    aw_b = jnp.where(best == 0, aw0, jnp.where(best == 1, aw1, aw2))
    ah_b = jnp.where(best == 0, ah0, jnp.where(best == 1, ah1, ah2))
    flat = ((b * 3 + best) * g + gy) * g + gx
    iota = lax.broadcasted_iota(jnp.int32, (16,), 0)
    uniq = -1 - (q2 * 16 + iota)
    key = jnp.where(valid, flat, uniq)
    pairkey = jnp.where(valid, flat * _NUM_CLASSES + lab, uniq)
    tx = cx - gx.astype(jnp.float32)
    ty = cy - gy.astype(jnp.float32)
    wr = w / aw_b
    hr = h / ah_b
    return key, pairkey, valid, flat, tx, ty, wr, hr, lab


_PC_CHUNKS = tuple(t // 32 for t in _TOTALS)
_PC_BASES = (0, _TOTALS[0], _TOTALS[0] + _TOTALS[1])
_PC_TOTAL = sum(_TOTALS)


def _sc_body(boxes_hbm, labels_hbm, p0_hbm, p1_hbm, p2_hbm,
             rows_out, meta_out, pc_out,
             boxes_v, labels_v, keys_v, pkeys_v, gidx_v, rows_v, meta_v,
             pcidx0_v, pcidx1_v, pcidx2_v, pcval0_v, pcval1_v, pcval2_v, sem):
    c = lax.axis_index("c")
    sub = lax.axis_index("s")
    wid = c * 16 + sub
    b = wid // 2
    q = wid % 2
    pltpu.sync_copy(boxes_hbm.at[b], boxes_v)
    pltpu.sync_copy(labels_hbm.at[b], labels_v)
    iota = lax.broadcasted_iota(jnp.int32, (16,), 0)
    my_n = q * 16 + iota
    preds = (p0_hbm, p1_hbm, p2_hbm)
    for s in range(3):
        h0 = _half_targets(boxes_v, labels_v, b, 0, s)
        h1 = _half_targets(boxes_v, labels_v, b, 1, s)
        keys_v[pl.ds(s * 32, 16)] = h0[0]
        keys_v[pl.ds(s * 32 + 16, 16)] = h1[0]
        pkeys_v[pl.ds(s * 32, 16)] = h0[1]
        pkeys_v[pl.ds(s * 32 + 16, 16)] = h1[1]
        qe = q == 0
        key = jnp.where(qe, h0[0], h1[0])
        pairkey = jnp.where(qe, h0[1], h1[1])
        valid = jnp.where(qe, h0[2], h1[2])
        flat = jnp.where(qe, h0[3], h1[3])
        tx = jnp.where(qe, h0[4], h1[4])
        ty = jnp.where(qe, h0[5], h1[5])
        wr = jnp.where(qe, h0[6], h1[6])
        hr = jnp.where(qe, h0[7], h1[7])
        lab = jnp.where(qe, h0[8], h1[8])

        def dedup_step(j, carry):
            cf, pcf = carry
            jv = jnp.full((16,), s * 32, jnp.int32) + j
            kj = plsc.load_gather(keys_v, [jv])
            pkj = plsc.load_gather(pkeys_v, [jv])
            m = my_n < j
            cf = cf | ((key == kj) & m)
            pcf = pcf | ((pairkey == pkj) & m)
            return cf, pcf

        conflict = iota < 0
        pconflict = iota < 0
        conflict, pconflict = lax.fori_loop(0, 32, dedup_step,
                                            (conflict, pconflict))
        owner = valid & jnp.logical_not(conflict)
        labelrep = valid & jnp.logical_not(pconflict)
        meta_v[pl.ds(0, 16)] = jnp.where(owner, 1.0, 0.0)
        meta_v[pl.ds(16, 16)] = jnp.where(labelrep, 1.0, 0.0)
        meta_v[pl.ds(32, 16)] = tx
        meta_v[pl.ds(48, 16)] = ty
        meta_v[pl.ds(64, 16)] = wr
        meta_v[pl.ds(80, 16)] = hr
        meta_v[pl.ds(96, 16)] = lab.astype(jnp.float32)
        meta_v[pl.ds(112, 16)] = jnp.where(iota < 0, 1.0, 0.0)
        pltpu.sync_copy(meta_v, meta_out.at[s, wid])
        ebase = jnp.clip(flat, 0, _TOTALS[s] - 1) * 85
        for k in range(85):
            plsc.store_scatter(gidx_v, [iota * 85 + k], ebase + k)
        pltpu.async_copy(preds[s].at[gidx_v], rows_v, sem).wait()
        pltpu.sync_copy(rows_v, rows_out.at[s, wid])

    pcidx = (pcidx0_v, pcidx1_v, pcidx2_v)
    pcval = (pcval0_v, pcval1_v, pcval2_v)
    for s in range(3):
        n = _PC_CHUNKS[s]
        row0 = wid * n

        def fill(i, _):
            pcidx[s][pl.ds(i * 16, 16)] = (row0 + i * 16 + iota) * 85 + 4
            return 0

        lax.fori_loop(0, n // 16, fill, 0)
        pltpu.async_copy(preds[s].at[pcidx[s]], pcval[s], sem).wait()
        pltpu.sync_copy(pcval[s], pc_out.at[pl.ds(_PC_BASES[s] + row0, n)])


_sc_gather = functools.partial(
    pl.kernel,
    out_type=(
        jax.ShapeDtypeStruct((3, 32, 16 * 85), jnp.float32),
        jax.ShapeDtypeStruct((3, 32, 128), jnp.float32),
        jax.ShapeDtypeStruct((sum(_TOTALS),), jnp.float32),
    ),
    mesh=_sc_mesh,
    scratch_types=(
        pltpu.VMEM((_N, 4), jnp.float32),
        pltpu.VMEM((_N,), jnp.int32),
        pltpu.VMEM((96,), jnp.int32),
        pltpu.VMEM((96,), jnp.int32),
        pltpu.VMEM((16 * 85,), jnp.int32),
        pltpu.VMEM((16 * 85,), jnp.float32),
        pltpu.VMEM((128,), jnp.float32),
        pltpu.VMEM((_TOTALS[0] // 32,), jnp.int32),
        pltpu.VMEM((_TOTALS[1] // 32,), jnp.int32),
        pltpu.VMEM((_TOTALS[2] // 32,), jnp.int32),
        pltpu.VMEM((_TOTALS[0] // 32,), jnp.float32),
        pltpu.VMEM((_TOTALS[1] // 32,), jnp.float32),
        pltpu.VMEM((_TOTALS[2] // 32,), jnp.float32),
        pltpu.SemaphoreType.DMA,
    ),
    compiler_params=pltpu.CompilerParams(
        needs_layout_passes=False, use_tc_tiling_on_sc=False,
        skip_device_barrier=True),
)(_sc_body)


def _final_body(rows_ref, meta_ref, pc_ref, out_ref):
    nb = _B * _N
    lane = lax.broadcasted_iota(jnp.int32, (nb, 85), 1)
    acc = jnp.zeros((), jnp.float32)
    for s in range(3):
        x = rows_ref[s]
        lnx = jnp.clip(jnp.log(x), -100.0, None)
        ln1m = jnp.clip(jnp.log(1.0 - x), -100.0, None)
        def field(k):
            return meta_ref[s, :, pl.ds(k, 1)]

        own = field(0)
        rep = field(1)
        tx = field(2)
        ty = field(3)
        wr = field(4)
        hr = field(5)
        labi = field(6).astype(jnp.int32)
        tw = jnp.log(wr + 1e-16)
        th = jnp.log(hr + 1e-16)
        tbox = jnp.where(lane == 0, tx,
                         jnp.where(lane == 1, ty,
                                   jnp.where(lane == 2, tw, th)))
        per_lane = jnp.where(lane < 4, (x - tbox) ** 2, 0.0)
        per_lane += jnp.where(lane == 4, -lnx + 0.5 * ln1m, 0.0)
        per_lane += jnp.where(lane >= 5, -ln1m, 0.0)
        labterm = jnp.where(lane == labi + 5, -lnx + ln1m, 0.0)
        acc += jnp.sum(own * per_lane) + jnp.sum(rep * labterm)
    dense = jnp.sum(-jnp.clip(jnp.log(1.0 - pc_ref[...]), -100.0, None))
    out_ref[...] = ((0.5 * dense + acc) / float(_B)).reshape(1, 1)


def _finalize(rows, meta, pc2d):
    return pl.pallas_call(
        _final_body,
        out_shape=jax.ShapeDtypeStruct((1, 1), jnp.float32),
    )(rows, meta, pc2d)


def kernel(pred0, pred1, pred2, boxes, labels):
    labels_i = labels.astype(jnp.int32)
    rows, meta, pc = _sc_gather(boxes.astype(jnp.float32), labels_i,
                                pred0.reshape(-1), pred1.reshape(-1),
                                pred2.reshape(-1))
    rows = rows.reshape(3, 512, 85)
    meta = meta.reshape(3, 32, 8, 16).transpose(0, 1, 3, 2).reshape(3, 512, 8)
    out = _finalize(rows, meta, pc.reshape(_PC_TOTAL // 128, 128))
    return out.reshape(1)

# --- scband reference (transcript-rebuilt; emitter-appended) ---
"""Pipeline reference for scband-yolov3-loss-69209103007888 (READ-ONLY COPY).

The authoritative reference and input builder live on the scoring server;
editing this copy changes nothing except your own understanding.
"""

import jax, jax.numpy as jnp
import numpy as np

NUM_CLASSES = 80
IMG_SIZE = 512
_ANCHORS_416 = [[(10, 13), (16, 30), (33, 23)], [(30, 61), (62, 45), (59, 119)], [(116, 90), (156, 198), (373, 326)]]


def _scaled_anchors():
    return [jnp.array([[w * IMG_SIZE / 416.0, h * IMG_SIZE / 416.0] for w, h in a], dtype=jnp.float32) for a in _ANCHORS_416]


def _safe_log(x):
    # mimics PyTorch BCELoss log clamp at -100
    return jnp.clip(jnp.log(x), -100.0, None)


def _build_targets(boxes, labels, anchors, gh, gw):
    B, N, _ = boxes.shape
    cx = (boxes[..., 0] + boxes[..., 2]) * 0.5 * gw
    cy = (boxes[..., 1] + boxes[..., 3]) * 0.5 * gh
    w = (boxes[..., 2] - boxes[..., 0]) * IMG_SIZE
    h = (boxes[..., 3] - boxes[..., 1]) * IMG_SIZE
    gx = jnp.floor(cx).astype(jnp.int32)
    gy = jnp.floor(cy).astype(jnp.int32)
    valid = (labels >= 0) & (gx >= 0) & (gx < gw) & (gy >= 0) & (gy < gh)
    aw = anchors[:, 0]
    ah = anchors[:, 1]
    inter = jnp.minimum(w[..., None], aw[None, None, :]) * jnp.minimum(h[..., None], ah[None, None, :])
    union = w[..., None] * h[..., None] + (aw * ah)[None, None, :] - inter
    ious = inter / (union + 1e-16)
    best = jnp.argmax(ious, axis=-1)  # (B, N)
    aw_b = aw[best]
    ah_b = ah[best]
    tx = cx - gx.astype(cx.dtype)
    ty = cy - gy.astype(cy.dtype)
    tw = jnp.log(w / aw_b + 1e-16)
    th = jnp.log(h / ah_b + 1e-16)
    # torch.tensor([...]) in the original detaches -> stop_gradient for fidelity
    tbox = jax.lax.stop_gradient(jnp.stack([tx, ty, tw, th], axis=-1))
    total = B * 3 * gh * gw
    b_idx = jnp.broadcast_to(jnp.arange(B)[:, None], (B, N))
    flat = ((b_idx * 3 + best) * gh + gy) * gw + gx
    flat = jnp.where(valid, flat, total)  # invalid -> out-of-range, dropped by scatter
    fr = flat.reshape(-1)
    obj = jnp.zeros((total,), dtype=bool).at[fr].set(True, mode='drop')
    tboxes = jnp.zeros((total, 4), dtype=boxes.dtype).at[fr].set(tbox.reshape(-1, 4), mode='drop')
    cls_idx = fr * NUM_CLASSES + jnp.clip(labels.reshape(-1), 0, NUM_CLASSES - 1).astype(fr.dtype)
    tcls = jnp.zeros((total * NUM_CLASSES,), dtype=boxes.dtype).at[cls_idx].set(1.0, mode='drop')
    obj = obj.reshape(B, 3, gh, gw, 1)
    noobj = ~obj
    tboxes = tboxes.reshape(B, 3, gh, gw, 4)
    tcls = tcls.reshape(B, 3, gh, gw, NUM_CLASSES)
    return obj, noobj, tboxes, tcls


def setup_inputs(seed: int = 0) -> dict:
    key = jax.random.key(seed)
    ks = jax.random.split(key, 6)
    pred0 = jax.random.uniform(ks[0], (16, 3, 16, 16, 85), dtype=jnp.float32)
    pred1 = jax.random.uniform(ks[1], (16, 3, 32, 32, 85), dtype=jnp.float32)
    pred2 = jax.random.uniform(ks[2], (16, 3, 64, 64, 85), dtype=jnp.float32)
    cxy = jax.random.uniform(ks[3], (16, 32, 2), minval=0.1, maxval=0.9, dtype=jnp.float32)
    wh = jax.random.uniform(ks[4], (16, 32, 2), minval=0.02, maxval=0.3, dtype=jnp.float32)
    x1y1 = jnp.clip(cxy - wh / 2, 0.0, 1.0)
    x2y2 = jnp.clip(cxy + wh / 2, 0.0, 1.0)
    boxes = jnp.concatenate([x1y1, x2y2], axis=-1)
    labels = jax.random.randint(ks[5], (16, 32), 0, 80).astype(jnp.int64)
    return {"pred0": pred0, "pred1": pred1, "pred2": pred2, "boxes": boxes, "labels": labels}


def reference(pred0, pred1, pred2, boxes, labels):
    preds = [pred0, pred1, pred2]
    anchors_list = _scaled_anchors()
    B = pred0.shape[0]
    total = jnp.zeros((1,), dtype=pred0.dtype)
    for pred, anchors in zip(preds, anchors_list):
        gh, gw = pred.shape[2], pred.shape[3]
        obj, noobj, tbox, tcls = _build_targets(boxes, labels, anchors, gh, gw)
        pb = pred[..., :4]
        pc = pred[..., 4:5]
        pcls = pred[..., 5:]
        objf = obj.astype(pred.dtype)
        noobjf = noobj.astype(pred.dtype)
        box_loss = jnp.sum(objf * (pb - tbox) ** 2)
        conf_obj = jnp.sum(objf * (-_safe_log(pc)))
        conf_noobj = jnp.sum(noobjf * (-_safe_log(1.0 - pc)))
        cls_loss = jnp.sum(objf * (-(tcls * _safe_log(pcls) + (1.0 - tcls) * _safe_log(1.0 - pcls))))
        total = total + box_loss + conf_obj + 0.5 * conf_noobj + cls_loss
    return total / B

if __name__ == "__main__":
    import jax
    _d = setup_inputs()
    print(jax.jit(kernel)(*tuple(_d.values())))

</pallas_src>

<mosaic_0001>
#map = affine_map<(d0, d1) -> (0, 0, 0)>
#map1 = affine_map<(d0, d1) -> (0, 0)>
#map2 = affine_map<(d0, d1) -> (0)>
module attributes {stable_mosaic.version = 14 : i64} {
  func.func @_sc_body(%arg0: i32, %arg1: i32, %arg2: memref<16x32x4xf32, #tpu.memory_space<hbm>>, %arg3: memref<16x32xi32, #tpu.memory_space<hbm>>, %arg4: memref<1044480xf32, #tpu.memory_space<hbm>>, %arg5: memref<4177920xf32, #tpu.memory_space<hbm>>, %arg6: memref<16711680xf32, #tpu.memory_space<hbm>>, %arg7: memref<3x32x1360xf32, #tpu.memory_space<hbm>>, %arg8: memref<3x32x128xf32, #tpu.memory_space<hbm>>, %arg9: memref<258048xf32, #tpu.memory_space<hbm>>, %arg10: memref<32x4xf32, #tpu.memory_space<vmem>>, %arg11: memref<32xi32, #tpu.memory_space<vmem>>, %arg12: memref<96xi32, #tpu.memory_space<vmem>>, %arg13: memref<96xi32, #tpu.memory_space<vmem>>, %arg14: memref<1360xi32, #tpu.memory_space<vmem>>, %arg15: memref<1360xf32, #tpu.memory_space<vmem>>, %arg16: memref<128xf32, #tpu.memory_space<vmem>>, %arg17: memref<384xi32, #tpu.memory_space<vmem>>, %arg18: memref<1536xi32, #tpu.memory_space<vmem>>, %arg19: memref<6144xi32, #tpu.memory_space<vmem>>, %arg20: memref<384xf32, #tpu.memory_space<vmem>>, %arg21: memref<1536xf32, #tpu.memory_space<vmem>>, %arg22: memref<6144xf32, #tpu.memory_space<vmem>>, %arg23: memref<!tpu.dma_semaphore, #tpu.memory_space<semaphore_mem>>) attributes {dimension_semantics = [#tpu.dimension_semantics<core_parallel>, #tpu.dimension_semantics<subcore_parallel>], iteration_bounds = array<i64: 2, 16>, scalar_prefetch = 0 : i64, scratch_operands = 14 : i64, tpu.core_type = #tpu.core_type<sc_vector_subcore>, window_params = [{transform_indices = #map}, {transform_indices = #map1}, {transform_indices = #map2}, {transform_indices = #map2}, {transform_indices = #map2}, {transform_indices = #map}, {transform_indices = #map}, {transform_indices = #map2}]} {
    %mul3A = arith.constant 16 : i32
    %mul3A_0 = arith.muli %arg0, %mul3A : i32
    %add3A = arith.addi %mul3A_0, %arg1 : i32
    %jit3A = arith.constant 2 : i32
    %div3A = arith.divsi %add3A, %jit3A : i32
    %sign3A = arith.constant 0 : i32
    %sign3A_1 = arith.cmpi sgt, %add3A, %sign3A : i32
    %sign3A_2 = arith.extui %sign3A_1 : i1 to i32
    %sign3A_3 = arith.constant 0 : i32
    %sign3A_4 = arith.cmpi slt, %add3A, %sign3A_3 : i32
    %sign3A_5 = arith.extui %sign3A_4 : i1 to i32
    %sign3A_6 = arith.subi %sign3A_2, %sign3A_5 : i32
    %sign3A_7 = arith.constant 0 : i32
    %sign3A_8 = arith.cmpi sgt, %jit3A, %sign3A_7 : i32
    %sign3A_9 = arith.extui %sign3A_8 : i1 to i32
    %sign3A_10 = arith.constant 0 : i32
    %sign3A_11 = arith.cmpi slt, %jit3A, %sign3A_10 : i32
    %sign3A_12 = arith.extui %sign3A_11 : i1 to i32
    %sign3A_13 = arith.subi %sign3A_9, %sign3A_12 : i32
    %ne3A = arith.cmpi ne, %sign3A_6, %sign3A_13 : i32
    %rem3A = arith.remsi %add3A, %jit3A : i32
    %ne3A_14 = arith.constant 0 : i32
    %ne3A_15 = arith.cmpi ne, %rem3A, %ne3A_14 : i32
    %and3A = arith.andi %ne3A, %ne3A_15 : i1
    %sub3A = arith.constant 1 : i32
    %sub3A_16 = arith.subi %div3A, %sub3A : i32
    %select_n3A = arith.select %and3A, %sub3A_16, %div3A : i32
    %jit3A_17 = arith.constant 2 : i32
    %eq3A = arith.constant 0 : i32
    %eq3A_18 = arith.cmpi eq, %jit3A_17, %eq3A : i32
    %jit3A_19 = arith.constant 1 : i32
    %select_n3A_20 = arith.select %eq3A_18, %jit3A_19, %jit3A_17 : i32
    %rem3A_21 = arith.remsi %add3A, %select_n3A_20 : i32
    %ne3A_22 = arith.constant 0 : i32
    %ne3A_23 = arith.cmpi ne, %rem3A_21, %ne3A_22 : i32
    %lt3A = arith.constant 0 : i32
    %lt3A_24 = arith.cmpi slt, %rem3A_21, %lt3A : i32
    %lt3A_25 = arith.constant 0 : i32
    %lt3A_26 = arith.cmpi slt, %select_n3A_20, %lt3A_25 : i32
    %ne3A_27 = arith.xori %lt3A_24, %lt3A_26 : i1
    %and3A_28 = arith.andi %ne3A_27, %ne3A_23 : i1
    %add3A_29 = arith.addi %rem3A_21, %select_n3A_20 : i32
    %select_n3A_30 = arith.select %and3A_28, %add3A_29, %rem3A_21 : i32
    "tpu.region"() ({
      %run_scoped3A_3696 = tpu.sem_alloc : memref<!tpu.dma_semaphore, #tpu.memory_space<semaphore_mem>>
      %dma_start3A_3697 = arith.constant 0 : i32
      %dma_start3A_3698 = arith.constant 0 : i32
      %dma_start3A_3699 = tpu.memref_slice %arg2[%select_n3A, %dma_start3A_3697, %dma_start3A_3698] : memref<16x32x4xf32, #tpu.memory_space<hbm>> -> memref<1x32x4xf32, #tpu.memory_space<hbm>>
      %dma_start3A_3700 = tpu.memref_squeeze %dma_start3A_3699 : memref<1x32x4xf32, #tpu.memory_space<hbm>> -> memref<32x4xf32, #tpu.memory_space<hbm>>
      %dma_start3A_3701 = arith.constant 0 : i32
      %dma_start3A_3702 = arith.constant 0 : i32
      %dma_start3A_3703 = tpu.memref_slice %arg2[%select_n3A, %dma_start3A_3701, %dma_start3A_3702] : memref<16x32x4xf32, #tpu.memory_space<hbm>> -> memref<1x32x4xf32, #tpu.memory_space<hbm>>
      %dma_start3A_3704 = tpu.memref_squeeze %dma_start3A_3703 : memref<1x32x4xf32, #tpu.memory_space<hbm>> -> memref<32x4xf32, #tpu.memory_space<hbm>>
      tpu.enqueue_dma source(%dma_start3A_3704 : memref<32x4xf32, #tpu.memory_space<hbm>>) target(%arg10 : memref<32x4xf32, #tpu.memory_space<vmem>>) target_semaphore(%run_scoped3A_3696 : memref<!tpu.dma_semaphore, #tpu.memory_space<semaphore_mem>>)
      %dma_wait3A_3705 = arith.constant 0 : i32
      %dma_wait3A_3706 = arith.constant 0 : i32
      %dma_wait3A_3707 = tpu.memref_slice %arg2[%select_n3A, %dma_wait3A_3705, %dma_wait3A_3706] : memref<16x32x4xf32, #tpu.memory_space<hbm>> -> memref<1x32x4xf32, #tpu.memory_space<hbm>>
      %dma_wait3A_3708 = tpu.memref_squeeze %dma_wait3A_3707 : memref<1x32x4xf32, #tpu.memory_space<hbm>> -> memref<32x4xf32, #tpu.memory_space<hbm>>
      %dma_wait3A_3709 = arith.constant 0 : i32
      %dma_wait3A_3710 = arith.constant 0 : i32
      %dma_wait3A_3711 = tpu.memref_slice %arg2[%select_n3A, %dma_wait3A_3709, %dma_wait3A_3710] : memref<16x32x4xf32, #tpu.memory_space<hbm>> -> memref<1x32x4xf32, #tpu.memory_space<hbm>>
      %dma_wait3A_3712 = tpu.memref_squeeze %dma_wait3A_3711 : memref<1x32x4xf32, #tpu.memory_space<hbm>> -> memref<32x4xf32, #tpu.memory_space<hbm>>
      tpu.wait_dma2 semaphore(%run_scoped3A_3696 : memref<!tpu.dma_semaphore, #tpu.memory_space<semaphore_mem>>) src(%dma_wait3A_3712 : memref<32x4xf32, #tpu.memory_space<hbm>>) dst(%arg10 : memref<32x4xf32, #tpu.memory_space<vmem>>)
      tpu.yield
    }) : () -> ()
    "tpu.region"() ({
      %run_scoped3A_3696 = tpu.sem_alloc : memref<!tpu.dma_semaphore, #tpu.memory_space<semaphore_mem>>
      %dma_start3A_3697 = arith.constant 0 : i32
      %dma_start3A_3698 = tpu.memref_slice %arg3[%select_n3A, %dma_start3A_3697] : memref<16x32xi32, #tpu.memory_space<hbm>> -> memref<1x32xi32, #tpu.memory_space<hbm>>
      %dma_start3A_3699 = tpu.memref_squeeze %dma_start3A_3698 : memref<1x32xi32, #tpu.memory_space<hbm>> -> memref<32xi32, #tpu.memory_space<hbm>>
      %dma_start3A_3700 = arith.constant 0 : i32
      %dma_start3A_3701 = tpu.memref_slice %arg3[%select_n3A, %dma_start3A_3700] : memref<16x32xi32, #tpu.memory_space<hbm>> -> memref<1x32xi32, #tpu.memory_space<hbm>>
      %dma_start3A_3702 = tpu.memref_squeeze %dma_start3A_3701 : memref<1x32xi32, #tpu.memory_space<hbm>> -> memref<32xi32, #tpu.memory_space<hbm>>
      tpu.enqueue_dma source(%dma_start3A_3702 : memref<32xi32, #tpu.memory_space<hbm>>) target(%arg11 : memref<32xi32, #tpu.memory_space<vmem>>) target_semaphore(%run_scoped3A_3696 : memref<!tpu.dma_semaphore, #tpu.memory_space<semaphore_mem>>)
      %dma_wait3A_3703 = arith.constant 0 : i32
      %dma_wait3A_3704 = tpu.memref_slice %arg3[%select_n3A, %dma_wait3A_3703] : memref<16x32xi32, #tpu.memory_space<hbm>> -> memref<1x32xi32, #tpu.memory_space<hbm>>
      %dma_wait3A_3705 = tpu.memref_squeeze %dma_wait3A_3704 : memref<1x32xi32, #tpu.memory_space<hbm>> -> memref<32xi32, #tpu.memory_space<hbm>>
      %dma_wait3A_3706 = arith.constant 0 : i32
      %dma_wait3A_3707 = tpu.memref_slice %arg3[%select_n3A, %dma_wait3A_3706] : memref<16x32xi32, #tpu.memory_space<hbm>> -> memref<1x32xi32, #tpu.memory_space<hbm>>
      %dma_wait3A_3708 = tpu.memref_squeeze %dma_wait3A_3707 : memref<1x32xi32, #tpu.memory_space<hbm>> -> memref<32xi32, #tpu.memory_space<hbm>>
      tpu.wait_dma2 semaphore(%run_scoped3A_3696 : memref<!tpu.dma_semaphore, #tpu.memory_space<semaphore_mem>>) src(%dma_wait3A_3708 : memref<32xi32, #tpu.memory_space<hbm>>) dst(%arg11 : memref<32xi32, #tpu.memory_space<vmem>>)
      tpu.yield
    }) : () -> ()
    %iota3A = tpu.iota {dimensions = array<i32: 0>} : vector<16xi32>
    %mul3A_31 = arith.constant 16 : i32
    %mul3A_32 = arith.muli %select_n3A_30, %mul3A_31 : i32
    %add3A_33 = vector.broadcast %mul3A_32 : i32 to vector<16xi32>
    %add3A_34 = arith.addi %add3A_33, %iota3A : vector<16xi32>
    %iota3A_35 = tpu.iota {dimensions = array<i32: 0>} : vector<16xi32>
    %add3A_36 = arith.constant 0 : i32
    %add3A_37 = vector.broadcast %add3A_36 : i32 to vector<16xi32>
    %add3A_38 = arith.addi %add3A_37, %iota3A_35 : vector<16xi32>
    %broadcast_in_dim3A = arith.constant 0 : i32
    %broadcast_in_dim3A_39 = vector.broadcast %broadcast_in_dim3A : i32 to vector<16xi32>
    %gather3A = tpu.vector_load_idx %arg10[%add3A_38, %broadcast_in_dim3A_39] : memref<32x4xf32, #tpu.memory_space<vmem>>[vector<16xi32>, vector<16xi32>], vector<16xf32>,
    %broadcast_in_dim3A_40 = arith.constant 1 : i32
    %broadcast_in_dim3A_41 = vector.broadcast %broadcast_in_dim3A_40 : i32 to vector<16xi32>
    %gather3A_42 = tpu.vector_load_idx %arg10[%add3A_38, %broadcast_in_dim3A_41] : memref<32x4xf32, #tpu.memory_space<vmem>>[vector<16xi32>, vector<16xi32>], vector<16xf32>,
    %broadcast_in_dim3A_43 = arith.constant 2 : i32
    %broadcast_in_dim3A_44 = vector.broadcast %broadcast_in_dim3A_43 : i32 to vector<16xi32>
    %gather3A_45 = tpu.vector_load_idx %arg10[%add3A_38, %broadcast_in_dim3A_44] : memref<32x4xf32, #tpu.memory_space<vmem>>[vector<16xi32>, vector<16xi32>], vector<16xf32>,
    %broadcast_in_dim3A_46 = arith.constant 3 : i32
    %broadcast_in_dim3A_47 = vector.broadcast %broadcast_in_dim3A_46 : i32 to vector<16xi32>
    %gather3A_48 = tpu.vector_load_idx %arg10[%add3A_38, %broadcast_in_dim3A_47] : memref<32x4xf32, #tpu.memory_space<vmem>>[vector<16xi32>, vector<16xi32>], vector<16xf32>,
    %get3A = arith.constant 0 : index
    %get3A_49 = tpu.vector_load %arg11[%get3A] {strides = array<i32>} : memref<32xi32, #tpu.memory_space<vmem>>, vector<16xi32>,
    %add3A_50 = arith.addf %gather3A, %gather3A_45 : vector<16xf32>
    %mul3A_51 = arith.constant 5.000000e-01 : f32
    %mul3A_52 = vector.broadcast %mul3A_51 : f32 to vector<16xf32>
    %mul3A_53 = arith.mulf %add3A_50, %mul3A_52 : vector<16xf32>
    %mul3A_54 = arith.constant 1.600000e+01 : f32
    %mul3A_55 = vector.broadcast %mul3A_54 : f32 to vector<16xf32>
    %mul3A_56 = arith.mulf %mul3A_53, %mul3A_55 : vector<16xf32>
    %add3A_57 = arith.addf %gather3A_42, %gather3A_48 : vector<16xf32>
    %mul3A_58 = arith.constant 5.000000e-01 : f32
    %mul3A_59 = vector.broadcast %mul3A_58 : f32 to vector<16xf32>
    %mul3A_60 = arith.mulf %add3A_57, %mul3A_59 : vector<16xf32>
    %mul3A_61 = arith.constant 1.600000e+01 : f32
    %mul3A_62 = vector.broadcast %mul3A_61 : f32 to vector<16xf32>
    %mul3A_63 = arith.mulf %mul3A_60, %mul3A_62 : vector<16xf32>
    %sub3A_64 = arith.subf %gather3A_45, %gather3A : vector<16xf32>
    %mul3A_65 = arith.constant 5.120000e+02 : f32
    %mul3A_66 = vector.broadcast %mul3A_65 : f32 to vector<16xf32>
    %mul3A_67 = arith.mulf %sub3A_64, %mul3A_66 : vector<16xf32>
    %sub3A_68 = arith.subf %gather3A_48, %gather3A_42 : vector<16xf32>
    %mul3A_69 = arith.constant 5.120000e+02 : f32
    %mul3A_70 = vector.broadcast %mul3A_69 : f32 to vector<16xf32>
    %mul3A_71 = arith.mulf %sub3A_68, %mul3A_70 : vector<16xf32>
    %convert_element_type3A = arith.fptosi %mul3A_56 : vector<16xf32> to vector<16xi32>
    %convert_element_type3A_72 = arith.fptosi %mul3A_63 : vector<16xf32> to vector<16xi32>
    %ge3A = arith.constant 0 : i32
    %ge3A_73 = vector.broadcast %ge3A : i32 to vector<16xi32>
    %ge3A_74 = arith.cmpi sge, %get3A_49, %ge3A_73 : vector<16xi32>
    %ge3A_75 = arith.constant 0 : i32
    %ge3A_76 = vector.broadcast %ge3A_75 : i32 to vector<16xi32>
    %ge3A_77 = arith.cmpi sge, %convert_element_type3A, %ge3A_76 : vector<16xi32>
    %and3A_78 = arith.andi %ge3A_74, %ge3A_77 : vector<16xi1>
    %lt3A_79 = arith.constant 16 : i32
    %lt3A_80 = vector.broadcast %lt3A_79 : i32 to vector<16xi32>
    %lt3A_81 = arith.cmpi slt, %convert_element_type3A, %lt3A_80 : vector<16xi32>
    %and3A_82 = arith.andi %and3A_78, %lt3A_81 : vector<16xi1>
    %ge3A_83 = arith.constant 0 : i32
    %ge3A_84 = vector.broadcast %ge3A_83 : i32 to vector<16xi32>
    %ge3A_85 = arith.cmpi sge, %convert_element_type3A_72, %ge3A_84 : vector<16xi32>
    %and3A_86 = arith.andi %and3A_82, %ge3A_85 : vector<16xi1>
    %lt3A_87 = arith.constant 16 : i32
    %lt3A_88 = vector.broadcast %lt3A_87 : i32 to vector<16xi32>
    %lt3A_89 = arith.cmpi slt, %convert_element_type3A_72, %lt3A_88 : vector<16xi32>
    %and3A_90 = arith.andi %and3A_86, %lt3A_89 : vector<16xi1>
    %min3A = arith.constant 12.3076925 : f32
    %min3A_91 = vector.broadcast %min3A : f32 to vector<16xf32>
    %min3A_92 = arith.minimumf %mul3A_67, %min3A_91 : vector<16xf32>
    %min3A_93 = arith.constant 1.600000e+01 : f32
    %min3A_94 = vector.broadcast %min3A_93 : f32 to vector<16xf32>
    %min3A_95 = arith.minimumf %mul3A_71, %min3A_94 : vector<16xf32>
    %mul3A_96 = arith.mulf %min3A_92, %min3A_95 : vector<16xf32>
    %mul3A_97 = arith.mulf %mul3A_67, %mul3A_71 : vector<16xf32>
    %add3A_98 = arith.constant 196.92308 : f32
    %add3A_99 = vector.broadcast %add3A_98 : f32 to vector<16xf32>
    %add3A_100 = arith.addf %mul3A_97, %add3A_99 : vector<16xf32>
    %sub3A_101 = arith.subf %add3A_100, %mul3A_96 : vector<16xf32>
    %add3A_102 = arith.constant 1.000000e-16 : f32
    %add3A_103 = vector.broadcast %add3A_102 : f32 to vector<16xf32>
    %add3A_104 = arith.addf %sub3A_101, %add3A_103 : vector<16xf32>
    %div3A_105 = arith.divf %mul3A_96, %add3A_104 : vector<16xf32>
    %min3A_106 = arith.constant 19.6923084 : f32
    %min3A_107 = vector.broadcast %min3A_106 : f32 to vector<16xf32>
    %min3A_108 = arith.minimumf %mul3A_67, %min3A_107 : vector<16xf32>
    %min3A_109 = arith.constant 36.9230766 : f32
    %min3A_110 = vector.broadcast %min3A_109 : f32 to vector<16xf32>
    %min3A_111 = arith.minimumf %mul3A_71, %min3A_110 : vector<16xf32>
    %mul3A_112 = arith.mulf %min3A_108, %min3A_111 : vector<16xf32>
    %mul3A_113 = arith.mulf %mul3A_67, %mul3A_71 : vector<16xf32>
    %add3A_114 = arith.constant 727.100586 : f32
    %add3A_115 = vector.broadcast %add3A_114 : f32 to vector<16xf32>
    %add3A_116 = arith.addf %mul3A_113, %add3A_115 : vector<16xf32>
    %sub3A_117 = arith.subf %add3A_116, %mul3A_112 : vector<16xf32>
    %add3A_118 = arith.constant 1.000000e-16 : f32
    %add3A_119 = vector.broadcast %add3A_118 : f32 to vector<16xf32>
    %add3A_120 = arith.addf %sub3A_117, %add3A_119 : vector<16xf32>
    %div3A_121 = arith.divf %mul3A_112, %add3A_120 : vector<16xf32>
    %min3A_122 = arith.constant 40.6153831 : f32
    %min3A_123 = vector.broadcast %min3A_122 : f32 to vector<16xf32>
    %min3A_124 = arith.minimumf %mul3A_67, %min3A_123 : vector<16xf32>
    %min3A_125 = arith.constant 28.3076916 : f32
    %min3A_126 = vector.broadcast %min3A_125 : f32 to vector<16xf32>
    %min3A_127 = arith.minimumf %mul3A_71, %min3A_126 : vector<16xf32>
    %mul3A_128 = arith.mulf %min3A_124, %min3A_127 : vector<16xf32>
    %mul3A_129 = arith.mulf %mul3A_67, %mul3A_71 : vector<16xf32>
    %add3A_130 = arith.constant 1149.72778 : f32
    %add3A_131 = vector.broadcast %add3A_130 : f32 to vector<16xf32>
    %add3A_132 = arith.addf %mul3A_129, %add3A_131 : vector<16xf32>
    %sub3A_133 = arith.subf %add3A_132, %mul3A_128 : vector<16xf32>
    %add3A_134 = arith.constant 1.000000e-16 : f32
    %add3A_135 = vector.broadcast %add3A_134 : f32 to vector<16xf32>
    %add3A_136 = arith.addf %sub3A_133, %add3A_135 : vector<16xf32>
    %div3A_137 = arith.divf %mul3A_128, %add3A_136 : vector<16xf32>
    %gt3A = arith.cmpf ogt, %div3A_121, %div3A_105 : vector<16xf32>
    %select_n3A_138 = arith.select %gt3A, %div3A_121, %div3A_105 : vector<16xi1>, vector<16xf32>
    %jit3A_139 = arith.constant 1 : i32
    %jit3A_140 = arith.constant 0 : i32
    %broadcast_in_dim3A_141 = vector.broadcast %jit3A_139 : i32 to vector<16xi32>
    %broadcast_in_dim3A_142 = vector.broadcast %jit3A_140 : i32 to vector<16xi32>
    %select_n3A_143 = arith.select %gt3A, %broadcast_in_dim3A_141, %broadcast_in_dim3A_142 : vector<16xi1>, vector<16xi32>
    %gt3A_144 = arith.cmpf ogt, %div3A_137, %select_n3A_138 : vector<16xf32>
    %jit3A_145 = arith.constant 2 : i32
    %broadcast_in_dim3A_146 = vector.broadcast %jit3A_145 : i32 to vector<16xi32>
    %select_n3A_147 = arith.select %gt3A_144, %broadcast_in_dim3A_146, %select_n3A_143 : vector<16xi1>, vector<16xi32>
    %eq3A_148 = arith.constant 0 : i32
    %eq3A_149 = vector.broadcast %eq3A_148 : i32 to vector<16xi32>
    %eq3A_150 = arith.cmpi eq, %select_n3A_147, %eq3A_149 : vector<16xi32>
    %eq3A_151 = arith.constant 1 : i32
    %eq3A_152 = vector.broadcast %eq3A_151 : i32 to vector<16xi32>
    %eq3A_153 = arith.cmpi eq, %select_n3A_147, %eq3A_152 : vector<16xi32>
    %jit3A_154 = arith.constant 19.6923084 : f32
    %jit3A_155 = arith.constant 40.6153831 : f32
    %broadcast_in_dim3A_156 = vector.broadcast %jit3A_154 : f32 to vector<16xf32>
    %broadcast_in_dim3A_157 = vector.broadcast %jit3A_155 : f32 to vector<16xf32>
    %select_n3A_158 = arith.select %eq3A_153, %broadcast_in_dim3A_156, %broadcast_in_dim3A_157 : vector<16xi1>, vector<16xf32>
    %jit3A_159 = arith.constant 12.3076925 : f32
    %broadcast_in_dim3A_160 = vector.broadcast %jit3A_159 : f32 to vector<16xf32>
    %select_n3A_161 = arith.select %eq3A_150, %broadcast_in_dim3A_160, %select_n3A_158 : vector<16xi1>, vector<16xf32>
    %eq3A_162 = arith.constant 0 : i32
    %eq3A_163 = vector.broadcast %eq3A_162 : i32 to vector<16xi32>
    %eq3A_164 = arith.cmpi eq, %select_n3A_147, %eq3A_163 : vector<16xi32>
    %eq3A_165 = arith.constant 1 : i32
    %eq3A_166 = vector.broadcast %eq3A_165 : i32 to vector<16xi32>
    %eq3A_167 = arith.cmpi eq, %select_n3A_147, %eq3A_166 : vector<16xi32>
    %jit3A_168 = arith.constant 36.9230766 : f32
    %jit3A_169 = arith.constant 28.3076916 : f32
    %broadcast_in_dim3A_170 = vector.broadcast %jit3A_168 : f32 to vector<16xf32>
    %broadcast_in_dim3A_171 = vector.broadcast %jit3A_169 : f32 to vector<16xf32>
    %select_n3A_172 = arith.select %eq3A_167, %broadcast_in_dim3A_170, %broadcast_in_dim3A_171 : vector<16xi1>, vector<16xf32>
    %jit3A_173 = arith.constant 1.600000e+01 : f32
    %broadcast_in_dim3A_174 = vector.broadcast %jit3A_173 : f32 to vector<16xf32>
    %select_n3A_175 = arith.select %eq3A_164, %broadcast_in_dim3A_174, %select_n3A_172 : vector<16xi1>, vector<16xf32>
    %mul3A_176 = arith.constant 3 : i32
    %mul3A_177 = arith.muli %select_n3A, %mul3A_176 : i32
    %add3A_178 = vector.broadcast %mul3A_177 : i32 to vector<16xi32>
    %add3A_179 = arith.addi %add3A_178, %select_n3A_147 : vector<16xi32>
    %mul3A_180 = arith.constant 16 : i32
    %mul3A_181 = vector.broadcast %mul3A_180 : i32 to vector<16xi32>
    %mul3A_182 = arith.muli %add3A_179, %mul3A_181 : vector<16xi32>
    %add3A_183 = arith.addi %mul3A_182, %convert_element_type3A_72 : vector<16xi32>
    %mul3A_184 = arith.constant 16 : i32
    %mul3A_185 = vector.broadcast %mul3A_184 : i32 to vector<16xi32>
    %mul3A_186 = arith.muli %add3A_183, %mul3A_185 : vector<16xi32>
    %add3A_187 = arith.addi %mul3A_186, %convert_element_type3A : vector<16xi32>
    %iota3A_188 = tpu.iota {dimensions = array<i32: 0>} : vector<16xi32>
    %add3A_189 = arith.constant 0 : i32
    %add3A_190 = vector.broadcast %add3A_189 : i32 to vector<16xi32>
    %add3A_191 = arith.addi %add3A_190, %iota3A_188 : vector<16xi32>
    %sub3A_192 = arith.constant -1 : i32
    %sub3A_193 = vector.broadcast %sub3A_192 : i32 to vector<16xi32>
    %sub3A_194 = arith.subi %sub3A_193, %add3A_191 : vector<16xi32>
    %select_n3A_195 = arith.select %and3A_90, %add3A_187, %sub3A_194 : vector<16xi1>, vector<16xi32>
    %mul3A_196 = arith.constant 80 : i32
    %mul3A_197 = vector.broadcast %mul3A_196 : i32 to vector<16xi32>
    %mul3A_198 = arith.muli %add3A_187, %mul3A_197 : vector<16xi32>
    %add3A_199 = arith.addi %mul3A_198, %get3A_49 : vector<16xi32>
    %select_n3A_200 = arith.select %and3A_90, %add3A_199, %sub3A_194 : vector<16xi1>, vector<16xi32>
    %convert_element_type3A_201 = arith.sitofp %convert_element_type3A : vector<16xi32> to vector<16xf32>
    %sub3A_202 = arith.subf %mul3A_56, %convert_element_type3A_201 : vector<16xf32>
    %convert_element_type3A_203 = arith.sitofp %convert_element_type3A_72 : vector<16xi32> to vector<16xf32>
    %sub3A_204 = arith.subf %mul3A_63, %convert_element_type3A_203 : vector<16xf32>
    %div3A_205 = arith.divf %mul3A_67, %select_n3A_161 : vector<16xf32>
    %div3A_206 = arith.divf %mul3A_71, %select_n3A_175 : vector<16xf32>
    %iota3A_207 = tpu.iota {dimensions = array<i32: 0>} : vector<16xi32>
    %add3A_208 = arith.constant 16 : i32
    %add3A_209 = vector.broadcast %add3A_208 : i32 to vector<16xi32>
    %add3A_210 = arith.addi %add3A_209, %iota3A_207 : vector<16xi32>
    %broadcast_in_dim3A_211 = arith.constant 0 : i32
    %broadcast_in_dim3A_212 = vector.broadcast %broadcast_in_dim3A_211 : i32 to vector<16xi32>
    %gather3A_213 = tpu.vector_load_idx %arg10[%add3A_210, %broadcast_in_dim3A_212] : memref<32x4xf32, #tpu.memory_space<vmem>>[vector<16xi32>, vector<16xi32>], vector<16xf32>,
    %broadcast_in_dim3A_214 = arith.constant 1 : i32
    %broadcast_in_dim3A_215 = vector.broadcast %broadcast_in_dim3A_214 : i32 to vector<16xi32>
    %gather3A_216 = tpu.vector_load_idx %arg10[%add3A_210, %broadcast_in_dim3A_215] : memref<32x4xf32, #tpu.memory_space<vmem>>[vector<16xi32>, vector<16xi32>], vector<16xf32>,
    %broadcast_in_dim3A_217 = arith.constant 2 : i32
    %broadcast_in_dim3A_218 = vector.broadcast %broadcast_in_dim3A_217 : i32 to vector<16xi32>
    %gather3A_219 = tpu.vector_load_idx %arg10[%add3A_210, %broadcast_in_dim3A_218] : memref<32x4xf32, #tpu.memory_space<vmem>>[vector<16xi32>, vector<16xi32>], vector<16xf32>,
    %broadcast_in_dim3A_220 = arith.constant 3 : i32
    %broadcast_in_dim3A_221 = vector.broadcast %broadcast_in_dim3A_220 : i32 to vector<16xi32>
    %gather3A_222 = tpu.vector_load_idx %arg10[%add3A_210, %broadcast_in_dim3A_221] : memref<32x4xf32, #tpu.memory_space<vmem>>[vector<16xi32>, vector<16xi32>], vector<16xf32>,
    %get3A_223 = arith.constant 16 : index
    %get3A_224 = tpu.vector_load %arg11[%get3A_223] {strides = array<i32>} : memref<32xi32, #tpu.memory_space<vmem>>, vector<16xi32>,
    %add3A_225 = arith.addf %gather3A_213, %gather3A_219 : vector<16xf32>
    %mul3A_226 = arith.constant 5.000000e-01 : f32
    %mul3A_227 = vector.broadcast %mul3A_226 : f32 to vector<16xf32>
    %mul3A_228 = arith.mulf %add3A_225, %mul3A_227 : vector<16xf32>
    %mul3A_229 = arith.constant 1.600000e+01 : f32
    %mul3A_230 = vector.broadcast %mul3A_229 : f32 to vector<16xf32>
    %mul3A_231 = arith.mulf %mul3A_228, %mul3A_230 : vector<16xf32>
    %add3A_232 = arith.addf %gather3A_216, %gather3A_222 : vector<16xf32>
    %mul3A_233 = arith.constant 5.000000e-01 : f32
    %mul3A_234 = vector.broadcast %mul3A_233 : f32 to vector<16xf32>
    %mul3A_235 = arith.mulf %add3A_232, %mul3A_234 : vector<16xf32>
    %mul3A_236 = arith.constant 1.600000e+01 : f32
    %mul3A_237 = vector.broadcast %mul3A_236 : f32 to vector<16xf32>
    %mul3A_238 = arith.mulf %mul3A_235, %mul3A_237 : vector<16xf32>
    %sub3A_239 = arith.subf %gather3A_219, %gather3A_213 : vector<16xf32>
    %mul3A_240 = arith.constant 5.120000e+02 : f32
    %mul3A_241 = vector.broadcast %mul3A_240 : f32 to vector<16xf32>
    %mul3A_242 = arith.mulf %sub3A_239, %mul3A_241 : vector<16xf32>
    %sub3A_243 = arith.subf %gather3A_222, %gather3A_216 : vector<16xf32>
    %mul3A_244 = arith.constant 5.120000e+02 : f32
    %mul3A_245 = vector.broadcast %mul3A_244 : f32 to vector<16xf32>
    %mul3A_246 = arith.mulf %sub3A_243, %mul3A_245 : vector<16xf32>
    %convert_element_type3A_247 = arith.fptosi %mul3A_231 : vector<16xf32> to vector<16xi32>
    %convert_element_type3A_248 = arith.fptosi %mul3A_238 : vector<16xf32> to vector<16xi32>
    %ge3A_249 = arith.constant 0 : i32
    %ge3A_250 = vector.broadcast %ge3A_249 : i32 to vector<16xi32>
    %ge3A_251 = arith.cmpi sge, %get3A_224, %ge3A_250 : vector<16xi32>
    %ge3A_252 = arith.constant 0 : i32
    %ge3A_253 = vector.broadcast %ge3A_252 : i32 to vector<16xi32>
    %ge3A_254 = arith.cmpi sge, %convert_element_type3A_247, %ge3A_253 : vector<16xi32>
    %and3A_255 = arith.andi %ge3A_251, %ge3A_254 : vector<16xi1>
    %lt3A_256 = arith.constant 16 : i32
    %lt3A_257 = vector.broadcast %lt3A_256 : i32 to vector<16xi32>
    %lt3A_258 = arith.cmpi slt, %convert_element_type3A_247, %lt3A_257 : vector<16xi32>
    %and3A_259 = arith.andi %and3A_255, %lt3A_258 : vector<16xi1>
    %ge3A_260 = arith.constant 0 : i32
    %ge3A_261 = vector.broadcast %ge3A_260 : i32 to vector<16xi32>
    %ge3A_262 = arith.cmpi sge, %convert_element_type3A_248, %ge3A_261 : vector<16xi32>
    %and3A_263 = arith.andi %and3A_259, %ge3A_262 : vector<16xi1>
    %lt3A_264 = arith.constant 16 : i32
    %lt3A_265 = vector.broadcast %lt3A_264 : i32 to vector<16xi32>
    %lt3A_266 = arith.cmpi slt, %convert_element_type3A_248, %lt3A_265 : vector<16xi32>
    %and3A_267 = arith.andi %and3A_263, %lt3A_266 : vector<16xi1>
    %min3A_268 = arith.constant 12.3076925 : f32
    %min3A_269 = vector.broadcast %min3A_268 : f32 to vector<16xf32>
    %min3A_270 = arith.minimumf %mul3A_242, %min3A_269 : vector<16xf32>
    %min3A_271 = arith.constant 1.600000e+01 : f32
    %min3A_272 = vector.broadcast %min3A_271 : f32 to vector<16xf32>
    %min3A_273 = arith.minimumf %mul3A_246, %min3A_272 : vector<16xf32>
    %mul3A_274 = arith.mulf %min3A_270, %min3A_273 : vector<16xf32>
    %mul3A_275 = arith.mulf %mul3A_242, %mul3A_246 : vector<16xf32>
    %add3A_276 = arith.constant 196.92308 : f32
    %add3A_277 = vector.broadcast %add3A_276 : f32 to vector<16xf32>
    %add3A_278 = arith.addf %mul3A_275, %add3A_277 : vector<16xf32>
    %sub3A_279 = arith.subf %add3A_278, %mul3A_274 : vector<16xf32>
    %add3A_280 = arith.constant 1.000000e-16 : f32
    %add3A_281 = vector.broadcast %add3A_280 : f32 to vector<16xf32>
    %add3A_282 = arith.addf %sub3A_279, %add3A_281 : vector<16xf32>
    %div3A_283 = arith.divf %mul3A_274, %add3A_282 : vector<16xf32>
    %min3A_284 = arith.constant 19.6923084 : f32
    %min3A_285 = vector.broadcast %min3A_284 : f32 to vector<16xf32>
    %min3A_286 = arith.minimumf %mul3A_242, %min3A_285 : vector<16xf32>
    %min3A_287 = arith.constant 36.9230766 : f32
    %min3A_288 = vector.broadcast %min3A_287 : f32 to vector<16xf32>
    %min3A_289 = arith.minimumf %mul3A_246, %min3A_288 : vector<16xf32>
    %mul3A_290 = arith.mulf %min3A_286, %min3A_289 : vector<16xf32>
    %mul3A_291 = arith.mulf %mul3A_242, %mul3A_246 : vector<16xf32>
    %add3A_292 = arith.constant 727.100586 : f32
    %add3A_293 = vector.broadcast %add3A_292 : f32 to vector<16xf32>
    %add3A_294 = arith.addf %mul3A_291, %add3A_293 : vector<16xf32>
    %sub3A_295 = arith.subf %add3A_294, %mul3A_290 : vector<16xf32>
    %add3A_296 = arith.constant 1.000000e-16 : f32
    %add3A_297 = vector.broadcast %add3A_296 : f32 to vector<16xf32>
    %add3A_298 = arith.addf %sub3A_295, %add3A_297 : vector<16xf32>
    %div3A_299 = arith.divf %mul3A_290, %add3A_298 : vector<16xf32>
    %min3A_300 = arith.constant 40.6153831 : f32
    %min3A_301 = vector.broadcast %min3A_300 : f32 to vector<16xf32>
    %min3A_302 = arith.minimumf %mul3A_242, %min3A_301 : vector<16xf32>
    %min3A_303 = arith.constant 28.3076916 : f32
    %min3A_304 = vector.broadcast %min3A_303 : f32 to vector<16xf32>
    %min3A_305 = arith.minimumf %mul3A_246, %min3A_304 : vector<16xf32>
    %mul3A_306 = arith.mulf %min3A_302, %min3A_305 : vector<16xf32>
    %mul3A_307 = arith.mulf %mul3A_242, %mul3A_246 : vector<16xf32>
    %add3A_308 = arith.constant 1149.72778 : f32
    %add3A_309 = vector.broadcast %add3A_308 : f32 to vector<16xf32>
    %add3A_310 = arith.addf %mul3A_307, %add3A_309 : vector<16xf32>
    %sub3A_311 = arith.subf %add3A_310, %mul3A_306 : vector<16xf32>
    %add3A_312 = arith.constant 1.000000e-16 : f32
    %add3A_313 = vector.broadcast %add3A_312 : f32 to vector<16xf32>
    %add3A_314 = arith.addf %sub3A_311, %add3A_313 : vector<16xf32>
    %div3A_315 = arith.divf %mul3A_306, %add3A_314 : vector<16xf32>
    %gt3A_316 = arith.cmpf ogt, %div3A_299, %div3A_283 : vector<16xf32>
    %select_n3A_317 = arith.select %gt3A_316, %div3A_299, %div3A_283 : vector<16xi1>, vector<16xf32>
    %jit3A_318 = arith.constant 1 : i32
    %jit3A_319 = arith.constant 0 : i32
    %broadcast_in_dim3A_320 = vector.broadcast %jit3A_318 : i32 to vector<16xi32>
    %broadcast_in_dim3A_321 = vector.broadcast %jit3A_319 : i32 to vector<16xi32>
    %select_n3A_322 = arith.select %gt3A_316, %broadcast_in_dim3A_320, %broadcast_in_dim3A_321 : vector<16xi1>, vector<16xi32>
    %gt3A_323 = arith.cmpf ogt, %div3A_315, %select_n3A_317 : vector<16xf32>
    %jit3A_324 = arith.constant 2 : i32
    %broadcast_in_dim3A_325 = vector.broadcast %jit3A_324 : i32 to vector<16xi32>
    %select_n3A_326 = arith.select %gt3A_323, %broadcast_in_dim3A_325, %select_n3A_322 : vector<16xi1>, vector<16xi32>
    %eq3A_327 = arith.constant 0 : i32
    %eq3A_328 = vector.broadcast %eq3A_327 : i32 to vector<16xi32>
    %eq3A_329 = arith.cmpi eq, %select_n3A_326, %eq3A_328 : vector<16xi32>
    %eq3A_330 = arith.constant 1 : i32
    %eq3A_331 = vector.broadcast %eq3A_330 : i32 to vector<16xi32>
    %eq3A_332 = arith.cmpi eq, %select_n3A_326, %eq3A_331 : vector<16xi32>
    %jit3A_333 = arith.constant 19.6923084 : f32
    %jit3A_334 = arith.constant 40.6153831 : f32
    %broadcast_in_dim3A_335 = vector.broadcast %jit3A_333 : f32 to vector<16xf32>
    %broadcast_in_dim3A_336 = vector.broadcast %jit3A_334 : f32 to vector<16xf32>
    %select_n3A_337 = arith.select %eq3A_332, %broadcast_in_dim3A_335, %broadcast_in_dim3A_336 : vector<16xi1>, vector<16xf32>
    %jit3A_338 = arith.constant 12.3076925 : f32
    %broadcast_in_dim3A_339 = vector.broadcast %jit3A_338 : f32 to vector<16xf32>
    %select_n3A_340 = arith.select %eq3A_329, %broadcast_in_dim3A_339, %select_n3A_337 : vector<16xi1>, vector<16xf32>
    %eq3A_341 = arith.constant 0 : i32
    %eq3A_342 = vector.broadcast %eq3A_341 : i32 to vector<16xi32>
    %eq3A_343 = arith.cmpi eq, %select_n3A_326, %eq3A_342 : vector<16xi32>
    %eq3A_344 = arith.constant 1 : i32
    %eq3A_345 = vector.broadcast %eq3A_344 : i32 to vector<16xi32>
    %eq3A_346 = arith.cmpi eq, %select_n3A_326, %eq3A_345 : vector<16xi32>
    %jit3A_347 = arith.constant 36.9230766 : f32
    %jit3A_348 = arith.constant 28.3076916 : f32
    %broadcast_in_dim3A_349 = vector.broadcast %jit3A_347 : f32 to vector<16xf32>
    %broadcast_in_dim3A_350 = vector.broadcast %jit3A_348 : f32 to vector<16xf32>
    %select_n3A_351 = arith.select %eq3A_346, %broadcast_in_dim3A_349, %broadcast_in_dim3A_350 : vector<16xi1>, vector<16xf32>
    %jit3A_352 = arith.constant 1.600000e+01 : f32
    %broadcast_in_dim3A_353 = vector.broadcast %jit3A_352 : f32 to vector<16xf32>
    %select_n3A_354 = arith.select %eq3A_343, %broadcast_in_dim3A_353, %select_n3A_351 : vector<16xi1>, vector<16xf32>
    %mul3A_355 = arith.constant 3 : i32
    %mul3A_356 = arith.muli %select_n3A, %mul3A_355 : i32
    %add3A_357 = vector.broadcast %mul3A_356 : i32 to vector<16xi32>
    %add3A_358 = arith.addi %add3A_357, %select_n3A_326 : vector<16xi32>
    %mul3A_359 = arith.constant 16 : i32
    %mul3A_360 = vector.broadcast %mul3A_359 : i32 to vector<16xi32>
    %mul3A_361 = arith.muli %add3A_358, %mul3A_360 : vector<16xi32>
    %add3A_362 = arith.addi %mul3A_361, %convert_element_type3A_248 : vector<16xi32>
    %mul3A_363 = arith.constant 16 : i32
    %mul3A_364 = vector.broadcast %mul3A_363 : i32 to vector<16xi32>
    %mul3A_365 = arith.muli %add3A_362, %mul3A_364 : vector<16xi32>
    %add3A_366 = arith.addi %mul3A_365, %convert_element_type3A_247 : vector<16xi32>
    %iota3A_367 = tpu.iota {dimensions = array<i32: 0>} : vector<16xi32>
    %add3A_368 = arith.constant 16 : i32
    %add3A_369 = vector.broadcast %add3A_368 : i32 to vector<16xi32>
    %add3A_370 = arith.addi %add3A_369, %iota3A_367 : vector<16xi32>
    %sub3A_371 = arith.constant -1 : i32
    %sub3A_372 = vector.broadcast %sub3A_371 : i32 to vector<16xi32>
    %sub3A_373 = arith.subi %sub3A_372, %add3A_370 : vector<16xi32>
    %select_n3A_374 = arith.select %and3A_267, %add3A_366, %sub3A_373 : vector<16xi1>, vector<16xi32>
    %mul3A_375 = arith.constant 80 : i32
    %mul3A_376 = vector.broadcast %mul3A_375 : i32 to vector<16xi32>
    %mul3A_377 = arith.muli %add3A_366, %mul3A_376 : vector<16xi32>
    %add3A_378 = arith.addi %mul3A_377, %get3A_224 : vector<16xi32>
    %select_n3A_379 = arith.select %and3A_267, %add3A_378, %sub3A_373 : vector<16xi1>, vector<16xi32>
    %convert_element_type3A_380 = arith.sitofp %convert_element_type3A_247 : vector<16xi32> to vector<16xf32>
    %sub3A_381 = arith.subf %mul3A_231, %convert_element_type3A_380 : vector<16xf32>
    %convert_element_type3A_382 = arith.sitofp %convert_element_type3A_248 : vector<16xi32> to vector<16xf32>
    %sub3A_383 = arith.subf %mul3A_238, %convert_element_type3A_382 : vector<16xf32>
    %div3A_384 = arith.divf %mul3A_242, %select_n3A_340 : vector<16xf32>
    %div3A_385 = arith.divf %mul3A_246, %select_n3A_354 : vector<16xf32>
    %swap3A = arith.constant 0 : index
    %swap3A_386 = tpu.vector_load %arg12[%swap3A] {strides = array<i32>} : memref<96xi32, #tpu.memory_space<vmem>>, vector<16xi32>,
    tpu.vector_store %arg12[%swap3A], %select_n3A_195 {strides = array<i32>} : memref<96xi32, #tpu.memory_space<vmem>>, vector<16xi32>,
    %swap3A_387 = arith.constant 16 : index
    %swap3A_388 = tpu.vector_load %arg12[%swap3A_387] {strides = array<i32>} : memref<96xi32, #tpu.memory_space<vmem>>, vector<16xi32>,
    tpu.vector_store %arg12[%swap3A_387], %select_n3A_374 {strides = array<i32>} : memref<96xi32, #tpu.memory_space<vmem>>, vector<16xi32>,
    %swap3A_389 = arith.constant 0 : index
    %swap3A_390 = tpu.vector_load %arg13[%swap3A_389] {strides = array<i32>} : memref<96xi32, #tpu.memory_space<vmem>>, vector<16xi32>,
    tpu.vector_store %arg13[%swap3A_389], %select_n3A_200 {strides = array<i32>} : memref<96xi32, #tpu.memory_space<vmem>>, vector<16xi32>,
    %swap3A_391 = arith.constant 16 : index
    %swap3A_392 = tpu.vector_load %arg13[%swap3A_391] {strides = array<i32>} : memref<96xi32, #tpu.memory_space<vmem>>, vector<16xi32>,
    tpu.vector_store %arg13[%swap3A_391], %select_n3A_379 {strides = array<i32>} : memref<96xi32, #tpu.memory_space<vmem>>, vector<16xi32>,
    %eq3A_393 = arith.constant 0 : i32
    %eq3A_394 = arith.cmpi eq, %select_n3A_30, %eq3A_393 : i32
    %select_n3A_395 = arith.select %eq3A_394, %select_n3A_195, %select_n3A_374 : vector<16xi32>
    %select_n3A_396 = arith.select %eq3A_394, %select_n3A_200, %select_n3A_379 : vector<16xi32>
    %select_n3A_397 = arith.select %eq3A_394, %and3A_90, %and3A_267 : vector<16xi1>
    %select_n3A_398 = arith.select %eq3A_394, %add3A_187, %add3A_366 : vector<16xi32>
    %select_n3A_399 = arith.select %eq3A_394, %sub3A_202, %sub3A_381 : vector<16xf32>
    %select_n3A_400 = arith.select %eq3A_394, %sub3A_204, %sub3A_383 : vector<16xf32>
    %select_n3A_401 = arith.select %eq3A_394, %div3A_205, %div3A_384 : vector<16xf32>
    %select_n3A_402 = arith.select %eq3A_394, %div3A_206, %div3A_385 : vector<16xf32>
    %select_n3A_403 = arith.select %eq3A_394, %get3A_49, %get3A_224 : vector<16xi32>
    %lt3A_404 = arith.constant 0 : i32
    %lt3A_405 = vector.broadcast %lt3A_404 : i32 to vector<16xi32>
    %lt3A_406 = arith.cmpi slt, %iota3A, %lt3A_405 : vector<16xi32>
    %lt3A_407 = arith.constant 0 : i32
    %lt3A_408 = vector.broadcast %lt3A_407 : i32 to vector<16xi32>
    %lt3A_409 = arith.cmpi slt, %iota3A, %lt3A_408 : vector<16xi32>
    %scan3A = arith.constant 0 : i32
    %scan3A_410 = arith.constant 32 : i32
    %scan3A_411 = arith.addi %scan3A, %scan3A_410 : i32
    %scan3A_412 = arith.constant 1 : i32
    %scan3A_413:2 = scf.for %scan3A_3696 = %scan3A to %scan3A_411 step %scan3A_412 iter_args(%scan3A_3697 = %lt3A_406, %scan3A_3698 = %lt3A_409) -> (vector<16xi1>, vector<16xi1>)  : i32 {
      %broadcast_in_dim3A_3699 = arith.constant 0 : i32
      %broadcast_in_dim3A_3700 = vector.broadcast %broadcast_in_dim3A_3699 : i32 to vector<16xi32>
      %add3A_3701 = vector.broadcast %scan3A_3696 : i32 to vector<16xi32>
      %add3A_3702 = arith.addi %broadcast_in_dim3A_3700, %add3A_3701 : vector<16xi32>
      %gather3A_3703 = tpu.vector_load_idx %arg12[%add3A_3702] : memref<96xi32, #tpu.memory_space<vmem>>[vector<16xi32>], vector<16xi32>,
      %gather3A_3704 = tpu.vector_load_idx %arg13[%add3A_3702] : memref<96xi32, #tpu.memory_space<vmem>>[vector<16xi32>], vector<16xi32>,
      %lt3A_3705 = vector.broadcast %scan3A_3696 : i32 to vector<16xi32>
      %lt3A_3706 = arith.cmpi slt, %add3A_34, %lt3A_3705 : vector<16xi32>
      %eq3A_3707 = arith.cmpi eq, %select_n3A_395, %gather3A_3703 : vector<16xi32>
      %and3A_3708 = arith.andi %eq3A_3707, %lt3A_3706 : vector<16xi1>
      %or3A = arith.ori %scan3A_3697, %and3A_3708 : vector<16xi1>
      %eq3A_3709 = arith.cmpi eq, %select_n3A_396, %gather3A_3704 : vector<16xi32>
      %and3A_3710 = arith.andi %eq3A_3709, %lt3A_3706 : vector<16xi1>
      %or3A_3711 = arith.ori %scan3A_3698, %and3A_3710 : vector<16xi1>
      scf.yield %or3A, %or3A_3711 : vector<16xi1>, vector<16xi1>
    }
    %scan3A_414 = arith.constant 32 : i32
    %not3A = arith.constant dense<true> : vector<16xi1>
    %not3A_415 = arith.xori %scan3A_413#0, %not3A : vector<16xi1>
    %and3A_416 = arith.andi %select_n3A_397, %not3A_415 : vector<16xi1>
    %not3A_417 = arith.constant dense<true> : vector<16xi1>
    %not3A_418 = arith.xori %scan3A_413#1, %not3A_417 : vector<16xi1>
    %and3A_419 = arith.andi %select_n3A_397, %not3A_418 : vector<16xi1>
    %jit3A_420 = arith.constant 1.000000e+00 : f32
    %jit3A_421 = arith.constant 0.000000e+00 : f32
    %broadcast_in_dim3A_422 = vector.broadcast %jit3A_420 : f32 to vector<16xf32>
    %broadcast_in_dim3A_423 = vector.broadcast %jit3A_421 : f32 to vector<16xf32>
    %select_n3A_424 = arith.select %and3A_416, %broadcast_in_dim3A_422, %broadcast_in_dim3A_423 : vector<16xi1>, vector<16xf32>
    %swap3A_425 = arith.constant 0 : index
    %swap3A_426 = tpu.vector_load %arg16[%swap3A_425] {strides = array<i32>} : memref<128xf32, #tpu.memory_space<vmem>>, vector<16xf32>,
    tpu.vector_store %arg16[%swap3A_425], %select_n3A_424 {strides = array<i32>} : memref<128xf32, #tpu.memory_space<vmem>>, vector<16xf32>,
    %jit3A_427 = arith.constant 1.000000e+00 : f32
    %jit3A_428 = arith.constant 0.000000e+00 : f32
    %broadcast_in_dim3A_429 = vector.broadcast %jit3A_427 : f32 to vector<16xf32>
    %broadcast_in_dim3A_430 = vector.broadcast %jit3A_428 : f32 to vector<16xf32>
    %select_n3A_431 = arith.select %and3A_419, %broadcast_in_dim3A_429, %broadcast_in_dim3A_430 : vector<16xi1>, vector<16xf32>
    %swap3A_432 = arith.constant 16 : index
    %swap3A_433 = tpu.vector_load %arg16[%swap3A_432] {strides = array<i32>} : memref<128xf32, #tpu.memory_space<vmem>>, vector<16xf32>,
    tpu.vector_store %arg16[%swap3A_432], %select_n3A_431 {strides = array<i32>} : memref<128xf32, #tpu.memory_space<vmem>>, vector<16xf32>,
    %swap3A_434 = arith.constant 32 : index
    %swap3A_435 = tpu.vector_load %arg16[%swap3A_434] {strides = array<i32>} : memref<128xf32, #tpu.memory_space<vmem>>, vector<16xf32>,
    tpu.vector_store %arg16[%swap3A_434], %select_n3A_399 {strides = array<i32>} : memref<128xf32, #tpu.memory_space<vmem>>, vector<16xf32>,
    %swap3A_436 = arith.constant 48 : index
    %swap3A_437 = tpu.vector_load %arg16[%swap3A_436] {strides = array<i32>} : memref<128xf32, #tpu.memory_space<vmem>>, vector<16xf32>,
    tpu.vector_store %arg16[%swap3A_436], %select_n3A_400 {strides = array<i32>} : memref<128xf32, #tpu.memory_space<vmem>>, vector<16xf32>,
    %swap3A_438 = arith.constant 64 : index
    %swap3A_439 = tpu.vector_load %arg16[%swap3A_438] {strides = array<i32>} : memref<128xf32, #tpu.memory_space<vmem>>, vector<16xf32>,
    tpu.vector_store %arg16[%swap3A_438], %select_n3A_401 {strides = array<i32>} : memref<128xf32, #tpu.memory_space<vmem>>, vector<16xf32>,
    %swap3A_440 = arith.constant 80 : index
    %swap3A_441 = tpu.vector_load %arg16[%swap3A_440] {strides = array<i32>} : memref<128xf32, #tpu.memory_space<vmem>>, vector<16xf32>,
    tpu.vector_store %arg16[%swap3A_440], %select_n3A_402 {strides = array<i32>} : memref<128xf32, #tpu.memory_space<vmem>>, vector<16xf32>,
    %convert_element_type3A_442 = arith.sitofp %select_n3A_403 : vector<16xi32> to vector<16xf32>
    %swap3A_443 = arith.constant 96 : index
    %swap3A_444 = tpu.vector_load %arg16[%swap3A_443] {strides = array<i32>} : memref<128xf32, #tpu.memory_space<vmem>>, vector<16xf32>,
    tpu.vector_store %arg16[%swap3A_443], %convert_element_type3A_442 {strides = array<i32>} : memref<128xf32, #tpu.memory_space<vmem>>, vector<16xf32>,
    %lt3A_445 = arith.constant 0 : i32
    %lt3A_446 = vector.broadcast %lt3A_445 : i32 to vector<16xi32>
    %lt3A_447 = arith.cmpi slt, %iota3A, %lt3A_446 : vector<16xi32>
    %jit3A_448 = arith.constant 1.000000e+00 : f32
    %jit3A_449 = arith.constant 0.000000e+00 : f32
    %broadcast_in_dim3A_450 = vector.broadcast %jit3A_448 : f32 to vector<16xf32>
    %broadcast_in_dim3A_451 = vector.broadcast %jit3A_449 : f32 to vector<16xf32>
    %select_n3A_452 = arith.select %lt3A_447, %broadcast_in_dim3A_450, %broadcast_in_dim3A_451 : vector<16xi1>, vector<16xf32>
    %swap3A_453 = arith.constant 112 : index
    %swap3A_454 = tpu.vector_load %arg16[%swap3A_453] {strides = array<i32>} : memref<128xf32, #tpu.memory_space<vmem>>, vector<16xf32>,
    tpu.vector_store %arg16[%swap3A_453], %select_n3A_452 {strides = array<i32>} : memref<128xf32, #tpu.memory_space<vmem>>, vector<16xf32>,
    %run_scoped3A = arith.constant 0 : i32
    "tpu.region"() ({
      %run_scoped3A_3696 = tpu.sem_alloc : memref<!tpu.dma_semaphore, #tpu.memory_space<semaphore_mem>>
      %dma_start3A_3697 = arith.constant 0 : i32
      %dma_start3A_3698 = tpu.memref_slice %arg8[%run_scoped3A, %add3A, %dma_start3A_3697] : memref<3x32x128xf32, #tpu.memory_space<hbm>> -> memref<1x1x128xf32, #tpu.memory_space<hbm>>
      %dma_start3A_3699 = tpu.memref_squeeze %dma_start3A_3698 : memref<1x1x128xf32, #tpu.memory_space<hbm>> -> memref<128xf32, #tpu.memory_space<hbm>>
      %dma_start3A_3700 = arith.constant 0 : i32
      %dma_start3A_3701 = tpu.memref_slice %arg8[%run_scoped3A, %add3A, %dma_start3A_3700] : memref<3x32x128xf32, #tpu.memory_space<hbm>> -> memref<1x1x128xf32, #tpu.memory_space<hbm>>
      %dma_start3A_3702 = tpu.memref_squeeze %dma_start3A_3701 : memref<1x1x128xf32, #tpu.memory_space<hbm>> -> memref<128xf32, #tpu.memory_space<hbm>>
      tpu.enqueue_dma source(%arg16 : memref<128xf32, #tpu.memory_space<vmem>>) target(%dma_start3A_3702 : memref<128xf32, #tpu.memory_space<hbm>>) target_semaphore(%run_scoped3A_3696 : memref<!tpu.dma_semaphore, #tpu.memory_space<semaphore_mem>>)
      %dma_wait3A_3703 = arith.constant 0 : i32
      %dma_wait3A_3704 = tpu.memref_slice %arg8[%run_scoped3A, %add3A, %dma_wait3A_3703] : memref<3x32x128xf32, #tpu.memory_space<hbm>> -> memref<1x1x128xf32, #tpu.memory_space<hbm>>
      %dma_wait3A_3705 = tpu.memref_squeeze %dma_wait3A_3704 : memref<1x1x128xf32, #tpu.memory_space<hbm>> -> memref<128xf32, #tpu.memory_space<hbm>>
      %dma_wait3A_3706 = arith.constant 0 : i32
      %dma_wait3A_3707 = tpu.memref_slice %arg8[%run_scoped3A, %add3A, %dma_wait3A_3706] : memref<3x32x128xf32, #tpu.memory_space<hbm>> -> memref<1x1x128xf32, #tpu.memory_space<hbm>>
      %dma_wait3A_3708 = tpu.memref_squeeze %dma_wait3A_3707 : memref<1x1x128xf32, #tpu.memory_space<hbm>> -> memref<128xf32, #tpu.memory_space<hbm>>
      tpu.wait_dma2 semaphore(%run_scoped3A_3696 : memref<!tpu.dma_semaphore, #tpu.memory_space<semaphore_mem>>) src(%arg16 : memref<128xf32, #tpu.memory_space<vmem>>) dst(%dma_wait3A_3708 : memref<128xf32, #tpu.memory_space<hbm>>)
      tpu.yield
    }) : () -> ()
    %jit3A_455 = arith.constant 0 : i32
    %jit3A_456 = arith.constant 12287 : i32
    %max3A = vector.broadcast %jit3A_455 : i32 to vector<16xi32>
    %max3A_457 = arith.maxsi %max3A, %select_n3A_398 : vector<16xi32>
    %min3A_458 = vector.broadcast %jit3A_456 : i32 to vector<16xi32>
    %min3A_459 = arith.minsi %min3A_458, %max3A_457 : vector<16xi32>
    %mul3A_460 = arith.constant 85 : i32
    %mul3A_461 = vector.broadcast %mul3A_460 : i32 to vector<16xi32>
    %mul3A_462 = arith.muli %min3A_459, %mul3A_461 : vector<16xi32>
    %mul3A_463 = arith.constant 85 : i32
    %mul3A_464 = vector.broadcast %mul3A_463 : i32 to vector<16xi32>
    %mul3A_465 = arith.muli %iota3A, %mul3A_464 : vector<16xi32>
    %add3A_466 = arith.constant 0 : i32
    %add3A_467 = vector.broadcast %add3A_466 : i32 to vector<16xi32>
    %add3A_468 = arith.addi %mul3A_465, %add3A_467 : vector<16xi32>
    %add3A_469 = arith.constant 0 : i32
    %add3A_470 = vector.broadcast %add3A_469 : i32 to vector<16xi32>
    %add3A_471 = arith.addi %mul3A_462, %add3A_470 : vector<16xi32>
    tpu.vector_store_idx %arg14[%add3A_468], %add3A_471 : memref<1360xi32, #tpu.memory_space<vmem>>[vector<16xi32>], vector<16xi32>,
    %mul3A_472 = arith.constant 85 : i32
    %mul3A_473 = vector.broadcast %mul3A_472 : i32 to vector<16xi32>
    %mul3A_474 = arith.muli %iota3A, %mul3A_473 : vector<16xi32>
    %add3A_475 = arith.constant 1 : i32
    %add3A_476 = vector.broadcast %add3A_475 : i32 to vector<16xi32>
    %add3A_477 = arith.addi %mul3A_474, %add3A_476 : vector<16xi32>
    %add3A_478 = arith.constant 1 : i32
    %add3A_479 = vector.broadcast %add3A_478 : i32 to vector<16xi32>
    %add3A_480 = arith.addi %mul3A_462, %add3A_479 : vector<16xi32>
    tpu.vector_store_idx %arg14[%add3A_477], %add3A_480 : memref<1360xi32, #tpu.memory_space<vmem>>[vector<16xi32>], vector<16xi32>,
    %mul3A_481 = arith.constant 85 : i32
    %mul3A_482 = vector.broadcast %mul3A_481 : i32 to vector<16xi32>
    %mul3A_483 = arith.muli %iota3A, %mul3A_482 : vector<16xi32>
    %add3A_484 = arith.constant 2 : i32
    %add3A_485 = vector.broadcast %add3A_484 : i32 to vector<16xi32>
    %add3A_486 = arith.addi %mul3A_483, %add3A_485 : vector<16xi32>
    %add3A_487 = arith.constant 2 : i32
    %add3A_488 = vector.broadcast %add3A_487 : i32 to vector<16xi32>
    %add3A_489 = arith.addi %mul3A_462, %add3A_488 : vector<16xi32>
    tpu.vector_store_idx %arg14[%add3A_486], %add3A_489 : memref<1360xi32, #tpu.memory_space<vmem>>[vector<16xi32>], vector<16xi32>,
    %mul3A_490 = arith.constant 85 : i32
    %mul3A_491 = vector.broadcast %mul3A_490 : i32 to vector<16xi32>
    %mul3A_492 = arith.muli %iota3A, %mul3A_491 : vector<16xi32>
    %add3A_493 = arith.constant 3 : i32
    %add3A_494 = vector.broadcast %add3A_493 : i32 to vector<16xi32>
    %add3A_495 = arith.addi %mul3A_492, %add3A_494 : vector<16xi32>
    %add3A_496 = arith.constant 3 : i32
    %add3A_497 = vector.broadcast %add3A_496 : i32 to vector<16xi32>
    %add3A_498 = arith.addi %mul3A_462, %add3A_497 : vector<16xi32>
    tpu.vector_store_idx %arg14[%add3A_495], %add3A_498 : memref<1360xi32, #tpu.memory_space<vmem>>[vector<16xi32>], vector<16xi32>,
    %mul3A_499 = arith.constant 85 : i32
    %mul3A_500 = vector.broadcast %mul3A_499 : i32 to vector<16xi32>
    %mul3A_501 = arith.muli %iota3A, %mul3A_500 : vector<16xi32>
    %add3A_502 = arith.constant 4 : i32
    %add3A_503 = vector.broadcast %add3A_502 : i32 to vector<16xi32>
    %add3A_504 = arith.addi %mul3A_501, %add3A_503 : vector<16xi32>
    %add3A_505 = arith.constant 4 : i32
    %add3A_506 = vector.broadcast %add3A_505 : i32 to vector<16xi32>
    %add3A_507 = arith.addi %mul3A_462, %add3A_506 : vector<16xi32>
    tpu.vector_store_idx %arg14[%add3A_504], %add3A_507 : memref<1360xi32, #tpu.memory_space<vmem>>[vector<16xi32>], vector<16xi32>,
    %mul3A_508 = arith.constant 85 : i32
    %mul3A_509 = vector.broadcast %mul3A_508 : i32 to vector<16xi32>
    %mul3A_510 = arith.muli %iota3A, %mul3A_509 : vector<16xi32>
    %add3A_511 = arith.constant 5 : i32
    %add3A_512 = vector.broadcast %add3A_511 : i32 to vector<16xi32>
    %add3A_513 = arith.addi %mul3A_510, %add3A_512 : vector<16xi32>
    %add3A_514 = arith.constant 5 : i32
    %add3A_515 = vector.broadcast %add3A_514 : i32 to vector<16xi32>
    %add3A_516 = arith.addi %mul3A_462, %add3A_515 : vector<16xi32>
    tpu.vector_store_idx %arg14[%add3A_513], %add3A_516 : memref<1360xi32, #tpu.memory_space<vmem>>[vector<16xi32>], vector<16xi32>,
    %mul3A_517 = arith.constant 85 : i32
    %mul3A_518 = vector.broadcast %mul3A_517 : i32 to vector<16xi32>
    %mul3A_519 = arith.muli %iota3A, %mul3A_518 : vector<16xi32>
    %add3A_520 = arith.constant 6 : i32
    %add3A_521 = vector.broadcast %add3A_520 : i32 to vector<16xi32>
    %add3A_522 = arith.addi %mul3A_519, %add3A_521 : vector<16xi32>
    %add3A_523 = arith.constant 6 : i32
    %add3A_524 = vector.broadcast %add3A_523 : i32 to vector<16xi32>
    %add3A_525 = arith.addi %mul3A_462, %add3A_524 : vector<16xi32>
    tpu.vector_store_idx %arg14[%add3A_522], %add3A_525 : memref<1360xi32, #tpu.memory_space<vmem>>[vector<16xi32>], vector<16xi32>,
    %mul3A_526 = arith.constant 85 : i32
    %mul3A_527 = vector.broadcast %mul3A_526 : i32 to vector<16xi32>
    %mul3A_528 = arith.muli %iota3A, %mul3A_527 : vector<16xi32>
    %add3A_529 = arith.constant 7 : i32
    %add3A_530 = vector.broadcast %add3A_529 : i32 to vector<16xi32>
    %add3A_531 = arith.addi %mul3A_528, %add3A_530 : vector<16xi32>
    %add3A_532 = arith.constant 7 : i32
    %add3A_533 = vector.broadcast %add3A_532 : i32 to vector<16xi32>
    %add3A_534 = arith.addi %mul3A_462, %add3A_533 : vector<16xi32>
    tpu.vector_store_idx %arg14[%add3A_531], %add3A_534 : memref<1360xi32, #tpu.memory_space<vmem>>[vector<16xi32>], vector<16xi32>,
    %mul3A_535 = arith.constant 85 : i32
    %mul3A_536 = vector.broadcast %mul3A_535 : i32 to vector<16xi32>
    %mul3A_537 = arith.muli %iota3A, %mul3A_536 : vector<16xi32>
    %add3A_538 = arith.constant 8 : i32
    %add3A_539 = vector.broadcast %add3A_538 : i32 to vector<16xi32>
    %add3A_540 = arith.addi %mul3A_537, %add3A_539 : vector<16xi32>
    %add3A_541 = arith.constant 8 : i32
    %add3A_542 = vector.broadcast %add3A_541 : i32 to vector<16xi32>
    %add3A_543 = arith.addi %mul3A_462, %add3A_542 : vector<16xi32>
    tpu.vector_store_idx %arg14[%add3A_540], %add3A_543 : memref<1360xi32, #tpu.memory_space<vmem>>[vector<16xi32>], vector<16xi32>,
    %mul3A_544 = arith.constant 85 : i32
    %mul3A_545 = vector.broadcast %mul3A_544 : i32 to vector<16xi32>
    %mul3A_546 = arith.muli %iota3A, %mul3A_545 : vector<16xi32>
    %add3A_547 = arith.constant 9 : i32
    %add3A_548 = vector.broadcast %add3A_547 : i32 to vector<16xi32>
    %add3A_549 = arith.addi %mul3A_546, %add3A_548 : vector<16xi32>
    %add3A_550 = arith.constant 9 : i32
    %add3A_551 = vector.broadcast %add3A_550 : i32 to vector<16xi32>
    %add3A_552 = arith.addi %mul3A_462, %add3A_551 : vector<16xi32>
    tpu.vector_store_idx %arg14[%add3A_549], %add3A_552 : memref<1360xi32, #tpu.memory_space<vmem>>[vector<16xi32>], vector<16xi32>,
    %mul3A_553 = arith.constant 85 : i32
    %mul3A_554 = vector.broadcast %mul3A_553 : i32 to vector<16xi32>
    %mul3A_555 = arith.muli %iota3A, %mul3A_554 : vector<16xi32>
    %add3A_556 = arith.constant 10 : i32
    %add3A_557 = vector.broadcast %add3A_556 : i32 to vector<16xi32>
    %add3A_558 = arith.addi %mul3A_555, %add3A_557 : vector<16xi32>
    %add3A_559 = arith.constant 10 : i32
    %add3A_560 = vector.broadcast %add3A_559 : i32 to vector<16xi32>
    %add3A_561 = arith.addi %mul3A_462, %add3A_560 : vector<16xi32>
    tpu.vector_store_idx %arg14[%add3A_558], %add3A_561 : memref<1360xi32, #tpu.memory_space<vmem>>[vector<16xi32>], vector<16xi32>,
    %mul3A_562 = arith.constant 85 : i32
    %mul3A_563 = vector.broadcast %mul3A_562 : i32 to vector<16xi32>
    %mul3A_564 = arith.muli %iota3A, %mul3A_563 : vector<16xi32>
    %add3A_565 = arith.constant 11 : i32
    %add3A_566 = vector.broadcast %add3A_565 : i32 to vector<16xi32>
    %add3A_567 = arith.addi %mul3A_564, %add3A_566 : vector<16xi32>
    %add3A_568 = arith.constant 11 : i32
    %add3A_569 = vector.broadcast %add3A_568 : i32 to vector<16xi32>
    %add3A_570 = arith.addi %mul3A_462, %add3A_569 : vector<16xi32>
    tpu.vector_store_idx %arg14[%add3A_567], %add3A_570 : memref<1360xi32, #tpu.memory_space<vmem>>[vector<16xi32>], vector<16xi32>,
    %mul3A_571 = arith.constant 85 : i32
    %mul3A_572 = vector.broadcast %mul3A_571 : i32 to vector<16xi32>
    %mul3A_573 = arith.muli %iota3A, %mul3A_572 : vector<16xi32>
    %add3A_574 = arith.constant 12 : i32
    %add3A_575 = vector.broadcast %add3A_574 : i32 to vector<16xi32>
    %add3A_576 = arith.addi %mul3A_573, %add3A_575 : vector<16xi32>
    %add3A_577 = arith.constant 12 : i32
    %add3A_578 = vector.broadcast %add3A_577 : i32 to vector<16xi32>
    %add3A_579 = arith.addi %mul3A_462, %add3A_578 : vector<16xi32>
    tpu.vector_store_idx %arg14[%add3A_576], %add3A_579 : memref<1360xi32, #tpu.memory_space<vmem>>[vector<16xi32>], vector<16xi32>,
    %mul3A_580 = arith.constant 85 : i32
    %mul3A_581 = vector.broadcast %mul3A_580 : i32 to vector<16xi32>
    %mul3A_582 = arith.muli %iota3A, %mul3A_581 : vector<16xi32>
    %add3A_583 = arith.constant 13 : i32
    %add3A_584 = vector.broadcast %add3A_583 : i32 to vector<16xi32>
    %add3A_585 = arith.addi %mul3A_582, %add3A_584 : vector<16xi32>
    %add3A_586 = arith.constant 13 : i32
    %add3A_587 = vector.broadcast %add3A_586 : i32 to vector<16xi32>
    %add3A_588 = arith.addi %mul3A_462, %add3A_587 : vector<16xi32>
    tpu.vector_store_idx %arg14[%add3A_585], %add3A_588 : memref<1360xi32, #tpu.memory_space<vmem>>[vector<16xi32>], vector<16xi32>,
    %mul3A_589 = arith.constant 85 : i32
    %mul3A_590 = vector.broadcast %mul3A_589 : i32 to vector<16xi32>
    %mul3A_591 = arith.muli %iota3A, %mul3A_590 : vector<16xi32>
    %add3A_592 = arith.constant 14 : i32
    %add3A_593 = vector.broadcast %add3A_592 : i32 to vector<16xi32>
    %add3A_594 = arith.addi %mul3A_591, %add3A_593 : vector<16xi32>
    %add3A_595 = arith.constant 14 : i32
    %add3A_596 = vector.broadcast %add3A_595 : i32 to vector<16xi32>
    %add3A_597 = arith.addi %mul3A_462, %add3A_596 : vector<16xi32>
    tpu.vector_store_idx %arg14[%add3A_594], %add3A_597 : memref<1360xi32, #tpu.memory_space<vmem>>[vector<16xi32>], vector<16xi32>,
    %mul3A_598 = arith.constant 85 : i32
    %mul3A_599 = vector.broadcast %mul3A_598 : i32 to vector<16xi32>
    %mul3A_600 = arith.muli %iota3A, %mul3A_599 : vector<16xi32>
    %add3A_601 = arith.constant 15 : i32
    %add3A_602 = vector.broadcast %add3A_601 : i32 to vector<16xi32>
    %add3A_603 = arith.addi %mul3A_600, %add3A_602 : vector<16xi32>
    %add3A_604 = arith.constant 15 : i32
    %add3A_605 = vector.broadcast %add3A_604 : i32 to vector<16xi32>
    %add3A_606 = arith.addi %mul3A_462, %add3A_605 : vector<16xi32>
    tpu.vector_store_idx %arg14[%add3A_603], %add3A_606 : memref<1360xi32, #tpu.memory_space<vmem>>[vector<16xi32>], vector<16xi32>,
    %mul3A_607 = arith.constant 85 : i32
    %mul3A_608 = vector.broadcast %mul3A_607 : i32 to vector<16xi32>
    %mul3A_609 = arith.muli %iota3A, %mul3A_608 : vector<16xi32>
    %add3A_610 = arith.constant 16 : i32
    %add3A_611 = vector.broadcast %add3A_610 : i32 to vector<16xi32>
    %add3A_612 = arith.addi %mul3A_609, %add3A_611 : vector<16xi32>
    %add3A_613 = arith.constant 16 : i32
    %add3A_614 = vector.broadcast %add3A_613 : i32 to vector<16xi32>
    %add3A_615 = arith.addi %mul3A_462, %add3A_614 : vector<16xi32>
    tpu.vector_store_idx %arg14[%add3A_612], %add3A_615 : memref<1360xi32, #tpu.memory_space<vmem>>[vector<16xi32>], vector<16xi32>,
    %mul3A_616 = arith.constant 85 : i32
    %mul3A_617 = vector.broadcast %mul3A_616 : i32 to vector<16xi32>
    %mul3A_618 = arith.muli %iota3A, %mul3A_617 : vector<16xi32>
    %add3A_619 = arith.constant 17 : i32
    %add3A_620 = vector.broadcast %add3A_619 : i32 to vector<16xi32>
    %add3A_621 = arith.addi %mul3A_618, %add3A_620 : vector<16xi32>
    %add3A_622 = arith.constant 17 : i32
    %add3A_623 = vector.broadcast %add3A_622 : i32 to vector<16xi32>
    %add3A_624 = arith.addi %mul3A_462, %add3A_623 : vector<16xi32>
    tpu.vector_store_idx %arg14[%add3A_621], %add3A_624 : memref<1360xi32, #tpu.memory_space<vmem>>[vector<16xi32>], vector<16xi32>,
    %mul3A_625 = arith.constant 85 : i32
    %mul3A_626 = vector.broadcast %mul3A_625 : i32 to vector<16xi32>
    %mul3A_627 = arith.muli %iota3A, %mul3A_626 : vector<16xi32>
    %add3A_628 = arith.constant 18 : i32
    %add3A_629 = vector.broadcast %add3A_628 : i32 to vector<16xi32>
    %add3A_630 = arith.addi %mul3A_627, %add3A_629 : vector<16xi32>
    %add3A_631 = arith.constant 18 : i32
    %add3A_632 = vector.broadcast %add3A_631 : i32 to vector<16xi32>
    %add3A_633 = arith.addi %mul3A_462, %add3A_632 : vector<16xi32>
    tpu.vector_store_idx %arg14[%add3A_630], %add3A_633 : memref<1360xi32, #tpu.memory_space<vmem>>[vector<16xi32>], vector<16xi32>,
    %mul3A_634 = arith.constant 85 : i32
    %mul3A_635 = vector.broadcast %mul3A_634 : i32 to vector<16xi32>
    %mul3A_636 = arith.muli %iota3A, %mul3A_635 : vector<16xi32>
    %add3A_637 = arith.constant 19 : i32
    %add3A_638 = vector.broadcast %add3A_637 : i32 to vector<16xi32>
    %add3A_639 = arith.addi %mul3A_636, %add3A_638 : vector<16xi32>
    %add3A_640 = arith.constant 19 : i32
    %add3A_641 = vector.broadcast %add3A_640 : i32 to vector<16xi32>
    %add3A_642 = arith.addi %mul3A_462, %add3A_641 : vector<16xi32>
    tpu.vector_store_idx %arg14[%add3A_639], %add3A_642 : memref<1360xi32, #tpu.memory_space<vmem>>[vector<16xi32>], vector<16xi32>,
    %mul3A_643 = arith.constant 85 : i32
    %mul3A_644 = vector.broadcast %mul3A_643 : i32 to vector<16xi32>
    %mul3A_645 = arith.muli %iota3A, %mul3A_644 : vector<16xi32>
    %add3A_646 = arith.constant 20 : i32
    %add3A_647 = vector.broadcast %add3A_646 : i32 to vector<16xi32>
    %add3A_648 = arith.addi %mul3A_645, %add3A_647 : vector<16xi32>
    %add3A_649 = arith.constant 20 : i32
    %add3A_650 = vector.broadcast %add3A_649 : i32 to vector<16xi32>
    %add3A_651 = arith.addi %mul3A_462, %add3A_650 : vector<16xi32>
    tpu.vector_store_idx %arg14[%add3A_648], %add3A_651 : memref<1360xi32, #tpu.memory_space<vmem>>[vector<16xi32>], vector<16xi32>,
    %mul3A_652 = arith.constant 85 : i32
    %mul3A_653 = vector.broadcast %mul3A_652 : i32 to vector<16xi32>
    %mul3A_654 = arith.muli %iota3A, %mul3A_653 : vector<16xi32>
    %add3A_655 = arith.constant 21 : i32
    %add3A_656 = vector.broadcast %add3A_655 : i32 to vector<16xi32>
    %add3A_657 = arith.addi %mul3A_654, %add3A_656 : vector<16xi32>
    %add3A_658 = arith.constant 21 : i32
    %add3A_659 = vector.broadcast %add3A_658 : i32 to vector<16xi32>
    %add3A_660 = arith.addi %mul3A_462, %add3A_659 : vector<16xi32>
    tpu.vector_store_idx %arg14[%add3A_657], %add3A_660 : memref<1360xi32, #tpu.memory_space<vmem>>[vector<16xi32>], vector<16xi32>,
    %mul3A_661 = arith.constant 85 : i32
    %mul3A_662 = vector.broadcast %mul3A_661 : i32 to vector<16xi32>
    %mul3A_663 = arith.muli %iota3A, %mul3A_662 : vector<16xi32>
    %add3A_664 = arith.constant 22 : i32
    %add3A_665 = vector.broadcast %add3A_664 : i32 to vector<16xi32>
    %add3A_666 = arith.addi %mul3A_663, %add3A_665 : vector<16xi32>
    %add3A_667 = arith.constant 22 : i32
    %add3A_668 = vector.broadcast %add3A_667 : i32 to vector<16xi32>
    %add3A_669 = arith.addi %mul3A_462, %add3A_668 : vector<16xi32>
    tpu.vector_store_idx %arg14[%add3A_666], %add3A_669 : memref<1360xi32, #tpu.memory_space<vmem>>[vector<16xi32>], vector<16xi32>,
    %mul3A_670 = arith.constant 85 : i32
    %mul3A_671 = vector.broadcast %mul3A_670 : i32 to vector<16xi32>
    %mul3A_672 = arith.muli %iota3A, %mul3A_671 : vector<16xi32>
    %add3A_673 = arith.constant 23 : i32
    %add3A_674 = vector.broadcast %add3A_673 : i32 to vector<16xi32>
    %add3A_675 = arith.addi %mul3A_672, %add3A_674 : vector<16xi32>
    %add3A_676 = arith.constant 23 : i32
    %add3A_677 = vector.broadcast %add3A_676 : i32 to vector<16xi32>
    %add3A_678 = arith.addi %mul3A_462, %add3A_677 : vector<16xi32>
    tpu.vector_store_idx %arg14[%add3A_675], %add3A_678 : memref<1360xi32, #tpu.memory_space<vmem>>[vector<16xi32>], vector<16xi32>,
    %mul3A_679 = arith.constant 85 : i32
    %mul3A_680 = vector.broadcast %mul3A_679 : i32 to vector<16xi32>
    %mul3A_681 = arith.muli %iota3A, %mul3A_680 : vector<16xi32>
    %add3A_682 = arith.constant 24 : i32
    %add3A_683 = vector.broadcast %add3A_682 : i32 to vector<16xi32>
    %add3A_684 = arith.addi %mul3A_681, %add3A_683 : vector<16xi32>
    %add3A_685 = arith.constant 24 : i32
    %add3A_686 = vector.broadcast %add3A_685 : i32 to vector<16xi32>
    %add3A_687 = arith.addi %mul3A_462, %add3A_686 : vector<16xi32>
    tpu.vector_store_idx %arg14[%add3A_684], %add3A_687 : memref<1360xi32, #tpu.memory_space<vmem>>[vector<16xi32>], vector<16xi32>,
    %mul3A_688 = arith.constant 85 : i32
    %mul3A_689 = vector.broadcast %mul3A_688 : i32 to vector<16xi32>
    %mul3A_690 = arith.muli %iota3A, %mul3A_689 : vector<16xi32>
    %add3A_691 = arith.constant 25 : i32
    %add3A_692 = vector.broadcast %add3A_691 : i32 to vector<16xi32>
    %add3A_693 = arith.addi %mul3A_690, %add3A_692 : vector<16xi32>
    %add3A_694 = arith.constant 25 : i32
    %add3A_695 = vector.broadcast %add3A_694 : i32 to vector<16xi32>
    %add3A_696 = arith.addi %mul3A_462, %add3A_695 : vector<16xi32>
    tpu.vector_store_idx %arg14[%add3A_693], %add3A_696 : memref<1360xi32, #tpu.memory_space<vmem>>[vector<16xi32>], vector<16xi32>,
    %mul3A_697 = arith.constant 85 : i32
    %mul3A_698 = vector.broadcast %mul3A_697 : i32 to vector<16xi32>
    %mul3A_699 = arith.muli %iota3A, %mul3A_698 : vector<16xi32>
    %add3A_700 = arith.constant 26 : i32
    %add3A_701 = vector.broadcast %add3A_700 : i32 to vector<16xi32>
    %add3A_702 = arith.addi %mul3A_699, %add3A_701 : vector<16xi32>
    %add3A_703 = arith.constant 26 : i32
    %add3A_704 = vector.broadcast %add3A_703 : i32 to vector<16xi32>
    %add3A_705 = arith.addi %mul3A_462, %add3A_704 : vector<16xi32>
    tpu.vector_store_idx %arg14[%add3A_702], %add3A_705 : memref<1360xi32, #tpu.memory_space<vmem>>[vector<16xi32>], vector<16xi32>,
    %mul3A_706 = arith.constant 85 : i32
    %mul3A_707 = vector.broadcast %mul3A_706 : i32 to vector<16xi32>
    %mul3A_708 = arith.muli %iota3A, %mul3A_707 : vector<16xi32>
    %add3A_709 = arith.constant 27 : i32
    %add3A_710 = vector.broadcast %add3A_709 : i32 to vector<16xi32>
    %add3A_711 = arith.addi %mul3A_708, %add3A_710 : vector<16xi32>
    %add3A_712 = arith.constant 27 : i32
    %add3A_713 = vector.broadcast %add3A_712 : i32 to vector<16xi32>
    %add3A_714 = arith.addi %mul3A_462, %add3A_713 : vector<16xi32>
    tpu.vector_store_idx %arg14[%add3A_711], %add3A_714 : memref<1360xi32, #tpu.memory_space<vmem>>[vector<16xi32>], vector<16xi32>,
    %mul3A_715 = arith.constant 85 : i32
    %mul3A_716 = vector.broadcast %mul3A_715 : i32 to vector<16xi32>
    %mul3A_717 = arith.muli %iota3A, %mul3A_716 : vector<16xi32>
    %add3A_718 = arith.constant 28 : i32
    %add3A_719 = vector.broadcast %add3A_718 : i32 to vector<16xi32>
    %add3A_720 = arith.addi %mul3A_717, %add3A_719 : vector<16xi32>
    %add3A_721 = arith.constant 28 : i32
    %add3A_722 = vector.broadcast %add3A_721 : i32 to vector<16xi32>
    %add3A_723 = arith.addi %mul3A_462, %add3A_722 : vector<16xi32>
    tpu.vector_store_idx %arg14[%add3A_720], %add3A_723 : memref<1360xi32, #tpu.memory_space<vmem>>[vector<16xi32>], vector<16xi32>,
    %mul3A_724 = arith.constant 85 : i32
    %mul3A_725 = vector.broadcast %mul3A_724 : i32 to vector<16xi32>
    %mul3A_726 = arith.muli %iota3A, %mul3A_725 : vector<16xi32>
    %add3A_727 = arith.constant 29 : i32
    %add3A_728 = vector.broadcast %add3A_727 : i32 to vector<16xi32>
    %add3A_729 = arith.addi %mul3A_726, %add3A_728 : vector<16xi32>
    %add3A_730 = arith.constant 29 : i32
    %add3A_731 = vector.broadcast %add3A_730 : i32 to vector<16xi32>
    %add3A_732 = arith.addi %mul3A_462, %add3A_731 : vector<16xi32>
    tpu.vector_store_idx %arg14[%add3A_729], %add3A_732 : memref<1360xi32, #tpu.memory_space<vmem>>[vector<16xi32>], vector<16xi32>,
    %mul3A_733 = arith.constant 85 : i32
    %mul3A_734 = vector.broadcast %mul3A_733 : i32 to vector<16xi32>
    %mul3A_735 = arith.muli %iota3A, %mul3A_734 : vector<16xi32>
    %add3A_736 = arith.constant 30 : i32
    %add3A_737 = vector.broadcast %add3A_736 : i32 to vector<16xi32>
    %add3A_738 = arith.addi %mul3A_735, %add3A_737 : vector<16xi32>
    %add3A_739 = arith.constant 30 : i32
    %add3A_740 = vector.broadcast %add3A_739 : i32 to vector<16xi32>
    %add3A_741 = arith.addi %mul3A_462, %add3A_740 : vector<16xi32>
    tpu.vector_store_idx %arg14[%add3A_738], %add3A_741 : memref<1360xi32, #tpu.memory_space<vmem>>[vector<16xi32>], vector<16xi32>,
    %mul3A_742 = arith.constant 85 : i32
    %mul3A_743 = vector.broadcast %mul3A_742 : i32 to vector<16xi32>
    %mul3A_744 = arith.muli %iota3A, %mul3A_743 : vector<16xi32>
    %add3A_745 = arith.constant 31 : i32
    %add3A_746 = vector.broadcast %add3A_745 : i32 to vector<16xi32>
    %add3A_747 = arith.addi %mul3A_744, %add3A_746 : vector<16xi32>
    %add3A_748 = arith.constant 31 : i32
    %add3A_749 = vector.broadcast %add3A_748 : i32 to vector<16xi32>
    %add3A_750 = arith.addi %mul3A_462, %add3A_749 : vector<16xi32>
    tpu.vector_store_idx %arg14[%add3A_747], %add3A_750 : memref<1360xi32, #tpu.memory_space<vmem>>[vector<16xi32>], vector<16xi32>,
    %mul3A_751 = arith.constant 85 : i32
    %mul3A_752 = vector.broadcast %mul3A_751 : i32 to vector<16xi32>
    %mul3A_753 = arith.muli %iota3A, %mul3A_752 : vector<16xi32>
    %add3A_754 = arith.constant 32 : i32
    %add3A_755 = vector.broadcast %add3A_754 : i32 to vector<16xi32>
    %add3A_756 = arith.addi %mul3A_753, %add3A_755 : vector<16xi32>
    %add3A_757 = arith.constant 32 : i32
    %add3A_758 = vector.broadcast %add3A_757 : i32 to vector<16xi32>
    %add3A_759 = arith.addi %mul3A_462, %add3A_758 : vector<16xi32>
    tpu.vector_store_idx %arg14[%add3A_756], %add3A_759 : memref<1360xi32, #tpu.memory_space<vmem>>[vector<16xi32>], vector<16xi32>,
    %mul3A_760 = arith.constant 85 : i32
    %mul3A_761 = vector.broadcast %mul3A_760 : i32 to vector<16xi32>
    %mul3A_762 = arith.muli %iota3A, %mul3A_761 : vector<16xi32>
    %add3A_763 = arith.constant 33 : i32
    %add3A_764 = vector.broadcast %add3A_763 : i32 to vector<16xi32>
    %add3A_765 = arith.addi %mul3A_762, %add3A_764 : vector<16xi32>
    %add3A_766 = arith.constant 33 : i32
    %add3A_767 = vector.broadcast %add3A_766 : i32 to vector<16xi32>
    %add3A_768 = arith.addi %mul3A_462, %add3A_767 : vector<16xi32>
    tpu.vector_store_idx %arg14[%add3A_765], %add3A_768 : memref<1360xi32, #tpu.memory_space<vmem>>[vector<16xi32>], vector<16xi32>,
    %mul3A_769 = arith.constant 85 : i32
    %mul3A_770 = vector.broadcast %mul3A_769 : i32 to vector<16xi32>
    %mul3A_771 = arith.muli %iota3A, %mul3A_770 : vector<16xi32>
    %add3A_772 = arith.constant 34 : i32
    %add3A_773 = vector.broadcast %add3A_772 : i32 to vector<16xi32>
    %add3A_774 = arith.addi %mul3A_771, %add3A_773 : vector<16xi32>
    %add3A_775 = arith.constant 34 : i32
    %add3A_776 = vector.broadcast %add3A_775 : i32 to vector<16xi32>
    %add3A_777 = arith.addi %mul3A_462, %add3A_776 : vector<16xi32>
    tpu.vector_store_idx %arg14[%add3A_774], %add3A_777 : memref<1360xi32, #tpu.memory_space<vmem>>[vector<16xi32>], vector<16xi32>,
    %mul3A_778 = arith.constant 85 : i32
    %mul3A_779 = vector.broadcast %mul3A_778 : i32 to vector<16xi32>
    %mul3A_780 = arith.muli %iota3A, %mul3A_779 : vector<16xi32>
    %add3A_781 = arith.constant 35 : i32
    %add3A_782 = vector.broadcast %add3A_781 : i32 to vector<16xi32>
    %add3A_783 = arith.addi %mul3A_780, %add3A_782 : vector<16xi32>
    %add3A_784 = arith.constant 35 : i32
    %add3A_785 = vector.broadcast %add3A_784 : i32 to vector<16xi32>
    %add3A_786 = arith.addi %mul3A_462, %add3A_785 : vector<16xi32>
    tpu.vector_store_idx %arg14[%add3A_783], %add3A_786 : memref<1360xi32, #tpu.memory_space<vmem>>[vector<16xi32>], vector<16xi32>,
    %mul3A_787 = arith.constant 85 : i32
    %mul3A_788 = vector.broadcast %mul3A_787 : i32 to vector<16xi32>
    %mul3A_789 = arith.muli %iota3A, %mul3A_788 : vector<16xi32>
    %add3A_790 = arith.constant 36 : i32
    %add3A_791 = vector.broadcast %add3A_790 : i32 to vector<16xi32>
    %add3A_792 = arith.addi %mul3A_789, %add3A_791 : vector<16xi32>
    %add3A_793 = arith.constant 36 : i32
    %add3A_794 = vector.broadcast %add3A_793 : i32 to vector<16xi32>
    %add3A_795 = arith.addi %mul3A_462, %add3A_794 : vector<16xi32>
    tpu.vector_store_idx %arg14[%add3A_792], %add3A_795 : memref<1360xi32, #tpu.memory_space<vmem>>[vector<16xi32>], vector<16xi32>,
    %mul3A_796 = arith.constant 85 : i32
    %mul3A_797 = vector.broadcast %mul3A_796 : i32 to vector<16xi32>
    %mul3A_798 = arith.muli %iota3A, %mul3A_797 : vector<16xi32>
    %add3A_799 = arith.constant 37 : i32
    %add3A_800 = vector.broadcast %add3A_799 : i32 to vector<16xi32>
    %add3A_801 = arith.addi %mul3A_798, %add3A_800 : vector<16xi32>
    %add3A_802 = arith.constant 37 : i32
    %add3A_803 = vector.broadcast %add3A_802 : i32 to vector<16xi32>
    %add3A_804 = arith.addi %mul3A_462, %add3A_803 : vector<16xi32>
    tpu.vector_store_idx %arg14[%add3A_801], %add3A_804 : memref<1360xi32, #tpu.memory_space<vmem>>[vector<16xi32>], vector<16xi32>,
    %mul3A_805 = arith.constant 85 : i32
    %mul3A_806 = vector.broadcast %mul3A_805 : i32 to vector<16xi32>
    %mul3A_807 = arith.muli %iota3A, %mul3A_806 : vector<16xi32>
    %add3A_808 = arith.constant 38 : i32
    %add3A_809 = vector.broadcast %add3A_808 : i32 to vector<16xi32>
    %add3A_810 = arith.addi %mul3A_807, %add3A_809 : vector<16xi32>
    %add3A_811 = arith.constant 38 : i32
    %add3A_812 = vector.broadcast %add3A_811 : i32 to vector<16xi32>
    %add3A_813 = arith.addi %mul3A_462, %add3A_812 : vector<16xi32>
    tpu.vector_store_idx %arg14[%add3A_810], %add3A_813 : memref<1360xi32, #tpu.memory_space<vmem>>[vector<16xi32>], vector<16xi32>,
    %mul3A_814 = arith.constant 85 : i32
    %mul3A_815 = vector.broadcast %mul3A_814 : i32 to vector<16xi32>
    %mul3A_816 = arith.muli %iota3A, %mul3A_815 : vector<16xi32>
    %add3A_817 = arith.constant 39 : i32
    %add3A_818 = vector.broadcast %add3A_817 : i32 to vector<16xi32>
    %add3A_819 = arith.addi %mul3A_816, %add3A_818 : vector<16xi32>
    %add3A_820 = arith.constant 39 : i32
    %add3A_821 = vector.broadcast %add3A_820 : i32 to vector<16xi32>
    %add3A_822 = arith.addi %mul3A_462, %add3A_821 : vector<16xi32>
    tpu.vector_store_idx %arg14[%add3A_819], %add3A_822 : memref<1360xi32, #tpu.memory_space<vmem>>[vector<16xi32>], vector<16xi32>,
    %mul3A_823 = arith.constant 85 : i32
    %mul3A_824 = vector.broadcast %mul3A_823 : i32 to vector<16xi32>
    %mul3A_825 = arith.muli %iota3A, %mul3A_824 : vector<16xi32>
    %add3A_826 = arith.constant 40 : i32
    %add3A_827 = vector.broadcast %add3A_826 : i32 to vector<16xi32>
    %add3A_828 = arith.addi %mul3A_825, %add3A_827 : vector<16xi32>
    %add3A_829 = arith.constant 40 : i32
    %add3A_830 = vector.broadcast %add3A_829 : i32 to vector<16xi32>
    %add3A_831 = arith.addi %mul3A_462, %add3A_830 : vector<16xi32>
    tpu.vector_store_idx %arg14[%add3A_828], %add3A_831 : memref<1360xi32, #tpu.memory_space<vmem>>[vector<16xi32>], vector<16xi32>,
    %mul3A_832 = arith.constant 85 : i32
    %mul3A_833 = vector.broadcast %mul3A_832 : i32 to vector<16xi32>
    %mul3A_834 = arith.muli %iota3A, %mul3A_833 : vector<16xi32>
    %add3A_835 = arith.constant 41 : i32
    %add3A_836 = vector.broadcast %add3A_835 : i32 to vector<16xi32>
    %add3A_837 = arith.addi %mul3A_834, %add3A_836 : vector<16xi32>
    %add3A_838 = arith.constant 41 : i32
    %add3A_839 = vector.broadcast %add3A_838 : i32 to vector<16xi32>
    %add3A_840 = arith.addi %mul3A_462, %add3A_839 : vector<16xi32>
    tpu.vector_store_idx %arg14[%add3A_837], %add3A_840 : memref<1360xi32, #tpu.memory_space<vmem>>[vector<16xi32>], vector<16xi32>,
    %mul3A_841 = arith.constant 85 : i32
    %mul3A_842 = vector.broadcast %mul3A_841 : i32 to vector<16xi32>
    %mul3A_843 = arith.muli %iota3A, %mul3A_842 : vector<16xi32>
    %add3A_844 = arith.constant 42 : i32
    %add3A_845 = vector.broadcast %add3A_844 : i32 to vector<16xi32>
    %add3A_846 = arith.addi %mul3A_843, %add3A_845 : vector<16xi32>
    %add3A_847 = arith.constant 42 : i32
    %add3A_848 = vector.broadcast %add3A_847 : i32 to vector<16xi32>
    %add3A_849 = arith.addi %mul3A_462, %add3A_848 : vector<16xi32>
    tpu.vector_store_idx %arg14[%add3A_846], %add3A_849 : memref<1360xi32, #tpu.memory_space<vmem>>[vector<16xi32>], vector<16xi32>,
    %mul3A_850 = arith.constant 85 : i32
    %mul3A_851 = vector.broadcast %mul3A_850 : i32 to vector<16xi32>
    %mul3A_852 = arith.muli %iota3A, %mul3A_851 : vector<16xi32>
    %add3A_853 = arith.constant 43 : i32
    %add3A_854 = vector.broadcast %add3A_853 : i32 to vector<16xi32>
    %add3A_855 = arith.addi %mul3A_852, %add3A_854 : vector<16xi32>
    %add3A_856 = arith.constant 43 : i32
    %add3A_857 = vector.broadcast %add3A_856 : i32 to vector<16xi32>
    %add3A_858 = arith.addi %mul3A_462, %add3A_857 : vector<16xi32>
    tpu.vector_store_idx %arg14[%add3A_855], %add3A_858 : memref<1360xi32, #tpu.memory_space<vmem>>[vector<16xi32>], vector<16xi32>,
    %mul3A_859 = arith.constant 85 : i32
    %mul3A_860 = vector.broadcast %mul3A_859 : i32 to vector<16xi32>
    %mul3A_861 = arith.muli %iota3A, %mul3A_860 : vector<16xi32>
    %add3A_862 = arith.constant 44 : i32
    %add3A_863 = vector.broadcast %add3A_862 : i32 to vector<16xi32>
    %add3A_864 = arith.addi %mul3A_861, %add3A_863 : vector<16xi32>
    %add3A_865 = arith.constant 44 : i32
    %add3A_866 = vector.broadcast %add3A_865 : i32 to vector<16xi32>
    %add3A_867 = arith.addi %mul3A_462, %add3A_866 : vector<16xi32>
    tpu.vector_store_idx %arg14[%add3A_864], %add3A_867 : memref<1360xi32, #tpu.memory_space<vmem>>[vector<16xi32>], vector<16xi32>,
    %mul3A_868 = arith.constant 85 : i32
    %mul3A_869 = vector.broadcast %mul3A_868 : i32 to vector<16xi32>
    %mul3A_870 = arith.muli %iota3A, %mul3A_869 : vector<16xi32>
    %add3A_871 = arith.constant 45 : i32
    %add3A_872 = vector.broadcast %add3A_871 : i32 to vector<16xi32>
    %add3A_873 = arith.addi %mul3A_870, %add3A_872 : vector<16xi32>
    %add3A_874 = arith.constant 45 : i32
    %add3A_875 = vector.broadcast %add3A_874 : i32 to vector<16xi32>
    %add3A_876 = arith.addi %mul3A_462, %add3A_875 : vector<16xi32>
    tpu.vector_store_idx %arg14[%add3A_873], %add3A_876 : memref<1360xi32, #tpu.memory_space<vmem>>[vector<16xi32>], vector<16xi32>,
    %mul3A_877 = arith.constant 85 : i32
    %mul3A_878 = vector.broadcast %mul3A_877 : i32 to vector<16xi32>
    %mul3A_879 = arith.muli %iota3A, %mul3A_878 : vector<16xi32>
    %add3A_880 = arith.constant 46 : i32
    %add3A_881 = vector.broadcast %add3A_880 : i32 to vector<16xi32>
    %add3A_882 = arith.addi %mul3A_879, %add3A_881 : vector<16xi32>
    %add3A_883 = arith.constant 46 : i32
    %add3A_884 = vector.broadcast %add3A_883 : i32 to vector<16xi32>
    %add3A_885 = arith.addi %mul3A_462, %add3A_884 : vector<16xi32>
    tpu.vector_store_idx %arg14[%add3A_882], %add3A_885 : memref<1360xi32, #tpu.memory_space<vmem>>[vector<16xi32>], vector<16xi32>,
    %mul3A_886 = arith.constant 85 : i32
    %mul3A_887 = vector.broadcast %mul3A_886 : i32 to vector<16xi32>
    %mul3A_888 = arith.muli %iota3A, %mul3A_887 : vector<16xi32>
    %add3A_889 = arith.constant 47 : i32
    %add3A_890 = vector.broadcast %add3A_889 : i32 to vector<16xi32>
    %add3A_891 = arith.addi %mul3A_888, %add3A_890 : vector<16xi32>
    %add3A_892 = arith.constant 47 : i32
    %add3A_893 = vector.broadcast %add3A_892 : i32 to vector<16xi32>
    %add3A_894 = arith.addi %mul3A_462, %add3A_893 : vector<16xi32>
    tpu.vector_store_idx %arg14[%add3A_891], %add3A_894 : memref<1360xi32, #tpu.memory_space<vmem>>[vector<16xi32>], vector<16xi32>,
    %mul3A_895 = arith.constant 85 : i32
    %mul3A_896 = vector.broadcast %mul3A_895 : i32 to vector<16xi32>
    %mul3A_897 = arith.muli %iota3A, %mul3A_896 : vector<16xi32>
    %add3A_898 = arith.constant 48 : i32
    %add3A_899 = vector.broadcast %add3A_898 : i32 to vector<16xi32>
    %add3A_900 = arith.addi %mul3A_897, %add3A_899 : vector<16xi32>
    %add3A_901 = arith.constant 48 : i32
    %add3A_902 = vector.broadcast %add3A_901 : i32 to vector<16xi32>
    %add3A_903 = arith.addi %mul3A_462, %add3A_902 : vector<16xi32>
    tpu.vector_store_idx %arg14[%add3A_900], %add3A_903 : memref<1360xi32, #tpu.memory_space<vmem>>[vector<16xi32>], vector<16xi32>,
    %mul3A_904 = arith.constant 85 : i32
    %mul3A_905 = vector.broadcast %mul3A_904 : i32 to vector<16xi32>
    %mul3A_906 = arith.muli %iota3A, %mul3A_905 : vector<16xi32>
    %add3A_907 = arith.constant 49 : i32
    %add3A_908 = vector.broadcast %add3A_907 : i32 to vector<16xi32>
    %add3A_909 = arith.addi %mul3A_906, %add3A_908 : vector<16xi32>
    %add3A_910 = arith.constant 49 : i32
    %add3A_911 = vector.broadcast %add3A_910 : i32 to vector<16xi32>
    %add3A_912 = arith.addi %mul3A_462, %add3A_911 : vector<16xi32>
    tpu.vector_store_idx %arg14[%add3A_909], %add3A_912 : memref<1360xi32, #tpu.memory_space<vmem>>[vector<16xi32>], vector<16xi32>,
    %mul3A_913 = arith.constant 85 : i32
    %mul3A_914 = vector.broadcast %mul3A_913 : i32 to vector<16xi32>
    %mul3A_915 = arith.muli %iota3A, %mul3A_914 : vector<16xi32>
    %add3A_916 = arith.constant 50 : i32
    %add3A_917 = vector.broadcast %add3A_916 : i32 to vector<16xi32>
    %add3A_918 = arith.addi %mul3A_915, %add3A_917 : vector<16xi32>
    %add3A_919 = arith.constant 50 : i32
    %add3A_920 = vector.broadcast %add3A_919 : i32 to vector<16xi32>
    %add3A_921 = arith.addi %mul3A_462, %add3A_920 : vector<16xi32>
    tpu.vector_store_idx %arg14[%add3A_918], %add3A_921 : memref<1360xi32, #tpu.memory_space<vmem>>[vector<16xi32>], vector<16xi32>,
    %mul3A_922 = arith.constant 85 : i32
    %mul3A_923 = vector.broadcast %mul3A_922 : i32 to vector<16xi32>
    %mul3A_924 = arith.muli %iota3A, %mul3A_923 : vector<16xi32>
    %add3A_925 = arith.constant 51 : i32
    %add3A_926 = vector.broadcast %add3A_925 : i32 to vector<16xi32>
    %add3A_927 = arith.addi %mul3A_924, %add3A_926 : vector<16xi32>
    %add3A_928 = arith.constant 51 : i32
    %add3A_929 = vector.broadcast %add3A_928 : i32 to vector<16xi32>
    %add3A_930 = arith.addi %mul3A_462, %add3A_929 : vector<16xi32>
    tpu.vector_store_idx %arg14[%add3A_927], %add3A_930 : memref<1360xi32, #tpu.memory_space<vmem>>[vector<16xi32>], vector<16xi32>,
    %mul3A_931 = arith.constant 85 : i32
    %mul3A_932 = vector.broadcast %mul3A_931 : i32 to vector<16xi32>
    %mul3A_933 = arith.muli %iota3A, %mul3A_932 : vector<16xi32>
    %add3A_934 = arith.constant 52 : i32
    %add3A_935 = vector.broadcast %add3A_934 : i32 to vector<16xi32>
    %add3A_936 = arith.addi %mul3A_933, %add3A_935 : vector<16xi32>
    %add3A_937 = arith.constant 52 : i32
    %add3A_938 = vector.broadcast %add3A_937 : i32 to vector<16xi32>
    %add3A_939 = arith.addi %mul3A_462, %add3A_938 : vector<16xi32>
    tpu.vector_store_idx %arg14[%add3A_936], %add3A_939 : memref<1360xi32, #tpu.memory_space<vmem>>[vector<16xi32>], vector<16xi32>,
    %mul3A_940 = arith.constant 85 : i32
    %mul3A_941 = vector.broadcast %mul3A_940 : i32 to vector<16xi32>
    %mul3A_942 = arith.muli %iota3A, %mul3A_941 : vector<16xi32>
    %add3A_943 = arith.constant 53 : i32
    %add3A_944 = vector.broadcast %add3A_943 : i32 to vector<16xi32>
    %add3A_945 = arith.addi %mul3A_942, %add3A_944 : vector<16xi32>
    %add3A_946 = arith.constant 53 : i32
    %add3A_947 = vector.broadcast %add3A_946 : i32 to vector<16xi32>
    %add3A_948 = arith.addi %mul3A_462, %add3A_947 : vector<16xi32>
    tpu.vector_store_idx %arg14[%add3A_945], %add3A_948 : memref<1360xi32, #tpu.memory_space<vmem>>[vector<16xi32>], vector<16xi32>,
    %mul3A_949 = arith.constant 85 : i32
    %mul3A_950 = vector.broadcast %mul3A_949 : i32 to vector<16xi32>
    %mul3A_951 = arith.muli %iota3A, %mul3A_950 : vector<16xi32>
    %add3A_952 = arith.constant 54 : i32
    %add3A_953 = vector.broadcast %add3A_952 : i32 to vector<16xi32>
    %add3A_954 = arith.addi %mul3A_951, %add3A_953 : vector<16xi32>
    %add3A_955 = arith.constant 54 : i32
    %add3A_956 = vector.broadcast %add3A_955 : i32 to vector<16xi32>
    %add3A_957 = arith.addi %mul3A_462, %add3A_956 : vector<16xi32>
    tpu.vector_store_idx %arg14[%add3A_954], %add3A_957 : memref<1360xi32, #tpu.memory_space<vmem>>[vector<16xi32>], vector<16xi32>,
    %mul3A_958 = arith.constant 85 : i32
    %mul3A_959 = vector.broadcast %mul3A_958 : i32 to vector<16xi32>
    %mul3A_960 = arith.muli %iota3A, %mul3A_959 : vector<16xi32>
    %add3A_961 = arith.constant 55 : i32
    %add3A_962 = vector.broadcast %add3A_961 : i32 to vector<16xi32>
    %add3A_963 = arith.addi %mul3A_960, %add3A_962 : vector<16xi32>
    %add3A_964 = arith.constant 55 : i32
    %add3A_965 = vector.broadcast %add3A_964 : i32 to vector<16xi32>
    %add3A_966 = arith.addi %mul3A_462, %add3A_965 : vector<16xi32>
    tpu.vector_store_idx %arg14[%add3A_963], %add3A_966 : memref<1360xi32, #tpu.memory_space<vmem>>[vector<16xi32>], vector<16xi32>,
    %mul3A_967 = arith.constant 85 : i32
    %mul3A_968 = vector.broadcast %mul3A_967 : i32 to vector<16xi32>
    %mul3A_969 = arith.muli %iota3A, %mul3A_968 : vector<16xi32>
    %add3A_970 = arith.constant 56 : i32
    %add3A_971 = vector.broadcast %add3A_970 : i32 to vector<16xi32>
    %add3A_972 = arith.addi %mul3A_969, %add3A_971 : vector<16xi32>
    %add3A_973 = arith.constant 56 : i32
    %add3A_974 = vector.broadcast %add3A_973 : i32 to vector<16xi32>
    %add3A_975 = arith.addi %mul3A_462, %add3A_974 : vector<16xi32>
    tpu.vector_store_idx %arg14[%add3A_972], %add3A_975 : memref<1360xi32, #tpu.memory_space<vmem>>[vector<16xi32>], vector<16xi32>,
    %mul3A_976 = arith.constant 85 : i32
    %mul3A_977 = vector.broadcast %mul3A_976 : i32 to vector<16xi32>
    %mul3A_978 = arith.muli %iota3A, %mul3A_977 : vector<16xi32>
    %add3A_979 = arith.constant 57 : i32
    %add3A_980 = vector.broadcast %add3A_979 : i32 to vector<16xi32>
    %add3A_981 = arith.addi %mul3A_978, %add3A_980 : vector<16xi32>
    %add3A_982 = arith.constant 57 : i32
    %add3A_983 = vector.broadcast %add3A_982 : i32 to vector<16xi32>
    %add3A_984 = arith.addi %mul3A_462, %add3A_983 : vector<16xi32>
    tpu.vector_store_idx %arg14[%add3A_981], %add3A_984 : memref<1360xi32, #tpu.memory_space<vmem>>[vector<16xi32>], vector<16xi32>,
    %mul3A_985 = arith.constant 85 : i32
    %mul3A_986 = vector.broadcast %mul3A_985 : i32 to vector<16xi32>
    %mul3A_987 = arith.muli %iota3A, %mul3A_986 : vector<16xi32>
    %add3A_988 = arith.constant 58 : i32
    %add3A_989 = vector.broadcast %add3A_988 : i32 to vector<16xi32>
    %add3A_990 = arith.addi %mul3A_987, %add3A_989 : vector<16xi32>
    %add3A_991 = arith.constant 58 : i32
    %add3A_992 = vector.broadcast %add3A_991 : i32 to vector<16xi32>
    %add3A_993 = arith.addi %mul3A_462, %add3A_992 : vector<16xi32>
    tpu.vector_store_idx %arg14[%add3A_990], %add3A_993 : memref<1360xi32, #tpu.memory_space<vmem>>[vector<16xi32>], vector<16xi32>,
    %mul3A_994 = arith.constant 85 : i32
    %mul3A_995 = vector.broadcast %mul3A_994 : i32 to vector<16xi32>
    %mul3A_996 = arith.muli %iota3A, %mul3A_995 : vector<16xi32>
    %add3A_997 = arith.constant 59 : i32
    %add3A_998 = vector.broadcast %add3A_997 : i32 to vector<16xi32>
    %add3A_999 = arith.addi %mul3A_996, %add3A_998 : vector<16xi32>
    %add3A_1000 = arith.constant 59 : i32
    %add3A_1001 = vector.broadcast %add3A_1000 : i32 to vector<16xi32>
    %add3A_1002 = arith.addi %mul3A_462, %add3A_1001 : vector<16xi32>
    tpu.vector_store_idx %arg14[%add3A_999], %add3A_1002 : memref<1360xi32, #tpu.memory_space<vmem>>[vector<16xi32>], vector<16xi32>,
    %mul3A_1003 = arith.constant 85 : i32
    %mul3A_1004 = vector.broadcast %mul3A_1003 : i32 to vector<16xi32>
    %mul3A_1005 = arith.muli %iota3A, %mul3A_1004 : vector<16xi32>
    %add3A_1006 = arith.constant 60 : i32
    %add3A_1007 = vector.broadcast %add3A_1006 : i32 to vector<16xi32>
    %add3A_1008 = arith.addi %mul3A_1005, %add3A_1007 : vector<16xi32>
    %add3A_1009 = arith.constant 60 : i32
    %add3A_1010 = vector.broadcast %add3A_1009 : i32 to vector<16xi32>
    %add3A_1011 = arith.addi %mul3A_462, %add3A_1010 : vector<16xi32>
    tpu.vector_store_idx %arg14[%add3A_1008], %add3A_1011 : memref<1360xi32, #tpu.memory_space<vmem>>[vector<16xi32>], vector<16xi32>,
    %mul3A_1012 = arith.constant 85 : i32
    %mul3A_1013 = vector.broadcast %mul3A_1012 : i32 to vector<16xi32>
    %mul3A_1014 = arith.muli %iota3A, %mul3A_1013 : vector<16xi32>
    %add3A_1015 = arith.constant 61 : i32
    %add3A_1016 = vector.broadcast %add3A_1015 : i32 to vector<16xi32>
    %add3A_1017 = arith.addi %mul3A_1014, %add3A_1016 : vector<16xi32>
    %add3A_1018 = arith.constant 61 : i32
    %add3A_1019 = vector.broadcast %add3A_1018 : i32 to vector<16xi32>
    %add3A_1020 = arith.addi %mul3A_462, %add3A_1019 : vector<16xi32>
    tpu.vector_store_idx %arg14[%add3A_1017], %add3A_1020 : memref<1360xi32, #tpu.memory_space<vmem>>[vector<16xi32>], vector<16xi32>,
    %mul3A_1021 = arith.constant 85 : i32
    %mul3A_1022 = vector.broadcast %mul3A_1021 : i32 to vector<16xi32>
    %mul3A_1023 = arith.muli %iota3A, %mul3A_1022 : vector<16xi32>
    %add3A_1024 = arith.constant 62 : i32
    %add3A_1025 = vector.broadcast %add3A_1024 : i32 to vector<16xi32>
    %add3A_1026 = arith.addi %mul3A_1023, %add3A_1025 : vector<16xi32>
    %add3A_1027 = arith.constant 62 : i32
    %add3A_1028 = vector.broadcast %add3A_1027 : i32 to vector<16xi32>
    %add3A_1029 = arith.addi %mul3A_462, %add3A_1028 : vector<16xi32>
    tpu.vector_store_idx %arg14[%add3A_1026], %add3A_1029 : memref<1360xi32, #tpu.memory_space<vmem>>[vector<16xi32>], vector<16xi32>,
    %mul3A_1030 = arith.constant 85 : i32
    %mul3A_1031 = vector.broadcast %mul3A_1030 : i32 to vector<16xi32>
    %mul3A_1032 = arith.muli %iota3A, %mul3A_1031 : vector<16xi32>
    %add3A_1033 = arith.constant 63 : i32
    %add3A_1034 = vector.broadcast %add3A_1033 : i32 to vector<16xi32>
    %add3A_1035 = arith.addi %mul3A_1032, %add3A_1034 : vector<16xi32>
    %add3A_1036 = arith.constant 63 : i32
    %add3A_1037 = vector.broadcast %add3A_1036 : i32 to vector<16xi32>
    %add3A_1038 = arith.addi %mul3A_462, %add3A_1037 : vector<16xi32>
    tpu.vector_store_idx %arg14[%add3A_1035], %add3A_1038 : memref<1360xi32, #tpu.memory_space<vmem>>[vector<16xi32>], vector<16xi32>,
    %mul3A_1039 = arith.constant 85 : i32
    %mul3A_1040 = vector.broadcast %mul3A_1039 : i32 to vector<16xi32>
    %mul3A_1041 = arith.muli %iota3A, %mul3A_1040 : vector<16xi32>
    %add3A_1042 = arith.constant 64 : i32
    %add3A_1043 = vector.broadcast %add3A_1042 : i32 to vector<16xi32>
    %add3A_1044 = arith.addi %mul3A_1041, %add3A_1043 : vector<16xi32>
    %add3A_1045 = arith.constant 64 : i32
    %add3A_1046 = vector.broadcast %add3A_1045 : i32 to vector<16xi32>
    %add3A_1047 = arith.addi %mul3A_462, %add3A_1046 : vector<16xi32>
    tpu.vector_store_idx %arg14[%add3A_1044], %add3A_1047 : memref<1360xi32, #tpu.memory_space<vmem>>[vector<16xi32>], vector<16xi32>,
    %mul3A_1048 = arith.constant 85 : i32
    %mul3A_1049 = vector.broadcast %mul3A_1048 : i32 to vector<16xi32>
    %mul3A_1050 = arith.muli %iota3A, %mul3A_1049 : vector<16xi32>
    %add3A_1051 = arith.constant 65 : i32
    %add3A_1052 = vector.broadcast %add3A_1051 : i32 to vector<16xi32>
    %add3A_1053 = arith.addi %mul3A_1050, %add3A_1052 : vector<16xi32>
    %add3A_1054 = arith.constant 65 : i32
    %add3A_1055 = vector.broadcast %add3A_1054 : i32 to vector<16xi32>
    %add3A_1056 = arith.addi %mul3A_462, %add3A_1055 : vector<16xi32>
    tpu.vector_store_idx %arg14[%add3A_1053], %add3A_1056 : memref<1360xi32, #tpu.memory_space<vmem>>[vector<16xi32>], vector<16xi32>,
    %mul3A_1057 = arith.constant 85 : i32
    %mul3A_1058 = vector.broadcast %mul3A_1057 : i32 to vector<16xi32>
    %mul3A_1059 = arith.muli %iota3A, %mul3A_1058 : vector<16xi32>
    %add3A_1060 = arith.constant 66 : i32
    %add3A_1061 = vector.broadcast %add3A_1060 : i32 to vector<16xi32>
    %add3A_1062 = arith.addi %mul3A_1059, %add3A_1061 : vector<16xi32>
    %add3A_1063 = arith.constant 66 : i32
    %add3A_1064 = vector.broadcast %add3A_1063 : i32 to vector<16xi32>
    %add3A_1065 = arith.addi %mul3A_462, %add3A_1064 : vector<16xi32>
    tpu.vector_store_idx %arg14[%add3A_1062], %add3A_1065 : memref<1360xi32, #tpu.memory_space<vmem>>[vector<16xi32>], vector<16xi32>,
    %mul3A_1066 = arith.constant 85 : i32
    %mul3A_1067 = vector.broadcast %mul3A_1066 : i32 to vector<16xi32>
    %mul3A_1068 = arith.muli %iota3A, %mul3A_1067 : vector<16xi32>
    %add3A_1069 = arith.constant 67 : i32
    %add3A_1070 = vector.broadcast %add3A_1069 : i32 to vector<16xi32>
    %add3A_1071 = arith.addi %mul3A_1068, %add3A_1070 : vector<16xi32>
    %add3A_1072 = arith.constant 67 : i32
    %add3A_1073 = vector.broadcast %add3A_1072 : i32 to vector<16xi32>
    %add3A_1074 = arith.addi %mul3A_462, %add3A_1073 : vector<16xi32>
    tpu.vector_store_idx %arg14[%add3A_1071], %add3A_1074 : memref<1360xi32, #tpu.memory_space<vmem>>[vector<16xi32>], vector<16xi32>,
    %mul3A_1075 = arith.constant 85 : i32
    %mul3A_1076 = vector.broadcast %mul3A_1075 : i32 to vector<16xi32>
    %mul3A_1077 = arith.muli %iota3A, %mul3A_1076 : vector<16xi32>
    %add3A_1078 = arith.constant 68 : i32
    %add3A_1079 = vector.broadcast %add3A_1078 : i32 to vector<16xi32>
    %add3A_1080 = arith.addi %mul3A_1077, %add3A_1079 : vector<16xi32>
    %add3A_1081 = arith.constant 68 : i32
    %add3A_1082 = vector.broadcast %add3A_1081 : i32 to vector<16xi32>
    %add3A_1083 = arith.addi %mul3A_462, %add3A_1082 : vector<16xi32>
    tpu.vector_store_idx %arg14[%add3A_1080], %add3A_1083 : memref<1360xi32, #tpu.memory_space<vmem>>[vector<16xi32>], vector<16xi32>,
    %mul3A_1084 = arith.constant 85 : i32
    %mul3A_1085 = vector.broadcast %mul3A_1084 : i32 to vector<16xi32>
    %mul3A_1086 = arith.muli %iota3A, %mul3A_1085 : vector<16xi32>
    %add3A_1087 = arith.constant 69 : i32
    %add3A_1088 = vector.broadcast %add3A_1087 : i32 to vector<16xi32>
    %add3A_1089 = arith.addi %mul3A_1086, %add3A_1088 : vector<16xi32>
    %add3A_1090 = arith.constant 69 : i32
    %add3A_1091 = vector.broadcast %add3A_1090 : i32 to vector<16xi32>
    %add3A_1092 = arith.addi %mul3A_462, %add3A_1091 : vector<16xi32>
    tpu.vector_store_idx %arg14[%add3A_1089], %add3A_1092 : memref<1360xi32, #tpu.memory_space<vmem>>[vector<16xi32>], vector<16xi32>,
    %mul3A_1093 = arith.constant 85 : i32
    %mul3A_1094 = vector.broadcast %mul3A_1093 : i32 to vector<16xi32>
    %mul3A_1095 = arith.muli %iota3A, %mul3A_1094 : vector<16xi32>
    %add3A_1096 = arith.constant 70 : i32
    %add3A_1097 = vector.broadcast %add3A_1096 : i32 to vector<16xi32>
    %add3A_1098 = arith.addi %mul3A_1095, %add3A_1097 : vector<16xi32>
    %add3A_1099 = arith.constant 70 : i32
    %add3A_1100 = vector.broadcast %add3A_1099 : i32 to vector<16xi32>
    %add3A_1101 = arith.addi %mul3A_462, %add3A_1100 : vector<16xi32>
    tpu.vector_store_idx %arg14[%add3A_1098], %add3A_1101 : memref<1360xi32, #tpu.memory_space<vmem>>[vector<16xi32>], vector<16xi32>,
    %mul3A_1102 = arith.constant 85 : i32
    %mul3A_1103 = vector.broadcast %mul3A_1102 : i32 to vector<16xi32>
    %mul3A_1104 = arith.muli %iota3A, %mul3A_1103 : vector<16xi32>
    %add3A_1105 = arith.constant 71 : i32
    %add3A_1106 = vector.broadcast %add3A_1105 : i32 to vector<16xi32>
    %add3A_1107 = arith.addi %mul3A_1104, %add3A_1106 : vector<16xi32>
    %add3A_1108 = arith.constant 71 : i32
    %add3A_1109 = vector.broadcast %add3A_1108 : i32 to vector<16xi32>
    %add3A_1110 = arith.addi %mul3A_462, %add3A_1109 : vector<16xi32>
    tpu.vector_store_idx %arg14[%add3A_1107], %add3A_1110 : memref<1360xi32, #tpu.memory_space<vmem>>[vector<16xi32>], vector<16xi32>,
    %mul3A_1111 = arith.constant 85 : i32
    %mul3A_1112 = vector.broadcast %mul3A_1111 : i32 to vector<16xi32>
    %mul3A_1113 = arith.muli %iota3A, %mul3A_1112 : vector<16xi32>
    %add3A_1114 = arith.constant 72 : i32
    %add3A_1115 = vector.broadcast %add3A_1114 : i32 to vector<16xi32>
    %add3A_1116 = arith.addi %mul3A_1113, %add3A_1115 : vector<16xi32>
    %add3A_1117 = arith.constant 72 : i32
    %add3A_1118 = vector.broadcast %add3A_1117 : i32 to vector<16xi32>
    %add3A_1119 = arith.addi %mul3A_462, %add3A_1118 : vector<16xi32>
    tpu.vector_store_idx %arg14[%add3A_1116], %add3A_1119 : memref<1360xi32, #tpu.memory_space<vmem>>[vector<16xi32>], vector<16xi32>,
    %mul3A_1120 = arith.constant 85 : i32
    %mul3A_1121 = vector.broadcast %mul3A_1120 : i32 to vector<16xi32>
    %mul3A_1122 = arith.muli %iota3A, %mul3A_1121 : vector<16xi32>
    %add3A_1123 = arith.constant 73 : i32
    %add3A_1124 = vector.broadcast %add3A_1123 : i32 to vector<16xi32>
    %add3A_1125 = arith.addi %mul3A_1122, %add3A_1124 : vector<16xi32>
    %add3A_1126 = arith.constant 73 : i32
    %add3A_1127 = vector.broadcast %add3A_1126 : i32 to vector<16xi32>
    %add3A_1128 = arith.addi %mul3A_462, %add3A_1127 : vector<16xi32>
    tpu.vector_store_idx %arg14[%add3A_1125], %add3A_1128 : memref<1360xi32, #tpu.memory_space<vmem>>[vector<16xi32>], vector<16xi32>,
    %mul3A_1129 = arith.constant 85 : i32
    %mul3A_1130 = vector.broadcast %mul3A_1129 : i32 to vector<16xi32>
    %mul3A_1131 = arith.muli %iota3A, %mul3A_1130 : vector<16xi32>
    %add3A_1132 = arith.constant 74 : i32
    %add3A_1133 = vector.broadcast %add3A_1132 : i32 to vector<16xi32>
    %add3A_1134 = arith.addi %mul3A_1131, %add3A_1133 : vector<16xi32>
    %add3A_1135 = arith.constant 74 : i32
    %add3A_1136 = vector.broadcast %add3A_1135 : i32 to vector<16xi32>
    %add3A_1137 = arith.addi %mul3A_462, %add3A_1136 : vector<16xi32>
    tpu.vector_store_idx %arg14[%add3A_1134], %add3A_1137 : memref<1360xi32, #tpu.memory_space<vmem>>[vector<16xi32>], vector<16xi32>,
    %mul3A_1138 = arith.constant 85 : i32
    %mul3A_1139 = vector.broadcast %mul3A_1138 : i32 to vector<16xi32>
    %mul3A_1140 = arith.muli %iota3A, %mul3A_1139 : vector<16xi32>
    %add3A_1141 = arith.constant 75 : i32
    %add3A_1142 = vector.broadcast %add3A_1141 : i32 to vector<16xi32>
    %add3A_1143 = arith.addi %mul3A_1140, %add3A_1142 : vector<16xi32>
    %add3A_1144 = arith.constant 75 : i32
    %add3A_1145 = vector.broadcast %add3A_1144 : i32 to vector<16xi32>
    %add3A_1146 = arith.addi %mul3A_462, %add3A_1145 : vector<16xi32>
    tpu.vector_store_idx %arg14[%add3A_1143], %add3A_1146 : memref<1360xi32, #tpu.memory_space<vmem>>[vector<16xi32>], vector<16xi32>,
    %mul3A_1147 = arith.constant 85 : i32
    %mul3A_1148 = vector.broadcast %mul3A_1147 : i32 to vector<16xi32>
    %mul3A_1149 = arith.muli %iota3A, %mul3A_1148 : vector<16xi32>
    %add3A_1150 = arith.constant 76 : i32
    %add3A_1151 = vector.broadcast %add3A_1150 : i32 to vector<16xi32>
    %add3A_1152 = arith.addi %mul3A_1149, %add3A_1151 : vector<16xi32>
    %add3A_1153 = arith.constant 76 : i32
    %add3A_1154 = vector.broadcast %add3A_1153 : i32 to vector<16xi32>
    %add3A_1155 = arith.addi %mul3A_462, %add3A_1154 : vector<16xi32>
    tpu.vector_store_idx %arg14[%add3A_1152], %add3A_1155 : memref<1360xi32, #tpu.memory_space<vmem>>[vector<16xi32>], vector<16xi32>,
    %mul3A_1156 = arith.constant 85 : i32
    %mul3A_1157 = vector.broadcast %mul3A_1156 : i32 to vector<16xi32>
    %mul3A_1158 = arith.muli %iota3A, %mul3A_1157 : vector<16xi32>
    %add3A_1159 = arith.constant 77 : i32
    %add3A_1160 = vector.broadcast %add3A_1159 : i32 to vector<16xi32>
    %add3A_1161 = arith.addi %mul3A_1158, %add3A_1160 : vector<16xi32>
    %add3A_1162 = arith.constant 77 : i32
    %add3A_1163 = vector.broadcast %add3A_1162 : i32 to vector<16xi32>
    %add3A_1164 = arith.addi %mul3A_462, %add3A_1163 : vector<16xi32>
    tpu.vector_store_idx %arg14[%add3A_1161], %add3A_1164 : memref<1360xi32, #tpu.memory_space<vmem>>[vector<16xi32>], vector<16xi32>,
    %mul3A_1165 = arith.constant 85 : i32
    %mul3A_1166 = vector.broadcast %mul3A_1165 : i32 to vector<16xi32>
    %mul3A_1167 = arith.muli %iota3A, %mul3A_1166 : vector<16xi32>
    %add3A_1168 = arith.constant 78 : i32
    %add3A_1169 = vector.broadcast %add3A_1168 : i32 to vector<16xi32>
    %add3A_1170 = arith.addi %mul3A_1167, %add3A_1169 : vector<16xi32>
    %add3A_1171 = arith.constant 78 : i32
    %add3A_1172 = vector.broadcast %add3A_1171 : i32 to vector<16xi32>
    %add3A_1173 = arith.addi %mul3A_462, %add3A_1172 : vector<16xi32>
    tpu.vector_store_idx %arg14[%add3A_1170], %add3A_1173 : memref<1360xi32, #tpu.memory_space<vmem>>[vector<16xi32>], vector<16xi32>,
    %mul3A_1174 = arith.constant 85 : i32
    %mul3A_1175 = vector.broadcast %mul3A_1174 : i32 to vector<16xi32>
    %mul3A_1176 = arith.muli %iota3A, %mul3A_1175 : vector<16xi32>
    %add3A_1177 = arith.constant 79 : i32
    %add3A_1178 = vector.broadcast %add3A_1177 : i32 to vector<16xi32>
    %add3A_1179 = arith.addi %mul3A_1176, %add3A_1178 : vector<16xi32>
    %add3A_1180 = arith.constant 79 : i32
    %add3A_1181 = vector.broadcast %add3A_1180 : i32 to vector<16xi32>
    %add3A_1182 = arith.addi %mul3A_462, %add3A_1181 : vector<16xi32>
    tpu.vector_store_idx %arg14[%add3A_1179], %add3A_1182 : memref<1360xi32, #tpu.memory_space<vmem>>[vector<16xi32>], vector<16xi32>,
    %mul3A_1183 = arith.constant 85 : i32
    %mul3A_1184 = vector.broadcast %mul3A_1183 : i32 to vector<16xi32>
    %mul3A_1185 = arith.muli %iota3A, %mul3A_1184 : vector<16xi32>
    %add3A_1186 = arith.constant 80 : i32
    %add3A_1187 = vector.broadcast %add3A_1186 : i32 to vector<16xi32>
    %add3A_1188 = arith.addi %mul3A_1185, %add3A_1187 : vector<16xi32>
    %add3A_1189 = arith.constant 80 : i32
    %add3A_1190 = vector.broadcast %add3A_1189 : i32 to vector<16xi32>
    %add3A_1191 = arith.addi %mul3A_462, %add3A_1190 : vector<16xi32>
    tpu.vector_store_idx %arg14[%add3A_1188], %add3A_1191 : memref<1360xi32, #tpu.memory_space<vmem>>[vector<16xi32>], vector<16xi32>,
    %mul3A_1192 = arith.constant 85 : i32
    %mul3A_1193 = vector.broadcast %mul3A_1192 : i32 to vector<16xi32>
    %mul3A_1194 = arith.muli %iota3A, %mul3A_1193 : vector<16xi32>
    %add3A_1195 = arith.constant 81 : i32
    %add3A_1196 = vector.broadcast %add3A_1195 : i32 to vector<16xi32>
    %add3A_1197 = arith.addi %mul3A_1194, %add3A_1196 : vector<16xi32>
    %add3A_1198 = arith.constant 81 : i32
    %add3A_1199 = vector.broadcast %add3A_1198 : i32 to vector<16xi32>
    %add3A_1200 = arith.addi %mul3A_462, %add3A_1199 : vector<16xi32>
    tpu.vector_store_idx %arg14[%add3A_1197], %add3A_1200 : memref<1360xi32, #tpu.memory_space<vmem>>[vector<16xi32>], vector<16xi32>,
    %mul3A_1201 = arith.constant 85 : i32
    %mul3A_1202 = vector.broadcast %mul3A_1201 : i32 to vector<16xi32>
    %mul3A_1203 = arith.muli %iota3A, %mul3A_1202 : vector<16xi32>
    %add3A_1204 = arith.constant 82 : i32
    %add3A_1205 = vector.broadcast %add3A_1204 : i32 to vector<16xi32>
    %add3A_1206 = arith.addi %mul3A_1203, %add3A_1205 : vector<16xi32>
    %add3A_1207 = arith.constant 82 : i32
    %add3A_1208 = vector.broadcast %add3A_1207 : i32 to vector<16xi32>
    %add3A_1209 = arith.addi %mul3A_462, %add3A_1208 : vector<16xi32>
    tpu.vector_store_idx %arg14[%add3A_1206], %add3A_1209 : memref<1360xi32, #tpu.memory_space<vmem>>[vector<16xi32>], vector<16xi32>,
    %mul3A_1210 = arith.constant 85 : i32
    %mul3A_1211 = vector.broadcast %mul3A_1210 : i32 to vector<16xi32>
    %mul3A_1212 = arith.muli %iota3A, %mul3A_1211 : vector<16xi32>
    %add3A_1213 = arith.constant 83 : i32
    %add3A_1214 = vector.broadcast %add3A_1213 : i32 to vector<16xi32>
    %add3A_1215 = arith.addi %mul3A_1212, %add3A_1214 : vector<16xi32>
    %add3A_1216 = arith.constant 83 : i32
    %add3A_1217 = vector.broadcast %add3A_1216 : i32 to vector<16xi32>
    %add3A_1218 = arith.addi %mul3A_462, %add3A_1217 : vector<16xi32>
    tpu.vector_store_idx %arg14[%add3A_1215], %add3A_1218 : memref<1360xi32, #tpu.memory_space<vmem>>[vector<16xi32>], vector<16xi32>,
    %mul3A_1219 = arith.constant 85 : i32
    %mul3A_1220 = vector.broadcast %mul3A_1219 : i32 to vector<16xi32>
    %mul3A_1221 = arith.muli %iota3A, %mul3A_1220 : vector<16xi32>
    %add3A_1222 = arith.constant 84 : i32
    %add3A_1223 = vector.broadcast %add3A_1222 : i32 to vector<16xi32>
    %add3A_1224 = arith.addi %mul3A_1221, %add3A_1223 : vector<16xi32>
    %add3A_1225 = arith.constant 84 : i32
    %add3A_1226 = vector.broadcast %add3A_1225 : i32 to vector<16xi32>
    %add3A_1227 = arith.addi %mul3A_462, %add3A_1226 : vector<16xi32>
    tpu.vector_store_idx %arg14[%add3A_1224], %add3A_1227 : memref<1360xi32, #tpu.memory_space<vmem>>[vector<16xi32>], vector<16xi32>,
    %dma_start3A = arith.constant 0 : i32
    %dma_start3A_1228 = tpu.memref_slice %arg4[%dma_start3A] : memref<1044480xf32, #tpu.memory_space<hbm>> -> memref<1044480xf32, #tpu.memory_space<hbm>>
    tpu.enqueue_indirect_dma source(%dma_start3A_1228 : memref<1044480xf32, #tpu.memory_space<hbm>>) target(%arg15 : memref<1360xf32, #tpu.memory_space<vmem>>) offsets(%arg14 : memref<1360xi32, #tpu.memory_space<vmem>>) semaphore(%arg23 : memref<!tpu.dma_semaphore, #tpu.memory_space<semaphore_mem>>)
    %dma_wait3A = arith.constant 0 : i32
    %dma_wait3A_1229 = tpu.memref_slice %arg4[%dma_wait3A] : memref<1044480xf32, #tpu.memory_space<hbm>> -> memref<1044480xf32, #tpu.memory_space<hbm>>
    tpu.wait_indirect_dma semaphore(%arg23 : memref<!tpu.dma_semaphore, #tpu.memory_space<semaphore_mem>>) src(%dma_wait3A_1229 : memref<1044480xf32, #tpu.memory_space<hbm>>) dst(%arg15 : memref<1360xf32, #tpu.memory_space<vmem>>)
    %run_scoped3A_1230 = arith.constant 0 : i32
    "tpu.region"() ({
      %run_scoped3A_3696 = tpu.sem_alloc : memref<!tpu.dma_semaphore, #tpu.memory_space<semaphore_mem>>
      %dma_start3A_3697 = arith.constant 0 : i32
      %dma_start3A_3698 = tpu.memref_slice %arg7[%run_scoped3A_1230, %add3A, %dma_start3A_3697] : memref<3x32x1360xf32, #tpu.memory_space<hbm>> -> memref<1x1x1360xf32, #tpu.memory_space<hbm>>
      %dma_start3A_3699 = tpu.memref_squeeze %dma_start3A_3698 : memref<1x1x1360xf32, #tpu.memory_space<hbm>> -> memref<1360xf32, #tpu.memory_space<hbm>>
      %dma_start3A_3700 = arith.constant 0 : i32
      %dma_start3A_3701 = tpu.memref_slice %arg7[%run_scoped3A_1230, %add3A, %dma_start3A_3700] : memref<3x32x1360xf32, #tpu.memory_space<hbm>> -> memref<1x1x1360xf32, #tpu.memory_space<hbm>>
      %dma_start3A_3702 = tpu.memref_squeeze %dma_start3A_3701 : memref<1x1x1360xf32, #tpu.memory_space<hbm>> -> memref<1360xf32, #tpu.memory_space<hbm>>
      tpu.enqueue_dma source(%arg15 : memref<1360xf32, #tpu.memory_space<vmem>>) target(%dma_start3A_3702 : memref<1360xf32, #tpu.memory_space<hbm>>) target_semaphore(%run_scoped3A_3696 : memref<!tpu.dma_semaphore, #tpu.memory_space<semaphore_mem>>)
      %dma_wait3A_3703 = arith.constant 0 : i32
      %dma_wait3A_3704 = tpu.memref_slice %arg7[%run_scoped3A_1230, %add3A, %dma_wait3A_3703] : memref<3x32x1360xf32, #tpu.memory_space<hbm>> -> memref<1x1x1360xf32, #tpu.memory_space<hbm>>
      %dma_wait3A_3705 = tpu.memref_squeeze %dma_wait3A_3704 : memref<1x1x1360xf32, #tpu.memory_space<hbm>> -> memref<1360xf32, #tpu.memory_space<hbm>>
      %dma_wait3A_3706 = arith.constant 0 : i32
      %dma_wait3A_3707 = tpu.memref_slice %arg7[%run_scoped3A_1230, %add3A, %dma_wait3A_3706] : memref<3x32x1360xf32, #tpu.memory_space<hbm>> -> memref<1x1x1360xf32, #tpu.memory_space<hbm>>
      %dma_wait3A_3708 = tpu.memref_squeeze %dma_wait3A_3707 : memref<1x1x1360xf32, #tpu.memory_space<hbm>> -> memref<1360xf32, #tpu.memory_space<hbm>>
      tpu.wait_dma2 semaphore(%run_scoped3A_3696 : memref<!tpu.dma_semaphore, #tpu.memory_space<semaphore_mem>>) src(%arg15 : memref<1360xf32, #tpu.memory_space<vmem>>) dst(%dma_wait3A_3708 : memref<1360xf32, #tpu.memory_space<hbm>>)
      tpu.yield
    }) : () -> ()
    %iota3A_1231 = tpu.iota {dimensions = array<i32: 0>} : vector<16xi32>
    %add3A_1232 = arith.constant 0 : i32
    %add3A_1233 = vector.broadcast %add3A_1232 : i32 to vector<16xi32>
    %add3A_1234 = arith.addi %add3A_1233, %iota3A_1231 : vector<16xi32>
    %broadcast_in_dim3A_1235 = arith.constant 0 : i32
    %broadcast_in_dim3A_1236 = vector.broadcast %broadcast_in_dim3A_1235 : i32 to vector<16xi32>
    %gather3A_1237 = tpu.vector_load_idx %arg10[%add3A_1234, %broadcast_in_dim3A_1236] : memref<32x4xf32, #tpu.memory_space<vmem>>[vector<16xi32>, vector<16xi32>], vector<16xf32>,
    %broadcast_in_dim3A_1238 = arith.constant 1 : i32
    %broadcast_in_dim3A_1239 = vector.broadcast %broadcast_in_dim3A_1238 : i32 to vector<16xi32>
    %gather3A_1240 = tpu.vector_load_idx %arg10[%add3A_1234, %broadcast_in_dim3A_1239] : memref<32x4xf32, #tpu.memory_space<vmem>>[vector<16xi32>, vector<16xi32>], vector<16xf32>,
    %broadcast_in_dim3A_1241 = arith.constant 2 : i32
    %broadcast_in_dim3A_1242 = vector.broadcast %broadcast_in_dim3A_1241 : i32 to vector<16xi32>
    %gather3A_1243 = tpu.vector_load_idx %arg10[%add3A_1234, %broadcast_in_dim3A_1242] : memref<32x4xf32, #tpu.memory_space<vmem>>[vector<16xi32>, vector<16xi32>], vector<16xf32>,
    %broadcast_in_dim3A_1244 = arith.constant 3 : i32
    %broadcast_in_dim3A_1245 = vector.broadcast %broadcast_in_dim3A_1244 : i32 to vector<16xi32>
    %gather3A_1246 = tpu.vector_load_idx %arg10[%add3A_1234, %broadcast_in_dim3A_1245] : memref<32x4xf32, #tpu.memory_space<vmem>>[vector<16xi32>, vector<16xi32>], vector<16xf32>,
    %get3A_1247 = arith.constant 0 : index
    %get3A_1248 = tpu.vector_load %arg11[%get3A_1247] {strides = array<i32>} : memref<32xi32, #tpu.memory_space<vmem>>, vector<16xi32>,
    %add3A_1249 = arith.addf %gather3A_1237, %gather3A_1243 : vector<16xf32>
    %mul3A_1250 = arith.constant 5.000000e-01 : f32
    %mul3A_1251 = vector.broadcast %mul3A_1250 : f32 to vector<16xf32>
    %mul3A_1252 = arith.mulf %add3A_1249, %mul3A_1251 : vector<16xf32>
    %mul3A_1253 = arith.constant 3.200000e+01 : f32
    %mul3A_1254 = vector.broadcast %mul3A_1253 : f32 to vector<16xf32>
    %mul3A_1255 = arith.mulf %mul3A_1252, %mul3A_1254 : vector<16xf32>
    %add3A_1256 = arith.addf %gather3A_1240, %gather3A_1246 : vector<16xf32>
    %mul3A_1257 = arith.constant 5.000000e-01 : f32
    %mul3A_1258 = vector.broadcast %mul3A_1257 : f32 to vector<16xf32>
    %mul3A_1259 = arith.mulf %add3A_1256, %mul3A_1258 : vector<16xf32>
    %mul3A_1260 = arith.constant 3.200000e+01 : f32
    %mul3A_1261 = vector.broadcast %mul3A_1260 : f32 to vector<16xf32>
    %mul3A_1262 = arith.mulf %mul3A_1259, %mul3A_1261 : vector<16xf32>
    %sub3A_1263 = arith.subf %gather3A_1243, %gather3A_1237 : vector<16xf32>
    %mul3A_1264 = arith.constant 5.120000e+02 : f32
    %mul3A_1265 = vector.broadcast %mul3A_1264 : f32 to vector<16xf32>
    %mul3A_1266 = arith.mulf %sub3A_1263, %mul3A_1265 : vector<16xf32>
    %sub3A_1267 = arith.subf %gather3A_1246, %gather3A_1240 : vector<16xf32>
    %mul3A_1268 = arith.constant 5.120000e+02 : f32
    %mul3A_1269 = vector.broadcast %mul3A_1268 : f32 to vector<16xf32>
    %mul3A_1270 = arith.mulf %sub3A_1267, %mul3A_1269 : vector<16xf32>
    %convert_element_type3A_1271 = arith.fptosi %mul3A_1255 : vector<16xf32> to vector<16xi32>
    %convert_element_type3A_1272 = arith.fptosi %mul3A_1262 : vector<16xf32> to vector<16xi32>
    %ge3A_1273 = arith.constant 0 : i32
    %ge3A_1274 = vector.broadcast %ge3A_1273 : i32 to vector<16xi32>
    %ge3A_1275 = arith.cmpi sge, %get3A_1248, %ge3A_1274 : vector<16xi32>
    %ge3A_1276 = arith.constant 0 : i32
    %ge3A_1277 = vector.broadcast %ge3A_1276 : i32 to vector<16xi32>
    %ge3A_1278 = arith.cmpi sge, %convert_element_type3A_1271, %ge3A_1277 : vector<16xi32>
    %and3A_1279 = arith.andi %ge3A_1275, %ge3A_1278 : vector<16xi1>
    %lt3A_1280 = arith.constant 32 : i32
    %lt3A_1281 = vector.broadcast %lt3A_1280 : i32 to vector<16xi32>
    %lt3A_1282 = arith.cmpi slt, %convert_element_type3A_1271, %lt3A_1281 : vector<16xi32>
    %and3A_1283 = arith.andi %and3A_1279, %lt3A_1282 : vector<16xi1>
    %ge3A_1284 = arith.constant 0 : i32
    %ge3A_1285 = vector.broadcast %ge3A_1284 : i32 to vector<16xi32>
    %ge3A_1286 = arith.cmpi sge, %convert_element_type3A_1272, %ge3A_1285 : vector<16xi32>
    %and3A_1287 = arith.andi %and3A_1283, %ge3A_1286 : vector<16xi1>
    %lt3A_1288 = arith.constant 32 : i32
    %lt3A_1289 = vector.broadcast %lt3A_1288 : i32 to vector<16xi32>
    %lt3A_1290 = arith.cmpi slt, %convert_element_type3A_1272, %lt3A_1289 : vector<16xi32>
    %and3A_1291 = arith.andi %and3A_1287, %lt3A_1290 : vector<16xi1>
    %min3A_1292 = arith.constant 36.9230766 : f32
    %min3A_1293 = vector.broadcast %min3A_1292 : f32 to vector<16xf32>
    %min3A_1294 = arith.minimumf %mul3A_1266, %min3A_1293 : vector<16xf32>
    %min3A_1295 = arith.constant 75.0769195 : f32
    %min3A_1296 = vector.broadcast %min3A_1295 : f32 to vector<16xf32>
    %min3A_1297 = arith.minimumf %mul3A_1270, %min3A_1296 : vector<16xf32>
    %mul3A_1298 = arith.mulf %min3A_1294, %min3A_1297 : vector<16xf32>
    %mul3A_1299 = arith.mulf %mul3A_1266, %mul3A_1270 : vector<16xf32>
    %add3A_1300 = arith.constant 2772.07104 : f32
    %add3A_1301 = vector.broadcast %add3A_1300 : f32 to vector<16xf32>
    %add3A_1302 = arith.addf %mul3A_1299, %add3A_1301 : vector<16xf32>
    %sub3A_1303 = arith.subf %add3A_1302, %mul3A_1298 : vector<16xf32>
    %add3A_1304 = arith.constant 1.000000e-16 : f32
    %add3A_1305 = vector.broadcast %add3A_1304 : f32 to vector<16xf32>
    %add3A_1306 = arith.addf %sub3A_1303, %add3A_1305 : vector<16xf32>
    %div3A_1307 = arith.divf %mul3A_1298, %add3A_1306 : vector<16xf32>
    %min3A_1308 = arith.constant 76.3076934 : f32
    %min3A_1309 = vector.broadcast %min3A_1308 : f32 to vector<16xf32>
    %min3A_1310 = arith.minimumf %mul3A_1266, %min3A_1309 : vector<16xf32>
    %min3A_1311 = arith.constant 55.3846169 : f32
    %min3A_1312 = vector.broadcast %min3A_1311 : f32 to vector<16xf32>
    %min3A_1313 = arith.minimumf %mul3A_1270, %min3A_1312 : vector<16xf32>
    %mul3A_1314 = arith.mulf %min3A_1310, %min3A_1313 : vector<16xf32>
    %mul3A_1315 = arith.mulf %mul3A_1266, %mul3A_1270 : vector<16xf32>
    %add3A_1316 = arith.constant 4226.27197 : f32
    %add3A_1317 = vector.broadcast %add3A_1316 : f32 to vector<16xf32>
    %add3A_1318 = arith.addf %mul3A_1315, %add3A_1317 : vector<16xf32>
    %sub3A_1319 = arith.subf %add3A_1318, %mul3A_1314 : vector<16xf32>
    %add3A_1320 = arith.constant 1.000000e-16 : f32
    %add3A_1321 = vector.broadcast %add3A_1320 : f32 to vector<16xf32>
    %add3A_1322 = arith.addf %sub3A_1319, %add3A_1321 : vector<16xf32>
    %div3A_1323 = arith.divf %mul3A_1314, %add3A_1322 : vector<16xf32>
    %min3A_1324 = arith.constant 72.6153869 : f32
    %min3A_1325 = vector.broadcast %min3A_1324 : f32 to vector<16xf32>
    %min3A_1326 = arith.minimumf %mul3A_1266, %min3A_1325 : vector<16xf32>
    %min3A_1327 = arith.constant 146.461533 : f32
    %min3A_1328 = vector.broadcast %min3A_1327 : f32 to vector<16xf32>
    %min3A_1329 = arith.minimumf %mul3A_1270, %min3A_1328 : vector<16xf32>
    %mul3A_1330 = arith.mulf %min3A_1326, %min3A_1329 : vector<16xf32>
    %mul3A_1331 = arith.mulf %mul3A_1266, %mul3A_1270 : vector<16xf32>
    %add3A_1332 = arith.constant 10635.3613 : f32
    %add3A_1333 = vector.broadcast %add3A_1332 : f32 to vector<16xf32>
    %add3A_1334 = arith.addf %mul3A_1331, %add3A_1333 : vector<16xf32>
    %sub3A_1335 = arith.subf %add3A_1334, %mul3A_1330 : vector<16xf32>
    %add3A_1336 = arith.constant 1.000000e-16 : f32
    %add3A_1337 = vector.broadcast %add3A_1336 : f32 to vector<16xf32>
    %add3A_1338 = arith.addf %sub3A_1335, %add3A_1337 : vector<16xf32>
    %div3A_1339 = arith.divf %mul3A_1330, %add3A_1338 : vector<16xf32>
    %gt3A_1340 = arith.cmpf ogt, %div3A_1323, %div3A_1307 : vector<16xf32>
    %select_n3A_1341 = arith.select %gt3A_1340, %div3A_1323, %div3A_1307 : vector<16xi1>, vector<16xf32>
    %jit3A_1342 = arith.constant 1 : i32
    %jit3A_1343 = arith.constant 0 : i32
    %broadcast_in_dim3A_1344 = vector.broadcast %jit3A_1342 : i32 to vector<16xi32>
    %broadcast_in_dim3A_1345 = vector.broadcast %jit3A_1343 : i32 to vector<16xi32>
    %select_n3A_1346 = arith.select %gt3A_1340, %broadcast_in_dim3A_1344, %broadcast_in_dim3A_1345 : vector<16xi1>, vector<16xi32>
    %gt3A_1347 = arith.cmpf ogt, %div3A_1339, %select_n3A_1341 : vector<16xf32>
    %jit3A_1348 = arith.constant 2 : i32
    %broadcast_in_dim3A_1349 = vector.broadcast %jit3A_1348 : i32 to vector<16xi32>
    %select_n3A_1350 = arith.select %gt3A_1347, %broadcast_in_dim3A_1349, %select_n3A_1346 : vector<16xi1>, vector<16xi32>
    %eq3A_1351 = arith.constant 0 : i32
    %eq3A_1352 = vector.broadcast %eq3A_1351 : i32 to vector<16xi32>
    %eq3A_1353 = arith.cmpi eq, %select_n3A_1350, %eq3A_1352 : vector<16xi32>
    %eq3A_1354 = arith.constant 1 : i32
    %eq3A_1355 = vector.broadcast %eq3A_1354 : i32 to vector<16xi32>
    %eq3A_1356 = arith.cmpi eq, %select_n3A_1350, %eq3A_1355 : vector<16xi32>
    %jit3A_1357 = arith.constant 76.3076934 : f32
    %jit3A_1358 = arith.constant 72.6153869 : f32
    %broadcast_in_dim3A_1359 = vector.broadcast %jit3A_1357 : f32 to vector<16xf32>
    %broadcast_in_dim3A_1360 = vector.broadcast %jit3A_1358 : f32 to vector<16xf32>
    %select_n3A_1361 = arith.select %eq3A_1356, %broadcast_in_dim3A_1359, %broadcast_in_dim3A_1360 : vector<16xi1>, vector<16xf32>
    %jit3A_1362 = arith.constant 36.9230766 : f32
    %broadcast_in_dim3A_1363 = vector.broadcast %jit3A_1362 : f32 to vector<16xf32>
    %select_n3A_1364 = arith.select %eq3A_1353, %broadcast_in_dim3A_1363, %select_n3A_1361 : vector<16xi1>, vector<16xf32>
    %eq3A_1365 = arith.constant 0 : i32
    %eq3A_1366 = vector.broadcast %eq3A_1365 : i32 to vector<16xi32>
    %eq3A_1367 = arith.cmpi eq, %select_n3A_1350, %eq3A_1366 : vector<16xi32>
    %eq3A_1368 = arith.constant 1 : i32
    %eq3A_1369 = vector.broadcast %eq3A_1368 : i32 to vector<16xi32>
    %eq3A_1370 = arith.cmpi eq, %select_n3A_1350, %eq3A_1369 : vector<16xi32>
    %jit3A_1371 = arith.constant 55.3846169 : f32
    %jit3A_1372 = arith.constant 146.461533 : f32
    %broadcast_in_dim3A_1373 = vector.broadcast %jit3A_1371 : f32 to vector<16xf32>
    %broadcast_in_dim3A_1374 = vector.broadcast %jit3A_1372 : f32 to vector<16xf32>
    %select_n3A_1375 = arith.select %eq3A_1370, %broadcast_in_dim3A_1373, %broadcast_in_dim3A_1374 : vector<16xi1>, vector<16xf32>
    %jit3A_1376 = arith.constant 75.0769195 : f32
    %broadcast_in_dim3A_1377 = vector.broadcast %jit3A_1376 : f32 to vector<16xf32>
    %select_n3A_1378 = arith.select %eq3A_1367, %broadcast_in_dim3A_1377, %select_n3A_1375 : vector<16xi1>, vector<16xf32>
    %mul3A_1379 = arith.constant 3 : i32
    %mul3A_1380 = arith.muli %select_n3A, %mul3A_1379 : i32
    %add3A_1381 = vector.broadcast %mul3A_1380 : i32 to vector<16xi32>
    %add3A_1382 = arith.addi %add3A_1381, %select_n3A_1350 : vector<16xi32>
    %mul3A_1383 = arith.constant 32 : i32
    %mul3A_1384 = vector.broadcast %mul3A_1383 : i32 to vector<16xi32>
    %mul3A_1385 = arith.muli %add3A_1382, %mul3A_1384 : vector<16xi32>
    %add3A_1386 = arith.addi %mul3A_1385, %convert_element_type3A_1272 : vector<16xi32>
    %mul3A_1387 = arith.constant 32 : i32
    %mul3A_1388 = vector.broadcast %mul3A_1387 : i32 to vector<16xi32>
    %mul3A_1389 = arith.muli %add3A_1386, %mul3A_1388 : vector<16xi32>
    %add3A_1390 = arith.addi %mul3A_1389, %convert_element_type3A_1271 : vector<16xi32>
    %iota3A_1391 = tpu.iota {dimensions = array<i32: 0>} : vector<16xi32>
    %add3A_1392 = arith.constant 0 : i32
    %add3A_1393 = vector.broadcast %add3A_1392 : i32 to vector<16xi32>
    %add3A_1394 = arith.addi %add3A_1393, %iota3A_1391 : vector<16xi32>
    %sub3A_1395 = arith.constant -1 : i32
    %sub3A_1396 = vector.broadcast %sub3A_1395 : i32 to vector<16xi32>
    %sub3A_1397 = arith.subi %sub3A_1396, %add3A_1394 : vector<16xi32>
    %select_n3A_1398 = arith.select %and3A_1291, %add3A_1390, %sub3A_1397 : vector<16xi1>, vector<16xi32>
    %mul3A_1399 = arith.constant 80 : i32
    %mul3A_1400 = vector.broadcast %mul3A_1399 : i32 to vector<16xi32>
    %mul3A_1401 = arith.muli %add3A_1390, %mul3A_1400 : vector<16xi32>
    %add3A_1402 = arith.addi %mul3A_1401, %get3A_1248 : vector<16xi32>
    %select_n3A_1403 = arith.select %and3A_1291, %add3A_1402, %sub3A_1397 : vector<16xi1>, vector<16xi32>
    %convert_element_type3A_1404 = arith.sitofp %convert_element_type3A_1271 : vector<16xi32> to vector<16xf32>
    %sub3A_1405 = arith.subf %mul3A_1255, %convert_element_type3A_1404 : vector<16xf32>
    %convert_element_type3A_1406 = arith.sitofp %convert_element_type3A_1272 : vector<16xi32> to vector<16xf32>
    %sub3A_1407 = arith.subf %mul3A_1262, %convert_element_type3A_1406 : vector<16xf32>
    %div3A_1408 = arith.divf %mul3A_1266, %select_n3A_1364 : vector<16xf32>
    %div3A_1409 = arith.divf %mul3A_1270, %select_n3A_1378 : vector<16xf32>
    %iota3A_1410 = tpu.iota {dimensions = array<i32: 0>} : vector<16xi32>
    %add3A_1411 = arith.constant 16 : i32
    %add3A_1412 = vector.broadcast %add3A_1411 : i32 to vector<16xi32>
    %add3A_1413 = arith.addi %add3A_1412, %iota3A_1410 : vector<16xi32>
    %broadcast_in_dim3A_1414 = arith.constant 0 : i32
    %broadcast_in_dim3A_1415 = vector.broadcast %broadcast_in_dim3A_1414 : i32 to vector<16xi32>
    %gather3A_1416 = tpu.vector_load_idx %arg10[%add3A_1413, %broadcast_in_dim3A_1415] : memref<32x4xf32, #tpu.memory_space<vmem>>[vector<16xi32>, vector<16xi32>], vector<16xf32>,
    %broadcast_in_dim3A_1417 = arith.constant 1 : i32
    %broadcast_in_dim3A_1418 = vector.broadcast %broadcast_in_dim3A_1417 : i32 to vector<16xi32>
    %gather3A_1419 = tpu.vector_load_idx %arg10[%add3A_1413, %broadcast_in_dim3A_1418] : memref<32x4xf32, #tpu.memory_space<vmem>>[vector<16xi32>, vector<16xi32>], vector<16xf32>,
    %broadcast_in_dim3A_1420 = arith.constant 2 : i32
    %broadcast_in_dim3A_1421 = vector.broadcast %broadcast_in_dim3A_1420 : i32 to vector<16xi32>
    %gather3A_1422 = tpu.vector_load_idx %arg10[%add3A_1413, %broadcast_in_dim3A_1421] : memref<32x4xf32, #tpu.memory_space<vmem>>[vector<16xi32>, vector<16xi32>], vector<16xf32>,
    %broadcast_in_dim3A_1423 = arith.constant 3 : i32
    %broadcast_in_dim3A_1424 = vector.broadcast %broadcast_in_dim3A_1423 : i32 to vector<16xi32>
    %gather3A_1425 = tpu.vector_load_idx %arg10[%add3A_1413, %broadcast_in_dim3A_1424] : memref<32x4xf32, #tpu.memory_space<vmem>>[vector<16xi32>, vector<16xi32>], vector<16xf32>,
    %get3A_1426 = arith.constant 16 : index
    %get3A_1427 = tpu.vector_load %arg11[%get3A_1426] {strides = array<i32>} : memref<32xi32, #tpu.memory_space<vmem>>, vector<16xi32>,
    %add3A_1428 = arith.addf %gather3A_1416, %gather3A_1422 : vector<16xf32>
    %mul3A_1429 = arith.constant 5.000000e-01 : f32
    %mul3A_1430 = vector.broadcast %mul3A_1429 : f32 to vector<16xf32>
    %mul3A_1431 = arith.mulf %add3A_1428, %mul3A_1430 : vector<16xf32>
    %mul3A_1432 = arith.constant 3.200000e+01 : f32
    %mul3A_1433 = vector.broadcast %mul3A_1432 : f32 to vector<16xf32>
    %mul3A_1434 = arith.mulf %mul3A_1431, %mul3A_1433 : vector<16xf32>
    %add3A_1435 = arith.addf %gather3A_1419, %gather3A_1425 : vector<16xf32>
    %mul3A_1436 = arith.constant 5.000000e-01 : f32
    %mul3A_1437 = vector.broadcast %mul3A_1436 : f32 to vector<16xf32>
    %mul3A_1438 = arith.mulf %add3A_1435, %mul3A_1437 : vector<16xf32>
    %mul3A_1439 = arith.constant 3.200000e+01 : f32
    %mul3A_1440 = vector.broadcast %mul3A_1439 : f32 to vector<16xf32>
    %mul3A_1441 = arith.mulf %mul3A_1438, %mul3A_1440 : vector<16xf32>
    %sub3A_1442 = arith.subf %gather3A_1422, %gather3A_1416 : vector<16xf32>
    %mul3A_1443 = arith.constant 5.120000e+02 : f32
    %mul3A_1444 = vector.broadcast %mul3A_1443 : f32 to vector<16xf32>
    %mul3A_1445 = arith.mulf %sub3A_1442, %mul3A_1444 : vector<16xf32>
    %sub3A_1446 = arith.subf %gather3A_1425, %gather3A_1419 : vector<16xf32>
    %mul3A_1447 = arith.constant 5.120000e+02 : f32
    %mul3A_1448 = vector.broadcast %mul3A_1447 : f32 to vector<16xf32>
    %mul3A_1449 = arith.mulf %sub3A_1446, %mul3A_1448 : vector<16xf32>
    %convert_element_type3A_1450 = arith.fptosi %mul3A_1434 : vector<16xf32> to vector<16xi32>
    %convert_element_type3A_1451 = arith.fptosi %mul3A_1441 : vector<16xf32> to vector<16xi32>
    %ge3A_1452 = arith.constant 0 : i32
    %ge3A_1453 = vector.broadcast %ge3A_1452 : i32 to vector<16xi32>
    %ge3A_1454 = arith.cmpi sge, %get3A_1427, %ge3A_1453 : vector<16xi32>
    %ge3A_1455 = arith.constant 0 : i32
    %ge3A_1456 = vector.broadcast %ge3A_1455 : i32 to vector<16xi32>
    %ge3A_1457 = arith.cmpi sge, %convert_element_type3A_1450, %ge3A_1456 : vector<16xi32>
    %and3A_1458 = arith.andi %ge3A_1454, %ge3A_1457 : vector<16xi1>
    %lt3A_1459 = arith.constant 32 : i32
    %lt3A_1460 = vector.broadcast %lt3A_1459 : i32 to vector<16xi32>
    %lt3A_1461 = arith.cmpi slt, %convert_element_type3A_1450, %lt3A_1460 : vector<16xi32>
    %and3A_1462 = arith.andi %and3A_1458, %lt3A_1461 : vector<16xi1>
    %ge3A_1463 = arith.constant 0 : i32
    %ge3A_1464 = vector.broadcast %ge3A_1463 : i32 to vector<16xi32>
    %ge3A_1465 = arith.cmpi sge, %convert_element_type3A_1451, %ge3A_1464 : vector<16xi32>
    %and3A_1466 = arith.andi %and3A_1462, %ge3A_1465 : vector<16xi1>
    %lt3A_1467 = arith.constant 32 : i32
    %lt3A_1468 = vector.broadcast %lt3A_1467 : i32 to vector<16xi32>
    %lt3A_1469 = arith.cmpi slt, %convert_element_type3A_1451, %lt3A_1468 : vector<16xi32>
    %and3A_1470 = arith.andi %and3A_1466, %lt3A_1469 : vector<16xi1>
    %min3A_1471 = arith.constant 36.9230766 : f32
    %min3A_1472 = vector.broadcast %min3A_1471 : f32 to vector<16xf32>
    %min3A_1473 = arith.minimumf %mul3A_1445, %min3A_1472 : vector<16xf32>
    %min3A_1474 = arith.constant 75.0769195 : f32
    %min3A_1475 = vector.broadcast %min3A_1474 : f32 to vector<16xf32>
    %min3A_1476 = arith.minimumf %mul3A_1449, %min3A_1475 : vector<16xf32>
    %mul3A_1477 = arith.mulf %min3A_1473, %min3A_1476 : vector<16xf32>
    %mul3A_1478 = arith.mulf %mul3A_1445, %mul3A_1449 : vector<16xf32>
    %add3A_1479 = arith.constant 2772.07104 : f32
    %add3A_1480 = vector.broadcast %add3A_1479 : f32 to vector<16xf32>
    %add3A_1481 = arith.addf %mul3A_1478, %add3A_1480 : vector<16xf32>
    %sub3A_1482 = arith.subf %add3A_1481, %mul3A_1477 : vector<16xf32>
    %add3A_1483 = arith.constant 1.000000e-16 : f32
    %add3A_1484 = vector.broadcast %add3A_1483 : f32 to vector<16xf32>
    %add3A_1485 = arith.addf %sub3A_1482, %add3A_1484 : vector<16xf32>
    %div3A_1486 = arith.divf %mul3A_1477, %add3A_1485 : vector<16xf32>
    %min3A_1487 = arith.constant 76.3076934 : f32
    %min3A_1488 = vector.broadcast %min3A_1487 : f32 to vector<16xf32>
    %min3A_1489 = arith.minimumf %mul3A_1445, %min3A_1488 : vector<16xf32>
    %min3A_1490 = arith.constant 55.3846169 : f32
    %min3A_1491 = vector.broadcast %min3A_1490 : f32 to vector<16xf32>
    %min3A_1492 = arith.minimumf %mul3A_1449, %min3A_1491 : vector<16xf32>
    %mul3A_1493 = arith.mulf %min3A_1489, %min3A_1492 : vector<16xf32>
    %mul3A_1494 = arith.mulf %mul3A_1445, %mul3A_1449 : vector<16xf32>
    %add3A_1495 = arith.constant 4226.27197 : f32
    %add3A_1496 = vector.broadcast %add3A_1495 : f32 to vector<16xf32>
    %add3A_1497 = arith.addf %mul3A_1494, %add3A_1496 : vector<16xf32>
    %sub3A_1498 = arith.subf %add3A_1497, %mul3A_1493 : vector<16xf32>
    %add3A_1499 = arith.constant 1.000000e-16 : f32
    %add3A_1500 = vector.broadcast %add3A_1499 : f32 to vector<16xf32>
    %add3A_1501 = arith.addf %sub3A_1498, %add3A_1500 : vector<16xf32>
    %div3A_1502 = arith.divf %mul3A_1493, %add3A_1501 : vector<16xf32>
    %min3A_1503 = arith.constant 72.6153869 : f32
    %min3A_1504 = vector.broadcast %min3A_1503 : f32 to vector<16xf32>
    %min3A_1505 = arith.minimumf %mul3A_1445, %min3A_1504 : vector<16xf32>
    %min3A_1506 = arith.constant 146.461533 : f32
    %min3A_1507 = vector.broadcast %min3A_1506 : f32 to vector<16xf32>
    %min3A_1508 = arith.minimumf %mul3A_1449, %min3A_1507 : vector<16xf32>
    %mul3A_1509 = arith.mulf %min3A_1505, %min3A_1508 : vector<16xf32>
    %mul3A_1510 = arith.mulf %mul3A_1445, %mul3A_1449 : vector<16xf32>
    %add3A_1511 = arith.constant 10635.3613 : f32
    %add3A_1512 = vector.broadcast %add3A_1511 : f32 to vector<16xf32>
    %add3A_1513 = arith.addf %mul3A_1510, %add3A_1512 : vector<16xf32>
    %sub3A_1514 = arith.subf %add3A_1513, %mul3A_1509 : vector<16xf32>
    %add3A_1515 = arith.constant 1.000000e-16 : f32
    %add3A_1516 = vector.broadcast %add3A_1515 : f32 to vector<16xf32>
    %add3A_1517 = arith.addf %sub3A_1514, %add3A_1516 : vector<16xf32>
    %div3A_1518 = arith.divf %mul3A_1509, %add3A_1517 : vector<16xf32>
    %gt3A_1519 = arith.cmpf ogt, %div3A_1502, %div3A_1486 : vector<16xf32>
    %select_n3A_1520 = arith.select %gt3A_1519, %div3A_1502, %div3A_1486 : vector<16xi1>, vector<16xf32>
    %jit3A_1521 = arith.constant 1 : i32
    %jit3A_1522 = arith.constant 0 : i32
    %broadcast_in_dim3A_1523 = vector.broadcast %jit3A_1521 : i32 to vector<16xi32>
    %broadcast_in_dim3A_1524 = vector.broadcast %jit3A_1522 : i32 to vector<16xi32>
    %select_n3A_1525 = arith.select %gt3A_1519, %broadcast_in_dim3A_1523, %broadcast_in_dim3A_1524 : vector<16xi1>, vector<16xi32>
    %gt3A_1526 = arith.cmpf ogt, %div3A_1518, %select_n3A_1520 : vector<16xf32>
    %jit3A_1527 = arith.constant 2 : i32
    %broadcast_in_dim3A_1528 = vector.broadcast %jit3A_1527 : i32 to vector<16xi32>
    %select_n3A_1529 = arith.select %gt3A_1526, %broadcast_in_dim3A_1528, %select_n3A_1525 : vector<16xi1>, vector<16xi32>
    %eq3A_1530 = arith.constant 0 : i32
    %eq3A_1531 = vector.broadcast %eq3A_1530 : i32 to vector<16xi32>
    %eq3A_1532 = arith.cmpi eq, %select_n3A_1529, %eq3A_1531 : vector<16xi32>
    %eq3A_1533 = arith.constant 1 : i32
    %eq3A_1534 = vector.broadcast %eq3A_1533 : i32 to vector<16xi32>
    %eq3A_1535 = arith.cmpi eq, %select_n3A_1529, %eq3A_1534 : vector<16xi32>
    %jit3A_1536 = arith.constant 76.3076934 : f32
    %jit3A_1537 = arith.constant 72.6153869 : f32
    %broadcast_in_dim3A_1538 = vector.broadcast %jit3A_1536 : f32 to vector<16xf32>
    %broadcast_in_dim3A_1539 = vector.broadcast %jit3A_1537 : f32 to vector<16xf32>
    %select_n3A_1540 = arith.select %eq3A_1535, %broadcast_in_dim3A_1538, %broadcast_in_dim3A_1539 : vector<16xi1>, vector<16xf32>
    %jit3A_1541 = arith.constant 36.9230766 : f32
    %broadcast_in_dim3A_1542 = vector.broadcast %jit3A_1541 : f32 to vector<16xf32>
    %select_n3A_1543 = arith.select %eq3A_1532, %broadcast_in_dim3A_1542, %select_n3A_1540 : vector<16xi1>, vector<16xf32>
    %eq3A_1544 = arith.constant 0 : i32
    %eq3A_1545 = vector.broadcast %eq3A_1544 : i32 to vector<16xi32>
    %eq3A_1546 = arith.cmpi eq, %select_n3A_1529, %eq3A_1545 : vector<16xi32>
    %eq3A_1547 = arith.constant 1 : i32
    %eq3A_1548 = vector.broadcast %eq3A_1547 : i32 to vector<16xi32>
    %eq3A_1549 = arith.cmpi eq, %select_n3A_1529, %eq3A_1548 : vector<16xi32>
    %jit3A_1550 = arith.constant 55.3846169 : f32
    %jit3A_1551 = arith.constant 146.461533 : f32
    %broadcast_in_dim3A_1552 = vector.broadcast %jit3A_1550 : f32 to vector<16xf32>
    %broadcast_in_dim3A_1553 = vector.broadcast %jit3A_1551 : f32 to vector<16xf32>
    %select_n3A_1554 = arith.select %eq3A_1549, %broadcast_in_dim3A_1552, %broadcast_in_dim3A_1553 : vector<16xi1>, vector<16xf32>
    %jit3A_1555 = arith.constant 75.0769195 : f32
    %broadcast_in_dim3A_1556 = vector.broadcast %jit3A_1555 : f32 to vector<16xf32>
    %select_n3A_1557 = arith.select %eq3A_1546, %broadcast_in_dim3A_1556, %select_n3A_1554 : vector<16xi1>, vector<16xf32>
    %mul3A_1558 = arith.constant 3 : i32
    %mul3A_1559 = arith.muli %select_n3A, %mul3A_1558 : i32
    %add3A_1560 = vector.broadcast %mul3A_1559 : i32 to vector<16xi32>
    %add3A_1561 = arith.addi %add3A_1560, %select_n3A_1529 : vector<16xi32>
    %mul3A_1562 = arith.constant 32 : i32
    %mul3A_1563 = vector.broadcast %mul3A_1562 : i32 to vector<16xi32>
    %mul3A_1564 = arith.muli %add3A_1561, %mul3A_1563 : vector<16xi32>
    %add3A_1565 = arith.addi %mul3A_1564, %convert_element_type3A_1451 : vector<16xi32>
    %mul3A_1566 = arith.constant 32 : i32
    %mul3A_1567 = vector.broadcast %mul3A_1566 : i32 to vector<16xi32>
    %mul3A_1568 = arith.muli %add3A_1565, %mul3A_1567 : vector<16xi32>
    %add3A_1569 = arith.addi %mul3A_1568, %convert_element_type3A_1450 : vector<16xi32>
    %iota3A_1570 = tpu.iota {dimensions = array<i32: 0>} : vector<16xi32>
    %add3A_1571 = arith.constant 16 : i32
    %add3A_1572 = vector.broadcast %add3A_1571 : i32 to vector<16xi32>
    %add3A_1573 = arith.addi %add3A_1572, %iota3A_1570 : vector<16xi32>
    %sub3A_1574 = arith.constant -1 : i32
    %sub3A_1575 = vector.broadcast %sub3A_1574 : i32 to vector<16xi32>
    %sub3A_1576 = arith.subi %sub3A_1575, %add3A_1573 : vector<16xi32>
    %select_n3A_1577 = arith.select %and3A_1470, %add3A_1569, %sub3A_1576 : vector<16xi1>, vector<16xi32>
    %mul3A_1578 = arith.constant 80 : i32
    %mul3A_1579 = vector.broadcast %mul3A_1578 : i32 to vector<16xi32>
    %mul3A_1580 = arith.muli %add3A_1569, %mul3A_1579 : vector<16xi32>
    %add3A_1581 = arith.addi %mul3A_1580, %get3A_1427 : vector<16xi32>
    %select_n3A_1582 = arith.select %and3A_1470, %add3A_1581, %sub3A_1576 : vector<16xi1>, vector<16xi32>
    %convert_element_type3A_1583 = arith.sitofp %convert_element_type3A_1450 : vector<16xi32> to vector<16xf32>
    %sub3A_1584 = arith.subf %mul3A_1434, %convert_element_type3A_1583 : vector<16xf32>
    %convert_element_type3A_1585 = arith.sitofp %convert_element_type3A_1451 : vector<16xi32> to vector<16xf32>
    %sub3A_1586 = arith.subf %mul3A_1441, %convert_element_type3A_1585 : vector<16xf32>
    %div3A_1587 = arith.divf %mul3A_1445, %select_n3A_1543 : vector<16xf32>
    %div3A_1588 = arith.divf %mul3A_1449, %select_n3A_1557 : vector<16xf32>
    %swap3A_1589 = arith.constant 32 : index
    %swap3A_1590 = tpu.vector_load %arg12[%swap3A_1589] {strides = array<i32>} : memref<96xi32, #tpu.memory_space<vmem>>, vector<16xi32>,
    tpu.vector_store %arg12[%swap3A_1589], %select_n3A_1398 {strides = array<i32>} : memref<96xi32, #tpu.memory_space<vmem>>, vector<16xi32>,
    %swap3A_1591 = arith.constant 48 : index
    %swap3A_1592 = tpu.vector_load %arg12[%swap3A_1591] {strides = array<i32>} : memref<96xi32, #tpu.memory_space<vmem>>, vector<16xi32>,
    tpu.vector_store %arg12[%swap3A_1591], %select_n3A_1577 {strides = array<i32>} : memref<96xi32, #tpu.memory_space<vmem>>, vector<16xi32>,
    %swap3A_1593 = arith.constant 32 : index
    %swap3A_1594 = tpu.vector_load %arg13[%swap3A_1593] {strides = array<i32>} : memref<96xi32, #tpu.memory_space<vmem>>, vector<16xi32>,
    tpu.vector_store %arg13[%swap3A_1593], %select_n3A_1403 {strides = array<i32>} : memref<96xi32, #tpu.memory_space<vmem>>, vector<16xi32>,
    %swap3A_1595 = arith.constant 48 : index
    %swap3A_1596 = tpu.vector_load %arg13[%swap3A_1595] {strides = array<i32>} : memref<96xi32, #tpu.memory_space<vmem>>, vector<16xi32>,
    tpu.vector_store %arg13[%swap3A_1595], %select_n3A_1582 {strides = array<i32>} : memref<96xi32, #tpu.memory_space<vmem>>, vector<16xi32>,
    %eq3A_1597 = arith.constant 0 : i32
    %eq3A_1598 = arith.cmpi eq, %select_n3A_30, %eq3A_1597 : i32
    %select_n3A_1599 = arith.select %eq3A_1598, %select_n3A_1398, %select_n3A_1577 : vector<16xi32>
    %select_n3A_1600 = arith.select %eq3A_1598, %select_n3A_1403, %select_n3A_1582 : vector<16xi32>
    %select_n3A_1601 = arith.select %eq3A_1598, %and3A_1291, %and3A_1470 : vector<16xi1>
    %select_n3A_1602 = arith.select %eq3A_1598, %add3A_1390, %add3A_1569 : vector<16xi32>
    %select_n3A_1603 = arith.select %eq3A_1598, %sub3A_1405, %sub3A_1584 : vector<16xf32>
    %select_n3A_1604 = arith.select %eq3A_1598, %sub3A_1407, %sub3A_1586 : vector<16xf32>
    %select_n3A_1605 = arith.select %eq3A_1598, %div3A_1408, %div3A_1587 : vector<16xf32>
    %select_n3A_1606 = arith.select %eq3A_1598, %div3A_1409, %div3A_1588 : vector<16xf32>
    %select_n3A_1607 = arith.select %eq3A_1598, %get3A_1248, %get3A_1427 : vector<16xi32>
    %lt3A_1608 = arith.constant 0 : i32
    %lt3A_1609 = vector.broadcast %lt3A_1608 : i32 to vector<16xi32>
    %lt3A_1610 = arith.cmpi slt, %iota3A, %lt3A_1609 : vector<16xi32>
    %lt3A_1611 = arith.constant 0 : i32
    %lt3A_1612 = vector.broadcast %lt3A_1611 : i32 to vector<16xi32>
    %lt3A_1613 = arith.cmpi slt, %iota3A, %lt3A_1612 : vector<16xi32>
    %scan3A_1614 = arith.constant 0 : i32
    %scan3A_1615 = arith.constant 32 : i32
    %scan3A_1616 = arith.addi %scan3A_1614, %scan3A_1615 : i32
    %scan3A_1617 = arith.constant 1 : i32
    %scan3A_1618:2 = scf.for %scan3A_3696 = %scan3A_1614 to %scan3A_1616 step %scan3A_1617 iter_args(%scan3A_3697 = %lt3A_1610, %scan3A_3698 = %lt3A_1613) -> (vector<16xi1>, vector<16xi1>)  : i32 {
      %broadcast_in_dim3A_3699 = arith.constant 32 : i32
      %broadcast_in_dim3A_3700 = vector.broadcast %broadcast_in_dim3A_3699 : i32 to vector<16xi32>
      %add3A_3701 = vector.broadcast %scan3A_3696 : i32 to vector<16xi32>
      %add3A_3702 = arith.addi %broadcast_in_dim3A_3700, %add3A_3701 : vector<16xi32>
      %gather3A_3703 = tpu.vector_load_idx %arg12[%add3A_3702] : memref<96xi32, #tpu.memory_space<vmem>>[vector<16xi32>], vector<16xi32>,
      %gather3A_3704 = tpu.vector_load_idx %arg13[%add3A_3702] : memref<96xi32, #tpu.memory_space<vmem>>[vector<16xi32>], vector<16xi32>,
      %lt3A_3705 = vector.broadcast %scan3A_3696 : i32 to vector<16xi32>
      %lt3A_3706 = arith.cmpi slt, %add3A_34, %lt3A_3705 : vector<16xi32>
      %eq3A_3707 = arith.cmpi eq, %select_n3A_1599, %gather3A_3703 : vector<16xi32>
      %and3A_3708 = arith.andi %eq3A_3707, %lt3A_3706 : vector<16xi1>
      %or3A = arith.ori %scan3A_3697, %and3A_3708 : vector<16xi1>
      %eq3A_3709 = arith.cmpi eq, %select_n3A_1600, %gather3A_3704 : vector<16xi32>
      %and3A_3710 = arith.andi %eq3A_3709, %lt3A_3706 : vector<16xi1>
      %or3A_3711 = arith.ori %scan3A_3698, %and3A_3710 : vector<16xi1>
      scf.yield %or3A, %or3A_3711 : vector<16xi1>, vector<16xi1>
    }
    %scan3A_1619 = arith.constant 32 : i32
    %not3A_1620 = arith.constant dense<true> : vector<16xi1>
    %not3A_1621 = arith.xori %scan3A_1618#0, %not3A_1620 : vector<16xi1>
    %and3A_1622 = arith.andi %select_n3A_1601, %not3A_1621 : vector<16xi1>
    %not3A_1623 = arith.constant dense<true> : vector<16xi1>
    %not3A_1624 = arith.xori %scan3A_1618#1, %not3A_1623 : vector<16xi1>
    %and3A_1625 = arith.andi %select_n3A_1601, %not3A_1624 : vector<16xi1>
    %jit3A_1626 = arith.constant 1.000000e+00 : f32
    %jit3A_1627 = arith.constant 0.000000e+00 : f32
    %broadcast_in_dim3A_1628 = vector.broadcast %jit3A_1626 : f32 to vector<16xf32>
    %broadcast_in_dim3A_1629 = vector.broadcast %jit3A_1627 : f32 to vector<16xf32>
    %select_n3A_1630 = arith.select %and3A_1622, %broadcast_in_dim3A_1628, %broadcast_in_dim3A_1629 : vector<16xi1>, vector<16xf32>
    %swap3A_1631 = arith.constant 0 : index
    %swap3A_1632 = tpu.vector_load %arg16[%swap3A_1631] {strides = array<i32>} : memref<128xf32, #tpu.memory_space<vmem>>, vector<16xf32>,
    tpu.vector_store %arg16[%swap3A_1631], %select_n3A_1630 {strides = array<i32>} : memref<128xf32, #tpu.memory_space<vmem>>, vector<16xf32>,
    %jit3A_1633 = arith.constant 1.000000e+00 : f32
    %jit3A_1634 = arith.constant 0.000000e+00 : f32
    %broadcast_in_dim3A_1635 = vector.broadcast %jit3A_1633 : f32 to vector<16xf32>
    %broadcast_in_dim3A_1636 = vector.broadcast %jit3A_1634 : f32 to vector<16xf32>
    %select_n3A_1637 = arith.select %and3A_1625, %broadcast_in_dim3A_1635, %broadcast_in_dim3A_1636 : vector<16xi1>, vector<16xf32>
    %swap3A_1638 = arith.constant 16 : index
    %swap3A_1639 = tpu.vector_load %arg16[%swap3A_1638] {strides = array<i32>} : memref<128xf32, #tpu.memory_space<vmem>>, vector<16xf32>,
    tpu.vector_store %arg16[%swap3A_1638], %select_n3A_1637 {strides = array<i32>} : memref<128xf32, #tpu.memory_space<vmem>>, vector<16xf32>,
    %swap3A_1640 = arith.constant 32 : index
    %swap3A_1641 = tpu.vector_load %arg16[%swap3A_1640] {strides = array<i32>} : memref<128xf32, #tpu.memory_space<vmem>>, vector<16xf32>,
    tpu.vector_store %arg16[%swap3A_1640], %select_n3A_1603 {strides = array<i32>} : memref<128xf32, #tpu.memory_space<vmem>>, vector<16xf32>,
    %swap3A_1642 = arith.constant 48 : index
    %swap3A_1643 = tpu.vector_load %arg16[%swap3A_1642] {strides = array<i32>} : memref<128xf32, #tpu.memory_space<vmem>>, vector<16xf32>,
    tpu.vector_store %arg16[%swap3A_1642], %select_n3A_1604 {strides = array<i32>} : memref<128xf32, #tpu.memory_space<vmem>>, vector<16xf32>,
    %swap3A_1644 = arith.constant 64 : index
    %swap3A_1645 = tpu.vector_load %arg16[%swap3A_1644] {strides = array<i32>} : memref<128xf32, #tpu.memory_space<vmem>>, vector<16xf32>,
    tpu.vector_store %arg16[%swap3A_1644], %select_n3A_1605 {strides = array<i32>} : memref<128xf32, #tpu.memory_space<vmem>>, vector<16xf32>,
    %swap3A_1646 = arith.constant 80 : index
    %swap3A_1647 = tpu.vector_load %arg16[%swap3A_1646] {strides = array<i32>} : memref<128xf32, #tpu.memory_space<vmem>>, vector<16xf32>,
    tpu.vector_store %arg16[%swap3A_1646], %select_n3A_1606 {strides = array<i32>} : memref<128xf32, #tpu.memory_space<vmem>>, vector<16xf32>,
    %convert_element_type3A_1648 = arith.sitofp %select_n3A_1607 : vector<16xi32> to vector<16xf32>
    %swap3A_1649 = arith.constant 96 : index
    %swap3A_1650 = tpu.vector_load %arg16[%swap3A_1649] {strides = array<i32>} : memref<128xf32, #tpu.memory_space<vmem>>, vector<16xf32>,
    tpu.vector_store %arg16[%swap3A_1649], %convert_element_type3A_1648 {strides = array<i32>} : memref<128xf32, #tpu.memory_space<vmem>>, vector<16xf32>,
    %lt3A_1651 = arith.constant 0 : i32
    %lt3A_1652 = vector.broadcast %lt3A_1651 : i32 to vector<16xi32>
    %lt3A_1653 = arith.cmpi slt, %iota3A, %lt3A_1652 : vector<16xi32>
    %jit3A_1654 = arith.constant 1.000000e+00 : f32
    %jit3A_1655 = arith.constant 0.000000e+00 : f32
    %broadcast_in_dim3A_1656 = vector.broadcast %jit3A_1654 : f32 to vector<16xf32>
    %broadcast_in_dim3A_1657 = vector.broadcast %jit3A_1655 : f32 to vector<16xf32>
    %select_n3A_1658 = arith.select %lt3A_1653, %broadcast_in_dim3A_1656, %broadcast_in_dim3A_1657 : vector<16xi1>, vector<16xf32>
    %swap3A_1659 = arith.constant 112 : index
    %swap3A_1660 = tpu.vector_load %arg16[%swap3A_1659] {strides = array<i32>} : memref<128xf32, #tpu.memory_space<vmem>>, vector<16xf32>,
    tpu.vector_store %arg16[%swap3A_1659], %select_n3A_1658 {strides = array<i32>} : memref<128xf32, #tpu.memory_space<vmem>>, vector<16xf32>,
    %run_scoped3A_1661 = arith.constant 1 : i32
    "tpu.region"() ({
      %run_scoped3A_3696 = tpu.sem_alloc : memref<!tpu.dma_semaphore, #tpu.memory_space<semaphore_mem>>
      %dma_start3A_3697 = arith.constant 0 : i32
      %dma_start3A_3698 = tpu.memref_slice %arg8[%run_scoped3A_1661, %add3A, %dma_start3A_3697] : memref<3x32x128xf32, #tpu.memory_space<hbm>> -> memref<1x1x128xf32, #tpu.memory_space<hbm>>
      %dma_start3A_3699 = tpu.memref_squeeze %dma_start3A_3698 : memref<1x1x128xf32, #tpu.memory_space<hbm>> -> memref<128xf32, #tpu.memory_space<hbm>>
      %dma_start3A_3700 = arith.constant 0 : i32
      %dma_start3A_3701 = tpu.memref_slice %arg8[%run_scoped3A_1661, %add3A, %dma_start3A_3700] : memref<3x32x128xf32, #tpu.memory_space<hbm>> -> memref<1x1x128xf32, #tpu.memory_space<hbm>>
      %dma_start3A_3702 = tpu.memref_squeeze %dma_start3A_3701 : memref<1x1x128xf32, #tpu.memory_space<hbm>> -> memref<128xf32, #tpu.memory_space<hbm>>
      tpu.enqueue_dma source(%arg16 : memref<128xf32, #tpu.memory_space<vmem>>) target(%dma_start3A_3702 : memref<128xf32, #tpu.memory_space<hbm>>) target_semaphore(%run_scoped3A_3696 : memref<!tpu.dma_semaphore, #tpu.memory_space<semaphore_mem>>)
      %dma_wait3A_3703 = arith.constant 0 : i32
      %dma_wait3A_3704 = tpu.memref_slice %arg8[%run_scoped3A_1661, %add3A, %dma_wait3A_3703] : memref<3x32x128xf32, #tpu.memory_space<hbm>> -> memref<1x1x128xf32, #tpu.memory_space<hbm>>
      %dma_wait3A_3705 = tpu.memref_squeeze %dma_wait3A_3704 : memref<1x1x128xf32, #tpu.memory_space<hbm>> -> memref<128xf32, #tpu.memory_space<hbm>>
      %dma_wait3A_3706 = arith.constant 0 : i32
      %dma_wait3A_3707 = tpu.memref_slice %arg8[%run_scoped3A_1661, %add3A, %dma_wait3A_3706] : memref<3x32x128xf32, #tpu.memory_space<hbm>> -> memref<1x1x128xf32, #tpu.memory_space<hbm>>
      %dma_wait3A_3708 = tpu.memref_squeeze %dma_wait3A_3707 : memref<1x1x128xf32, #tpu.memory_space<hbm>> -> memref<128xf32, #tpu.memory_space<hbm>>
      tpu.wait_dma2 semaphore(%run_scoped3A_3696 : memref<!tpu.dma_semaphore, #tpu.memory_space<semaphore_mem>>) src(%arg16 : memref<128xf32, #tpu.memory_space<vmem>>) dst(%dma_wait3A_3708 : memref<128xf32, #tpu.memory_space<hbm>>)
      tpu.yield
    }) : () -> ()
    %jit3A_1662 = arith.constant 0 : i32
    %jit3A_1663 = arith.constant 49151 : i32
    %max3A_1664 = vector.broadcast %jit3A_1662 : i32 to vector<16xi32>
    %max3A_1665 = arith.maxsi %max3A_1664, %select_n3A_1602 : vector<16xi32>
    %min3A_1666 = vector.broadcast %jit3A_1663 : i32 to vector<16xi32>
    %min3A_1667 = arith.minsi %min3A_1666, %max3A_1665 : vector<16xi32>
    %mul3A_1668 = arith.constant 85 : i32
    %mul3A_1669 = vector.broadcast %mul3A_1668 : i32 to vector<16xi32>
    %mul3A_1670 = arith.muli %min3A_1667, %mul3A_1669 : vector<16xi32>
    %mul3A_1671 = arith.constant 85 : i32
    %mul3A_1672 = vector.broadcast %mul3A_1671 : i32 to vector<16xi32>
    %mul3A_1673 = arith.muli %iota3A, %mul3A_1672 : vector<16xi32>
    %add3A_1674 = arith.constant 0 : i32
    %add3A_1675 = vector.broadcast %add3A_1674 : i32 to vector<16xi32>
    %add3A_1676 = arith.addi %mul3A_1673, %add3A_1675 : vector<16xi32>
    %add3A_1677 = arith.constant 0 : i32
    %add3A_1678 = vector.broadcast %add3A_1677 : i32 to vector<16xi32>
    %add3A_1679 = arith.addi %mul3A_1670, %add3A_1678 : vector<16xi32>
    tpu.vector_store_idx %arg14[%add3A_1676], %add3A_1679 : memref<1360xi32, #tpu.memory_space<vmem>>[vector<16xi32>], vector<16xi32>,
    %mul3A_1680 = arith.constant 85 : i32
    %mul3A_1681 = vector.broadcast %mul3A_1680 : i32 to vector<16xi32>
    %mul3A_1682 = arith.muli %iota3A, %mul3A_1681 : vector<16xi32>
    %add3A_1683 = arith.constant 1 : i32
    %add3A_1684 = vector.broadcast %add3A_1683 : i32 to vector<16xi32>
    %add3A_1685 = arith.addi %mul3A_1682, %add3A_1684 : vector<16xi32>
    %add3A_1686 = arith.constant 1 : i32
    %add3A_1687 = vector.broadcast %add3A_1686 : i32 to vector<16xi32>
    %add3A_1688 = arith.addi %mul3A_1670, %add3A_1687 : vector<16xi32>
    tpu.vector_store_idx %arg14[%add3A_1685], %add3A_1688 : memref<1360xi32, #tpu.memory_space<vmem>>[vector<16xi32>], vector<16xi32>,
    %mul3A_1689 = arith.constant 85 : i32
    %mul3A_1690 = vector.broadcast %mul3A_1689 : i32 to vector<16xi32>
    %mul3A_1691 = arith.muli %iota3A, %mul3A_1690 : vector<16xi32>
    %add3A_1692 = arith.constant 2 : i32
    %add3A_1693 = vector.broadcast %add3A_1692 : i32 to vector<16xi32>
    %add3A_1694 = arith.addi %mul3A_1691, %add3A_1693 : vector<16xi32>
    %add3A_1695 = arith.constant 2 : i32
    %add3A_1696 = vector.broadcast %add3A_1695 : i32 to vector<16xi32>
    %add3A_1697 = arith.addi %mul3A_1670, %add3A_1696 : vector<16xi32>
    tpu.vector_store_idx %arg14[%add3A_1694], %add3A_1697 : memref<1360xi32, #tpu.memory_space<vmem>>[vector<16xi32>], vector<16xi32>,
    %mul3A_1698 = arith.constant 85 : i32
    %mul3A_1699 = vector.broadcast %mul3A_1698 : i32 to vector<16xi32>
    %mul3A_1700 = arith.muli %iota3A, %mul3A_1699 : vector<16xi32>
    %add3A_1701 = arith.constant 3 : i32
    %add3A_1702 = vector.broadcast %add3A_1701 : i32 to vector<16xi32>
    %add3A_1703 = arith.addi %mul3A_1700, %add3A_1702 : vector<16xi32>
    %add3A_1704 = arith.constant 3 : i32
    %add3A_1705 = vector.broadcast %add3A_1704 : i32 to vector<16xi32>
    %add3A_1706 = arith.addi %mul3A_1670, %add3A_1705 : vector<16xi32>
    tpu.vector_store_idx %arg14[%add3A_1703], %add3A_1706 : memref<1360xi32, #tpu.memory_space<vmem>>[vector<16xi32>], vector<16xi32>,
    %mul3A_1707 = arith.constant 85 : i32
    %mul3A_1708 = vector.broadcast %mul3A_1707 : i32 to vector<16xi32>
    %mul3A_1709 = arith.muli %iota3A, %mul3A_1708 : vector<16xi32>
    %add3A_1710 = arith.constant 4 : i32
    %add3A_1711 = vector.broadcast %add3A_1710 : i32 to vector<16xi32>
    %add3A_1712 = arith.addi %mul3A_1709, %add3A_1711 : vector<16xi32>
    %add3A_1713 = arith.constant 4 : i32
    %add3A_1714 = vector.broadcast %add3A_1713 : i32 to vector<16xi32>
    %add3A_1715 = arith.addi %mul3A_1670, %add3A_1714 : vector<16xi32>
    tpu.vector_store_idx %arg14[%add3A_1712], %add3A_1715 : memref<1360xi32, #tpu.memory_space<vmem>>[vector<16xi32>], vector<16xi32>,
    %mul3A_1716 = arith.constant 85 : i32
    %mul3A_1717 = vector.broadcast %mul3A_1716 : i32 to vector<16xi32>
    %mul3A_1718 = arith.muli %iota3A, %mul3A_1717 : vector<16xi32>
    %add3A_1719 = arith.constant 5 : i32
    %add3A_1720 = vector.broadcast %add3A_1719 : i32 to vector<16xi32>
    %add3A_1721 = arith.addi %mul3A_1718, %add3A_1720 : vector<16xi32>
    %add3A_1722 = arith.constant 5 : i32
    %add3A_1723 = vector.broadcast %add3A_1722 : i32 to vector<16xi32>
    %add3A_1724 = arith.addi %mul3A_1670, %add3A_1723 : vector<16xi32>
    tpu.vector_store_idx %arg14[%add3A_1721], %add3A_1724 : memref<1360xi32, #tpu.memory_space<vmem>>[vector<16xi32>], vector<16xi32>,
    %mul3A_1725 = arith.constant 85 : i32
    %mul3A_1726 = vector.broadcast %mul3A_1725 : i32 to vector<16xi32>
    %mul3A_1727 = arith.muli %iota3A, %mul3A_1726 : vector<16xi32>
    %add3A_1728 = arith.constant 6 : i32
    %add3A_1729 = vector.broadcast %add3A_1728 : i32 to vector<16xi32>
    %add3A_1730 = arith.addi %mul3A_1727, %add3A_1729 : vector<16xi32>
    %add3A_1731 = arith.constant 6 : i32
    %add3A_1732 = vector.broadcast %add3A_1731 : i32 to vector<16xi32>
    %add3A_1733 = arith.addi %mul3A_1670, %add3A_1732 : vector<16xi32>
    tpu.vector_store_idx %arg14[%add3A_1730], %add3A_1733 : memref<1360xi32, #tpu.memory_space<vmem>>[vector<16xi32>], vector<16xi32>,
    %mul3A_1734 = arith.constant 85 : i32
    %mul3A_1735 = vector.broadcast %mul3A_1734 : i32 to vector<16xi32>
    %mul3A_1736 = arith.muli %iota3A, %mul3A_1735 : vector<16xi32>
    %add3A_1737 = arith.constant 7 : i32
    %add3A_1738 = vector.broadcast %add3A_1737 : i32 to vector<16xi32>
    %add3A_1739 = arith.addi %mul3A_1736, %add3A_1738 : vector<16xi32>
    %add3A_1740 = arith.constant 7 : i32
    %add3A_1741 = vector.broadcast %add3A_1740 : i32 to vector<16xi32>
    %add3A_1742 = arith.addi %mul3A_1670, %add3A_1741 : vector<16xi32>
    tpu.vector_store_idx %arg14[%add3A_1739], %add3A_1742 : memref<1360xi32, #tpu.memory_space<vmem>>[vector<16xi32>], vector<16xi32>,
    %mul3A_1743 = arith.constant 85 : i32
    %mul3A_1744 = vector.broadcast %mul3A_1743 : i32 to vector<16xi32>
    %mul3A_1745 = arith.muli %iota3A, %mul3A_1744 : vector<16xi32>
    %add3A_1746 = arith.constant 8 : i32
    %add3A_1747 = vector.broadcast %add3A_1746 : i32 to vector<16xi32>
    %add3A_1748 = arith.addi %mul3A_1745, %add3A_1747 : vector<16xi32>
    %add3A_1749 = arith.constant 8 : i32
    %add3A_1750 = vector.broadcast %add3A_1749 : i32 to vector<16xi32>
    %add3A_1751 = arith.addi %mul3A_1670, %add3A_1750 : vector<16xi32>
    tpu.vector_store_idx %arg14[%add3A_1748], %add3A_1751 : memref<1360xi32, #tpu.memory_space<vmem>>[vector<16xi32>], vector<16xi32>,
    %mul3A_1752 = arith.constant 85 : i32
    %mul3A_1753 = vector.broadcast %mul3A_1752 : i32 to vector<16xi32>
    %mul3A_1754 = arith.muli %iota3A, %mul3A_1753 : vector<16xi32>
    %add3A_1755 = arith.constant 9 : i32
    %add3A_1756 = vector.broadcast %add3A_1755 : i32 to vector<16xi32>
    %add3A_1757 = arith.addi %mul3A_1754, %add3A_1756 : vector<16xi32>
    %add3A_1758 = arith.constant 9 : i32
    %add3A_1759 = vector.broadcast %add3A_1758 : i32 to vector<16xi32>
    %add3A_1760 = arith.addi %mul3A_1670, %add3A_1759 : vector<16xi32>
    tpu.vector_store_idx %arg14[%add3A_1757], %add3A_1760 : memref<1360xi32, #tpu.memory_space<vmem>>[vector<16xi32>], vector<16xi32>,
    %mul3A_1761 = arith.constant 85 : i32
    %mul3A_1762 = vector.broadcast %mul3A_1761 : i32 to vector<16xi32>
    %mul3A_1763 = arith.muli %iota3A, %mul3A_1762 : vector<16xi32>
    %add3A_1764 = arith.constant 10 : i32
    %add3A_1765 = vector.broadcast %add3A_1764 : i32 to vector<16xi32>
    %add3A_1766 = arith.addi %mul3A_1763, %add3A_1765 : vector<16xi32>
    %add3A_1767 = arith.constant 10 : i32
    %add3A_1768 = vector.broadcast %add3A_1767 : i32 to vector<16xi32>
    %add3A_1769 = arith.addi %mul3A_1670, %add3A_1768 : vector<16xi32>
    tpu.vector_store_idx %arg14[%add3A_1766], %add3A_1769 : memref<1360xi32, #tpu.memory_space<vmem>>[vector<16xi32>], vector<16xi32>,
    %mul3A_1770 = arith.constant 85 : i32
    %mul3A_1771 = vector.broadcast %mul3A_1770 : i32 to vector<16xi32>
    %mul3A_1772 = arith.muli %iota3A, %mul3A_1771 : vector<16xi32>
    %add3A_1773 = arith.constant 11 : i32
    %add3A_1774 = vector.broadcast %add3A_1773 : i32 to vector<16xi32>
    %add3A_1775 = arith.addi %mul3A_1772, %add3A_1774 : vector<16xi32>
    %add3A_1776 = arith.constant 11 : i32
    %add3A_1777 = vector.broadcast %add3A_1776 : i32 to vector<16xi32>
    %add3A_1778 = arith.addi %mul3A_1670, %add3A_1777 : vector<16xi32>
    tpu.vector_store_idx %arg14[%add3A_1775], %add3A_1778 : memref<1360xi32, #tpu.memory_space<vmem>>[vector<16xi32>], vector<16xi32>,
    %mul3A_1779 = arith.constant 85 : i32
    %mul3A_1780 = vector.broadcast %mul3A_1779 : i32 to vector<16xi32>
    %mul3A_1781 = arith.muli %iota3A, %mul3A_1780 : vector<16xi32>
    %add3A_1782 = arith.constant 12 : i32
    %add3A_1783 = vector.broadcast %add3A_1782 : i32 to vector<16xi32>
    %add3A_1784 = arith.addi %mul3A_1781, %add3A_1783 : vector<16xi32>
    %add3A_1785 = arith.constant 12 : i32
    %add3A_1786 = vector.broadcast %add3A_1785 : i32 to vector<16xi32>
    %add3A_1787 = arith.addi %mul3A_1670, %add3A_1786 : vector<16xi32>
    tpu.vector_store_idx %arg14[%add3A_1784], %add3A_1787 : memref<1360xi32, #tpu.memory_space<vmem>>[vector<16xi32>], vector<16xi32>,
    %mul3A_1788 = arith.constant 85 : i32
    %mul3A_1789 = vector.broadcast %mul3A_1788 : i32 to vector<16xi32>
    %mul3A_1790 = arith.muli %iota3A, %mul3A_1789 : vector<16xi32>
    %add3A_1791 = arith.constant 13 : i32
    %add3A_1792 = vector.broadcast %add3A_1791 : i32 to vector<16xi32>
    %add3A_1793 = arith.addi %mul3A_1790, %add3A_1792 : vector<16xi32>
    %add3A_1794 = arith.constant 13 : i32
    %add3A_1795 = vector.broadcast %add3A_1794 : i32 to vector<16xi32>
    %add3A_1796 = arith.addi %mul3A_1670, %add3A_1795 : vector<16xi32>
    tpu.vector_store_idx %arg14[%add3A_1793], %add3A_1796 : memref<1360xi32, #tpu.memory_space<vmem>>[vector<16xi32>], vector<16xi32>,
    %mul3A_1797 = arith.constant 85 : i32
    %mul3A_1798 = vector.broadcast %mul3A_1797 : i32 to vector<16xi32>
    %mul3A_1799 = arith.muli %iota3A, %mul3A_1798 : vector<16xi32>
    %add3A_1800 = arith.constant 14 : i32
    %add3A_1801 = vector.broadcast %add3A_1800 : i32 to vector<16xi32>
    %add3A_1802 = arith.addi %mul3A_1799, %add3A_1801 : vector<16xi32>
    %add3A_1803 = arith.constant 14 : i32
    %add3A_1804 = vector.broadcast %add3A_1803 : i32 to vector<16xi32>
    %add3A_1805 = arith.addi %mul3A_1670, %add3A_1804 : vector<16xi32>
    tpu.vector_store_idx %arg14[%add3A_1802], %add3A_1805 : memref<1360xi32, #tpu.memory_space<vmem>>[vector<16xi32>], vector<16xi32>,
    %mul3A_1806 = arith.constant 85 : i32
    %mul3A_1807 = vector.broadcast %mul3A_1806 : i32 to vector<16xi32>
    %mul3A_1808 = arith.muli %iota3A, %mul3A_1807 : vector<16xi32>
    %add3A_1809 = arith.constant 15 : i32
    %add3A_1810 = vector.broadcast %add3A_1809 : i32 to vector<16xi32>
    %add3A_1811 = arith.addi %mul3A_1808, %add3A_1810 : vector<16xi32>
    %add3A_1812 = arith.constant 15 : i32
    %add3A_1813 = vector.broadcast %add3A_1812 : i32 to vector<16xi32>
    %add3A_1814 = arith.addi %mul3A_1670, %add3A_1813 : vector<16xi32>
    tpu.vector_store_idx %arg14[%add3A_1811], %add3A_1814 : memref<1360xi32, #tpu.memory_space<vmem>>[vector<16xi32>], vector<16xi32>,
    %mul3A_1815 = arith.constant 85 : i32
    %mul3A_1816 = vector.broadcast %mul3A_1815 : i32 to vector<16xi32>
    %mul3A_1817 = arith.muli %iota3A, %mul3A_1816 : vector<16xi32>
    %add3A_1818 = arith.constant 16 : i32
    %add3A_1819 = vector.broadcast %add3A_1818 : i32 to vector<16xi32>
    %add3A_1820 = arith.addi %mul3A_1817, %add3A_1819 : vector<16xi32>
    %add3A_1821 = arith.constant 16 : i32
    %add3A_1822 = vector.broadcast %add3A_1821 : i32 to vector<16xi32>
    %add3A_1823 = arith.addi %mul3A_1670, %add3A_1822 : vector<16xi32>
    tpu.vector_store_idx %arg14[%add3A_1820], %add3A_1823 : memref<1360xi32, #tpu.memory_space<vmem>>[vector<16xi32>], vector<16xi32>,
    %mul3A_1824 = arith.constant 85 : i32
    %mul3A_1825 = vector.broadcast %mul3A_1824 : i32 to vector<16xi32>
    %mul3A_1826 = arith.muli %iota3A, %mul3A_1825 : vector<16xi32>
    %add3A_1827 = arith.constant 17 : i32
    %add3A_1828 = vector.broadcast %add3A_1827 : i32 to vector<16xi32>
    %add3A_1829 = arith.addi %mul3A_1826, %add3A_1828 : vector<16xi32>
    %add3A_1830 = arith.constant 17 : i32
    %add3A_1831 = vector.broadcast %add3A_1830 : i32 to vector<16xi32>
    %add3A_1832 = arith.addi %mul3A_1670, %add3A_1831 : vector<16xi32>
    tpu.vector_store_idx %arg14[%add3A_1829], %add3A_1832 : memref<1360xi32, #tpu.memory_space<vmem>>[vector<16xi32>], vector<16xi32>,
    %mul3A_1833 = arith.constant 85 : i32
    %mul3A_1834 = vector.broadcast %mul3A_1833 : i32 to vector<16xi32>
    %mul3A_1835 = arith.muli %iota3A, %mul3A_1834 : vector<16xi32>
    %add3A_1836 = arith.constant 18 : i32
    %add3A_1837 = vector.broadcast %add3A_1836 : i32 to vector<16xi32>
    %add3A_1838 = arith.addi %mul3A_1835, %add3A_1837 : vector<16xi32>
    %add3A_1839 = arith.constant 18 : i32
    %add3A_1840 = vector.broadcast %add3A_1839 : i32 to vector<16xi32>
    %add3A_1841 = arith.addi %mul3A_1670, %add3A_1840 : vector<16xi32>
    tpu.vector_store_idx %arg14[%add3A_1838], %add3A_1841 : memref<1360xi32, #tpu.memory_space<vmem>>[vector<16xi32>], vector<16xi32>,
    %mul3A_1842 = arith.constant 85 : i32
    %mul3A_1843 = vector.broadcast %mul3A_1842 : i32 to vector<16xi32>
    %mul3A_1844 = arith.muli %iota3A, %mul3A_1843 : vector<16xi32>
    %add3A_1845 = arith.constant 19 : i32
    %add3A_1846 = vector.broadcast %add3A_1845 : i32 to vector<16xi32>
    %add3A_1847 = arith.addi %mul3A_1844, %add3A_1846 : vector<16xi32>
    %add3A_1848 = arith.constant 19 : i32
    %add3A_1849 = vector.broadcast %add3A_1848 : i32 to vector<16xi32>
    %add3A_1850 = arith.addi %mul3A_1670, %add3A_1849 : vector<16xi32>
    tpu.vector_store_idx %arg14[%add3A_1847], %add3A_1850 : memref<1360xi32, #tpu.memory_space<vmem>>[vector<16xi32>], vector<16xi32>,
    %mul3A_1851 = arith.constant 85 : i32
    %mul3A_1852 = vector.broadcast %mul3A_1851 : i32 to vector<16xi32>
    %mul3A_1853 = arith.muli %iota3A, %mul3A_1852 : vector<16xi32>
    %add3A_1854 = arith.constant 20 : i32
    %add3A_1855 = vector.broadcast %add3A_1854 : i32 to vector<16xi32>
    %add3A_1856 = arith.addi %mul3A_1853, %add3A_1855 : vector<16xi32>
    %add3A_1857 = arith.constant 20 : i32
    %add3A_1858 = vector.broadcast %add3A_1857 : i32 to vector<16xi32>
    %add3A_1859 = arith.addi %mul3A_1670, %add3A_1858 : vector<16xi32>
    tpu.vector_store_idx %arg14[%add3A_1856], %add3A_1859 : memref<1360xi32, #tpu.memory_space<vmem>>[vector<16xi32>], vector<16xi32>,
    %mul3A_1860 = arith.constant 85 : i32
    %mul3A_1861 = vector.broadcast %mul3A_1860 : i32 to vector<16xi32>
    %mul3A_1862 = arith.muli %iota3A, %mul3A_1861 : vector<16xi32>
    %add3A_1863 = arith.constant 21 : i32
    %add3A_1864 = vector.broadcast %add3A_1863 : i32 to vector<16xi32>
    %add3A_1865 = arith.addi %mul3A_1862, %add3A_1864 : vector<16xi32>
    %add3A_1866 = arith.constant 21 : i32
    %add3A_1867 = vector.broadcast %add3A_1866 : i32 to vector<16xi32>
    %add3A_1868 = arith.addi %mul3A_1670, %add3A_1867 : vector<16xi32>
    tpu.vector_store_idx %arg14[%add3A_1865], %add3A_1868 : memref<1360xi32, #tpu.memory_space<vmem>>[vector<16xi32>], vector<16xi32>,
    %mul3A_1869 = arith.constant 85 : i32
    %mul3A_1870 = vector.broadcast %mul3A_1869 : i32 to vector<16xi32>
    %mul3A_1871 = arith.muli %iota3A, %mul3A_1870 : vector<16xi32>
    %add3A_1872 = arith.constant 22 : i32
    %add3A_1873 = vector.broadcast %add3A_1872 : i32 to vector<16xi32>
    %add3A_1874 = arith.addi %mul3A_1871, %add3A_1873 : vector<16xi32>
    %add3A_1875 = arith.constant 22 : i32
    %add3A_1876 = vector.broadcast %add3A_1875 : i32 to vector<16xi32>
    %add3A_1877 = arith.addi %mul3A_1670, %add3A_1876 : vector<16xi32>
    tpu.vector_store_idx %arg14[%add3A_1874], %add3A_1877 : memref<1360xi32, #tpu.memory_space<vmem>>[vector<16xi32>], vector<16xi32>,
    %mul3A_1878 = arith.constant 85 : i32
    %mul3A_1879 = vector.broadcast %mul3A_1878 : i32 to vector<16xi32>
    %mul3A_1880 = arith.muli %iota3A, %mul3A_1879 : vector<16xi32>
    %add3A_1881 = arith.constant 23 : i32
    %add3A_1882 = vector.broadcast %add3A_1881 : i32 to vector<16xi32>
    %add3A_1883 = arith.addi %mul3A_1880, %add3A_1882 : vector<16xi32>
    %add3A_1884 = arith.constant 23 : i32
    %add3A_1885 = vector.broadcast %add3A_1884 : i32 to vector<16xi32>
    %add3A_1886 = arith.addi %mul3A_1670, %add3A_1885 : vector<16xi32>
    tpu.vector_store_idx %arg14[%add3A_1883], %add3A_1886 : memref<1360xi32, #tpu.memory_space<vmem>>[vector<16xi32>], vector<16xi32>,
    %mul3A_1887 = arith.constant 85 : i32
    %mul3A_1888 = vector.broadcast %mul3A_1887 : i32 to vector<16xi32>
    %mul3A_1889 = arith.muli %iota3A, %mul3A_1888 : vector<16xi32>
    %add3A_1890 = arith.constant 24 : i32
    %add3A_1891 = vector.broadcast %add3A_1890 : i32 to vector<16xi32>
    %add3A_1892 = arith.addi %mul3A_1889, %add3A_1891 : vector<16xi32>
    %add3A_1893 = arith.constant 24 : i32
    %add3A_1894 = vector.broadcast %add3A_1893 : i32 to vector<16xi32>
    %add3A_1895 = arith.addi %mul3A_1670, %add3A_1894 : vector<16xi32>
    tpu.vector_store_idx %arg14[%add3A_1892], %add3A_1895 : memref<1360xi32, #tpu.memory_space<vmem>>[vector<16xi32>], vector<16xi32>,
    %mul3A_1896 = arith.constant 85 : i32
    %mul3A_1897 = vector.broadcast %mul3A_1896 : i32 to vector<16xi32>
    %mul3A_1898 = arith.muli %iota3A, %mul3A_1897 : vector<16xi32>
    %add3A_1899 = arith.constant 25 : i32
    %add3A_1900 = vector.broadcast %add3A_1899 : i32 to vector<16xi32>
    %add3A_1901 = arith.addi %mul3A_1898, %add3A_1900 : vector<16xi32>
    %add3A_1902 = arith.constant 25 : i32
    %add3A_1903 = vector.broadcast %add3A_1902 : i32 to vector<16xi32>
    %add3A_1904 = arith.addi %mul3A_1670, %add3A_1903 : vector<16xi32>
    tpu.vector_store_idx %arg14[%add3A_1901], %add3A_1904 : memref<1360xi32, #tpu.memory_space<vmem>>[vector<16xi32>], vector<16xi32>,
    %mul3A_1905 = arith.constant 85 : i32
    %mul3A_1906 = vector.broadcast %mul3A_1905 : i32 to vector<16xi32>
    %mul3A_1907 = arith.muli %iota3A, %mul3A_1906 : vector<16xi32>
    %add3A_1908 = arith.constant 26 : i32
    %add3A_1909 = vector.broadcast %add3A_1908 : i32 to vector<16xi32>
    %add3A_1910 = arith.addi %mul3A_1907, %add3A_1909 : vector<16xi32>
    %add3A_1911 = arith.constant 26 : i32
    %add3A_1912 = vector.broadcast %add3A_1911 : i32 to vector<16xi32>
    %add3A_1913 = arith.addi %mul3A_1670, %add3A_1912 : vector<16xi32>
    tpu.vector_store_idx %arg14[%add3A_1910], %add3A_1913 : memref<1360xi32, #tpu.memory_space<vmem>>[vector<16xi32>], vector<16xi32>,
    %mul3A_1914 = arith.constant 85 : i32
    %mul3A_1915 = vector.broadcast %mul3A_1914 : i32 to vector<16xi32>
    %mul3A_1916 = arith.muli %iota3A, %mul3A_1915 : vector<16xi32>
    %add3A_1917 = arith.constant 27 : i32
    %add3A_1918 = vector.broadcast %add3A_1917 : i32 to vector<16xi32>
    %add3A_1919 = arith.addi %mul3A_1916, %add3A_1918 : vector<16xi32>
    %add3A_1920 = arith.constant 27 : i32
    %add3A_1921 = vector.broadcast %add3A_1920 : i32 to vector<16xi32>
    %add3A_1922 = arith.addi %mul3A_1670, %add3A_1921 : vector<16xi32>
    tpu.vector_store_idx %arg14[%add3A_1919], %add3A_1922 : memref<1360xi32, #tpu.memory_space<vmem>>[vector<16xi32>], vector<16xi32>,
    %mul3A_1923 = arith.constant 85 : i32
    %mul3A_1924 = vector.broadcast %mul3A_1923 : i32 to vector<16xi32>
    %mul3A_1925 = arith.muli %iota3A, %mul3A_1924 : vector<16xi32>
    %add3A_1926 = arith.constant 28 : i32
    %add3A_1927 = vector.broadcast %add3A_1926 : i32 to vector<16xi32>
    %add3A_1928 = arith.addi %mul3A_1925, %add3A_1927 : vector<16xi32>
    %add3A_1929 = arith.constant 28 : i32
    %add3A_1930 = vector.broadcast %add3A_1929 : i32 to vector<16xi32>
    %add3A_1931 = arith.addi %mul3A_1670, %add3A_1930 : vector<16xi32>
    tpu.vector_store_idx %arg14[%add3A_1928], %add3A_1931 : memref<1360xi32, #tpu.memory_space<vmem>>[vector<16xi32>], vector<16xi32>,
    %mul3A_1932 = arith.constant 85 : i32
    %mul3A_1933 = vector.broadcast %mul3A_1932 : i32 to vector<16xi32>
    %mul3A_1934 = arith.muli %iota3A, %mul3A_1933 : vector<16xi32>
    %add3A_1935 = arith.constant 29 : i32
    %add3A_1936 = vector.broadcast %add3A_1935 : i32 to vector<16xi32>
    %add3A_1937 = arith.addi %mul3A_1934, %add3A_1936 : vector<16xi32>
    %add3A_1938 = arith.constant 29 : i32
    %add3A_1939 = vector.broadcast %add3A_1938 : i32 to vector<16xi32>
    %add3A_1940 = arith.addi %mul3A_1670, %add3A_1939 : vector<16xi32>
    tpu.vector_store_idx %arg14[%add3A_1937], %add3A_1940 : memref<1360xi32, #tpu.memory_space<vmem>>[vector<16xi32>], vector<16xi32>,
    %mul3A_1941 = arith.constant 85 : i32
    %mul3A_1942 = vector.broadcast %mul3A_1941 : i32 to vector<16xi32>
    %mul3A_1943 = arith.muli %iota3A, %mul3A_1942 : vector<16xi32>
    %add3A_1944 = arith.constant 30 : i32
    %add3A_1945 = vector.broadcast %add3A_1944 : i32 to vector<16xi32>
    %add3A_1946 = arith.addi %mul3A_1943, %add3A_1945 : vector<16xi32>
    %add3A_1947 = arith.constant 30 : i32
    %add3A_1948 = vector.broadcast %add3A_1947 : i32 to vector<16xi32>
    %add3A_1949 = arith.addi %mul3A_1670, %add3A_1948 : vector<16xi32>
    tpu.vector_store_idx %arg14[%add3A_1946], %add3A_1949 : memref<1360xi32, #tpu.memory_space<vmem>>[vector<16xi32>], vector<16xi32>,
    %mul3A_1950 = arith.constant 85 : i32
    %mul3A_1951 = vector.broadcast %mul3A_1950 : i32 to vector<16xi32>
    %mul3A_1952 = arith.muli %iota3A, %mul3A_1951 : vector<16xi32>
    %add3A_1953 = arith.constant 31 : i32
    %add3A_1954 = vector.broadcast %add3A_1953 : i32 to vector<16xi32>
    %add3A_1955 = arith.addi %mul3A_1952, %add3A_1954 : vector<16xi32>
    %add3A_1956 = arith.constant 31 : i32
    %add3A_1957 = vector.broadcast %add3A_1956 : i32 to vector<16xi32>
    %add3A_1958 = arith.addi %mul3A_1670, %add3A_1957 : vector<16xi32>
    tpu.vector_store_idx %arg14[%add3A_1955], %add3A_1958 : memref<1360xi32, #tpu.memory_space<vmem>>[vector<16xi32>], vector<16xi32>,
    %mul3A_1959 = arith.constant 85 : i32
    %mul3A_1960 = vector.broadcast %mul3A_1959 : i32 to vector<16xi32>
    %mul3A_1961 = arith.muli %iota3A, %mul3A_1960 : vector<16xi32>
    %add3A_1962 = arith.constant 32 : i32
    %add3A_1963 = vector.broadcast %add3A_1962 : i32 to vector<16xi32>
    %add3A_1964 = arith.addi %mul3A_1961, %add3A_1963 : vector<16xi32>
    %add3A_1965 = arith.constant 32 : i32
    %add3A_1966 = vector.broadcast %add3A_1965 : i32 to vector<16xi32>
    %add3A_1967 = arith.addi %mul3A_1670, %add3A_1966 : vector<16xi32>
    tpu.vector_store_idx %arg14[%add3A_1964], %add3A_1967 : memref<1360xi32, #tpu.memory_space<vmem>>[vector<16xi32>], vector<16xi32>,
    %mul3A_1968 = arith.constant 85 : i32
    %mul3A_1969 = vector.broadcast %mul3A_1968 : i32 to vector<16xi32>
    %mul3A_1970 = arith.muli %iota3A, %mul3A_1969 : vector<16xi32>
    %add3A_1971 = arith.constant 33 : i32
    %add3A_1972 = vector.broadcast %add3A_1971 : i32 to vector<16xi32>
    %add3A_1973 = arith.addi %mul3A_1970, %add3A_1972 : vector<16xi32>
    %add3A_1974 = arith.constant 33 : i32
    %add3A_1975 = vector.broadcast %add3A_1974 : i32 to vector<16xi32>
    %add3A_1976 = arith.addi %mul3A_1670, %add3A_1975 : vector<16xi32>
    tpu.vector_store_idx %arg14[%add3A_1973], %add3A_1976 : memref<1360xi32, #tpu.memory_space<vmem>>[vector<16xi32>], vector<16xi32>,
    %mul3A_1977 = arith.constant 85 : i32
    %mul3A_1978 = vector.broadcast %mul3A_1977 : i32 to vector<16xi32>
    %mul3A_1979 = arith.muli %iota3A, %mul3A_1978 : vector<16xi32>
    %add3A_1980 = arith.constant 34 : i32
    %add3A_1981 = vector.broadcast %add3A_1980 : i32 to vector<16xi32>
    %add3A_1982 = arith.addi %mul3A_1979, %add3A_1981 : vector<16xi32>
    %add3A_1983 = arith.constant 34 : i32
    %add3A_1984 = vector.broadcast %add3A_1983 : i32 to vector<16xi32>
    %add3A_1985 = arith.addi %mul3A_1670, %add3A_1984 : vector<16xi32>
    tpu.vector_store_idx %arg14[%add3A_1982], %add3A_1985 : memref<1360xi32, #tpu.memory_space<vmem>>[vector<16xi32>], vector<16xi32>,
    %mul3A_1986 = arith.constant 85 : i32
    %mul3A_1987 = vector.broadcast %mul3A_1986 : i32 to vector<16xi32>
    %mul3A_1988 = arith.muli %iota3A, %mul3A_1987 : vector<16xi32>
    %add3A_1989 = arith.constant 35 : i32
    %add3A_1990 = vector.broadcast %add3A_1989 : i32 to vector<16xi32>
    %add3A_1991 = arith.addi %mul3A_1988, %add3A_1990 : vector<16xi32>
    %add3A_1992 = arith.constant 35 : i32
    %add3A_1993 = vector.broadcast %add3A_1992 : i32 to vector<16xi32>
    %add3A_1994 = arith.addi %mul3A_1670, %add3A_1993 : vector<16xi32>
    tpu.vector_store_idx %arg14[%add3A_1991], %add3A_1994 : memref<1360xi32, #tpu.memory_space<vmem>>[vector<16xi32>], vector<16xi32>,
    %mul3A_1995 = arith.constant 85 : i32
    %mul3A_1996 = vector.broadcast %mul3A_1995 : i32 to vector<16xi32>
    %mul3A_1997 = arith.muli %iota3A, %mul3A_1996 : vector<16xi32>
    %add3A_1998 = arith.constant 36 : i32
    %add3A_1999 = vector.broadcast %add3A_1998 : i32 to vector<16xi32>
    %add3A_2000 = arith.addi %mul3A_1997, %add3A_1999 : vector<16xi32>
    %add3A_2001 = arith.constant 36 : i32
    %add3A_2002 = vector.broadcast %add3A_2001 : i32 to vector<16xi32>
    %add3A_2003 = arith.addi %mul3A_1670, %add3A_2002 : vector<16xi32>
    tpu.vector_store_idx %arg14[%add3A_2000], %add3A_2003 : memref<1360xi32, #tpu.memory_space<vmem>>[vector<16xi32>], vector<16xi32>,
    %mul3A_2004 = arith.constant 85 : i32
    %mul3A_2005 = vector.broadcast %mul3A_2004 : i32 to vector<16xi32>
    %mul3A_2006 = arith.muli %iota3A, %mul3A_2005 : vector<16xi32>
    %add3A_2007 = arith.constant 37 : i32
    %add3A_2008 = vector.broadcast %add3A_2007 : i32 to vector<16xi32>
    %add3A_2009 = arith.addi %mul3A_2006, %add3A_2008 : vector<16xi32>
    %add3A_2010 = arith.constant 37 : i32
    %add3A_2011 = vector.broadcast %add3A_2010 : i32 to vector<16xi32>
    %add3A_2012 = arith.addi %mul3A_1670, %add3A_2011 : vector<16xi32>
    tpu.vector_store_idx %arg14[%add3A_2009], %add3A_2012 : memref<1360xi32, #tpu.memory_space<vmem>>[vector<16xi32>], vector<16xi32>,
    %mul3A_2013 = arith.constant 85 : i32
    %mul3A_2014 = vector.broadcast %mul3A_2013 : i32 to vector<16xi32>
    %mul3A_2015 = arith.muli %iota3A, %mul3A_2014 : vector<16xi32>
    %add3A_2016 = arith.constant 38 : i32
    %add3A_2017 = vector.broadcast %add3A_2016 : i32 to vector<16xi32>
    %add3A_2018 = arith.addi %mul3A_2015, %add3A_2017 : vector<16xi32>
    %add3A_2019 = arith.constant 38 : i32
    %add3A_2020 = vector.broadcast %add3A_2019 : i32 to vector<16xi32>
    %add3A_2021 = arith.addi %mul3A_1670, %add3A_2020 : vector<16xi32>
    tpu.vector_store_idx %arg14[%add3A_2018], %add3A_2021 : memref<1360xi32, #tpu.memory_space<vmem>>[vector<16xi32>], vector<16xi32>,
    %mul3A_2022 = arith.constant 85 : i32
    %mul3A_2023 = vector.broadcast %mul3A_2022 : i32 to vector<16xi32>
    %mul3A_2024 = arith.muli %iota3A, %mul3A_2023 : vector<16xi32>
    %add3A_2025 = arith.constant 39 : i32
    %add3A_2026 = vector.broadcast %add3A_2025 : i32 to vector<16xi32>
    %add3A_2027 = arith.addi %mul3A_2024, %add3A_2026 : vector<16xi32>
    %add3A_2028 = arith.constant 39 : i32
    %add3A_2029 = vector.broadcast %add3A_2028 : i32 to vector<16xi32>
    %add3A_2030 = arith.addi %mul3A_1670, %add3A_2029 : vector<16xi32>
    tpu.vector_store_idx %arg14[%add3A_2027], %add3A_2030 : memref<1360xi32, #tpu.memory_space<vmem>>[vector<16xi32>], vector<16xi32>,
    %mul3A_2031 = arith.constant 85 : i32
    %mul3A_2032 = vector.broadcast %mul3A_2031 : i32 to vector<16xi32>
    %mul3A_2033 = arith.muli %iota3A, %mul3A_2032 : vector<16xi32>
    %add3A_2034 = arith.constant 40 : i32
    %add3A_2035 = vector.broadcast %add3A_2034 : i32 to vector<16xi32>
    %add3A_2036 = arith.addi %mul3A_2033, %add3A_2035 : vector<16xi32>
    %add3A_2037 = arith.constant 40 : i32
    %add3A_2038 = vector.broadcast %add3A_2037 : i32 to vector<16xi32>
    %add3A_2039 = arith.addi %mul3A_1670, %add3A_2038 : vector<16xi32>
    tpu.vector_store_idx %arg14[%add3A_2036], %add3A_2039 : memref<1360xi32, #tpu.memory_space<vmem>>[vector<16xi32>], vector<16xi32>,
    %mul3A_2040 = arith.constant 85 : i32
    %mul3A_2041 = vector.broadcast %mul3A_2040 : i32 to vector<16xi32>
    %mul3A_2042 = arith.muli %iota3A, %mul3A_2041 : vector<16xi32>
    %add3A_2043 = arith.constant 41 : i32
    %add3A_2044 = vector.broadcast %add3A_2043 : i32 to vector<16xi32>
    %add3A_2045 = arith.addi %mul3A_2042, %add3A_2044 : vector<16xi32>
    %add3A_2046 = arith.constant 41 : i32
    %add3A_2047 = vector.broadcast %add3A_2046 : i32 to vector<16xi32>
    %add3A_2048 = arith.addi %mul3A_1670, %add3A_2047 : vector<16xi32>
    tpu.vector_store_idx %arg14[%add3A_2045], %add3A_2048 : memref<1360xi32, #tpu.memory_space<vmem>>[vector<16xi32>], vector<16xi32>,
    %mul3A_2049 = arith.constant 85 : i32
    %mul3A_2050 = vector.broadcast %mul3A_2049 : i32 to vector<16xi32>
    %mul3A_2051 = arith.muli %iota3A, %mul3A_2050 : vector<16xi32>
    %add3A_2052 = arith.constant 42 : i32
    %add3A_2053 = vector.broadcast %add3A_2052 : i32 to vector<16xi32>
    %add3A_2054 = arith.addi %mul3A_2051, %add3A_2053 : vector<16xi32>
    %add3A_2055 = arith.constant 42 : i32
    %add3A_2056 = vector.broadcast %add3A_2055 : i32 to vector<16xi32>
    %add3A_2057 = arith.addi %mul3A_1670, %add3A_2056 : vector<16xi32>
    tpu.vector_store_idx %arg14[%add3A_2054], %add3A_2057 : memref<1360xi32, #tpu.memory_space<vmem>>[vector<16xi32>], vector<16xi32>,
    %mul3A_2058 = arith.constant 85 : i32
    %mul3A_2059 = vector.broadcast %mul3A_2058 : i32 to vector<16xi32>
    %mul3A_2060 = arith.muli %iota3A, %mul3A_2059 : vector<16xi32>
    %add3A_2061 = arith.constant 43 : i32
    %add3A_2062 = vector.broadcast %add3A_2061 : i32 to vector<16xi32>
    %add3A_2063 = arith.addi %mul3A_2060, %add3A_2062 : vector<16xi32>
    %add3A_2064 = arith.constant 43 : i32
    %add3A_2065 = vector.broadcast %add3A_2064 : i32 to vector<16xi32>
    %add3A_2066 = arith.addi %mul3A_1670, %add3A_2065 : vector<16xi32>
    tpu.vector_store_idx %arg14[%add3A_2063], %add3A_2066 : memref<1360xi32, #tpu.memory_space<vmem>>[vector<16xi32>], vector<16xi32>,
    %mul3A_2067 = arith.constant 85 : i32
    %mul3A_2068 = vector.broadcast %mul3A_2067 : i32 to vector<16xi32>
    %mul3A_2069 = arith.muli %iota3A, %mul3A_2068 : vector<16xi32>
    %add3A_2070 = arith.constant 44 : i32
    %add3A_2071 = vector.broadcast %add3A_2070 : i32 to vector<16xi32>
    %add3A_2072 = arith.addi %mul3A_2069, %add3A_2071 : vector<16xi32>
    %add3A_2073 = arith.constant 44 : i32
    %add3A_2074 = vector.broadcast %add3A_2073 : i32 to vector<16xi32>
    %add3A_2075 = arith.addi %mul3A_1670, %add3A_2074 : vector<16xi32>
    tpu.vector_store_idx %arg14[%add3A_2072], %add3A_2075 : memref<1360xi32, #tpu.memory_space<vmem>>[vector<16xi32>], vector<16xi32>,
    %mul3A_2076 = arith.constant 85 : i32
    %mul3A_2077 = vector.broadcast %mul3A_2076 : i32 to vector<16xi32>
    %mul3A_2078 = arith.muli %iota3A, %mul3A_2077 : vector<16xi32>
    %add3A_2079 = arith.constant 45 : i32
    %add3A_2080 = vector.broadcast %add3A_2079 : i32 to vector<16xi32>
    %add3A_2081 = arith.addi %mul3A_2078, %add3A_2080 : vector<16xi32>
    %add3A_2082 = arith.constant 45 : i32
    %add3A_2083 = vector.broadcast %add3A_2082 : i32 to vector<16xi32>
    %add3A_2084 = arith.addi %mul3A_1670, %add3A_2083 : vector<16xi32>
    tpu.vector_store_idx %arg14[%add3A_2081], %add3A_2084 : memref<1360xi32, #tpu.memory_space<vmem>>[vector<16xi32>], vector<16xi32>,
    %mul3A_2085 = arith.constant 85 : i32
    %mul3A_2086 = vector.broadcast %mul3A_2085 : i32 to vector<16xi32>
    %mul3A_2087 = arith.muli %iota3A, %mul3A_2086 : vector<16xi32>
    %add3A_2088 = arith.constant 46 : i32
    %add3A_2089 = vector.broadcast %add3A_2088 : i32 to vector<16xi32>
    %add3A_2090 = arith.addi %mul3A_2087, %add3A_2089 : vector<16xi32>
    %add3A_2091 = arith.constant 46 : i32
    %add3A_2092 = vector.broadcast %add3A_2091 : i32 to vector<16xi32>
    %add3A_2093 = arith.addi %mul3A_1670, %add3A_2092 : vector<16xi32>
    tpu.vector_store_idx %arg14[%add3A_2090], %add3A_2093 : memref<1360xi32, #tpu.memory_space<vmem>>[vector<16xi32>], vector<16xi32>,
    %mul3A_2094 = arith.constant 85 : i32
    %mul3A_2095 = vector.broadcast %mul3A_2094 : i32 to vector<16xi32>
    %mul3A_2096 = arith.muli %iota3A, %mul3A_2095 : vector<16xi32>
    %add3A_2097 = arith.constant 47 : i32
    %add3A_2098 = vector.broadcast %add3A_2097 : i32 to vector<16xi32>
    %add3A_2099 = arith.addi %mul3A_2096, %add3A_2098 : vector<16xi32>
    %add3A_2100 = arith.constant 47 : i32
    %add3A_2101 = vector.broadcast %add3A_2100 : i32 to vector<16xi32>
    %add3A_2102 = arith.addi %mul3A_1670, %add3A_2101 : vector<16xi32>
    tpu.vector_store_idx %arg14[%add3A_2099], %add3A_2102 : memref<1360xi32, #tpu.memory_space<vmem>>[vector<16xi32>], vector<16xi32>,
    %mul3A_2103 = arith.constant 85 : i32
    %mul3A_2104 = vector.broadcast %mul3A_2103 : i32 to vector<16xi32>
    %mul3A_2105 = arith.muli %iota3A, %mul3A_2104 : vector<16xi32>
    %add3A_2106 = arith.constant 48 : i32
    %add3A_2107 = vector.broadcast %add3A_2106 : i32 to vector<16xi32>
    %add3A_2108 = arith.addi %mul3A_2105, %add3A_2107 : vector<16xi32>
    %add3A_2109 = arith.constant 48 : i32
    %add3A_2110 = vector.broadcast %add3A_2109 : i32 to vector<16xi32>
    %add3A_2111 = arith.addi %mul3A_1670, %add3A_2110 : vector<16xi32>
    tpu.vector_store_idx %arg14[%add3A_2108], %add3A_2111 : memref<1360xi32, #tpu.memory_space<vmem>>[vector<16xi32>], vector<16xi32>,
    %mul3A_2112 = arith.constant 85 : i32
    %mul3A_2113 = vector.broadcast %mul3A_2112 : i32 to vector<16xi32>
    %mul3A_2114 = arith.muli %iota3A, %mul3A_2113 : vector<16xi32>
    %add3A_2115 = arith.constant 49 : i32
    %add3A_2116 = vector.broadcast %add3A_2115 : i32 to vector<16xi32>
    %add3A_2117 = arith.addi %mul3A_2114, %add3A_2116 : vector<16xi32>
    %add3A_2118 = arith.constant 49 : i32
    %add3A_2119 = vector.broadcast %add3A_2118 : i32 to vector<16xi32>
    %add3A_2120 = arith.addi %mul3A_1670, %add3A_2119 : vector<16xi32>
    tpu.vector_store_idx %arg14[%add3A_2117], %add3A_2120 : memref<1360xi32, #tpu.memory_space<vmem>>[vector<16xi32>], vector<16xi32>,
    %mul3A_2121 = arith.constant 85 : i32
    %mul3A_2122 = vector.broadcast %mul3A_2121 : i32 to vector<16xi32>
    %mul3A_2123 = arith.muli %iota3A, %mul3A_2122 : vector<16xi32>
    %add3A_2124 = arith.constant 50 : i32
    %add3A_2125 = vector.broadcast %add3A_2124 : i32 to vector<16xi32>
    %add3A_2126 = arith.addi %mul3A_2123, %add3A_2125 : vector<16xi32>
    %add3A_2127 = arith.constant 50 : i32
    %add3A_2128 = vector.broadcast %add3A_2127 : i32 to vector<16xi32>
    %add3A_2129 = arith.addi %mul3A_1670, %add3A_2128 : vector<16xi32>
    tpu.vector_store_idx %arg14[%add3A_2126], %add3A_2129 : memref<1360xi32, #tpu.memory_space<vmem>>[vector<16xi32>], vector<16xi32>,
    %mul3A_2130 = arith.constant 85 : i32
    %mul3A_2131 = vector.broadcast %mul3A_2130 : i32 to vector<16xi32>
    %mul3A_2132 = arith.muli %iota3A, %mul3A_2131 : vector<16xi32>
    %add3A_2133 = arith.constant 51 : i32
    %add3A_2134 = vector.broadcast %add3A_2133 : i32 to vector<16xi32>
    %add3A_2135 = arith.addi %mul3A_2132, %add3A_2134 : vector<16xi32>
    %add3A_2136 = arith.constant 51 : i32
    %add3A_2137 = vector.broadcast %add3A_2136 : i32 to vector<16xi32>
    %add3A_2138 = arith.addi %mul3A_1670, %add3A_2137 : vector<16xi32>
    tpu.vector_store_idx %arg14[%add3A_2135], %add3A_2138 : memref<1360xi32, #tpu.memory_space<vmem>>[vector<16xi32>], vector<16xi32>,
    %mul3A_2139 = arith.constant 85 : i32
    %mul3A_2140 = vector.broadcast %mul3A_2139 : i32 to vector<16xi32>
    %mul3A_2141 = arith.muli %iota3A, %mul3A_2140 : vector<16xi32>
    %add3A_2142 = arith.constant 52 : i32
    %add3A_2143 = vector.broadcast %add3A_2142 : i32 to vector<16xi32>
    %add3A_2144 = arith.addi %mul3A_2141, %add3A_2143 : vector<16xi32>
    %add3A_2145 = arith.constant 52 : i32
    %add3A_2146 = vector.broadcast %add3A_2145 : i32 to vector<16xi32>
    %add3A_2147 = arith.addi %mul3A_1670, %add3A_2146 : vector<16xi32>
    tpu.vector_store_idx %arg14[%add3A_2144], %add3A_2147 : memref<1360xi32, #tpu.memory_space<vmem>>[vector<16xi32>], vector<16xi32>,
    %mul3A_2148 = arith.constant 85 : i32
    %mul3A_2149 = vector.broadcast %mul3A_2148 : i32 to vector<16xi32>
    %mul3A_2150 = arith.muli %iota3A, %mul3A_2149 : vector<16xi32>
    %add3A_2151 = arith.constant 53 : i32
    %add3A_2152 = vector.broadcast %add3A_2151 : i32 to vector<16xi32>
    %add3A_2153 = arith.addi %mul3A_2150, %add3A_2152 : vector<16xi32>
    %add3A_2154 = arith.constant 53 : i32
    %add3A_2155 = vector.broadcast %add3A_2154 : i32 to vector<16xi32>
    %add3A_2156 = arith.addi %mul3A_1670, %add3A_2155 : vector<16xi32>
    tpu.vector_store_idx %arg14[%add3A_2153], %add3A_2156 : memref<1360xi32, #tpu.memory_space<vmem>>[vector<16xi32>], vector<16xi32>,
    %mul3A_2157 = arith.constant 85 : i32
    %mul3A_2158 = vector.broadcast %mul3A_2157 : i32 to vector<16xi32>
    %mul3A_2159 = arith.muli %iota3A, %mul3A_2158 : vector<16xi32>
    %add3A_2160 = arith.constant 54 : i32
    %add3A_2161 = vector.broadcast %add3A_2160 : i32 to vector<16xi32>
    %add3A_2162 = arith.addi %mul3A_2159, %add3A_2161 : vector<16xi32>
    %add3A_2163 = arith.constant 54 : i32
    %add3A_2164 = vector.broadcast %add3A_2163 : i32 to vector<16xi32>
    %add3A_2165 = arith.addi %mul3A_1670, %add3A_2164 : vector<16xi32>
    tpu.vector_store_idx %arg14[%add3A_2162], %add3A_2165 : memref<1360xi32, #tpu.memory_space<vmem>>[vector<16xi32>], vector<16xi32>,
    %mul3A_2166 = arith.constant 85 : i32
    %mul3A_2167 = vector.broadcast %mul3A_2166 : i32 to vector<16xi32>
    %mul3A_2168 = arith.muli %iota3A, %mul3A_2167 : vector<16xi32>
    %add3A_2169 = arith.constant 55 : i32
    %add3A_2170 = vector.broadcast %add3A_2169 : i32 to vector<16xi32>
    %add3A_2171 = arith.addi %mul3A_2168, %add3A_2170 : vector<16xi32>
    %add3A_2172 = arith.constant 55 : i32
    %add3A_2173 = vector.broadcast %add3A_2172 : i32 to vector<16xi32>
    %add3A_2174 = arith.addi %mul3A_1670, %add3A_2173 : vector<16xi32>
    tpu.vector_store_idx %arg14[%add3A_2171], %add3A_2174 : memref<1360xi32, #tpu.memory_space<vmem>>[vector<16xi32>], vector<16xi32>,
    %mul3A_2175 = arith.constant 85 : i32
    %mul3A_2176 = vector.broadcast %mul3A_2175 : i32 to vector<16xi32>
    %mul3A_2177 = arith.muli %iota3A, %mul3A_2176 : vector<16xi32>
    %add3A_2178 = arith.constant 56 : i32
    %add3A_2179 = vector.broadcast %add3A_2178 : i32 to vector<16xi32>
    %add3A_2180 = arith.addi %mul3A_2177, %add3A_2179 : vector<16xi32>
    %add3A_2181 = arith.constant 56 : i32
    %add3A_2182 = vector.broadcast %add3A_2181 : i32 to vector<16xi32>
    %add3A_2183 = arith.addi %mul3A_1670, %add3A_2182 : vector<16xi32>
    tpu.vector_store_idx %arg14[%add3A_2180], %add3A_2183 : memref<1360xi32, #tpu.memory_space<vmem>>[vector<16xi32>], vector<16xi32>,
    %mul3A_2184 = arith.constant 85 : i32
    %mul3A_2185 = vector.broadcast %mul3A_2184 : i32 to vector<16xi32>
    %mul3A_2186 = arith.muli %iota3A, %mul3A_2185 : vector<16xi32>
    %add3A_2187 = arith.constant 57 : i32
    %add3A_2188 = vector.broadcast %add3A_2187 : i32 to vector<16xi32>
    %add3A_2189 = arith.addi %mul3A_2186, %add3A_2188 : vector<16xi32>
    %add3A_2190 = arith.constant 57 : i32
    %add3A_2191 = vector.broadcast %add3A_2190 : i32 to vector<16xi32>
    %add3A_2192 = arith.addi %mul3A_1670, %add3A_2191 : vector<16xi32>
    tpu.vector_store_idx %arg14[%add3A_2189], %add3A_2192 : memref<1360xi32, #tpu.memory_space<vmem>>[vector<16xi32>], vector<16xi32>,
    %mul3A_2193 = arith.constant 85 : i32
    %mul3A_2194 = vector.broadcast %mul3A_2193 : i32 to vector<16xi32>
    %mul3A_2195 = arith.muli %iota3A, %mul3A_2194 : vector<16xi32>
    %add3A_2196 = arith.constant 58 : i32
    %add3A_2197 = vector.broadcast %add3A_2196 : i32 to vector<16xi32>
    %add3A_2198 = arith.addi %mul3A_2195, %add3A_2197 : vector<16xi32>
    %add3A_2199 = arith.constant 58 : i32
    %add3A_2200 = vector.broadcast %add3A_2199 : i32 to vector<16xi32>
    %add3A_2201 = arith.addi %mul3A_1670, %add3A_2200 : vector<16xi32>
    tpu.vector_store_idx %arg14[%add3A_2198], %add3A_2201 : memref<1360xi32, #tpu.memory_space<vmem>>[vector<16xi32>], vector<16xi32>,
    %mul3A_2202 = arith.constant 85 : i32
    %mul3A_2203 = vector.broadcast %mul3A_2202 : i32 to vector<16xi32>
    %mul3A_2204 = arith.muli %iota3A, %mul3A_2203 : vector<16xi32>
    %add3A_2205 = arith.constant 59 : i32
    %add3A_2206 = vector.broadcast %add3A_2205 : i32 to vector<16xi32>
    %add3A_2207 = arith.addi %mul3A_2204, %add3A_2206 : vector<16xi32>
    %add3A_2208 = arith.constant 59 : i32
    %add3A_2209 = vector.broadcast %add3A_2208 : i32 to vector<16xi32>
    %add3A_2210 = arith.addi %mul3A_1670, %add3A_2209 : vector<16xi32>
    tpu.vector_store_idx %arg14[%add3A_2207], %add3A_2210 : memref<1360xi32, #tpu.memory_space<vmem>>[vector<16xi32>], vector<16xi32>,
    %mul3A_2211 = arith.constant 85 : i32
    %mul3A_2212 = vector.broadcast %mul3A_2211 : i32 to vector<16xi32>
    %mul3A_2213 = arith.muli %iota3A, %mul3A_2212 : vector<16xi32>
    %add3A_2214 = arith.constant 60 : i32
    %add3A_2215 = vector.broadcast %add3A_2214 : i32 to vector<16xi32>
    %add3A_2216 = arith.addi %mul3A_2213, %add3A_2215 : vector<16xi32>
    %add3A_2217 = arith.constant 60 : i32
    %add3A_2218 = vector.broadcast %add3A_2217 : i32 to vector<16xi32>
    %add3A_2219 = arith.addi %mul3A_1670, %add3A_2218 : vector<16xi32>
    tpu.vector_store_idx %arg14[%add3A_2216], %add3A_2219 : memref<1360xi32, #tpu.memory_space<vmem>>[vector<16xi32>], vector<16xi32>,
    %mul3A_2220 = arith.constant 85 : i32
    %mul3A_2221 = vector.broadcast %mul3A_2220 : i32 to vector<16xi32>
    %mul3A_2222 = arith.muli %iota3A, %mul3A_2221 : vector<16xi32>
    %add3A_2223 = arith.constant 61 : i32
    %add3A_2224 = vector.broadcast %add3A_2223 : i32 to vector<16xi32>
    %add3A_2225 = arith.addi %mul3A_2222, %add3A_2224 : vector<16xi32>
    %add3A_2226 = arith.constant 61 : i32
    %add3A_2227 = vector.broadcast %add3A_2226 : i32 to vector<16xi32>
    %add3A_2228 = arith.addi %mul3A_1670, %add3A_2227 : vector<16xi32>
    tpu.vector_store_idx %arg14[%add3A_2225], %add3A_2228 : memref<1360xi32, #tpu.memory_space<vmem>>[vector<16xi32>], vector<16xi32>,
    %mul3A_2229 = arith.constant 85 : i32
    %mul3A_2230 = vector.broadcast %mul3A_2229 : i32 to vector<16xi32>
    %mul3A_2231 = arith.muli %iota3A, %mul3A_2230 : vector<16xi32>
    %add3A_2232 = arith.constant 62 : i32
    %add3A_2233 = vector.broadcast %add3A_2232 : i32 to vector<16xi32>
    %add3A_2234 = arith.addi %mul3A_2231, %add3A_2233 : vector<16xi32>
    %add3A_2235 = arith.constant 62 : i32
    %add3A_2236 = vector.broadcast %add3A_2235 : i32 to vector<16xi32>
    %add3A_2237 = arith.addi %mul3A_1670, %add3A_2236 : vector<16xi32>
    tpu.vector_store_idx %arg14[%add3A_2234], %add3A_2237 : memref<1360xi32, #tpu.memory_space<vmem>>[vector<16xi32>], vector<16xi32>,
    %mul3A_2238 = arith.constant 85 : i32
    %mul3A_2239 = vector.broadcast %mul3A_2238 : i32 to vector<16xi32>
    %mul3A_2240 = arith.muli %iota3A, %mul3A_2239 : vector<16xi32>
    %add3A_2241 = arith.constant 63 : i32
    %add3A_2242 = vector.broadcast %add3A_2241 : i32 to vector<16xi32>
    %add3A_2243 = arith.addi %mul3A_2240, %add3A_2242 : vector<16xi32>
    %add3A_2244 = arith.constant 63 : i32
    %add3A_2245 = vector.broadcast %add3A_2244 : i32 to vector<16xi32>
    %add3A_2246 = arith.addi %mul3A_1670, %add3A_2245 : vector<16xi32>
    tpu.vector_store_idx %arg14[%add3A_2243], %add3A_2246 : memref<1360xi32, #tpu.memory_space<vmem>>[vector<16xi32>], vector<16xi32>,
    %mul3A_2247 = arith.constant 85 : i32
    %mul3A_2248 = vector.broadcast %mul3A_2247 : i32 to vector<16xi32>
    %mul3A_2249 = arith.muli %iota3A, %mul3A_2248 : vector<16xi32>
    %add3A_2250 = arith.constant 64 : i32
    %add3A_2251 = vector.broadcast %add3A_2250 : i32 to vector<16xi32>
    %add3A_2252 = arith.addi %mul3A_2249, %add3A_2251 : vector<16xi32>
    %add3A_2253 = arith.constant 64 : i32
    %add3A_2254 = vector.broadcast %add3A_2253 : i32 to vector<16xi32>
    %add3A_2255 = arith.addi %mul3A_1670, %add3A_2254 : vector<16xi32>
    tpu.vector_store_idx %arg14[%add3A_2252], %add3A_2255 : memref<1360xi32, #tpu.memory_space<vmem>>[vector<16xi32>], vector<16xi32>,
    %mul3A_2256 = arith.constant 85 : i32
    %mul3A_2257 = vector.broadcast %mul3A_2256 : i32 to vector<16xi32>
    %mul3A_2258 = arith.muli %iota3A, %mul3A_2257 : vector<16xi32>
    %add3A_2259 = arith.constant 65 : i32
    %add3A_2260 = vector.broadcast %add3A_2259 : i32 to vector<16xi32>
    %add3A_2261 = arith.addi %mul3A_2258, %add3A_2260 : vector<16xi32>
    %add3A_2262 = arith.constant 65 : i32
    %add3A_2263 = vector.broadcast %add3A_2262 : i32 to vector<16xi32>
    %add3A_2264 = arith.addi %mul3A_1670, %add3A_2263 : vector<16xi32>
    tpu.vector_store_idx %arg14[%add3A_2261], %add3A_2264 : memref<1360xi32, #tpu.memory_space<vmem>>[vector<16xi32>], vector<16xi32>,
    %mul3A_2265 = arith.constant 85 : i32
    %mul3A_2266 = vector.broadcast %mul3A_2265 : i32 to vector<16xi32>
    %mul3A_2267 = arith.muli %iota3A, %mul3A_2266 : vector<16xi32>
    %add3A_2268 = arith.constant 66 : i32
    %add3A_2269 = vector.broadcast %add3A_2268 : i32 to vector<16xi32>
    %add3A_2270 = arith.addi %mul3A_2267, %add3A_2269 : vector<16xi32>
    %add3A_2271 = arith.constant 66 : i32
    %add3A_2272 = vector.broadcast %add3A_2271 : i32 to vector<16xi32>
    %add3A_2273 = arith.addi %mul3A_1670, %add3A_2272 : vector<16xi32>
    tpu.vector_store_idx %arg14[%add3A_2270], %add3A_2273 : memref<1360xi32, #tpu.memory_space<vmem>>[vector<16xi32>], vector<16xi32>,
    %mul3A_2274 = arith.constant 85 : i32
    %mul3A_2275 = vector.broadcast %mul3A_2274 : i32 to vector<16xi32>
    %mul3A_2276 = arith.muli %iota3A, %mul3A_2275 : vector<16xi32>
    %add3A_2277 = arith.constant 67 : i32
    %add3A_2278 = vector.broadcast %add3A_2277 : i32 to vector<16xi32>
    %add3A_2279 = arith.addi %mul3A_2276, %add3A_2278 : vector<16xi32>
    %add3A_2280 = arith.constant 67 : i32
    %add3A_2281 = vector.broadcast %add3A_2280 : i32 to vector<16xi32>
    %add3A_2282 = arith.addi %mul3A_1670, %add3A_2281 : vector<16xi32>
    tpu.vector_store_idx %arg14[%add3A_2279], %add3A_2282 : memref<1360xi32, #tpu.memory_space<vmem>>[vector<16xi32>], vector<16xi32>,
    %mul3A_2283 = arith.constant 85 : i32
    %mul3A_2284 = vector.broadcast %mul3A_2283 : i32 to vector<16xi32>
    %mul3A_2285 = arith.muli %iota3A, %mul3A_2284 : vector<16xi32>
    %add3A_2286 = arith.constant 68 : i32
    %add3A_2287 = vector.broadcast %add3A_2286 : i32 to vector<16xi32>
    %add3A_2288 = arith.addi %mul3A_2285, %add3A_2287 : vector<16xi32>
    %add3A_2289 = arith.constant 68 : i32
    %add3A_2290 = vector.broadcast %add3A_2289 : i32 to vector<16xi32>
    %add3A_2291 = arith.addi %mul3A_1670, %add3A_2290 : vector<16xi32>
    tpu.vector_store_idx %arg14[%add3A_2288], %add3A_2291 : memref<1360xi32, #tpu.memory_space<vmem>>[vector<16xi32>], vector<16xi32>,
    %mul3A_2292 = arith.constant 85 : i32
    %mul3A_2293 = vector.broadcast %mul3A_2292 : i32 to vector<16xi32>
    %mul3A_2294 = arith.muli %iota3A, %mul3A_2293 : vector<16xi32>
    %add3A_2295 = arith.constant 69 : i32
    %add3A_2296 = vector.broadcast %add3A_2295 : i32 to vector<16xi32>
    %add3A_2297 = arith.addi %mul3A_2294, %add3A_2296 : vector<16xi32>
    %add3A_2298 = arith.constant 69 : i32
    %add3A_2299 = vector.broadcast %add3A_2298 : i32 to vector<16xi32>
    %add3A_2300 = arith.addi %mul3A_1670, %add3A_2299 : vector<16xi32>
    tpu.vector_store_idx %arg14[%add3A_2297], %add3A_2300 : memref<1360xi32, #tpu.memory_space<vmem>>[vector<16xi32>], vector<16xi32>,
    %mul3A_2301 = arith.constant 85 : i32
    %mul3A_2302 = vector.broadcast %mul3A_2301 : i32 to vector<16xi32>
    %mul3A_2303 = arith.muli %iota3A, %mul3A_2302 : vector<16xi32>
    %add3A_2304 = arith.constant 70 : i32
    %add3A_2305 = vector.broadcast %add3A_2304 : i32 to vector<16xi32>
    %add3A_2306 = arith.addi %mul3A_2303, %add3A_2305 : vector<16xi32>
    %add3A_2307 = arith.constant 70 : i32
    %add3A_2308 = vector.broadcast %add3A_2307 : i32 to vector<16xi32>
    %add3A_2309 = arith.addi %mul3A_1670, %add3A_2308 : vector<16xi32>
    tpu.vector_store_idx %arg14[%add3A_2306], %add3A_2309 : memref<1360xi32, #tpu.memory_space<vmem>>[vector<16xi32>], vector<16xi32>,
    %mul3A_2310 = arith.constant 85 : i32
    %mul3A_2311 = vector.broadcast %mul3A_2310 : i32 to vector<16xi32>
    %mul3A_2312 = arith.muli %iota3A, %mul3A_2311 : vector<16xi32>
    %add3A_2313 = arith.constant 71 : i32
    %add3A_2314 = vector.broadcast %add3A_2313 : i32 to vector<16xi32>
    %add3A_2315 = arith.addi %mul3A_2312, %add3A_2314 : vector<16xi32>
    %add3A_2316 = arith.constant 71 : i32
    %add3A_2317 = vector.broadcast %add3A_2316 : i32 to vector<16xi32>
    %add3A_2318 = arith.addi %mul3A_1670, %add3A_2317 : vector<16xi32>
    tpu.vector_store_idx %arg14[%add3A_2315], %add3A_2318 : memref<1360xi32, #tpu.memory_space<vmem>>[vector<16xi32>], vector<16xi32>,
    %mul3A_2319 = arith.constant 85 : i32
    %mul3A_2320 = vector.broadcast %mul3A_2319 : i32 to vector<16xi32>
    %mul3A_2321 = arith.muli %iota3A, %mul3A_2320 : vector<16xi32>
    %add3A_2322 = arith.constant 72 : i32
    %add3A_2323 = vector.broadcast %add3A_2322 : i32 to vector<16xi32>
    %add3A_2324 = arith.addi %mul3A_2321, %add3A_2323 : vector<16xi32>
    %add3A_2325 = arith.constant 72 : i32
    %add3A_2326 = vector.broadcast %add3A_2325 : i32 to vector<16xi32>
    %add3A_2327 = arith.addi %mul3A_1670, %add3A_2326 : vector<16xi32>
    tpu.vector_store_idx %arg14[%add3A_2324], %add3A_2327 : memref<1360xi32, #tpu.memory_space<vmem>>[vector<16xi32>], vector<16xi32>,
    %mul3A_2328 = arith.constant 85 : i32
    %mul3A_2329 = vector.broadcast %mul3A_2328 : i32 to vector<16xi32>
    %mul3A_2330 = arith.muli %iota3A, %mul3A_2329 : vector<16xi32>
    %add3A_2331 = arith.constant 73 : i32
    %add3A_2332 = vector.broadcast %add3A_2331 : i32 to vector<16xi32>
    %add3A_2333 = arith.addi %mul3A_2330, %add3A_2332 : vector<16xi32>
    %add3A_2334 = arith.constant 73 : i32
    %add3A_2335 = vector.broadcast %add3A_2334 : i32 to vector<16xi32>
    %add3A_2336 = arith.addi %mul3A_1670, %add3A_2335 : vector<16xi32>
    tpu.vector_store_idx %arg14[%add3A_2333], %add3A_2336 : memref<1360xi32, #tpu.memory_space<vmem>>[vector<16xi32>], vector<16xi32>,
    %mul3A_2337 = arith.constant 85 : i32
    %mul3A_2338 = vector.broadcast %mul3A_2337 : i32 to vector<16xi32>
    %mul3A_2339 = arith.muli %iota3A, %mul3A_2338 : vector<16xi32>
    %add3A_2340 = arith.constant 74 : i32
    %add3A_2341 = vector.broadcast %add3A_2340 : i32 to vector<16xi32>
    %add3A_2342 = arith.addi %mul3A_2339, %add3A_2341 : vector<16xi32>
    %add3A_2343 = arith.constant 74 : i32
    %add3A_2344 = vector.broadcast %add3A_2343 : i32 to vector<16xi32>
    %add3A_2345 = arith.addi %mul3A_1670, %add3A_2344 : vector<16xi32>
    tpu.vector_store_idx %arg14[%add3A_2342], %add3A_2345 : memref<1360xi32, #tpu.memory_space<vmem>>[vector<16xi32>], vector<16xi32>,
    %mul3A_2346 = arith.constant 85 : i32
    %mul3A_2347 = vector.broadcast %mul3A_2346 : i32 to vector<16xi32>
    %mul3A_2348 = arith.muli %iota3A, %mul3A_2347 : vector<16xi32>
    %add3A_2349 = arith.constant 75 : i32
    %add3A_2350 = vector.broadcast %add3A_2349 : i32 to vector<16xi32>
    %add3A_2351 = arith.addi %mul3A_2348, %add3A_2350 : vector<16xi32>
    %add3A_2352 = arith.constant 75 : i32
    %add3A_2353 = vector.broadcast %add3A_2352 : i32 to vector<16xi32>
    %add3A_2354 = arith.addi %mul3A_1670, %add3A_2353 : vector<16xi32>
    tpu.vector_store_idx %arg14[%add3A_2351], %add3A_2354 : memref<1360xi32, #tpu.memory_space<vmem>>[vector<16xi32>], vector<16xi32>,
    %mul3A_2355 = arith.constant 85 : i32
    %mul3A_2356 = vector.broadcast %mul3A_2355 : i32 to vector<16xi32>
    %mul3A_2357 = arith.muli %iota3A, %mul3A_2356 : vector<16xi32>
    %add3A_2358 = arith.constant 76 : i32
    %add3A_2359 = vector.broadcast %add3A_2358 : i32 to vector<16xi32>
    %add3A_2360 = arith.addi %mul3A_2357, %add3A_2359 : vector<16xi32>
    %add3A_2361 = arith.constant 76 : i32
    %add3A_2362 = vector.broadcast %add3A_2361 : i32 to vector<16xi32>
    %add3A_2363 = arith.addi %mul3A_1670, %add3A_2362 : vector<16xi32>
    tpu.vector_store_idx %arg14[%add3A_2360], %add3A_2363 : memref<1360xi32, #tpu.memory_space<vmem>>[vector<16xi32>], vector<16xi32>,
    %mul3A_2364 = arith.constant 85 : i32
    %mul3A_2365 = vector.broadcast %mul3A_2364 : i32 to vector<16xi32>
    %mul3A_2366 = arith.muli %iota3A, %mul3A_2365 : vector<16xi32>
    %add3A_2367 = arith.constant 77 : i32
    %add3A_2368 = vector.broadcast %add3A_2367 : i32 to vector<16xi32>
    %add3A_2369 = arith.addi %mul3A_2366, %add3A_2368 : vector<16xi32>
    %add3A_2370 = arith.constant 77 : i32
    %add3A_2371 = vector.broadcast %add3A_2370 : i32 to vector<16xi32>
    %add3A_2372 = arith.addi %mul3A_1670, %add3A_2371 : vector<16xi32>
    tpu.vector_store_idx %arg14[%add3A_2369], %add3A_2372 : memref<1360xi32, #tpu.memory_space<vmem>>[vector<16xi32>], vector<16xi32>,
    %mul3A_2373 = arith.constant 85 : i32
    %mul3A_2374 = vector.broadcast %mul3A_2373 : i32 to vector<16xi32>
    %mul3A_2375 = arith.muli %iota3A, %mul3A_2374 : vector<16xi32>
    %add3A_2376 = arith.constant 78 : i32
    %add3A_2377 = vector.broadcast %add3A_2376 : i32 to vector<16xi32>
    %add3A_2378 = arith.addi %mul3A_2375, %add3A_2377 : vector<16xi32>
    %add3A_2379 = arith.constant 78 : i32
    %add3A_2380 = vector.broadcast %add3A_2379 : i32 to vector<16xi32>
    %add3A_2381 = arith.addi %mul3A_1670, %add3A_2380 : vector<16xi32>
    tpu.vector_store_idx %arg14[%add3A_2378], %add3A_2381 : memref<1360xi32, #tpu.memory_space<vmem>>[vector<16xi32>], vector<16xi32>,
    %mul3A_2382 = arith.constant 85 : i32
    %mul3A_2383 = vector.broadcast %mul3A_2382 : i32 to vector<16xi32>
    %mul3A_2384 = arith.muli %iota3A, %mul3A_2383 : vector<16xi32>
    %add3A_2385 = arith.constant 79 : i32
    %add3A_2386 = vector.broadcast %add3A_2385 : i32 to vector<16xi32>
    %add3A_2387 = arith.addi %mul3A_2384, %add3A_2386 : vector<16xi32>
    %add3A_2388 = arith.constant 79 : i32
    %add3A_2389 = vector.broadcast %add3A_2388 : i32 to vector<16xi32>
    %add3A_2390 = arith.addi %mul3A_1670, %add3A_2389 : vector<16xi32>
    tpu.vector_store_idx %arg14[%add3A_2387], %add3A_2390 : memref<1360xi32, #tpu.memory_space<vmem>>[vector<16xi32>], vector<16xi32>,
    %mul3A_2391 = arith.constant 85 : i32
    %mul3A_2392 = vector.broadcast %mul3A_2391 : i32 to vector<16xi32>
    %mul3A_2393 = arith.muli %iota3A, %mul3A_2392 : vector<16xi32>
    %add3A_2394 = arith.constant 80 : i32
    %add3A_2395 = vector.broadcast %add3A_2394 : i32 to vector<16xi32>
    %add3A_2396 = arith.addi %mul3A_2393, %add3A_2395 : vector<16xi32>
    %add3A_2397 = arith.constant 80 : i32
    %add3A_2398 = vector.broadcast %add3A_2397 : i32 to vector<16xi32>
    %add3A_2399 = arith.addi %mul3A_1670, %add3A_2398 : vector<16xi32>
    tpu.vector_store_idx %arg14[%add3A_2396], %add3A_2399 : memref<1360xi32, #tpu.memory_space<vmem>>[vector<16xi32>], vector<16xi32>,
    %mul3A_2400 = arith.constant 85 : i32
    %mul3A_2401 = vector.broadcast %mul3A_2400 : i32 to vector<16xi32>
    %mul3A_2402 = arith.muli %iota3A, %mul3A_2401 : vector<16xi32>
    %add3A_2403 = arith.constant 81 : i32
    %add3A_2404 = vector.broadcast %add3A_2403 : i32 to vector<16xi32>
    %add3A_2405 = arith.addi %mul3A_2402, %add3A_2404 : vector<16xi32>
    %add3A_2406 = arith.constant 81 : i32
    %add3A_2407 = vector.broadcast %add3A_2406 : i32 to vector<16xi32>
    %add3A_2408 = arith.addi %mul3A_1670, %add3A_2407 : vector<16xi32>
    tpu.vector_store_idx %arg14[%add3A_2405], %add3A_2408 : memref<1360xi32, #tpu.memory_space<vmem>>[vector<16xi32>], vector<16xi32>,
    %mul3A_2409 = arith.constant 85 : i32
    %mul3A_2410 = vector.broadcast %mul3A_2409 : i32 to vector<16xi32>
    %mul3A_2411 = arith.muli %iota3A, %mul3A_2410 : vector<16xi32>
    %add3A_2412 = arith.constant 82 : i32
    %add3A_2413 = vector.broadcast %add3A_2412 : i32 to vector<16xi32>
    %add3A_2414 = arith.addi %mul3A_2411, %add3A_2413 : vector<16xi32>
    %add3A_2415 = arith.constant 82 : i32
    %add3A_2416 = vector.broadcast %add3A_2415 : i32 to vector<16xi32>
    %add3A_2417 = arith.addi %mul3A_1670, %add3A_2416 : vector<16xi32>
    tpu.vector_store_idx %arg14[%add3A_2414], %add3A_2417 : memref<1360xi32, #tpu.memory_space<vmem>>[vector<16xi32>], vector<16xi32>,
    %mul3A_2418 = arith.constant 85 : i32
    %mul3A_2419 = vector.broadcast %mul3A_2418 : i32 to vector<16xi32>
    %mul3A_2420 = arith.muli %iota3A, %mul3A_2419 : vector<16xi32>
    %add3A_2421 = arith.constant 83 : i32
    %add3A_2422 = vector.broadcast %add3A_2421 : i32 to vector<16xi32>
    %add3A_2423 = arith.addi %mul3A_2420, %add3A_2422 : vector<16xi32>
    %add3A_2424 = arith.constant 83 : i32
    %add3A_2425 = vector.broadcast %add3A_2424 : i32 to vector<16xi32>
    %add3A_2426 = arith.addi %mul3A_1670, %add3A_2425 : vector<16xi32>
    tpu.vector_store_idx %arg14[%add3A_2423], %add3A_2426 : memref<1360xi32, #tpu.memory_space<vmem>>[vector<16xi32>], vector<16xi32>,
    %mul3A_2427 = arith.constant 85 : i32
    %mul3A_2428 = vector.broadcast %mul3A_2427 : i32 to vector<16xi32>
    %mul3A_2429 = arith.muli %iota3A, %mul3A_2428 : vector<16xi32>
    %add3A_2430 = arith.constant 84 : i32
    %add3A_2431 = vector.broadcast %add3A_2430 : i32 to vector<16xi32>
    %add3A_2432 = arith.addi %mul3A_2429, %add3A_2431 : vector<16xi32>
    %add3A_2433 = arith.constant 84 : i32
    %add3A_2434 = vector.broadcast %add3A_2433 : i32 to vector<16xi32>
    %add3A_2435 = arith.addi %mul3A_1670, %add3A_2434 : vector<16xi32>
    tpu.vector_store_idx %arg14[%add3A_2432], %add3A_2435 : memref<1360xi32, #tpu.memory_space<vmem>>[vector<16xi32>], vector<16xi32>,
    %dma_start3A_2436 = arith.constant 0 : i32
    %dma_start3A_2437 = tpu.memref_slice %arg5[%dma_start3A_2436] : memref<4177920xf32, #tpu.memory_space<hbm>> -> memref<4177920xf32, #tpu.memory_space<hbm>>
    tpu.enqueue_indirect_dma source(%dma_start3A_2437 : memref<4177920xf32, #tpu.memory_space<hbm>>) target(%arg15 : memref<1360xf32, #tpu.memory_space<vmem>>) offsets(%arg14 : memref<1360xi32, #tpu.memory_space<vmem>>) semaphore(%arg23 : memref<!tpu.dma_semaphore, #tpu.memory_space<semaphore_mem>>)
    %dma_wait3A_2438 = arith.constant 0 : i32
    %dma_wait3A_2439 = tpu.memref_slice %arg5[%dma_wait3A_2438] : memref<4177920xf32, #tpu.memory_space<hbm>> -> memref<4177920xf32, #tpu.memory_space<hbm>>
    tpu.wait_indirect_dma semaphore(%arg23 : memref<!tpu.dma_semaphore, #tpu.memory_space<semaphore_mem>>) src(%dma_wait3A_2439 : memref<4177920xf32, #tpu.memory_space<hbm>>) dst(%arg15 : memref<1360xf32, #tpu.memory_space<vmem>>)
    %run_scoped3A_2440 = arith.constant 1 : i32
    "tpu.region"() ({
      %run_scoped3A_3696 = tpu.sem_alloc : memref<!tpu.dma_semaphore, #tpu.memory_space<semaphore_mem>>
      %dma_start3A_3697 = arith.constant 0 : i32
      %dma_start3A_3698 = tpu.memref_slice %arg7[%run_scoped3A_2440, %add3A, %dma_start3A_3697] : memref<3x32x1360xf32, #tpu.memory_space<hbm>> -> memref<1x1x1360xf32, #tpu.memory_space<hbm>>
      %dma_start3A_3699 = tpu.memref_squeeze %dma_start3A_3698 : memref<1x1x1360xf32, #tpu.memory_space<hbm>> -> memref<1360xf32, #tpu.memory_space<hbm>>
      %dma_start3A_3700 = arith.constant 0 : i32
      %dma_start3A_3701 = tpu.memref_slice %arg7[%run_scoped3A_2440, %add3A, %dma_start3A_3700] : memref<3x32x1360xf32, #tpu.memory_space<hbm>> -> memref<1x1x1360xf32, #tpu.memory_space<hbm>>
      %dma_start3A_3702 = tpu.memref_squeeze %dma_start3A_3701 : memref<1x1x1360xf32, #tpu.memory_space<hbm>> -> memref<1360xf32, #tpu.memory_space<hbm>>
      tpu.enqueue_dma source(%arg15 : memref<1360xf32, #tpu.memory_space<vmem>>) target(%dma_start3A_3702 : memref<1360xf32, #tpu.memory_space<hbm>>) target_semaphore(%run_scoped3A_3696 : memref<!tpu.dma_semaphore, #tpu.memory_space<semaphore_mem>>)
      %dma_wait3A_3703 = arith.constant 0 : i32
      %dma_wait3A_3704 = tpu.memref_slice %arg7[%run_scoped3A_2440, %add3A, %dma_wait3A_3703] : memref<3x32x1360xf32, #tpu.memory_space<hbm>> -> memref<1x1x1360xf32, #tpu.memory_space<hbm>>
      %dma_wait3A_3705 = tpu.memref_squeeze %dma_wait3A_3704 : memref<1x1x1360xf32, #tpu.memory_space<hbm>> -> memref<1360xf32, #tpu.memory_space<hbm>>
      %dma_wait3A_3706 = arith.constant 0 : i32
      %dma_wait3A_3707 = tpu.memref_slice %arg7[%run_scoped3A_2440, %add3A, %dma_wait3A_3706] : memref<3x32x1360xf32, #tpu.memory_space<hbm>> -> memref<1x1x1360xf32, #tpu.memory_space<hbm>>
      %dma_wait3A_3708 = tpu.memref_squeeze %dma_wait3A_3707 : memref<1x1x1360xf32, #tpu.memory_space<hbm>> -> memref<1360xf32, #tpu.memory_space<hbm>>
      tpu.wait_dma2 semaphore(%run_scoped3A_3696 : memref<!tpu.dma_semaphore, #tpu.memory_space<semaphore_mem>>) src(%arg15 : memref<1360xf32, #tpu.memory_space<vmem>>) dst(%dma_wait3A_3708 : memref<1360xf32, #tpu.memory_space<hbm>>)
      tpu.yield
    }) : () -> ()
    %iota3A_2441 = tpu.iota {dimensions = array<i32: 0>} : vector<16xi32>
    %add3A_2442 = arith.constant 0 : i32
    %add3A_2443 = vector.broadcast %add3A_2442 : i32 to vector<16xi32>
    %add3A_2444 = arith.addi %add3A_2443, %iota3A_2441 : vector<16xi32>
    %broadcast_in_dim3A_2445 = arith.constant 0 : i32
    %broadcast_in_dim3A_2446 = vector.broadcast %broadcast_in_dim3A_2445 : i32 to vector<16xi32>
    %gather3A_2447 = tpu.vector_load_idx %arg10[%add3A_2444, %broadcast_in_dim3A_2446] : memref<32x4xf32, #tpu.memory_space<vmem>>[vector<16xi32>, vector<16xi32>], vector<16xf32>,
    %broadcast_in_dim3A_2448 = arith.constant 1 : i32
    %broadcast_in_dim3A_2449 = vector.broadcast %broadcast_in_dim3A_2448 : i32 to vector<16xi32>
    %gather3A_2450 = tpu.vector_load_idx %arg10[%add3A_2444, %broadcast_in_dim3A_2449] : memref<32x4xf32, #tpu.memory_space<vmem>>[vector<16xi32>, vector<16xi32>], vector<16xf32>,
    %broadcast_in_dim3A_2451 = arith.constant 2 : i32
    %broadcast_in_dim3A_2452 = vector.broadcast %broadcast_in_dim3A_2451 : i32 to vector<16xi32>
    %gather3A_2453 = tpu.vector_load_idx %arg10[%add3A_2444, %broadcast_in_dim3A_2452] : memref<32x4xf32, #tpu.memory_space<vmem>>[vector<16xi32>, vector<16xi32>], vector<16xf32>,
    %broadcast_in_dim3A_2454 = arith.constant 3 : i32
    %broadcast_in_dim3A_2455 = vector.broadcast %broadcast_in_dim3A_2454 : i32 to vector<16xi32>
    %gather3A_2456 = tpu.vector_load_idx %arg10[%add3A_2444, %broadcast_in_dim3A_2455] : memref<32x4xf32, #tpu.memory_space<vmem>>[vector<16xi32>, vector<16xi32>], vector<16xf32>,
    %get3A_2457 = arith.constant 0 : index
    %get3A_2458 = tpu.vector_load %arg11[%get3A_2457] {strides = array<i32>} : memref<32xi32, #tpu.memory_space<vmem>>, vector<16xi32>,
    %add3A_2459 = arith.addf %gather3A_2447, %gather3A_2453 : vector<16xf32>
    %mul3A_2460 = arith.constant 5.000000e-01 : f32
    %mul3A_2461 = vector.broadcast %mul3A_2460 : f32 to vector<16xf32>
    %mul3A_2462 = arith.mulf %add3A_2459, %mul3A_2461 : vector<16xf32>
    %mul3A_2463 = arith.constant 6.400000e+01 : f32
    %mul3A_2464 = vector.broadcast %mul3A_2463 : f32 to vector<16xf32>
    %mul3A_2465 = arith.mulf %mul3A_2462, %mul3A_2464 : vector<16xf32>
    %add3A_2466 = arith.addf %gather3A_2450, %gather3A_2456 : vector<16xf32>
    %mul3A_2467 = arith.constant 5.000000e-01 : f32
    %mul3A_2468 = vector.broadcast %mul3A_2467 : f32 to vector<16xf32>
    %mul3A_2469 = arith.mulf %add3A_2466, %mul3A_2468 : vector<16xf32>
    %mul3A_2470 = arith.constant 6.400000e+01 : f32
    %mul3A_2471 = vector.broadcast %mul3A_2470 : f32 to vector<16xf32>
    %mul3A_2472 = arith.mulf %mul3A_2469, %mul3A_2471 : vector<16xf32>
    %sub3A_2473 = arith.subf %gather3A_2453, %gather3A_2447 : vector<16xf32>
    %mul3A_2474 = arith.constant 5.120000e+02 : f32
    %mul3A_2475 = vector.broadcast %mul3A_2474 : f32 to vector<16xf32>
    %mul3A_2476 = arith.mulf %sub3A_2473, %mul3A_2475 : vector<16xf32>
    %sub3A_2477 = arith.subf %gather3A_2456, %gather3A_2450 : vector<16xf32>
    %mul3A_2478 = arith.constant 5.120000e+02 : f32
    %mul3A_2479 = vector.broadcast %mul3A_2478 : f32 to vector<16xf32>
    %mul3A_2480 = arith.mulf %sub3A_2477, %mul3A_2479 : vector<16xf32>
    %convert_element_type3A_2481 = arith.fptosi %mul3A_2465 : vector<16xf32> to vector<16xi32>
    %convert_element_type3A_2482 = arith.fptosi %mul3A_2472 : vector<16xf32> to vector<16xi32>
    %ge3A_2483 = arith.constant 0 : i32
    %ge3A_2484 = vector.broadcast %ge3A_2483 : i32 to vector<16xi32>
    %ge3A_2485 = arith.cmpi sge, %get3A_2458, %ge3A_2484 : vector<16xi32>
    %ge3A_2486 = arith.constant 0 : i32
    %ge3A_2487 = vector.broadcast %ge3A_2486 : i32 to vector<16xi32>
    %ge3A_2488 = arith.cmpi sge, %convert_element_type3A_2481, %ge3A_2487 : vector<16xi32>
    %and3A_2489 = arith.andi %ge3A_2485, %ge3A_2488 : vector<16xi1>
    %lt3A_2490 = arith.constant 64 : i32
    %lt3A_2491 = vector.broadcast %lt3A_2490 : i32 to vector<16xi32>
    %lt3A_2492 = arith.cmpi slt, %convert_element_type3A_2481, %lt3A_2491 : vector<16xi32>
    %and3A_2493 = arith.andi %and3A_2489, %lt3A_2492 : vector<16xi1>
    %ge3A_2494 = arith.constant 0 : i32
    %ge3A_2495 = vector.broadcast %ge3A_2494 : i32 to vector<16xi32>
    %ge3A_2496 = arith.cmpi sge, %convert_element_type3A_2482, %ge3A_2495 : vector<16xi32>
    %and3A_2497 = arith.andi %and3A_2493, %ge3A_2496 : vector<16xi1>
    %lt3A_2498 = arith.constant 64 : i32
    %lt3A_2499 = vector.broadcast %lt3A_2498 : i32 to vector<16xi32>
    %lt3A_2500 = arith.cmpi slt, %convert_element_type3A_2482, %lt3A_2499 : vector<16xi32>
    %and3A_2501 = arith.andi %and3A_2497, %lt3A_2500 : vector<16xi1>
    %min3A_2502 = arith.constant 142.769226 : f32
    %min3A_2503 = vector.broadcast %min3A_2502 : f32 to vector<16xf32>
    %min3A_2504 = arith.minimumf %mul3A_2476, %min3A_2503 : vector<16xf32>
    %min3A_2505 = arith.constant 110.769234 : f32
    %min3A_2506 = vector.broadcast %min3A_2505 : f32 to vector<16xf32>
    %min3A_2507 = arith.minimumf %mul3A_2480, %min3A_2506 : vector<16xf32>
    %mul3A_2508 = arith.mulf %min3A_2504, %min3A_2507 : vector<16xf32>
    %mul3A_2509 = arith.mulf %mul3A_2476, %mul3A_2480 : vector<16xf32>
    %add3A_2510 = arith.constant 15814.4375 : f32
    %add3A_2511 = vector.broadcast %add3A_2510 : f32 to vector<16xf32>
    %add3A_2512 = arith.addf %mul3A_2509, %add3A_2511 : vector<16xf32>
    %sub3A_2513 = arith.subf %add3A_2512, %mul3A_2508 : vector<16xf32>
    %add3A_2514 = arith.constant 1.000000e-16 : f32
    %add3A_2515 = vector.broadcast %add3A_2514 : f32 to vector<16xf32>
    %add3A_2516 = arith.addf %sub3A_2513, %add3A_2515 : vector<16xf32>
    %div3A_2517 = arith.divf %mul3A_2508, %add3A_2516 : vector<16xf32>
    %min3A_2518 = arith.constant 1.920000e+02 : f32
    %min3A_2519 = vector.broadcast %min3A_2518 : f32 to vector<16xf32>
    %min3A_2520 = arith.minimumf %mul3A_2476, %min3A_2519 : vector<16xf32>
    %min3A_2521 = arith.constant 243.692307 : f32
    %min3A_2522 = vector.broadcast %min3A_2521 : f32 to vector<16xf32>
    %min3A_2523 = arith.minimumf %mul3A_2480, %min3A_2522 : vector<16xf32>
    %mul3A_2524 = arith.mulf %min3A_2520, %min3A_2523 : vector<16xf32>
    %mul3A_2525 = arith.mulf %mul3A_2476, %mul3A_2480 : vector<16xf32>
    %add3A_2526 = arith.constant 46788.9219 : f32
    %add3A_2527 = vector.broadcast %add3A_2526 : f32 to vector<16xf32>
    %add3A_2528 = arith.addf %mul3A_2525, %add3A_2527 : vector<16xf32>
    %sub3A_2529 = arith.subf %add3A_2528, %mul3A_2524 : vector<16xf32>
    %add3A_2530 = arith.constant 1.000000e-16 : f32
    %add3A_2531 = vector.broadcast %add3A_2530 : f32 to vector<16xf32>
    %add3A_2532 = arith.addf %sub3A_2529, %add3A_2531 : vector<16xf32>
    %div3A_2533 = arith.divf %mul3A_2524, %add3A_2532 : vector<16xf32>
    %min3A_2534 = arith.constant 459.076935 : f32
    %min3A_2535 = vector.broadcast %min3A_2534 : f32 to vector<16xf32>
    %min3A_2536 = arith.minimumf %mul3A_2476, %min3A_2535 : vector<16xf32>
    %min3A_2537 = arith.constant 401.230774 : f32
    %min3A_2538 = vector.broadcast %min3A_2537 : f32 to vector<16xf32>
    %min3A_2539 = arith.minimumf %mul3A_2480, %min3A_2538 : vector<16xf32>
    %mul3A_2540 = arith.mulf %min3A_2536, %min3A_2539 : vector<16xf32>
    %mul3A_2541 = arith.mulf %mul3A_2476, %mul3A_2480 : vector<16xf32>
    %add3A_2542 = arith.constant 184195.781 : f32
    %add3A_2543 = vector.broadcast %add3A_2542 : f32 to vector<16xf32>
    %add3A_2544 = arith.addf %mul3A_2541, %add3A_2543 : vector<16xf32>
    %sub3A_2545 = arith.subf %add3A_2544, %mul3A_2540 : vector<16xf32>
    %add3A_2546 = arith.constant 1.000000e-16 : f32
    %add3A_2547 = vector.broadcast %add3A_2546 : f32 to vector<16xf32>
    %add3A_2548 = arith.addf %sub3A_2545, %add3A_2547 : vector<16xf32>
    %div3A_2549 = arith.divf %mul3A_2540, %add3A_2548 : vector<16xf32>
    %gt3A_2550 = arith.cmpf ogt, %div3A_2533, %div3A_2517 : vector<16xf32>
    %select_n3A_2551 = arith.select %gt3A_2550, %div3A_2533, %div3A_2517 : vector<16xi1>, vector<16xf32>
    %jit3A_2552 = arith.constant 1 : i32
    %jit3A_2553 = arith.constant 0 : i32
    %broadcast_in_dim3A_2554 = vector.broadcast %jit3A_2552 : i32 to vector<16xi32>
    %broadcast_in_dim3A_2555 = vector.broadcast %jit3A_2553 : i32 to vector<16xi32>
    %select_n3A_2556 = arith.select %gt3A_2550, %broadcast_in_dim3A_2554, %broadcast_in_dim3A_2555 : vector<16xi1>, vector<16xi32>
    %gt3A_2557 = arith.cmpf ogt, %div3A_2549, %select_n3A_2551 : vector<16xf32>
    %jit3A_2558 = arith.constant 2 : i32
    %broadcast_in_dim3A_2559 = vector.broadcast %jit3A_2558 : i32 to vector<16xi32>
    %select_n3A_2560 = arith.select %gt3A_2557, %broadcast_in_dim3A_2559, %select_n3A_2556 : vector<16xi1>, vector<16xi32>
    %eq3A_2561 = arith.constant 0 : i32
    %eq3A_2562 = vector.broadcast %eq3A_2561 : i32 to vector<16xi32>
    %eq3A_2563 = arith.cmpi eq, %select_n3A_2560, %eq3A_2562 : vector<16xi32>
    %eq3A_2564 = arith.constant 1 : i32
    %eq3A_2565 = vector.broadcast %eq3A_2564 : i32 to vector<16xi32>
    %eq3A_2566 = arith.cmpi eq, %select_n3A_2560, %eq3A_2565 : vector<16xi32>
    %jit3A_2567 = arith.constant 1.920000e+02 : f32
    %jit3A_2568 = arith.constant 459.076935 : f32
    %broadcast_in_dim3A_2569 = vector.broadcast %jit3A_2567 : f32 to vector<16xf32>
    %broadcast_in_dim3A_2570 = vector.broadcast %jit3A_2568 : f32 to vector<16xf32>
    %select_n3A_2571 = arith.select %eq3A_2566, %broadcast_in_dim3A_2569, %broadcast_in_dim3A_2570 : vector<16xi1>, vector<16xf32>
    %jit3A_2572 = arith.constant 142.769226 : f32
    %broadcast_in_dim3A_2573 = vector.broadcast %jit3A_2572 : f32 to vector<16xf32>
    %select_n3A_2574 = arith.select %eq3A_2563, %broadcast_in_dim3A_2573, %select_n3A_2571 : vector<16xi1>, vector<16xf32>
    %eq3A_2575 = arith.constant 0 : i32
    %eq3A_2576 = vector.broadcast %eq3A_2575 : i32 to vector<16xi32>
    %eq3A_2577 = arith.cmpi eq, %select_n3A_2560, %eq3A_2576 : vector<16xi32>
    %eq3A_2578 = arith.constant 1 : i32
    %eq3A_2579 = vector.broadcast %eq3A_2578 : i32 to vector<16xi32>
    %eq3A_2580 = arith.cmpi eq, %select_n3A_2560, %eq3A_2579 : vector<16xi32>
    %jit3A_2581 = arith.constant 243.692307 : f32
    %jit3A_2582 = arith.constant 401.230774 : f32
    %broadcast_in_dim3A_2583 = vector.broadcast %jit3A_2581 : f32 to vector<16xf32>
    %broadcast_in_dim3A_2584 = vector.broadcast %jit3A_2582 : f32 to vector<16xf32>
    %select_n3A_2585 = arith.select %eq3A_2580, %broadcast_in_dim3A_2583, %broadcast_in_dim3A_2584 : vector<16xi1>, vector<16xf32>
    %jit3A_2586 = arith.constant 110.769234 : f32
    %broadcast_in_dim3A_2587 = vector.broadcast %jit3A_2586 : f32 to vector<16xf32>
    %select_n3A_2588 = arith.select %eq3A_2577, %broadcast_in_dim3A_2587, %select_n3A_2585 : vector<16xi1>, vector<16xf32>
    %mul3A_2589 = arith.constant 3 : i32
    %mul3A_2590 = arith.muli %select_n3A, %mul3A_2589 : i32
    %add3A_2591 = vector.broadcast %mul3A_2590 : i32 to vector<16xi32>
    %add3A_2592 = arith.addi %add3A_2591, %select_n3A_2560 : vector<16xi32>
    %mul3A_2593 = arith.constant 64 : i32
    %mul3A_2594 = vector.broadcast %mul3A_2593 : i32 to vector<16xi32>
    %mul3A_2595 = arith.muli %add3A_2592, %mul3A_2594 : vector<16xi32>
    %add3A_2596 = arith.addi %mul3A_2595, %convert_element_type3A_2482 : vector<16xi32>
    %mul3A_2597 = arith.constant 64 : i32
    %mul3A_2598 = vector.broadcast %mul3A_2597 : i32 to vector<16xi32>
    %mul3A_2599 = arith.muli %add3A_2596, %mul3A_2598 : vector<16xi32>
    %add3A_2600 = arith.addi %mul3A_2599, %convert_element_type3A_2481 : vector<16xi32>
    %iota3A_2601 = tpu.iota {dimensions = array<i32: 0>} : vector<16xi32>
    %add3A_2602 = arith.constant 0 : i32
    %add3A_2603 = vector.broadcast %add3A_2602 : i32 to vector<16xi32>
    %add3A_2604 = arith.addi %add3A_2603, %iota3A_2601 : vector<16xi32>
    %sub3A_2605 = arith.constant -1 : i32
    %sub3A_2606 = vector.broadcast %sub3A_2605 : i32 to vector<16xi32>
    %sub3A_2607 = arith.subi %sub3A_2606, %add3A_2604 : vector<16xi32>
    %select_n3A_2608 = arith.select %and3A_2501, %add3A_2600, %sub3A_2607 : vector<16xi1>, vector<16xi32>
    %mul3A_2609 = arith.constant 80 : i32
    %mul3A_2610 = vector.broadcast %mul3A_2609 : i32 to vector<16xi32>
    %mul3A_2611 = arith.muli %add3A_2600, %mul3A_2610 : vector<16xi32>
    %add3A_2612 = arith.addi %mul3A_2611, %get3A_2458 : vector<16xi32>
    %select_n3A_2613 = arith.select %and3A_2501, %add3A_2612, %sub3A_2607 : vector<16xi1>, vector<16xi32>
    %convert_element_type3A_2614 = arith.sitofp %convert_element_type3A_2481 : vector<16xi32> to vector<16xf32>
    %sub3A_2615 = arith.subf %mul3A_2465, %convert_element_type3A_2614 : vector<16xf32>
    %convert_element_type3A_2616 = arith.sitofp %convert_element_type3A_2482 : vector<16xi32> to vector<16xf32>
    %sub3A_2617 = arith.subf %mul3A_2472, %convert_element_type3A_2616 : vector<16xf32>
    %div3A_2618 = arith.divf %mul3A_2476, %select_n3A_2574 : vector<16xf32>
    %div3A_2619 = arith.divf %mul3A_2480, %select_n3A_2588 : vector<16xf32>
    %iota3A_2620 = tpu.iota {dimensions = array<i32: 0>} : vector<16xi32>
    %add3A_2621 = arith.constant 16 : i32
    %add3A_2622 = vector.broadcast %add3A_2621 : i32 to vector<16xi32>
    %add3A_2623 = arith.addi %add3A_2622, %iota3A_2620 : vector<16xi32>
    %broadcast_in_dim3A_2624 = arith.constant 0 : i32
    %broadcast_in_dim3A_2625 = vector.broadcast %broadcast_in_dim3A_2624 : i32 to vector<16xi32>
    %gather3A_2626 = tpu.vector_load_idx %arg10[%add3A_2623, %broadcast_in_dim3A_2625] : memref<32x4xf32, #tpu.memory_space<vmem>>[vector<16xi32>, vector<16xi32>], vector<16xf32>,
    %broadcast_in_dim3A_2627 = arith.constant 1 : i32
    %broadcast_in_dim3A_2628 = vector.broadcast %broadcast_in_dim3A_2627 : i32 to vector<16xi32>
    %gather3A_2629 = tpu.vector_load_idx %arg10[%add3A_2623, %broadcast_in_dim3A_2628] : memref<32x4xf32, #tpu.memory_space<vmem>>[vector<16xi32>, vector<16xi32>], vector<16xf32>,
    %broadcast_in_dim3A_2630 = arith.constant 2 : i32
    %broadcast_in_dim3A_2631 = vector.broadcast %broadcast_in_dim3A_2630 : i32 to vector<16xi32>
    %gather3A_2632 = tpu.vector_load_idx %arg10[%add3A_2623, %broadcast_in_dim3A_2631] : memref<32x4xf32, #tpu.memory_space<vmem>>[vector<16xi32>, vector<16xi32>], vector<16xf32>,
    %broadcast_in_dim3A_2633 = arith.constant 3 : i32
    %broadcast_in_dim3A_2634 = vector.broadcast %broadcast_in_dim3A_2633 : i32 to vector<16xi32>
    %gather3A_2635 = tpu.vector_load_idx %arg10[%add3A_2623, %broadcast_in_dim3A_2634] : memref<32x4xf32, #tpu.memory_space<vmem>>[vector<16xi32>, vector<16xi32>], vector<16xf32>,
    %get3A_2636 = arith.constant 16 : index
    %get3A_2637 = tpu.vector_load %arg11[%get3A_2636] {strides = array<i32>} : memref<32xi32, #tpu.memory_space<vmem>>, vector<16xi32>,
    %add3A_2638 = arith.addf %gather3A_2626, %gather3A_2632 : vector<16xf32>
    %mul3A_2639 = arith.constant 5.000000e-01 : f32
    %mul3A_2640 = vector.broadcast %mul3A_2639 : f32 to vector<16xf32>
    %mul3A_2641 = arith.mulf %add3A_2638, %mul3A_2640 : vector<16xf32>
    %mul3A_2642 = arith.constant 6.400000e+01 : f32
    %mul3A_2643 = vector.broadcast %mul3A_2642 : f32 to vector<16xf32>
    %mul3A_2644 = arith.mulf %mul3A_2641, %mul3A_2643 : vector<16xf32>
    %add3A_2645 = arith.addf %gather3A_2629, %gather3A_2635 : vector<16xf32>
    %mul3A_2646 = arith.constant 5.000000e-01 : f32
    %mul3A_2647 = vector.broadcast %mul3A_2646 : f32 to vector<16xf32>
    %mul3A_2648 = arith.mulf %add3A_2645, %mul3A_2647 : vector<16xf32>
    %mul3A_2649 = arith.constant 6.400000e+01 : f32
    %mul3A_2650 = vector.broadcast %mul3A_2649 : f32 to vector<16xf32>
    %mul3A_2651 = arith.mulf %mul3A_2648, %mul3A_2650 : vector<16xf32>
    %sub3A_2652 = arith.subf %gather3A_2632, %gather3A_2626 : vector<16xf32>
    %mul3A_2653 = arith.constant 5.120000e+02 : f32
    %mul3A_2654 = vector.broadcast %mul3A_2653 : f32 to vector<16xf32>
    %mul3A_2655 = arith.mulf %sub3A_2652, %mul3A_2654 : vector<16xf32>
    %sub3A_2656 = arith.subf %gather3A_2635, %gather3A_2629 : vector<16xf32>
    %mul3A_2657 = arith.constant 5.120000e+02 : f32
    %mul3A_2658 = vector.broadcast %mul3A_2657 : f32 to vector<16xf32>
    %mul3A_2659 = arith.mulf %sub3A_2656, %mul3A_2658 : vector<16xf32>
    %convert_element_type3A_2660 = arith.fptosi %mul3A_2644 : vector<16xf32> to vector<16xi32>
    %convert_element_type3A_2661 = arith.fptosi %mul3A_2651 : vector<16xf32> to vector<16xi32>
    %ge3A_2662 = arith.constant 0 : i32
    %ge3A_2663 = vector.broadcast %ge3A_2662 : i32 to vector<16xi32>
    %ge3A_2664 = arith.cmpi sge, %get3A_2637, %ge3A_2663 : vector<16xi32>
    %ge3A_2665 = arith.constant 0 : i32
    %ge3A_2666 = vector.broadcast %ge3A_2665 : i32 to vector<16xi32>
    %ge3A_2667 = arith.cmpi sge, %convert_element_type3A_2660, %ge3A_2666 : vector<16xi32>
    %and3A_2668 = arith.andi %ge3A_2664, %ge3A_2667 : vector<16xi1>
    %lt3A_2669 = arith.constant 64 : i32
    %lt3A_2670 = vector.broadcast %lt3A_2669 : i32 to vector<16xi32>
    %lt3A_2671 = arith.cmpi slt, %convert_element_type3A_2660, %lt3A_2670 : vector<16xi32>
    %and3A_2672 = arith.andi %and3A_2668, %lt3A_2671 : vector<16xi1>
    %ge3A_2673 = arith.constant 0 : i32
    %ge3A_2674 = vector.broadcast %ge3A_2673 : i32 to vector<16xi32>
    %ge3A_2675 = arith.cmpi sge, %convert_element_type3A_2661, %ge3A_2674 : vector<16xi32>
    %and3A_2676 = arith.andi %and3A_2672, %ge3A_2675 : vector<16xi1>
    %lt3A_2677 = arith.constant 64 : i32
    %lt3A_2678 = vector.broadcast %lt3A_2677 : i32 to vector<16xi32>
    %lt3A_2679 = arith.cmpi slt, %convert_element_type3A_2661, %lt3A_2678 : vector<16xi32>
    %and3A_2680 = arith.andi %and3A_2676, %lt3A_2679 : vector<16xi1>
    %min3A_2681 = arith.constant 142.769226 : f32
    %min3A_2682 = vector.broadcast %min3A_2681 : f32 to vector<16xf32>
    %min3A_2683 = arith.minimumf %mul3A_2655, %min3A_2682 : vector<16xf32>
    %min3A_2684 = arith.constant 110.769234 : f32
    %min3A_2685 = vector.broadcast %min3A_2684 : f32 to vector<16xf32>
    %min3A_2686 = arith.minimumf %mul3A_2659, %min3A_2685 : vector<16xf32>
    %mul3A_2687 = arith.mulf %min3A_2683, %min3A_2686 : vector<16xf32>
    %mul3A_2688 = arith.mulf %mul3A_2655, %mul3A_2659 : vector<16xf32>
    %add3A_2689 = arith.constant 15814.4375 : f32
    %add3A_2690 = vector.broadcast %add3A_2689 : f32 to vector<16xf32>
    %add3A_2691 = arith.addf %mul3A_2688, %add3A_2690 : vector<16xf32>
    %sub3A_2692 = arith.subf %add3A_2691, %mul3A_2687 : vector<16xf32>
    %add3A_2693 = arith.constant 1.000000e-16 : f32
    %add3A_2694 = vector.broadcast %add3A_2693 : f32 to vector<16xf32>
    %add3A_2695 = arith.addf %sub3A_2692, %add3A_2694 : vector<16xf32>
    %div3A_2696 = arith.divf %mul3A_2687, %add3A_2695 : vector<16xf32>
    %min3A_2697 = arith.constant 1.920000e+02 : f32
    %min3A_2698 = vector.broadcast %min3A_2697 : f32 to vector<16xf32>
    %min3A_2699 = arith.minimumf %mul3A_2655, %min3A_2698 : vector<16xf32>
    %min3A_2700 = arith.constant 243.692307 : f32
    %min3A_2701 = vector.broadcast %min3A_2700 : f32 to vector<16xf32>
    %min3A_2702 = arith.minimumf %mul3A_2659, %min3A_2701 : vector<16xf32>
    %mul3A_2703 = arith.mulf %min3A_2699, %min3A_2702 : vector<16xf32>
    %mul3A_2704 = arith.mulf %mul3A_2655, %mul3A_2659 : vector<16xf32>
    %add3A_2705 = arith.constant 46788.9219 : f32
    %add3A_2706 = vector.broadcast %add3A_2705 : f32 to vector<16xf32>
    %add3A_2707 = arith.addf %mul3A_2704, %add3A_2706 : vector<16xf32>
    %sub3A_2708 = arith.subf %add3A_2707, %mul3A_2703 : vector<16xf32>
    %add3A_2709 = arith.constant 1.000000e-16 : f32
    %add3A_2710 = vector.broadcast %add3A_2709 : f32 to vector<16xf32>
    %add3A_2711 = arith.addf %sub3A_2708, %add3A_2710 : vector<16xf32>
    %div3A_2712 = arith.divf %mul3A_2703, %add3A_2711 : vector<16xf32>
    %min3A_2713 = arith.constant 459.076935 : f32
    %min3A_2714 = vector.broadcast %min3A_2713 : f32 to vector<16xf32>
    %min3A_2715 = arith.minimumf %mul3A_2655, %min3A_2714 : vector<16xf32>
    %min3A_2716 = arith.constant 401.230774 : f32
    %min3A_2717 = vector.broadcast %min3A_2716 : f32 to vector<16xf32>
    %min3A_2718 = arith.minimumf %mul3A_2659, %min3A_2717 : vector<16xf32>
    %mul3A_2719 = arith.mulf %min3A_2715, %min3A_2718 : vector<16xf32>
    %mul3A_2720 = arith.mulf %mul3A_2655, %mul3A_2659 : vector<16xf32>
    %add3A_2721 = arith.constant 184195.781 : f32
    %add3A_2722 = vector.broadcast %add3A_2721 : f32 to vector<16xf32>
    %add3A_2723 = arith.addf %mul3A_2720, %add3A_2722 : vector<16xf32>
    %sub3A_2724 = arith.subf %add3A_2723, %mul3A_2719 : vector<16xf32>
    %add3A_2725 = arith.constant 1.000000e-16 : f32
    %add3A_2726 = vector.broadcast %add3A_2725 : f32 to vector<16xf32>
    %add3A_2727 = arith.addf %sub3A_2724, %add3A_2726 : vector<16xf32>
    %div3A_2728 = arith.divf %mul3A_2719, %add3A_2727 : vector<16xf32>
    %gt3A_2729 = arith.cmpf ogt, %div3A_2712, %div3A_2696 : vector<16xf32>
    %select_n3A_2730 = arith.select %gt3A_2729, %div3A_2712, %div3A_2696 : vector<16xi1>, vector<16xf32>
    %jit3A_2731 = arith.constant 1 : i32
    %jit3A_2732 = arith.constant 0 : i32
    %broadcast_in_dim3A_2733 = vector.broadcast %jit3A_2731 : i32 to vector<16xi32>
    %broadcast_in_dim3A_2734 = vector.broadcast %jit3A_2732 : i32 to vector<16xi32>
    %select_n3A_2735 = arith.select %gt3A_2729, %broadcast_in_dim3A_2733, %broadcast_in_dim3A_2734 : vector<16xi1>, vector<16xi32>
    %gt3A_2736 = arith.cmpf ogt, %div3A_2728, %select_n3A_2730 : vector<16xf32>
    %jit3A_2737 = arith.constant 2 : i32
    %broadcast_in_dim3A_2738 = vector.broadcast %jit3A_2737 : i32 to vector<16xi32>
    %select_n3A_2739 = arith.select %gt3A_2736, %broadcast_in_dim3A_2738, %select_n3A_2735 : vector<16xi1>, vector<16xi32>
    %eq3A_2740 = arith.constant 0 : i32
    %eq3A_2741 = vector.broadcast %eq3A_2740 : i32 to vector<16xi32>
    %eq3A_2742 = arith.cmpi eq, %select_n3A_2739, %eq3A_2741 : vector<16xi32>
    %eq3A_2743 = arith.constant 1 : i32
    %eq3A_2744 = vector.broadcast %eq3A_2743 : i32 to vector<16xi32>
    %eq3A_2745 = arith.cmpi eq, %select_n3A_2739, %eq3A_2744 : vector<16xi32>
    %jit3A_2746 = arith.constant 1.920000e+02 : f32
    %jit3A_2747 = arith.constant 459.076935 : f32
    %broadcast_in_dim3A_2748 = vector.broadcast %jit3A_2746 : f32 to vector<16xf32>
    %broadcast_in_dim3A_2749 = vector.broadcast %jit3A_2747 : f32 to vector<16xf32>
    %select_n3A_2750 = arith.select %eq3A_2745, %broadcast_in_dim3A_2748, %broadcast_in_dim3A_2749 : vector<16xi1>, vector<16xf32>
    %jit3A_2751 = arith.constant 142.769226 : f32
    %broadcast_in_dim3A_2752 = vector.broadcast %jit3A_2751 : f32 to vector<16xf32>
    %select_n3A_2753 = arith.select %eq3A_2742, %broadcast_in_dim3A_2752, %select_n3A_2750 : vector<16xi1>, vector<16xf32>
    %eq3A_2754 = arith.constant 0 : i32
    %eq3A_2755 = vector.broadcast %eq3A_2754 : i32 to vector<16xi32>
    %eq3A_2756 = arith.cmpi eq, %select_n3A_2739, %eq3A_2755 : vector<16xi32>
    %eq3A_2757 = arith.constant 1 : i32
    %eq3A_2758 = vector.broadcast %eq3A_2757 : i32 to vector<16xi32>
    %eq3A_2759 = arith.cmpi eq, %select_n3A_2739, %eq3A_2758 : vector<16xi32>
    %jit3A_2760 = arith.constant 243.692307 : f32
    %jit3A_2761 = arith.constant 401.230774 : f32
    %broadcast_in_dim3A_2762 = vector.broadcast %jit3A_2760 : f32 to vector<16xf32>
    %broadcast_in_dim3A_2763 = vector.broadcast %jit3A_2761 : f32 to vector<16xf32>
    %select_n3A_2764 = arith.select %eq3A_2759, %broadcast_in_dim3A_2762, %broadcast_in_dim3A_2763 : vector<16xi1>, vector<16xf32>
    %jit3A_2765 = arith.constant 110.769234 : f32
    %broadcast_in_dim3A_2766 = vector.broadcast %jit3A_2765 : f32 to vector<16xf32>
    %select_n3A_2767 = arith.select %eq3A_2756, %broadcast_in_dim3A_2766, %select_n3A_2764 : vector<16xi1>, vector<16xf32>
    %mul3A_2768 = arith.constant 3 : i32
    %mul3A_2769 = arith.muli %select_n3A, %mul3A_2768 : i32
    %add3A_2770 = vector.broadcast %mul3A_2769 : i32 to vector<16xi32>
    %add3A_2771 = arith.addi %add3A_2770, %select_n3A_2739 : vector<16xi32>
    %mul3A_2772 = arith.constant 64 : i32
    %mul3A_2773 = vector.broadcast %mul3A_2772 : i32 to vector<16xi32>
    %mul3A_2774 = arith.muli %add3A_2771, %mul3A_2773 : vector<16xi32>
    %add3A_2775 = arith.addi %mul3A_2774, %convert_element_type3A_2661 : vector<16xi32>
    %mul3A_2776 = arith.constant 64 : i32
    %mul3A_2777 = vector.broadcast %mul3A_2776 : i32 to vector<16xi32>
    %mul3A_2778 = arith.muli %add3A_2775, %mul3A_2777 : vector<16xi32>
    %add3A_2779 = arith.addi %mul3A_2778, %convert_element_type3A_2660 : vector<16xi32>
    %iota3A_2780 = tpu.iota {dimensions = array<i32: 0>} : vector<16xi32>
    %add3A_2781 = arith.constant 16 : i32
    %add3A_2782 = vector.broadcast %add3A_2781 : i32 to vector<16xi32>
    %add3A_2783 = arith.addi %add3A_2782, %iota3A_2780 : vector<16xi32>
    %sub3A_2784 = arith.constant -1 : i32
    %sub3A_2785 = vector.broadcast %sub3A_2784 : i32 to vector<16xi32>
    %sub3A_2786 = arith.subi %sub3A_2785, %add3A_2783 : vector<16xi32>
    %select_n3A_2787 = arith.select %and3A_2680, %add3A_2779, %sub3A_2786 : vector<16xi1>, vector<16xi32>
    %mul3A_2788 = arith.constant 80 : i32
    %mul3A_2789 = vector.broadcast %mul3A_2788 : i32 to vector<16xi32>
    %mul3A_2790 = arith.muli %add3A_2779, %mul3A_2789 : vector<16xi32>
    %add3A_2791 = arith.addi %mul3A_2790, %get3A_2637 : vector<16xi32>
    %select_n3A_2792 = arith.select %and3A_2680, %add3A_2791, %sub3A_2786 : vector<16xi1>, vector<16xi32>
    %convert_element_type3A_2793 = arith.sitofp %convert_element_type3A_2660 : vector<16xi32> to vector<16xf32>
    %sub3A_2794 = arith.subf %mul3A_2644, %convert_element_type3A_2793 : vector<16xf32>
    %convert_element_type3A_2795 = arith.sitofp %convert_element_type3A_2661 : vector<16xi32> to vector<16xf32>
    %sub3A_2796 = arith.subf %mul3A_2651, %convert_element_type3A_2795 : vector<16xf32>
    %div3A_2797 = arith.divf %mul3A_2655, %select_n3A_2753 : vector<16xf32>
    %div3A_2798 = arith.divf %mul3A_2659, %select_n3A_2767 : vector<16xf32>
    %swap3A_2799 = arith.constant 64 : index
    %swap3A_2800 = tpu.vector_load %arg12[%swap3A_2799] {strides = array<i32>} : memref<96xi32, #tpu.memory_space<vmem>>, vector<16xi32>,
    tpu.vector_store %arg12[%swap3A_2799], %select_n3A_2608 {strides = array<i32>} : memref<96xi32, #tpu.memory_space<vmem>>, vector<16xi32>,
    %swap3A_2801 = arith.constant 80 : index
    %swap3A_2802 = tpu.vector_load %arg12[%swap3A_2801] {strides = array<i32>} : memref<96xi32, #tpu.memory_space<vmem>>, vector<16xi32>,
    tpu.vector_store %arg12[%swap3A_2801], %select_n3A_2787 {strides = array<i32>} : memref<96xi32, #tpu.memory_space<vmem>>, vector<16xi32>,
    %swap3A_2803 = arith.constant 64 : index
    %swap3A_2804 = tpu.vector_load %arg13[%swap3A_2803] {strides = array<i32>} : memref<96xi32, #tpu.memory_space<vmem>>, vector<16xi32>,
    tpu.vector_store %arg13[%swap3A_2803], %select_n3A_2613 {strides = array<i32>} : memref<96xi32, #tpu.memory_space<vmem>>, vector<16xi32>,
    %swap3A_2805 = arith.constant 80 : index
    %swap3A_2806 = tpu.vector_load %arg13[%swap3A_2805] {strides = array<i32>} : memref<96xi32, #tpu.memory_space<vmem>>, vector<16xi32>,
    tpu.vector_store %arg13[%swap3A_2805], %select_n3A_2792 {strides = array<i32>} : memref<96xi32, #tpu.memory_space<vmem>>, vector<16xi32>,
    %eq3A_2807 = arith.constant 0 : i32
    %eq3A_2808 = arith.cmpi eq, %select_n3A_30, %eq3A_2807 : i32
    %select_n3A_2809 = arith.select %eq3A_2808, %select_n3A_2608, %select_n3A_2787 : vector<16xi32>
    %select_n3A_2810 = arith.select %eq3A_2808, %select_n3A_2613, %select_n3A_2792 : vector<16xi32>
    %select_n3A_2811 = arith.select %eq3A_2808, %and3A_2501, %and3A_2680 : vector<16xi1>
    %select_n3A_2812 = arith.select %eq3A_2808, %add3A_2600, %add3A_2779 : vector<16xi32>
    %select_n3A_2813 = arith.select %eq3A_2808, %sub3A_2615, %sub3A_2794 : vector<16xf32>
    %select_n3A_2814 = arith.select %eq3A_2808, %sub3A_2617, %sub3A_2796 : vector<16xf32>
    %select_n3A_2815 = arith.select %eq3A_2808, %div3A_2618, %div3A_2797 : vector<16xf32>
    %select_n3A_2816 = arith.select %eq3A_2808, %div3A_2619, %div3A_2798 : vector<16xf32>
    %select_n3A_2817 = arith.select %eq3A_2808, %get3A_2458, %get3A_2637 : vector<16xi32>
    %lt3A_2818 = arith.constant 0 : i32
    %lt3A_2819 = vector.broadcast %lt3A_2818 : i32 to vector<16xi32>
    %lt3A_2820 = arith.cmpi slt, %iota3A, %lt3A_2819 : vector<16xi32>
    %lt3A_2821 = arith.constant 0 : i32
    %lt3A_2822 = vector.broadcast %lt3A_2821 : i32 to vector<16xi32>
    %lt3A_2823 = arith.cmpi slt, %iota3A, %lt3A_2822 : vector<16xi32>
    %scan3A_2824 = arith.constant 0 : i32
    %scan3A_2825 = arith.constant 32 : i32
    %scan3A_2826 = arith.addi %scan3A_2824, %scan3A_2825 : i32
    %scan3A_2827 = arith.constant 1 : i32
    %scan3A_2828:2 = scf.for %scan3A_3696 = %scan3A_2824 to %scan3A_2826 step %scan3A_2827 iter_args(%scan3A_3697 = %lt3A_2820, %scan3A_3698 = %lt3A_2823) -> (vector<16xi1>, vector<16xi1>)  : i32 {
      %broadcast_in_dim3A_3699 = arith.constant 64 : i32
      %broadcast_in_dim3A_3700 = vector.broadcast %broadcast_in_dim3A_3699 : i32 to vector<16xi32>
      %add3A_3701 = vector.broadcast %scan3A_3696 : i32 to vector<16xi32>
      %add3A_3702 = arith.addi %broadcast_in_dim3A_3700, %add3A_3701 : vector<16xi32>
      %gather3A_3703 = tpu.vector_load_idx %arg12[%add3A_3702] : memref<96xi32, #tpu.memory_space<vmem>>[vector<16xi32>], vector<16xi32>,
      %gather3A_3704 = tpu.vector_load_idx %arg13[%add3A_3702] : memref<96xi32, #tpu.memory_space<vmem>>[vector<16xi32>], vector<16xi32>,
      %lt3A_3705 = vector.broadcast %scan3A_3696 : i32 to vector<16xi32>
      %lt3A_3706 = arith.cmpi slt, %add3A_34, %lt3A_3705 : vector<16xi32>
      %eq3A_3707 = arith.cmpi eq, %select_n3A_2809, %gather3A_3703 : vector<16xi32>
      %and3A_3708 = arith.andi %eq3A_3707, %lt3A_3706 : vector<16xi1>
      %or3A = arith.ori %scan3A_3697, %and3A_3708 : vector<16xi1>
      %eq3A_3709 = arith.cmpi eq, %select_n3A_2810, %gather3A_3704 : vector<16xi32>
      %and3A_3710 = arith.andi %eq3A_3709, %lt3A_3706 : vector<16xi1>
      %or3A_3711 = arith.ori %scan3A_3698, %and3A_3710 : vector<16xi1>
      scf.yield %or3A, %or3A_3711 : vector<16xi1>, vector<16xi1>
    }
    %scan3A_2829 = arith.constant 32 : i32
    %not3A_2830 = arith.constant dense<true> : vector<16xi1>
    %not3A_2831 = arith.xori %scan3A_2828#0, %not3A_2830 : vector<16xi1>
    %and3A_2832 = arith.andi %select_n3A_2811, %not3A_2831 : vector<16xi1>
    %not3A_2833 = arith.constant dense<true> : vector<16xi1>
    %not3A_2834 = arith.xori %scan3A_2828#1, %not3A_2833 : vector<16xi1>
    %and3A_2835 = arith.andi %select_n3A_2811, %not3A_2834 : vector<16xi1>
    %jit3A_2836 = arith.constant 1.000000e+00 : f32
    %jit3A_2837 = arith.constant 0.000000e+00 : f32
    %broadcast_in_dim3A_2838 = vector.broadcast %jit3A_2836 : f32 to vector<16xf32>
    %broadcast_in_dim3A_2839 = vector.broadcast %jit3A_2837 : f32 to vector<16xf32>
    %select_n3A_2840 = arith.select %and3A_2832, %broadcast_in_dim3A_2838, %broadcast_in_dim3A_2839 : vector<16xi1>, vector<16xf32>
    %swap3A_2841 = arith.constant 0 : index
    %swap3A_2842 = tpu.vector_load %arg16[%swap3A_2841] {strides = array<i32>} : memref<128xf32, #tpu.memory_space<vmem>>, vector<16xf32>,
    tpu.vector_store %arg16[%swap3A_2841], %select_n3A_2840 {strides = array<i32>} : memref<128xf32, #tpu.memory_space<vmem>>, vector<16xf32>,
    %jit3A_2843 = arith.constant 1.000000e+00 : f32
    %jit3A_2844 = arith.constant 0.000000e+00 : f32
    %broadcast_in_dim3A_2845 = vector.broadcast %jit3A_2843 : f32 to vector<16xf32>
    %broadcast_in_dim3A_2846 = vector.broadcast %jit3A_2844 : f32 to vector<16xf32>
    %select_n3A_2847 = arith.select %and3A_2835, %broadcast_in_dim3A_2845, %broadcast_in_dim3A_2846 : vector<16xi1>, vector<16xf32>
    %swap3A_2848 = arith.constant 16 : index
    %swap3A_2849 = tpu.vector_load %arg16[%swap3A_2848] {strides = array<i32>} : memref<128xf32, #tpu.memory_space<vmem>>, vector<16xf32>,
    tpu.vector_store %arg16[%swap3A_2848], %select_n3A_2847 {strides = array<i32>} : memref<128xf32, #tpu.memory_space<vmem>>, vector<16xf32>,
    %swap3A_2850 = arith.constant 32 : index
    %swap3A_2851 = tpu.vector_load %arg16[%swap3A_2850] {strides = array<i32>} : memref<128xf32, #tpu.memory_space<vmem>>, vector<16xf32>,
    tpu.vector_store %arg16[%swap3A_2850], %select_n3A_2813 {strides = array<i32>} : memref<128xf32, #tpu.memory_space<vmem>>, vector<16xf32>,
    %swap3A_2852 = arith.constant 48 : index
    %swap3A_2853 = tpu.vector_load %arg16[%swap3A_2852] {strides = array<i32>} : memref<128xf32, #tpu.memory_space<vmem>>, vector<16xf32>,
    tpu.vector_store %arg16[%swap3A_2852], %select_n3A_2814 {strides = array<i32>} : memref<128xf32, #tpu.memory_space<vmem>>, vector<16xf32>,
    %swap3A_2854 = arith.constant 64 : index
    %swap3A_2855 = tpu.vector_load %arg16[%swap3A_2854] {strides = array<i32>} : memref<128xf32, #tpu.memory_space<vmem>>, vector<16xf32>,
    tpu.vector_store %arg16[%swap3A_2854], %select_n3A_2815 {strides = array<i32>} : memref<128xf32, #tpu.memory_space<vmem>>, vector<16xf32>,
    %swap3A_2856 = arith.constant 80 : index
    %swap3A_2857 = tpu.vector_load %arg16[%swap3A_2856] {strides = array<i32>} : memref<128xf32, #tpu.memory_space<vmem>>, vector<16xf32>,
    tpu.vector_store %arg16[%swap3A_2856], %select_n3A_2816 {strides = array<i32>} : memref<128xf32, #tpu.memory_space<vmem>>, vector<16xf32>,
    %convert_element_type3A_2858 = arith.sitofp %select_n3A_2817 : vector<16xi32> to vector<16xf32>
    %swap3A_2859 = arith.constant 96 : index
    %swap3A_2860 = tpu.vector_load %arg16[%swap3A_2859] {strides = array<i32>} : memref<128xf32, #tpu.memory_space<vmem>>, vector<16xf32>,
    tpu.vector_store %arg16[%swap3A_2859], %convert_element_type3A_2858 {strides = array<i32>} : memref<128xf32, #tpu.memory_space<vmem>>, vector<16xf32>,
    %lt3A_2861 = arith.constant 0 : i32
    %lt3A_2862 = vector.broadcast %lt3A_2861 : i32 to vector<16xi32>
    %lt3A_2863 = arith.cmpi slt, %iota3A, %lt3A_2862 : vector<16xi32>
    %jit3A_2864 = arith.constant 1.000000e+00 : f32
    %jit3A_2865 = arith.constant 0.000000e+00 : f32
    %broadcast_in_dim3A_2866 = vector.broadcast %jit3A_2864 : f32 to vector<16xf32>
    %broadcast_in_dim3A_2867 = vector.broadcast %jit3A_2865 : f32 to vector<16xf32>
    %select_n3A_2868 = arith.select %lt3A_2863, %broadcast_in_dim3A_2866, %broadcast_in_dim3A_2867 : vector<16xi1>, vector<16xf32>
    %swap3A_2869 = arith.constant 112 : index
    %swap3A_2870 = tpu.vector_load %arg16[%swap3A_2869] {strides = array<i32>} : memref<128xf32, #tpu.memory_space<vmem>>, vector<16xf32>,
    tpu.vector_store %arg16[%swap3A_2869], %select_n3A_2868 {strides = array<i32>} : memref<128xf32, #tpu.memory_space<vmem>>, vector<16xf32>,
    %run_scoped3A_2871 = arith.constant 2 : i32
    "tpu.region"() ({
      %run_scoped3A_3696 = tpu.sem_alloc : memref<!tpu.dma_semaphore, #tpu.memory_space<semaphore_mem>>
      %dma_start3A_3697 = arith.constant 0 : i32
      %dma_start3A_3698 = tpu.memref_slice %arg8[%run_scoped3A_2871, %add3A, %dma_start3A_3697] : memref<3x32x128xf32, #tpu.memory_space<hbm>> -> memref<1x1x128xf32, #tpu.memory_space<hbm>>
      %dma_start3A_3699 = tpu.memref_squeeze %dma_start3A_3698 : memref<1x1x128xf32, #tpu.memory_space<hbm>> -> memref<128xf32, #tpu.memory_space<hbm>>
      %dma_start3A_3700 = arith.constant 0 : i32
      %dma_start3A_3701 = tpu.memref_slice %arg8[%run_scoped3A_2871, %add3A, %dma_start3A_3700] : memref<3x32x128xf32, #tpu.memory_space<hbm>> -> memref<1x1x128xf32, #tpu.memory_space<hbm>>
      %dma_start3A_3702 = tpu.memref_squeeze %dma_start3A_3701 : memref<1x1x128xf32, #tpu.memory_space<hbm>> -> memref<128xf32, #tpu.memory_space<hbm>>
      tpu.enqueue_dma source(%arg16 : memref<128xf32, #tpu.memory_space<vmem>>) target(%dma_start3A_3702 : memref<128xf32, #tpu.memory_space<hbm>>) target_semaphore(%run_scoped3A_3696 : memref<!tpu.dma_semaphore, #tpu.memory_space<semaphore_mem>>)
      %dma_wait3A_3703 = arith.constant 0 : i32
      %dma_wait3A_3704 = tpu.memref_slice %arg8[%run_scoped3A_2871, %add3A, %dma_wait3A_3703] : memref<3x32x128xf32, #tpu.memory_space<hbm>> -> memref<1x1x128xf32, #tpu.memory_space<hbm>>
      %dma_wait3A_3705 = tpu.memref_squeeze %dma_wait3A_3704 : memref<1x1x128xf32, #tpu.memory_space<hbm>> -> memref<128xf32, #tpu.memory_space<hbm>>
      %dma_wait3A_3706 = arith.constant 0 : i32
      %dma_wait3A_3707 = tpu.memref_slice %arg8[%run_scoped3A_2871, %add3A, %dma_wait3A_3706] : memref<3x32x128xf32, #tpu.memory_space<hbm>> -> memref<1x1x128xf32, #tpu.memory_space<hbm>>
      %dma_wait3A_3708 = tpu.memref_squeeze %dma_wait3A_3707 : memref<1x1x128xf32, #tpu.memory_space<hbm>> -> memref<128xf32, #tpu.memory_space<hbm>>
      tpu.wait_dma2 semaphore(%run_scoped3A_3696 : memref<!tpu.dma_semaphore, #tpu.memory_space<semaphore_mem>>) src(%arg16 : memref<128xf32, #tpu.memory_space<vmem>>) dst(%dma_wait3A_3708 : memref<128xf32, #tpu.memory_space<hbm>>)
      tpu.yield
    }) : () -> ()
    %jit3A_2872 = arith.constant 0 : i32
    %jit3A_2873 = arith.constant 196607 : i32
    %max3A_2874 = vector.broadcast %jit3A_2872 : i32 to vector<16xi32>
    %max3A_2875 = arith.maxsi %max3A_2874, %select_n3A_2812 : vector<16xi32>
    %min3A_2876 = vector.broadcast %jit3A_2873 : i32 to vector<16xi32>
    %min3A_2877 = arith.minsi %min3A_2876, %max3A_2875 : vector<16xi32>
    %mul3A_2878 = arith.constant 85 : i32
    %mul3A_2879 = vector.broadcast %mul3A_2878 : i32 to vector<16xi32>
    %mul3A_2880 = arith.muli %min3A_2877, %mul3A_2879 : vector<16xi32>
    %mul3A_2881 = arith.constant 85 : i32
    %mul3A_2882 = vector.broadcast %mul3A_2881 : i32 to vector<16xi32>
    %mul3A_2883 = arith.muli %iota3A, %mul3A_2882 : vector<16xi32>
    %add3A_2884 = arith.constant 0 : i32
    %add3A_2885 = vector.broadcast %add3A_2884 : i32 to vector<16xi32>
    %add3A_2886 = arith.addi %mul3A_2883, %add3A_2885 : vector<16xi32>
    %add3A_2887 = arith.constant 0 : i32
    %add3A_2888 = vector.broadcast %add3A_2887 : i32 to vector<16xi32>
    %add3A_2889 = arith.addi %mul3A_2880, %add3A_2888 : vector<16xi32>
    tpu.vector_store_idx %arg14[%add3A_2886], %add3A_2889 : memref<1360xi32, #tpu.memory_space<vmem>>[vector<16xi32>], vector<16xi32>,
    %mul3A_2890 = arith.constant 85 : i32
    %mul3A_2891 = vector.broadcast %mul3A_2890 : i32 to vector<16xi32>
    %mul3A_2892 = arith.muli %iota3A, %mul3A_2891 : vector<16xi32>
    %add3A_2893 = arith.constant 1 : i32
    %add3A_2894 = vector.broadcast %add3A_2893 : i32 to vector<16xi32>
    %add3A_2895 = arith.addi %mul3A_2892, %add3A_2894 : vector<16xi32>
    %add3A_2896 = arith.constant 1 : i32
    %add3A_2897 = vector.broadcast %add3A_2896 : i32 to vector<16xi32>
    %add3A_2898 = arith.addi %mul3A_2880, %add3A_2897 : vector<16xi32>
    tpu.vector_store_idx %arg14[%add3A_2895], %add3A_2898 : memref<1360xi32, #tpu.memory_space<vmem>>[vector<16xi32>], vector<16xi32>,
    %mul3A_2899 = arith.constant 85 : i32
    %mul3A_2900 = vector.broadcast %mul3A_2899 : i32 to vector<16xi32>
    %mul3A_2901 = arith.muli %iota3A, %mul3A_2900 : vector<16xi32>
    %add3A_2902 = arith.constant 2 : i32
    %add3A_2903 = vector.broadcast %add3A_2902 : i32 to vector<16xi32>
    %add3A_2904 = arith.addi %mul3A_2901, %add3A_2903 : vector<16xi32>
    %add3A_2905 = arith.constant 2 : i32
    %add3A_2906 = vector.broadcast %add3A_2905 : i32 to vector<16xi32>
    %add3A_2907 = arith.addi %mul3A_2880, %add3A_2906 : vector<16xi32>
    tpu.vector_store_idx %arg14[%add3A_2904], %add3A_2907 : memref<1360xi32, #tpu.memory_space<vmem>>[vector<16xi32>], vector<16xi32>,
    %mul3A_2908 = arith.constant 85 : i32
    %mul3A_2909 = vector.broadcast %mul3A_2908 : i32 to vector<16xi32>
    %mul3A_2910 = arith.muli %iota3A, %mul3A_2909 : vector<16xi32>
    %add3A_2911 = arith.constant 3 : i32
    %add3A_2912 = vector.broadcast %add3A_2911 : i32 to vector<16xi32>
    %add3A_2913 = arith.addi %mul3A_2910, %add3A_2912 : vector<16xi32>
    %add3A_2914 = arith.constant 3 : i32
    %add3A_2915 = vector.broadcast %add3A_2914 : i32 to vector<16xi32>
    %add3A_2916 = arith.addi %mul3A_2880, %add3A_2915 : vector<16xi32>
    tpu.vector_store_idx %arg14[%add3A_2913], %add3A_2916 : memref<1360xi32, #tpu.memory_space<vmem>>[vector<16xi32>], vector<16xi32>,
    %mul3A_2917 = arith.constant 85 : i32
    %mul3A_2918 = vector.broadcast %mul3A_2917 : i32 to vector<16xi32>
    %mul3A_2919 = arith.muli %iota3A, %mul3A_2918 : vector<16xi32>
    %add3A_2920 = arith.constant 4 : i32
    %add3A_2921 = vector.broadcast %add3A_2920 : i32 to vector<16xi32>
    %add3A_2922 = arith.addi %mul3A_2919, %add3A_2921 : vector<16xi32>
    %add3A_2923 = arith.constant 4 : i32
    %add3A_2924 = vector.broadcast %add3A_2923 : i32 to vector<16xi32>
    %add3A_2925 = arith.addi %mul3A_2880, %add3A_2924 : vector<16xi32>
    tpu.vector_store_idx %arg14[%add3A_2922], %add3A_2925 : memref<1360xi32, #tpu.memory_space<vmem>>[vector<16xi32>], vector<16xi32>,
    %mul3A_2926 = arith.constant 85 : i32
    %mul3A_2927 = vector.broadcast %mul3A_2926 : i32 to vector<16xi32>
    %mul3A_2928 = arith.muli %iota3A, %mul3A_2927 : vector<16xi32>
    %add3A_2929 = arith.constant 5 : i32
    %add3A_2930 = vector.broadcast %add3A_2929 : i32 to vector<16xi32>
    %add3A_2931 = arith.addi %mul3A_2928, %add3A_2930 : vector<16xi32>
    %add3A_2932 = arith.constant 5 : i32
    %add3A_2933 = vector.broadcast %add3A_2932 : i32 to vector<16xi32>
    %add3A_2934 = arith.addi %mul3A_2880, %add3A_2933 : vector<16xi32>
    tpu.vector_store_idx %arg14[%add3A_2931], %add3A_2934 : memref<1360xi32, #tpu.memory_space<vmem>>[vector<16xi32>], vector<16xi32>,
    %mul3A_2935 = arith.constant 85 : i32
    %mul3A_2936 = vector.broadcast %mul3A_2935 : i32 to vector<16xi32>
    %mul3A_2937 = arith.muli %iota3A, %mul3A_2936 : vector<16xi32>
    %add3A_2938 = arith.constant 6 : i32
    %add3A_2939 = vector.broadcast %add3A_2938 : i32 to vector<16xi32>
    %add3A_2940 = arith.addi %mul3A_2937, %add3A_2939 : vector<16xi32>
    %add3A_2941 = arith.constant 6 : i32
    %add3A_2942 = vector.broadcast %add3A_2941 : i32 to vector<16xi32>
    %add3A_2943 = arith.addi %mul3A_2880, %add3A_2942 : vector<16xi32>
    tpu.vector_store_idx %arg14[%add3A_2940], %add3A_2943 : memref<1360xi32, #tpu.memory_space<vmem>>[vector<16xi32>], vector<16xi32>,
    %mul3A_2944 = arith.constant 85 : i32
    %mul3A_2945 = vector.broadcast %mul3A_2944 : i32 to vector<16xi32>
    %mul3A_2946 = arith.muli %iota3A, %mul3A_2945 : vector<16xi32>
    %add3A_2947 = arith.constant 7 : i32
    %add3A_2948 = vector.broadcast %add3A_2947 : i32 to vector<16xi32>
    %add3A_2949 = arith.addi %mul3A_2946, %add3A_2948 : vector<16xi32>
    %add3A_2950 = arith.constant 7 : i32
    %add3A_2951 = vector.broadcast %add3A_2950 : i32 to vector<16xi32>
    %add3A_2952 = arith.addi %mul3A_2880, %add3A_2951 : vector<16xi32>
    tpu.vector_store_idx %arg14[%add3A_2949], %add3A_2952 : memref<1360xi32, #tpu.memory_space<vmem>>[vector<16xi32>], vector<16xi32>,
    %mul3A_2953 = arith.constant 85 : i32
    %mul3A_2954 = vector.broadcast %mul3A_2953 : i32 to vector<16xi32>
    %mul3A_2955 = arith.muli %iota3A, %mul3A_2954 : vector<16xi32>
    %add3A_2956 = arith.constant 8 : i32
    %add3A_2957 = vector.broadcast %add3A_2956 : i32 to vector<16xi32>
    %add3A_2958 = arith.addi %mul3A_2955, %add3A_2957 : vector<16xi32>
    %add3A_2959 = arith.constant 8 : i32
    %add3A_2960 = vector.broadcast %add3A_2959 : i32 to vector<16xi32>
    %add3A_2961 = arith.addi %mul3A_2880, %add3A_2960 : vector<16xi32>
    tpu.vector_store_idx %arg14[%add3A_2958], %add3A_2961 : memref<1360xi32, #tpu.memory_space<vmem>>[vector<16xi32>], vector<16xi32>,
    %mul3A_2962 = arith.constant 85 : i32
    %mul3A_2963 = vector.broadcast %mul3A_2962 : i32 to vector<16xi32>
    %mul3A_2964 = arith.muli %iota3A, %mul3A_2963 : vector<16xi32>
    %add3A_2965 = arith.constant 9 : i32
    %add3A_2966 = vector.broadcast %add3A_2965 : i32 to vector<16xi32>
    %add3A_2967 = arith.addi %mul3A_2964, %add3A_2966 : vector<16xi32>
    %add3A_2968 = arith.constant 9 : i32
    %add3A_2969 = vector.broadcast %add3A_2968 : i32 to vector<16xi32>
    %add3A_2970 = arith.addi %mul3A_2880, %add3A_2969 : vector<16xi32>
    tpu.vector_store_idx %arg14[%add3A_2967], %add3A_2970 : memref<1360xi32, #tpu.memory_space<vmem>>[vector<16xi32>], vector<16xi32>,
    %mul3A_2971 = arith.constant 85 : i32
    %mul3A_2972 = vector.broadcast %mul3A_2971 : i32 to vector<16xi32>
    %mul3A_2973 = arith.muli %iota3A, %mul3A_2972 : vector<16xi32>
    %add3A_2974 = arith.constant 10 : i32
    %add3A_2975 = vector.broadcast %add3A_2974 : i32 to vector<16xi32>
    %add3A_2976 = arith.addi %mul3A_2973, %add3A_2975 : vector<16xi32>
    %add3A_2977 = arith.constant 10 : i32
    %add3A_2978 = vector.broadcast %add3A_2977 : i32 to vector<16xi32>
    %add3A_2979 = arith.addi %mul3A_2880, %add3A_2978 : vector<16xi32>
    tpu.vector_store_idx %arg14[%add3A_2976], %add3A_2979 : memref<1360xi32, #tpu.memory_space<vmem>>[vector<16xi32>], vector<16xi32>,
    %mul3A_2980 = arith.constant 85 : i32
    %mul3A_2981 = vector.broadcast %mul3A_2980 : i32 to vector<16xi32>
    %mul3A_2982 = arith.muli %iota3A, %mul3A_2981 : vector<16xi32>
    %add3A_2983 = arith.constant 11 : i32
    %add3A_2984 = vector.broadcast %add3A_2983 : i32 to vector<16xi32>
    %add3A_2985 = arith.addi %mul3A_2982, %add3A_2984 : vector<16xi32>
    %add3A_2986 = arith.constant 11 : i32
    %add3A_2987 = vector.broadcast %add3A_2986 : i32 to vector<16xi32>
    %add3A_2988 = arith.addi %mul3A_2880, %add3A_2987 : vector<16xi32>
    tpu.vector_store_idx %arg14[%add3A_2985], %add3A_2988 : memref<1360xi32, #tpu.memory_space<vmem>>[vector<16xi32>], vector<16xi32>,
    %mul3A_2989 = arith.constant 85 : i32
    %mul3A_2990 = vector.broadcast %mul3A_2989 : i32 to vector<16xi32>
    %mul3A_2991 = arith.muli %iota3A, %mul3A_2990 : vector<16xi32>
    %add3A_2992 = arith.constant 12 : i32
    %add3A_2993 = vector.broadcast %add3A_2992 : i32 to vector<16xi32>
    %add3A_2994 = arith.addi %mul3A_2991, %add3A_2993 : vector<16xi32>
    %add3A_2995 = arith.constant 12 : i32
    %add3A_2996 = vector.broadcast %add3A_2995 : i32 to vector<16xi32>
    %add3A_2997 = arith.addi %mul3A_2880, %add3A_2996 : vector<16xi32>
    tpu.vector_store_idx %arg14[%add3A_2994], %add3A_2997 : memref<1360xi32, #tpu.memory_space<vmem>>[vector<16xi32>], vector<16xi32>,
    %mul3A_2998 = arith.constant 85 : i32
    %mul3A_2999 = vector.broadcast %mul3A_2998 : i32 to vector<16xi32>
    %mul3A_3000 = arith.muli %iota3A, %mul3A_2999 : vector<16xi32>
    %add3A_3001 = arith.constant 13 : i32
    %add3A_3002 = vector.broadcast %add3A_3001 : i32 to vector<16xi32>
    %add3A_3003 = arith.addi %mul3A_3000, %add3A_3002 : vector<16xi32>
    %add3A_3004 = arith.constant 13 : i32
    %add3A_3005 = vector.broadcast %add3A_3004 : i32 to vector<16xi32>
    %add3A_3006 = arith.addi %mul3A_2880, %add3A_3005 : vector<16xi32>
    tpu.vector_store_idx %arg14[%add3A_3003], %add3A_3006 : memref<1360xi32, #tpu.memory_space<vmem>>[vector<16xi32>], vector<16xi32>,
    %mul3A_3007 = arith.constant 85 : i32
    %mul3A_3008 = vector.broadcast %mul3A_3007 : i32 to vector<16xi32>
    %mul3A_3009 = arith.muli %iota3A, %mul3A_3008 : vector<16xi32>
    %add3A_3010 = arith.constant 14 : i32
    %add3A_3011 = vector.broadcast %add3A_3010 : i32 to vector<16xi32>
    %add3A_3012 = arith.addi %mul3A_3009, %add3A_3011 : vector<16xi32>
    %add3A_3013 = arith.constant 14 : i32
    %add3A_3014 = vector.broadcast %add3A_3013 : i32 to vector<16xi32>
    %add3A_3015 = arith.addi %mul3A_2880, %add3A_3014 : vector<16xi32>
    tpu.vector_store_idx %arg14[%add3A_3012], %add3A_3015 : memref<1360xi32, #tpu.memory_space<vmem>>[vector<16xi32>], vector<16xi32>,
    %mul3A_3016 = arith.constant 85 : i32
    %mul3A_3017 = vector.broadcast %mul3A_3016 : i32 to vector<16xi32>
    %mul3A_3018 = arith.muli %iota3A, %mul3A_3017 : vector<16xi32>
    %add3A_3019 = arith.constant 15 : i32
    %add3A_3020 = vector.broadcast %add3A_3019 : i32 to vector<16xi32>
    %add3A_3021 = arith.addi %mul3A_3018, %add3A_3020 : vector<16xi32>
    %add3A_3022 = arith.constant 15 : i32
    %add3A_3023 = vector.broadcast %add3A_3022 : i32 to vector<16xi32>
    %add3A_3024 = arith.addi %mul3A_2880, %add3A_3023 : vector<16xi32>
    tpu.vector_store_idx %arg14[%add3A_3021], %add3A_3024 : memref<1360xi32, #tpu.memory_space<vmem>>[vector<16xi32>], vector<16xi32>,
    %mul3A_3025 = arith.constant 85 : i32
    %mul3A_3026 = vector.broadcast %mul3A_3025 : i32 to vector<16xi32>
    %mul3A_3027 = arith.muli %iota3A, %mul3A_3026 : vector<16xi32>
    %add3A_3028 = arith.constant 16 : i32
    %add3A_3029 = vector.broadcast %add3A_3028 : i32 to vector<16xi32>
    %add3A_3030 = arith.addi %mul3A_3027, %add3A_3029 : vector<16xi32>
    %add3A_3031 = arith.constant 16 : i32
    %add3A_3032 = vector.broadcast %add3A_3031 : i32 to vector<16xi32>
    %add3A_3033 = arith.addi %mul3A_2880, %add3A_3032 : vector<16xi32>
    tpu.vector_store_idx %arg14[%add3A_3030], %add3A_3033 : memref<1360xi32, #tpu.memory_space<vmem>>[vector<16xi32>], vector<16xi32>,
    %mul3A_3034 = arith.constant 85 : i32
    %mul3A_3035 = vector.broadcast %mul3A_3034 : i32 to vector<16xi32>
    %mul3A_3036 = arith.muli %iota3A, %mul3A_3035 : vector<16xi32>
    %add3A_3037 = arith.constant 17 : i32
    %add3A_3038 = vector.broadcast %add3A_3037 : i32 to vector<16xi32>
    %add3A_3039 = arith.addi %mul3A_3036, %add3A_3038 : vector<16xi32>
    %add3A_3040 = arith.constant 17 : i32
    %add3A_3041 = vector.broadcast %add3A_3040 : i32 to vector<16xi32>
    %add3A_3042 = arith.addi %mul3A_2880, %add3A_3041 : vector<16xi32>
    tpu.vector_store_idx %arg14[%add3A_3039], %add3A_3042 : memref<1360xi32, #tpu.memory_space<vmem>>[vector<16xi32>], vector<16xi32>,
    %mul3A_3043 = arith.constant 85 : i32
    %mul3A_3044 = vector.broadcast %mul3A_3043 : i32 to vector<16xi32>
    %mul3A_3045 = arith.muli %iota3A, %mul3A_3044 : vector<16xi32>
    %add3A_3046 = arith.constant 18 : i32
    %add3A_3047 = vector.broadcast %add3A_3046 : i32 to vector<16xi32>
    %add3A_3048 = arith.addi %mul3A_3045, %add3A_3047 : vector<16xi32>
    %add3A_3049 = arith.constant 18 : i32
    %add3A_3050 = vector.broadcast %add3A_3049 : i32 to vector<16xi32>
    %add3A_3051 = arith.addi %mul3A_2880, %add3A_3050 : vector<16xi32>
    tpu.vector_store_idx %arg14[%add3A_3048], %add3A_3051 : memref<1360xi32, #tpu.memory_space<vmem>>[vector<16xi32>], vector<16xi32>,
    %mul3A_3052 = arith.constant 85 : i32
    %mul3A_3053 = vector.broadcast %mul3A_3052 : i32 to vector<16xi32>
    %mul3A_3054 = arith.muli %iota3A, %mul3A_3053 : vector<16xi32>
    %add3A_3055 = arith.constant 19 : i32
    %add3A_3056 = vector.broadcast %add3A_3055 : i32 to vector<16xi32>
    %add3A_3057 = arith.addi %mul3A_3054, %add3A_3056 : vector<16xi32>
    %add3A_3058 = arith.constant 19 : i32
    %add3A_3059 = vector.broadcast %add3A_3058 : i32 to vector<16xi32>
    %add3A_3060 = arith.addi %mul3A_2880, %add3A_3059 : vector<16xi32>
    tpu.vector_store_idx %arg14[%add3A_3057], %add3A_3060 : memref<1360xi32, #tpu.memory_space<vmem>>[vector<16xi32>], vector<16xi32>,
    %mul3A_3061 = arith.constant 85 : i32
    %mul3A_3062 = vector.broadcast %mul3A_3061 : i32 to vector<16xi32>
    %mul3A_3063 = arith.muli %iota3A, %mul3A_3062 : vector<16xi32>
    %add3A_3064 = arith.constant 20 : i32
    %add3A_3065 = vector.broadcast %add3A_3064 : i32 to vector<16xi32>
    %add3A_3066 = arith.addi %mul3A_3063, %add3A_3065 : vector<16xi32>
    %add3A_3067 = arith.constant 20 : i32
    %add3A_3068 = vector.broadcast %add3A_3067 : i32 to vector<16xi32>
    %add3A_3069 = arith.addi %mul3A_2880, %add3A_3068 : vector<16xi32>
    tpu.vector_store_idx %arg14[%add3A_3066], %add3A_3069 : memref<1360xi32, #tpu.memory_space<vmem>>[vector<16xi32>], vector<16xi32>,
    %mul3A_3070 = arith.constant 85 : i32
    %mul3A_3071 = vector.broadcast %mul3A_3070 : i32 to vector<16xi32>
    %mul3A_3072 = arith.muli %iota3A, %mul3A_3071 : vector<16xi32>
    %add3A_3073 = arith.constant 21 : i32
    %add3A_3074 = vector.broadcast %add3A_3073 : i32 to vector<16xi32>
    %add3A_3075 = arith.addi %mul3A_3072, %add3A_3074 : vector<16xi32>
    %add3A_3076 = arith.constant 21 : i32
    %add3A_3077 = vector.broadcast %add3A_3076 : i32 to vector<16xi32>
    %add3A_3078 = arith.addi %mul3A_2880, %add3A_3077 : vector<16xi32>
    tpu.vector_store_idx %arg14[%add3A_3075], %add3A_3078 : memref<1360xi32, #tpu.memory_space<vmem>>[vector<16xi32>], vector<16xi32>,
    %mul3A_3079 = arith.constant 85 : i32
    %mul3A_3080 = vector.broadcast %mul3A_3079 : i32 to vector<16xi32>
    %mul3A_3081 = arith.muli %iota3A, %mul3A_3080 : vector<16xi32>
    %add3A_3082 = arith.constant 22 : i32
    %add3A_3083 = vector.broadcast %add3A_3082 : i32 to vector<16xi32>
    %add3A_3084 = arith.addi %mul3A_3081, %add3A_3083 : vector<16xi32>
    %add3A_3085 = arith.constant 22 : i32
    %add3A_3086 = vector.broadcast %add3A_3085 : i32 to vector<16xi32>
    %add3A_3087 = arith.addi %mul3A_2880, %add3A_3086 : vector<16xi32>
    tpu.vector_store_idx %arg14[%add3A_3084], %add3A_3087 : memref<1360xi32, #tpu.memory_space<vmem>>[vector<16xi32>], vector<16xi32>,
    %mul3A_3088 = arith.constant 85 : i32
    %mul3A_3089 = vector.broadcast %mul3A_3088 : i32 to vector<16xi32>
    %mul3A_3090 = arith.muli %iota3A, %mul3A_3089 : vector<16xi32>
    %add3A_3091 = arith.constant 23 : i32
    %add3A_3092 = vector.broadcast %add3A_3091 : i32 to vector<16xi32>
    %add3A_3093 = arith.addi %mul3A_3090, %add3A_3092 : vector<16xi32>
    %add3A_3094 = arith.constant 23 : i32
    %add3A_3095 = vector.broadcast %add3A_3094 : i32 to vector<16xi32>
    %add3A_3096 = arith.addi %mul3A_2880, %add3A_3095 : vector<16xi32>
    tpu.vector_store_idx %arg14[%add3A_3093], %add3A_3096 : memref<1360xi32, #tpu.memory_space<vmem>>[vector<16xi32>], vector<16xi32>,
    %mul3A_3097 = arith.constant 85 : i32
    %mul3A_3098 = vector.broadcast %mul3A_3097 : i32 to vector<16xi32>
    %mul3A_3099 = arith.muli %iota3A, %mul3A_3098 : vector<16xi32>
    %add3A_3100 = arith.constant 24 : i32
    %add3A_3101 = vector.broadcast %add3A_3100 : i32 to vector<16xi32>
    %add3A_3102 = arith.addi %mul3A_3099, %add3A_3101 : vector<16xi32>
    %add3A_3103 = arith.constant 24 : i32
    %add3A_3104 = vector.broadcast %add3A_3103 : i32 to vector<16xi32>
    %add3A_3105 = arith.addi %mul3A_2880, %add3A_3104 : vector<16xi32>
    tpu.vector_store_idx %arg14[%add3A_3102], %add3A_3105 : memref<1360xi32, #tpu.memory_space<vmem>>[vector<16xi32>], vector<16xi32>,
    %mul3A_3106 = arith.constant 85 : i32
    %mul3A_3107 = vector.broadcast %mul3A_3106 : i32 to vector<16xi32>
    %mul3A_3108 = arith.muli %iota3A, %mul3A_3107 : vector<16xi32>
    %add3A_3109 = arith.constant 25 : i32
    %add3A_3110 = vector.broadcast %add3A_3109 : i32 to vector<16xi32>
    %add3A_3111 = arith.addi %mul3A_3108, %add3A_3110 : vector<16xi32>
    %add3A_3112 = arith.constant 25 : i32
    %add3A_3113 = vector.broadcast %add3A_3112 : i32 to vector<16xi32>
    %add3A_3114 = arith.addi %mul3A_2880, %add3A_3113 : vector<16xi32>
    tpu.vector_store_idx %arg14[%add3A_3111], %add3A_3114 : memref<1360xi32, #tpu.memory_space<vmem>>[vector<16xi32>], vector<16xi32>,
    %mul3A_3115 = arith.constant 85 : i32
    %mul3A_3116 = vector.broadcast %mul3A_3115 : i32 to vector<16xi32>
    %mul3A_3117 = arith.muli %iota3A, %mul3A_3116 : vector<16xi32>
    %add3A_3118 = arith.constant 26 : i32
    %add3A_3119 = vector.broadcast %add3A_3118 : i32 to vector<16xi32>
    %add3A_3120 = arith.addi %mul3A_3117, %add3A_3119 : vector<16xi32>
    %add3A_3121 = arith.constant 26 : i32
    %add3A_3122 = vector.broadcast %add3A_3121 : i32 to vector<16xi32>
    %add3A_3123 = arith.addi %mul3A_2880, %add3A_3122 : vector<16xi32>
    tpu.vector_store_idx %arg14[%add3A_3120], %add3A_3123 : memref<1360xi32, #tpu.memory_space<vmem>>[vector<16xi32>], vector<16xi32>,
    %mul3A_3124 = arith.constant 85 : i32
    %mul3A_3125 = vector.broadcast %mul3A_3124 : i32 to vector<16xi32>
    %mul3A_3126 = arith.muli %iota3A, %mul3A_3125 : vector<16xi32>
    %add3A_3127 = arith.constant 27 : i32
    %add3A_3128 = vector.broadcast %add3A_3127 : i32 to vector<16xi32>
    %add3A_3129 = arith.addi %mul3A_3126, %add3A_3128 : vector<16xi32>
    %add3A_3130 = arith.constant 27 : i32
    %add3A_3131 = vector.broadcast %add3A_3130 : i32 to vector<16xi32>
    %add3A_3132 = arith.addi %mul3A_2880, %add3A_3131 : vector<16xi32>
    tpu.vector_store_idx %arg14[%add3A_3129], %add3A_3132 : memref<1360xi32, #tpu.memory_space<vmem>>[vector<16xi32>], vector<16xi32>,
    %mul3A_3133 = arith.constant 85 : i32
    %mul3A_3134 = vector.broadcast %mul3A_3133 : i32 to vector<16xi32>
    %mul3A_3135 = arith.muli %iota3A, %mul3A_3134 : vector<16xi32>
    %add3A_3136 = arith.constant 28 : i32
    %add3A_3137 = vector.broadcast %add3A_3136 : i32 to vector<16xi32>
    %add3A_3138 = arith.addi %mul3A_3135, %add3A_3137 : vector<16xi32>
    %add3A_3139 = arith.constant 28 : i32
    %add3A_3140 = vector.broadcast %add3A_3139 : i32 to vector<16xi32>
    %add3A_3141 = arith.addi %mul3A_2880, %add3A_3140 : vector<16xi32>
    tpu.vector_store_idx %arg14[%add3A_3138], %add3A_3141 : memref<1360xi32, #tpu.memory_space<vmem>>[vector<16xi32>], vector<16xi32>,
    %mul3A_3142 = arith.constant 85 : i32
    %mul3A_3143 = vector.broadcast %mul3A_3142 : i32 to vector<16xi32>
    %mul3A_3144 = arith.muli %iota3A, %mul3A_3143 : vector<16xi32>
    %add3A_3145 = arith.constant 29 : i32
    %add3A_3146 = vector.broadcast %add3A_3145 : i32 to vector<16xi32>
    %add3A_3147 = arith.addi %mul3A_3144, %add3A_3146 : vector<16xi32>
    %add3A_3148 = arith.constant 29 : i32
    %add3A_3149 = vector.broadcast %add3A_3148 : i32 to vector<16xi32>
    %add3A_3150 = arith.addi %mul3A_2880, %add3A_3149 : vector<16xi32>
    tpu.vector_store_idx %arg14[%add3A_3147], %add3A_3150 : memref<1360xi32, #tpu.memory_space<vmem>>[vector<16xi32>], vector<16xi32>,
    %mul3A_3151 = arith.constant 85 : i32
    %mul3A_3152 = vector.broadcast %mul3A_3151 : i32 to vector<16xi32>
    %mul3A_3153 = arith.muli %iota3A, %mul3A_3152 : vector<16xi32>
    %add3A_3154 = arith.constant 30 : i32
    %add3A_3155 = vector.broadcast %add3A_3154 : i32 to vector<16xi32>
    %add3A_3156 = arith.addi %mul3A_3153, %add3A_3155 : vector<16xi32>
    %add3A_3157 = arith.constant 30 : i32
    %add3A_3158 = vector.broadcast %add3A_3157 : i32 to vector<16xi32>
    %add3A_3159 = arith.addi %mul3A_2880, %add3A_3158 : vector<16xi32>
    tpu.vector_store_idx %arg14[%add3A_3156], %add3A_3159 : memref<1360xi32, #tpu.memory_space<vmem>>[vector<16xi32>], vector<16xi32>,
    %mul3A_3160 = arith.constant 85 : i32
    %mul3A_3161 = vector.broadcast %mul3A_3160 : i32 to vector<16xi32>
    %mul3A_3162 = arith.muli %iota3A, %mul3A_3161 : vector<16xi32>
    %add3A_3163 = arith.constant 31 : i32
    %add3A_3164 = vector.broadcast %add3A_3163 : i32 to vector<16xi32>
    %add3A_3165 = arith.addi %mul3A_3162, %add3A_3164 : vector<16xi32>
    %add3A_3166 = arith.constant 31 : i32
    %add3A_3167 = vector.broadcast %add3A_3166 : i32 to vector<16xi32>
    %add3A_3168 = arith.addi %mul3A_2880, %add3A_3167 : vector<16xi32>
    tpu.vector_store_idx %arg14[%add3A_3165], %add3A_3168 : memref<1360xi32, #tpu.memory_space<vmem>>[vector<16xi32>], vector<16xi32>,
    %mul3A_3169 = arith.constant 85 : i32
    %mul3A_3170 = vector.broadcast %mul3A_3169 : i32 to vector<16xi32>
    %mul3A_3171 = arith.muli %iota3A, %mul3A_3170 : vector<16xi32>
    %add3A_3172 = arith.constant 32 : i32
    %add3A_3173 = vector.broadcast %add3A_3172 : i32 to vector<16xi32>
    %add3A_3174 = arith.addi %mul3A_3171, %add3A_3173 : vector<16xi32>
    %add3A_3175 = arith.constant 32 : i32
    %add3A_3176 = vector.broadcast %add3A_3175 : i32 to vector<16xi32>
    %add3A_3177 = arith.addi %mul3A_2880, %add3A_3176 : vector<16xi32>
    tpu.vector_store_idx %arg14[%add3A_3174], %add3A_3177 : memref<1360xi32, #tpu.memory_space<vmem>>[vector<16xi32>], vector<16xi32>,
    %mul3A_3178 = arith.constant 85 : i32
    %mul3A_3179 = vector.broadcast %mul3A_3178 : i32 to vector<16xi32>
    %mul3A_3180 = arith.muli %iota3A, %mul3A_3179 : vector<16xi32>
    %add3A_3181 = arith.constant 33 : i32
    %add3A_3182 = vector.broadcast %add3A_3181 : i32 to vector<16xi32>
    %add3A_3183 = arith.addi %mul3A_3180, %add3A_3182 : vector<16xi32>
    %add3A_3184 = arith.constant 33 : i32
    %add3A_3185 = vector.broadcast %add3A_3184 : i32 to vector<16xi32>
    %add3A_3186 = arith.addi %mul3A_2880, %add3A_3185 : vector<16xi32>
    tpu.vector_store_idx %arg14[%add3A_3183], %add3A_3186 : memref<1360xi32, #tpu.memory_space<vmem>>[vector<16xi32>], vector<16xi32>,
    %mul3A_3187 = arith.constant 85 : i32
    %mul3A_3188 = vector.broadcast %mul3A_3187 : i32 to vector<16xi32>
    %mul3A_3189 = arith.muli %iota3A, %mul3A_3188 : vector<16xi32>
    %add3A_3190 = arith.constant 34 : i32
    %add3A_3191 = vector.broadcast %add3A_3190 : i32 to vector<16xi32>
    %add3A_3192 = arith.addi %mul3A_3189, %add3A_3191 : vector<16xi32>
    %add3A_3193 = arith.constant 34 : i32
    %add3A_3194 = vector.broadcast %add3A_3193 : i32 to vector<16xi32>
    %add3A_3195 = arith.addi %mul3A_2880, %add3A_3194 : vector<16xi32>
    tpu.vector_store_idx %arg14[%add3A_3192], %add3A_3195 : memref<1360xi32, #tpu.memory_space<vmem>>[vector<16xi32>], vector<16xi32>,
    %mul3A_3196 = arith.constant 85 : i32
    %mul3A_3197 = vector.broadcast %mul3A_3196 : i32 to vector<16xi32>
    %mul3A_3198 = arith.muli %iota3A, %mul3A_3197 : vector<16xi32>
    %add3A_3199 = arith.constant 35 : i32
    %add3A_3200 = vector.broadcast %add3A_3199 : i32 to vector<16xi32>
    %add3A_3201 = arith.addi %mul3A_3198, %add3A_3200 : vector<16xi32>
    %add3A_3202 = arith.constant 35 : i32
    %add3A_3203 = vector.broadcast %add3A_3202 : i32 to vector<16xi32>
    %add3A_3204 = arith.addi %mul3A_2880, %add3A_3203 : vector<16xi32>
    tpu.vector_store_idx %arg14[%add3A_3201], %add3A_3204 : memref<1360xi32, #tpu.memory_space<vmem>>[vector<16xi32>], vector<16xi32>,
    %mul3A_3205 = arith.constant 85 : i32
    %mul3A_3206 = vector.broadcast %mul3A_3205 : i32 to vector<16xi32>
    %mul3A_3207 = arith.muli %iota3A, %mul3A_3206 : vector<16xi32>
    %add3A_3208 = arith.constant 36 : i32
    %add3A_3209 = vector.broadcast %add3A_3208 : i32 to vector<16xi32>
    %add3A_3210 = arith.addi %mul3A_3207, %add3A_3209 : vector<16xi32>
    %add3A_3211 = arith.constant 36 : i32
    %add3A_3212 = vector.broadcast %add3A_3211 : i32 to vector<16xi32>
    %add3A_3213 = arith.addi %mul3A_2880, %add3A_3212 : vector<16xi32>
    tpu.vector_store_idx %arg14[%add3A_3210], %add3A_3213 : memref<1360xi32, #tpu.memory_space<vmem>>[vector<16xi32>], vector<16xi32>,
    %mul3A_3214 = arith.constant 85 : i32
    %mul3A_3215 = vector.broadcast %mul3A_3214 : i32 to vector<16xi32>
    %mul3A_3216 = arith.muli %iota3A, %mul3A_3215 : vector<16xi32>
    %add3A_3217 = arith.constant 37 : i32
    %add3A_3218 = vector.broadcast %add3A_3217 : i32 to vector<16xi32>
    %add3A_3219 = arith.addi %mul3A_3216, %add3A_3218 : vector<16xi32>
    %add3A_3220 = arith.constant 37 : i32
    %add3A_3221 = vector.broadcast %add3A_3220 : i32 to vector<16xi32>
    %add3A_3222 = arith.addi %mul3A_2880, %add3A_3221 : vector<16xi32>
    tpu.vector_store_idx %arg14[%add3A_3219], %add3A_3222 : memref<1360xi32, #tpu.memory_space<vmem>>[vector<16xi32>], vector<16xi32>,
    %mul3A_3223 = arith.constant 85 : i32
    %mul3A_3224 = vector.broadcast %mul3A_3223 : i32 to vector<16xi32>
    %mul3A_3225 = arith.muli %iota3A, %mul3A_3224 : vector<16xi32>
    %add3A_3226 = arith.constant 38 : i32
    %add3A_3227 = vector.broadcast %add3A_3226 : i32 to vector<16xi32>
    %add3A_3228 = arith.addi %mul3A_3225, %add3A_3227 : vector<16xi32>
    %add3A_3229 = arith.constant 38 : i32
    %add3A_3230 = vector.broadcast %add3A_3229 : i32 to vector<16xi32>
    %add3A_3231 = arith.addi %mul3A_2880, %add3A_3230 : vector<16xi32>
    tpu.vector_store_idx %arg14[%add3A_3228], %add3A_3231 : memref<1360xi32, #tpu.memory_space<vmem>>[vector<16xi32>], vector<16xi32>,
    %mul3A_3232 = arith.constant 85 : i32
    %mul3A_3233 = vector.broadcast %mul3A_3232 : i32 to vector<16xi32>
    %mul3A_3234 = arith.muli %iota3A, %mul3A_3233 : vector<16xi32>
    %add3A_3235 = arith.constant 39 : i32
    %add3A_3236 = vector.broadcast %add3A_3235 : i32 to vector<16xi32>
    %add3A_3237 = arith.addi %mul3A_3234, %add3A_3236 : vector<16xi32>
    %add3A_3238 = arith.constant 39 : i32
    %add3A_3239 = vector.broadcast %add3A_3238 : i32 to vector<16xi32>
    %add3A_3240 = arith.addi %mul3A_2880, %add3A_3239 : vector<16xi32>
    tpu.vector_store_idx %arg14[%add3A_3237], %add3A_3240 : memref<1360xi32, #tpu.memory_space<vmem>>[vector<16xi32>], vector<16xi32>,
    %mul3A_3241 = arith.constant 85 : i32
    %mul3A_3242 = vector.broadcast %mul3A_3241 : i32 to vector<16xi32>
    %mul3A_3243 = arith.muli %iota3A, %mul3A_3242 : vector<16xi32>
    %add3A_3244 = arith.constant 40 : i32
    %add3A_3245 = vector.broadcast %add3A_3244 : i32 to vector<16xi32>
    %add3A_3246 = arith.addi %mul3A_3243, %add3A_3245 : vector<16xi32>
    %add3A_3247 = arith.constant 40 : i32
    %add3A_3248 = vector.broadcast %add3A_3247 : i32 to vector<16xi32>
    %add3A_3249 = arith.addi %mul3A_2880, %add3A_3248 : vector<16xi32>
    tpu.vector_store_idx %arg14[%add3A_3246], %add3A_3249 : memref<1360xi32, #tpu.memory_space<vmem>>[vector<16xi32>], vector<16xi32>,
    %mul3A_3250 = arith.constant 85 : i32
    %mul3A_3251 = vector.broadcast %mul3A_3250 : i32 to vector<16xi32>
    %mul3A_3252 = arith.muli %iota3A, %mul3A_3251 : vector<16xi32>
    %add3A_3253 = arith.constant 41 : i32
    %add3A_3254 = vector.broadcast %add3A_3253 : i32 to vector<16xi32>
    %add3A_3255 = arith.addi %mul3A_3252, %add3A_3254 : vector<16xi32>
    %add3A_3256 = arith.constant 41 : i32
    %add3A_3257 = vector.broadcast %add3A_3256 : i32 to vector<16xi32>
    %add3A_3258 = arith.addi %mul3A_2880, %add3A_3257 : vector<16xi32>
    tpu.vector_store_idx %arg14[%add3A_3255], %add3A_3258 : memref<1360xi32, #tpu.memory_space<vmem>>[vector<16xi32>], vector<16xi32>,
    %mul3A_3259 = arith.constant 85 : i32
    %mul3A_3260 = vector.broadcast %mul3A_3259 : i32 to vector<16xi32>
    %mul3A_3261 = arith.muli %iota3A, %mul3A_3260 : vector<16xi32>
    %add3A_3262 = arith.constant 42 : i32
    %add3A_3263 = vector.broadcast %add3A_3262 : i32 to vector<16xi32>
    %add3A_3264 = arith.addi %mul3A_3261, %add3A_3263 : vector<16xi32>
    %add3A_3265 = arith.constant 42 : i32
    %add3A_3266 = vector.broadcast %add3A_3265 : i32 to vector<16xi32>
    %add3A_3267 = arith.addi %mul3A_2880, %add3A_3266 : vector<16xi32>
    tpu.vector_store_idx %arg14[%add3A_3264], %add3A_3267 : memref<1360xi32, #tpu.memory_space<vmem>>[vector<16xi32>], vector<16xi32>,
    %mul3A_3268 = arith.constant 85 : i32
    %mul3A_3269 = vector.broadcast %mul3A_3268 : i32 to vector<16xi32>
    %mul3A_3270 = arith.muli %iota3A, %mul3A_3269 : vector<16xi32>
    %add3A_3271 = arith.constant 43 : i32
    %add3A_3272 = vector.broadcast %add3A_3271 : i32 to vector<16xi32>
    %add3A_3273 = arith.addi %mul3A_3270, %add3A_3272 : vector<16xi32>
    %add3A_3274 = arith.constant 43 : i32
    %add3A_3275 = vector.broadcast %add3A_3274 : i32 to vector<16xi32>
    %add3A_3276 = arith.addi %mul3A_2880, %add3A_3275 : vector<16xi32>
    tpu.vector_store_idx %arg14[%add3A_3273], %add3A_3276 : memref<1360xi32, #tpu.memory_space<vmem>>[vector<16xi32>], vector<16xi32>,
    %mul3A_3277 = arith.constant 85 : i32
    %mul3A_3278 = vector.broadcast %mul3A_3277 : i32 to vector<16xi32>
    %mul3A_3279 = arith.muli %iota3A, %mul3A_3278 : vector<16xi32>
    %add3A_3280 = arith.constant 44 : i32
    %add3A_3281 = vector.broadcast %add3A_3280 : i32 to vector<16xi32>
    %add3A_3282 = arith.addi %mul3A_3279, %add3A_3281 : vector<16xi32>
    %add3A_3283 = arith.constant 44 : i32
    %add3A_3284 = vector.broadcast %add3A_3283 : i32 to vector<16xi32>
    %add3A_3285 = arith.addi %mul3A_2880, %add3A_3284 : vector<16xi32>
    tpu.vector_store_idx %arg14[%add3A_3282], %add3A_3285 : memref<1360xi32, #tpu.memory_space<vmem>>[vector<16xi32>], vector<16xi32>,
    %mul3A_3286 = arith.constant 85 : i32
    %mul3A_3287 = vector.broadcast %mul3A_3286 : i32 to vector<16xi32>
    %mul3A_3288 = arith.muli %iota3A, %mul3A_3287 : vector<16xi32>
    %add3A_3289 = arith.constant 45 : i32
    %add3A_3290 = vector.broadcast %add3A_3289 : i32 to vector<16xi32>
    %add3A_3291 = arith.addi %mul3A_3288, %add3A_3290 : vector<16xi32>
    %add3A_3292 = arith.constant 45 : i32
    %add3A_3293 = vector.broadcast %add3A_3292 : i32 to vector<16xi32>
    %add3A_3294 = arith.addi %mul3A_2880, %add3A_3293 : vector<16xi32>
    tpu.vector_store_idx %arg14[%add3A_3291], %add3A_3294 : memref<1360xi32, #tpu.memory_space<vmem>>[vector<16xi32>], vector<16xi32>,
    %mul3A_3295 = arith.constant 85 : i32
    %mul3A_3296 = vector.broadcast %mul3A_3295 : i32 to vector<16xi32>
    %mul3A_3297 = arith.muli %iota3A, %mul3A_3296 : vector<16xi32>
    %add3A_3298 = arith.constant 46 : i32
    %add3A_3299 = vector.broadcast %add3A_3298 : i32 to vector<16xi32>
    %add3A_3300 = arith.addi %mul3A_3297, %add3A_3299 : vector<16xi32>
    %add3A_3301 = arith.constant 46 : i32
    %add3A_3302 = vector.broadcast %add3A_3301 : i32 to vector<16xi32>
    %add3A_3303 = arith.addi %mul3A_2880, %add3A_3302 : vector<16xi32>
    tpu.vector_store_idx %arg14[%add3A_3300], %add3A_3303 : memref<1360xi32, #tpu.memory_space<vmem>>[vector<16xi32>], vector<16xi32>,
    %mul3A_3304 = arith.constant 85 : i32
    %mul3A_3305 = vector.broadcast %mul3A_3304 : i32 to vector<16xi32>
    %mul3A_3306 = arith.muli %iota3A, %mul3A_3305 : vector<16xi32>
    %add3A_3307 = arith.constant 47 : i32
    %add3A_3308 = vector.broadcast %add3A_3307 : i32 to vector<16xi32>
    %add3A_3309 = arith.addi %mul3A_3306, %add3A_3308 : vector<16xi32>
    %add3A_3310 = arith.constant 47 : i32
    %add3A_3311 = vector.broadcast %add3A_3310 : i32 to vector<16xi32>
    %add3A_3312 = arith.addi %mul3A_2880, %add3A_3311 : vector<16xi32>
    tpu.vector_store_idx %arg14[%add3A_3309], %add3A_3312 : memref<1360xi32, #tpu.memory_space<vmem>>[vector<16xi32>], vector<16xi32>,
    %mul3A_3313 = arith.constant 85 : i32
    %mul3A_3314 = vector.broadcast %mul3A_3313 : i32 to vector<16xi32>
    %mul3A_3315 = arith.muli %iota3A, %mul3A_3314 : vector<16xi32>
    %add3A_3316 = arith.constant 48 : i32
    %add3A_3317 = vector.broadcast %add3A_3316 : i32 to vector<16xi32>
    %add3A_3318 = arith.addi %mul3A_3315, %add3A_3317 : vector<16xi32>
    %add3A_3319 = arith.constant 48 : i32
    %add3A_3320 = vector.broadcast %add3A_3319 : i32 to vector<16xi32>
    %add3A_3321 = arith.addi %mul3A_2880, %add3A_3320 : vector<16xi32>
    tpu.vector_store_idx %arg14[%add3A_3318], %add3A_3321 : memref<1360xi32, #tpu.memory_space<vmem>>[vector<16xi32>], vector<16xi32>,
    %mul3A_3322 = arith.constant 85 : i32
    %mul3A_3323 = vector.broadcast %mul3A_3322 : i32 to vector<16xi32>
    %mul3A_3324 = arith.muli %iota3A, %mul3A_3323 : vector<16xi32>
    %add3A_3325 = arith.constant 49 : i32
    %add3A_3326 = vector.broadcast %add3A_3325 : i32 to vector<16xi32>
    %add3A_3327 = arith.addi %mul3A_3324, %add3A_3326 : vector<16xi32>
    %add3A_3328 = arith.constant 49 : i32
    %add3A_3329 = vector.broadcast %add3A_3328 : i32 to vector<16xi32>
    %add3A_3330 = arith.addi %mul3A_2880, %add3A_3329 : vector<16xi32>
    tpu.vector_store_idx %arg14[%add3A_3327], %add3A_3330 : memref<1360xi32, #tpu.memory_space<vmem>>[vector<16xi32>], vector<16xi32>,
    %mul3A_3331 = arith.constant 85 : i32
    %mul3A_3332 = vector.broadcast %mul3A_3331 : i32 to vector<16xi32>
    %mul3A_3333 = arith.muli %iota3A, %mul3A_3332 : vector<16xi32>
    %add3A_3334 = arith.constant 50 : i32
    %add3A_3335 = vector.broadcast %add3A_3334 : i32 to vector<16xi32>
    %add3A_3336 = arith.addi %mul3A_3333, %add3A_3335 : vector<16xi32>
    %add3A_3337 = arith.constant 50 : i32
    %add3A_3338 = vector.broadcast %add3A_3337 : i32 to vector<16xi32>
    %add3A_3339 = arith.addi %mul3A_2880, %add3A_3338 : vector<16xi32>
    tpu.vector_store_idx %arg14[%add3A_3336], %add3A_3339 : memref<1360xi32, #tpu.memory_space<vmem>>[vector<16xi32>], vector<16xi32>,
    %mul3A_3340 = arith.constant 85 : i32
    %mul3A_3341 = vector.broadcast %mul3A_3340 : i32 to vector<16xi32>
    %mul3A_3342 = arith.muli %iota3A, %mul3A_3341 : vector<16xi32>
    %add3A_3343 = arith.constant 51 : i32
    %add3A_3344 = vector.broadcast %add3A_3343 : i32 to vector<16xi32>
    %add3A_3345 = arith.addi %mul3A_3342, %add3A_3344 : vector<16xi32>
    %add3A_3346 = arith.constant 51 : i32
    %add3A_3347 = vector.broadcast %add3A_3346 : i32 to vector<16xi32>
    %add3A_3348 = arith.addi %mul3A_2880, %add3A_3347 : vector<16xi32>
    tpu.vector_store_idx %arg14[%add3A_3345], %add3A_3348 : memref<1360xi32, #tpu.memory_space<vmem>>[vector<16xi32>], vector<16xi32>,
    %mul3A_3349 = arith.constant 85 : i32
    %mul3A_3350 = vector.broadcast %mul3A_3349 : i32 to vector<16xi32>
    %mul3A_3351 = arith.muli %iota3A, %mul3A_3350 : vector<16xi32>
    %add3A_3352 = arith.constant 52 : i32
    %add3A_3353 = vector.broadcast %add3A_3352 : i32 to vector<16xi32>
    %add3A_3354 = arith.addi %mul3A_3351, %add3A_3353 : vector<16xi32>
    %add3A_3355 = arith.constant 52 : i32
    %add3A_3356 = vector.broadcast %add3A_3355 : i32 to vector<16xi32>
    %add3A_3357 = arith.addi %mul3A_2880, %add3A_3356 : vector<16xi32>
    tpu.vector_store_idx %arg14[%add3A_3354], %add3A_3357 : memref<1360xi32, #tpu.memory_space<vmem>>[vector<16xi32>], vector<16xi32>,
    %mul3A_3358 = arith.constant 85 : i32
    %mul3A_3359 = vector.broadcast %mul3A_3358 : i32 to vector<16xi32>
    %mul3A_3360 = arith.muli %iota3A, %mul3A_3359 : vector<16xi32>
    %add3A_3361 = arith.constant 53 : i32
    %add3A_3362 = vector.broadcast %add3A_3361 : i32 to vector<16xi32>
    %add3A_3363 = arith.addi %mul3A_3360, %add3A_3362 : vector<16xi32>
    %add3A_3364 = arith.constant 53 : i32
    %add3A_3365 = vector.broadcast %add3A_3364 : i32 to vector<16xi32>
    %add3A_3366 = arith.addi %mul3A_2880, %add3A_3365 : vector<16xi32>
    tpu.vector_store_idx %arg14[%add3A_3363], %add3A_3366 : memref<1360xi32, #tpu.memory_space<vmem>>[vector<16xi32>], vector<16xi32>,
    %mul3A_3367 = arith.constant 85 : i32
    %mul3A_3368 = vector.broadcast %mul3A_3367 : i32 to vector<16xi32>
    %mul3A_3369 = arith.muli %iota3A, %mul3A_3368 : vector<16xi32>
    %add3A_3370 = arith.constant 54 : i32
    %add3A_3371 = vector.broadcast %add3A_3370 : i32 to vector<16xi32>
    %add3A_3372 = arith.addi %mul3A_3369, %add3A_3371 : vector<16xi32>
    %add3A_3373 = arith.constant 54 : i32
    %add3A_3374 = vector.broadcast %add3A_3373 : i32 to vector<16xi32>
    %add3A_3375 = arith.addi %mul3A_2880, %add3A_3374 : vector<16xi32>
    tpu.vector_store_idx %arg14[%add3A_3372], %add3A_3375 : memref<1360xi32, #tpu.memory_space<vmem>>[vector<16xi32>], vector<16xi32>,
    %mul3A_3376 = arith.constant 85 : i32
    %mul3A_3377 = vector.broadcast %mul3A_3376 : i32 to vector<16xi32>
    %mul3A_3378 = arith.muli %iota3A, %mul3A_3377 : vector<16xi32>
    %add3A_3379 = arith.constant 55 : i32
    %add3A_3380 = vector.broadcast %add3A_3379 : i32 to vector<16xi32>
    %add3A_3381 = arith.addi %mul3A_3378, %add3A_3380 : vector<16xi32>
    %add3A_3382 = arith.constant 55 : i32
    %add3A_3383 = vector.broadcast %add3A_3382 : i32 to vector<16xi32>
    %add3A_3384 = arith.addi %mul3A_2880, %add3A_3383 : vector<16xi32>
    tpu.vector_store_idx %arg14[%add3A_3381], %add3A_3384 : memref<1360xi32, #tpu.memory_space<vmem>>[vector<16xi32>], vector<16xi32>,
    %mul3A_3385 = arith.constant 85 : i32
    %mul3A_3386 = vector.broadcast %mul3A_3385 : i32 to vector<16xi32>
    %mul3A_3387 = arith.muli %iota3A, %mul3A_3386 : vector<16xi32>
    %add3A_3388 = arith.constant 56 : i32
    %add3A_3389 = vector.broadcast %add3A_3388 : i32 to vector<16xi32>
    %add3A_3390 = arith.addi %mul3A_3387, %add3A_3389 : vector<16xi32>
    %add3A_3391 = arith.constant 56 : i32
    %add3A_3392 = vector.broadcast %add3A_3391 : i32 to vector<16xi32>
    %add3A_3393 = arith.addi %mul3A_2880, %add3A_3392 : vector<16xi32>
    tpu.vector_store_idx %arg14[%add3A_3390], %add3A_3393 : memref<1360xi32, #tpu.memory_space<vmem>>[vector<16xi32>], vector<16xi32>,
    %mul3A_3394 = arith.constant 85 : i32
    %mul3A_3395 = vector.broadcast %mul3A_3394 : i32 to vector<16xi32>
    %mul3A_3396 = arith.muli %iota3A, %mul3A_3395 : vector<16xi32>
    %add3A_3397 = arith.constant 57 : i32
    %add3A_3398 = vector.broadcast %add3A_3397 : i32 to vector<16xi32>
    %add3A_3399 = arith.addi %mul3A_3396, %add3A_3398 : vector<16xi32>
    %add3A_3400 = arith.constant 57 : i32
    %add3A_3401 = vector.broadcast %add3A_3400 : i32 to vector<16xi32>
    %add3A_3402 = arith.addi %mul3A_2880, %add3A_3401 : vector<16xi32>
    tpu.vector_store_idx %arg14[%add3A_3399], %add3A_3402 : memref<1360xi32, #tpu.memory_space<vmem>>[vector<16xi32>], vector<16xi32>,
    %mul3A_3403 = arith.constant 85 : i32
    %mul3A_3404 = vector.broadcast %mul3A_3403 : i32 to vector<16xi32>
    %mul3A_3405 = arith.muli %iota3A, %mul3A_3404 : vector<16xi32>
    %add3A_3406 = arith.constant 58 : i32
    %add3A_3407 = vector.broadcast %add3A_3406 : i32 to vector<16xi32>
    %add3A_3408 = arith.addi %mul3A_3405, %add3A_3407 : vector<16xi32>
    %add3A_3409 = arith.constant 58 : i32
    %add3A_3410 = vector.broadcast %add3A_3409 : i32 to vector<16xi32>
    %add3A_3411 = arith.addi %mul3A_2880, %add3A_3410 : vector<16xi32>
    tpu.vector_store_idx %arg14[%add3A_3408], %add3A_3411 : memref<1360xi32, #tpu.memory_space<vmem>>[vector<16xi32>], vector<16xi32>,
    %mul3A_3412 = arith.constant 85 : i32
    %mul3A_3413 = vector.broadcast %mul3A_3412 : i32 to vector<16xi32>
    %mul3A_3414 = arith.muli %iota3A, %mul3A_3413 : vector<16xi32>
    %add3A_3415 = arith.constant 59 : i32
    %add3A_3416 = vector.broadcast %add3A_3415 : i32 to vector<16xi32>
    %add3A_3417 = arith.addi %mul3A_3414, %add3A_3416 : vector<16xi32>
    %add3A_3418 = arith.constant 59 : i32
    %add3A_3419 = vector.broadcast %add3A_3418 : i32 to vector<16xi32>
    %add3A_3420 = arith.addi %mul3A_2880, %add3A_3419 : vector<16xi32>
    tpu.vector_store_idx %arg14[%add3A_3417], %add3A_3420 : memref<1360xi32, #tpu.memory_space<vmem>>[vector<16xi32>], vector<16xi32>,
    %mul3A_3421 = arith.constant 85 : i32
    %mul3A_3422 = vector.broadcast %mul3A_3421 : i32 to vector<16xi32>
    %mul3A_3423 = arith.muli %iota3A, %mul3A_3422 : vector<16xi32>
    %add3A_3424 = arith.constant 60 : i32
    %add3A_3425 = vector.broadcast %add3A_3424 : i32 to vector<16xi32>
    %add3A_3426 = arith.addi %mul3A_3423, %add3A_3425 : vector<16xi32>
    %add3A_3427 = arith.constant 60 : i32
    %add3A_3428 = vector.broadcast %add3A_3427 : i32 to vector<16xi32>
    %add3A_3429 = arith.addi %mul3A_2880, %add3A_3428 : vector<16xi32>
    tpu.vector_store_idx %arg14[%add3A_3426], %add3A_3429 : memref<1360xi32, #tpu.memory_space<vmem>>[vector<16xi32>], vector<16xi32>,
    %mul3A_3430 = arith.constant 85 : i32
    %mul3A_3431 = vector.broadcast %mul3A_3430 : i32 to vector<16xi32>
    %mul3A_3432 = arith.muli %iota3A, %mul3A_3431 : vector<16xi32>
    %add3A_3433 = arith.constant 61 : i32
    %add3A_3434 = vector.broadcast %add3A_3433 : i32 to vector<16xi32>
    %add3A_3435 = arith.addi %mul3A_3432, %add3A_3434 : vector<16xi32>
    %add3A_3436 = arith.constant 61 : i32
    %add3A_3437 = vector.broadcast %add3A_3436 : i32 to vector<16xi32>
    %add3A_3438 = arith.addi %mul3A_2880, %add3A_3437 : vector<16xi32>
    tpu.vector_store_idx %arg14[%add3A_3435], %add3A_3438 : memref<1360xi32, #tpu.memory_space<vmem>>[vector<16xi32>], vector<16xi32>,
    %mul3A_3439 = arith.constant 85 : i32
    %mul3A_3440 = vector.broadcast %mul3A_3439 : i32 to vector<16xi32>
    %mul3A_3441 = arith.muli %iota3A, %mul3A_3440 : vector<16xi32>
    %add3A_3442 = arith.constant 62 : i32
    %add3A_3443 = vector.broadcast %add3A_3442 : i32 to vector<16xi32>
    %add3A_3444 = arith.addi %mul3A_3441, %add3A_3443 : vector<16xi32>
    %add3A_3445 = arith.constant 62 : i32
    %add3A_3446 = vector.broadcast %add3A_3445 : i32 to vector<16xi32>
    %add3A_3447 = arith.addi %mul3A_2880, %add3A_3446 : vector<16xi32>
    tpu.vector_store_idx %arg14[%add3A_3444], %add3A_3447 : memref<1360xi32, #tpu.memory_space<vmem>>[vector<16xi32>], vector<16xi32>,
    %mul3A_3448 = arith.constant 85 : i32
    %mul3A_3449 = vector.broadcast %mul3A_3448 : i32 to vector<16xi32>
    %mul3A_3450 = arith.muli %iota3A, %mul3A_3449 : vector<16xi32>
    %add3A_3451 = arith.constant 63 : i32
    %add3A_3452 = vector.broadcast %add3A_3451 : i32 to vector<16xi32>
    %add3A_3453 = arith.addi %mul3A_3450, %add3A_3452 : vector<16xi32>
    %add3A_3454 = arith.constant 63 : i32
    %add3A_3455 = vector.broadcast %add3A_3454 : i32 to vector<16xi32>
    %add3A_3456 = arith.addi %mul3A_2880, %add3A_3455 : vector<16xi32>
    tpu.vector_store_idx %arg14[%add3A_3453], %add3A_3456 : memref<1360xi32, #tpu.memory_space<vmem>>[vector<16xi32>], vector<16xi32>,
    %mul3A_3457 = arith.constant 85 : i32
    %mul3A_3458 = vector.broadcast %mul3A_3457 : i32 to vector<16xi32>
    %mul3A_3459 = arith.muli %iota3A, %mul3A_3458 : vector<16xi32>
    %add3A_3460 = arith.constant 64 : i32
    %add3A_3461 = vector.broadcast %add3A_3460 : i32 to vector<16xi32>
    %add3A_3462 = arith.addi %mul3A_3459, %add3A_3461 : vector<16xi32>
    %add3A_3463 = arith.constant 64 : i32
    %add3A_3464 = vector.broadcast %add3A_3463 : i32 to vector<16xi32>
    %add3A_3465 = arith.addi %mul3A_2880, %add3A_3464 : vector<16xi32>
    tpu.vector_store_idx %arg14[%add3A_3462], %add3A_3465 : memref<1360xi32, #tpu.memory_space<vmem>>[vector<16xi32>], vector<16xi32>,
    %mul3A_3466 = arith.constant 85 : i32
    %mul3A_3467 = vector.broadcast %mul3A_3466 : i32 to vector<16xi32>
    %mul3A_3468 = arith.muli %iota3A, %mul3A_3467 : vector<16xi32>
    %add3A_3469 = arith.constant 65 : i32
    %add3A_3470 = vector.broadcast %add3A_3469 : i32 to vector<16xi32>
    %add3A_3471 = arith.addi %mul3A_3468, %add3A_3470 : vector<16xi32>
    %add3A_3472 = arith.constant 65 : i32
    %add3A_3473 = vector.broadcast %add3A_3472 : i32 to vector<16xi32>
    %add3A_3474 = arith.addi %mul3A_2880, %add3A_3473 : vector<16xi32>
    tpu.vector_store_idx %arg14[%add3A_3471], %add3A_3474 : memref<1360xi32, #tpu.memory_space<vmem>>[vector<16xi32>], vector<16xi32>,
    %mul3A_3475 = arith.constant 85 : i32
    %mul3A_3476 = vector.broadcast %mul3A_3475 : i32 to vector<16xi32>
    %mul3A_3477 = arith.muli %iota3A, %mul3A_3476 : vector<16xi32>
    %add3A_3478 = arith.constant 66 : i32
    %add3A_3479 = vector.broadcast %add3A_3478 : i32 to vector<16xi32>
    %add3A_3480 = arith.addi %mul3A_3477, %add3A_3479 : vector<16xi32>
    %add3A_3481 = arith.constant 66 : i32
    %add3A_3482 = vector.broadcast %add3A_3481 : i32 to vector<16xi32>
    %add3A_3483 = arith.addi %mul3A_2880, %add3A_3482 : vector<16xi32>
    tpu.vector_store_idx %arg14[%add3A_3480], %add3A_3483 : memref<1360xi32, #tpu.memory_space<vmem>>[vector<16xi32>], vector<16xi32>,
    %mul3A_3484 = arith.constant 85 : i32
    %mul3A_3485 = vector.broadcast %mul3A_3484 : i32 to vector<16xi32>
    %mul3A_3486 = arith.muli %iota3A, %mul3A_3485 : vector<16xi32>
    %add3A_3487 = arith.constant 67 : i32
    %add3A_3488 = vector.broadcast %add3A_3487 : i32 to vector<16xi32>
    %add3A_3489 = arith.addi %mul3A_3486, %add3A_3488 : vector<16xi32>
    %add3A_3490 = arith.constant 67 : i32
    %add3A_3491 = vector.broadcast %add3A_3490 : i32 to vector<16xi32>
    %add3A_3492 = arith.addi %mul3A_2880, %add3A_3491 : vector<16xi32>
    tpu.vector_store_idx %arg14[%add3A_3489], %add3A_3492 : memref<1360xi32, #tpu.memory_space<vmem>>[vector<16xi32>], vector<16xi32>,
    %mul3A_3493 = arith.constant 85 : i32
    %mul3A_3494 = vector.broadcast %mul3A_3493 : i32 to vector<16xi32>
    %mul3A_3495 = arith.muli %iota3A, %mul3A_3494 : vector<16xi32>
    %add3A_3496 = arith.constant 68 : i32
    %add3A_3497 = vector.broadcast %add3A_3496 : i32 to vector<16xi32>
    %add3A_3498 = arith.addi %mul3A_3495, %add3A_3497 : vector<16xi32>
    %add3A_3499 = arith.constant 68 : i32
    %add3A_3500 = vector.broadcast %add3A_3499 : i32 to vector<16xi32>
    %add3A_3501 = arith.addi %mul3A_2880, %add3A_3500 : vector<16xi32>
    tpu.vector_store_idx %arg14[%add3A_3498], %add3A_3501 : memref<1360xi32, #tpu.memory_space<vmem>>[vector<16xi32>], vector<16xi32>,
    %mul3A_3502 = arith.constant 85 : i32
    %mul3A_3503 = vector.broadcast %mul3A_3502 : i32 to vector<16xi32>
    %mul3A_3504 = arith.muli %iota3A, %mul3A_3503 : vector<16xi32>
    %add3A_3505 = arith.constant 69 : i32
    %add3A_3506 = vector.broadcast %add3A_3505 : i32 to vector<16xi32>
    %add3A_3507 = arith.addi %mul3A_3504, %add3A_3506 : vector<16xi32>
    %add3A_3508 = arith.constant 69 : i32
    %add3A_3509 = vector.broadcast %add3A_3508 : i32 to vector<16xi32>
    %add3A_3510 = arith.addi %mul3A_2880, %add3A_3509 : vector<16xi32>
    tpu.vector_store_idx %arg14[%add3A_3507], %add3A_3510 : memref<1360xi32, #tpu.memory_space<vmem>>[vector<16xi32>], vector<16xi32>,
    %mul3A_3511 = arith.constant 85 : i32
    %mul3A_3512 = vector.broadcast %mul3A_3511 : i32 to vector<16xi32>
    %mul3A_3513 = arith.muli %iota3A, %mul3A_3512 : vector<16xi32>
    %add3A_3514 = arith.constant 70 : i32
    %add3A_3515 = vector.broadcast %add3A_3514 : i32 to vector<16xi32>
    %add3A_3516 = arith.addi %mul3A_3513, %add3A_3515 : vector<16xi32>
    %add3A_3517 = arith.constant 70 : i32
    %add3A_3518 = vector.broadcast %add3A_3517 : i32 to vector<16xi32>
    %add3A_3519 = arith.addi %mul3A_2880, %add3A_3518 : vector<16xi32>
    tpu.vector_store_idx %arg14[%add3A_3516], %add3A_3519 : memref<1360xi32, #tpu.memory_space<vmem>>[vector<16xi32>], vector<16xi32>,
    %mul3A_3520 = arith.constant 85 : i32
    %mul3A_3521 = vector.broadcast %mul3A_3520 : i32 to vector<16xi32>
    %mul3A_3522 = arith.muli %iota3A, %mul3A_3521 : vector<16xi32>
    %add3A_3523 = arith.constant 71 : i32
    %add3A_3524 = vector.broadcast %add3A_3523 : i32 to vector<16xi32>
    %add3A_3525 = arith.addi %mul3A_3522, %add3A_3524 : vector<16xi32>
    %add3A_3526 = arith.constant 71 : i32
    %add3A_3527 = vector.broadcast %add3A_3526 : i32 to vector<16xi32>
    %add3A_3528 = arith.addi %mul3A_2880, %add3A_3527 : vector<16xi32>
    tpu.vector_store_idx %arg14[%add3A_3525], %add3A_3528 : memref<1360xi32, #tpu.memory_space<vmem>>[vector<16xi32>], vector<16xi32>,
    %mul3A_3529 = arith.constant 85 : i32
    %mul3A_3530 = vector.broadcast %mul3A_3529 : i32 to vector<16xi32>
    %mul3A_3531 = arith.muli %iota3A, %mul3A_3530 : vector<16xi32>
    %add3A_3532 = arith.constant 72 : i32
    %add3A_3533 = vector.broadcast %add3A_3532 : i32 to vector<16xi32>
    %add3A_3534 = arith.addi %mul3A_3531, %add3A_3533 : vector<16xi32>
    %add3A_3535 = arith.constant 72 : i32
    %add3A_3536 = vector.broadcast %add3A_3535 : i32 to vector<16xi32>
    %add3A_3537 = arith.addi %mul3A_2880, %add3A_3536 : vector<16xi32>
    tpu.vector_store_idx %arg14[%add3A_3534], %add3A_3537 : memref<1360xi32, #tpu.memory_space<vmem>>[vector<16xi32>], vector<16xi32>,
    %mul3A_3538 = arith.constant 85 : i32
    %mul3A_3539 = vector.broadcast %mul3A_3538 : i32 to vector<16xi32>
    %mul3A_3540 = arith.muli %iota3A, %mul3A_3539 : vector<16xi32>
    %add3A_3541 = arith.constant 73 : i32
    %add3A_3542 = vector.broadcast %add3A_3541 : i32 to vector<16xi32>
    %add3A_3543 = arith.addi %mul3A_3540, %add3A_3542 : vector<16xi32>
    %add3A_3544 = arith.constant 73 : i32
    %add3A_3545 = vector.broadcast %add3A_3544 : i32 to vector<16xi32>
    %add3A_3546 = arith.addi %mul3A_2880, %add3A_3545 : vector<16xi32>
    tpu.vector_store_idx %arg14[%add3A_3543], %add3A_3546 : memref<1360xi32, #tpu.memory_space<vmem>>[vector<16xi32>], vector<16xi32>,
    %mul3A_3547 = arith.constant 85 : i32
    %mul3A_3548 = vector.broadcast %mul3A_3547 : i32 to vector<16xi32>
    %mul3A_3549 = arith.muli %iota3A, %mul3A_3548 : vector<16xi32>
    %add3A_3550 = arith.constant 74 : i32
    %add3A_3551 = vector.broadcast %add3A_3550 : i32 to vector<16xi32>
    %add3A_3552 = arith.addi %mul3A_3549, %add3A_3551 : vector<16xi32>
    %add3A_3553 = arith.constant 74 : i32
    %add3A_3554 = vector.broadcast %add3A_3553 : i32 to vector<16xi32>
    %add3A_3555 = arith.addi %mul3A_2880, %add3A_3554 : vector<16xi32>
    tpu.vector_store_idx %arg14[%add3A_3552], %add3A_3555 : memref<1360xi32, #tpu.memory_space<vmem>>[vector<16xi32>], vector<16xi32>,
    %mul3A_3556 = arith.constant 85 : i32
    %mul3A_3557 = vector.broadcast %mul3A_3556 : i32 to vector<16xi32>
    %mul3A_3558 = arith.muli %iota3A, %mul3A_3557 : vector<16xi32>
    %add3A_3559 = arith.constant 75 : i32
    %add3A_3560 = vector.broadcast %add3A_3559 : i32 to vector<16xi32>
    %add3A_3561 = arith.addi %mul3A_3558, %add3A_3560 : vector<16xi32>
    %add3A_3562 = arith.constant 75 : i32
    %add3A_3563 = vector.broadcast %add3A_3562 : i32 to vector<16xi32>
    %add3A_3564 = arith.addi %mul3A_2880, %add3A_3563 : vector<16xi32>
    tpu.vector_store_idx %arg14[%add3A_3561], %add3A_3564 : memref<1360xi32, #tpu.memory_space<vmem>>[vector<16xi32>], vector<16xi32>,
    %mul3A_3565 = arith.constant 85 : i32
    %mul3A_3566 = vector.broadcast %mul3A_3565 : i32 to vector<16xi32>
    %mul3A_3567 = arith.muli %iota3A, %mul3A_3566 : vector<16xi32>
    %add3A_3568 = arith.constant 76 : i32
    %add3A_3569 = vector.broadcast %add3A_3568 : i32 to vector<16xi32>
    %add3A_3570 = arith.addi %mul3A_3567, %add3A_3569 : vector<16xi32>
    %add3A_3571 = arith.constant 76 : i32
    %add3A_3572 = vector.broadcast %add3A_3571 : i32 to vector<16xi32>
    %add3A_3573 = arith.addi %mul3A_2880, %add3A_3572 : vector<16xi32>
    tpu.vector_store_idx %arg14[%add3A_3570], %add3A_3573 : memref<1360xi32, #tpu.memory_space<vmem>>[vector<16xi32>], vector<16xi32>,
    %mul3A_3574 = arith.constant 85 : i32
    %mul3A_3575 = vector.broadcast %mul3A_3574 : i32 to vector<16xi32>
    %mul3A_3576 = arith.muli %iota3A, %mul3A_3575 : vector<16xi32>
    %add3A_3577 = arith.constant 77 : i32
    %add3A_3578 = vector.broadcast %add3A_3577 : i32 to vector<16xi32>
    %add3A_3579 = arith.addi %mul3A_3576, %add3A_3578 : vector<16xi32>
    %add3A_3580 = arith.constant 77 : i32
    %add3A_3581 = vector.broadcast %add3A_3580 : i32 to vector<16xi32>
    %add3A_3582 = arith.addi %mul3A_2880, %add3A_3581 : vector<16xi32>
    tpu.vector_store_idx %arg14[%add3A_3579], %add3A_3582 : memref<1360xi32, #tpu.memory_space<vmem>>[vector<16xi32>], vector<16xi32>,
    %mul3A_3583 = arith.constant 85 : i32
    %mul3A_3584 = vector.broadcast %mul3A_3583 : i32 to vector<16xi32>
    %mul3A_3585 = arith.muli %iota3A, %mul3A_3584 : vector<16xi32>
    %add3A_3586 = arith.constant 78 : i32
    %add3A_3587 = vector.broadcast %add3A_3586 : i32 to vector<16xi32>
    %add3A_3588 = arith.addi %mul3A_3585, %add3A_3587 : vector<16xi32>
    %add3A_3589 = arith.constant 78 : i32
    %add3A_3590 = vector.broadcast %add3A_3589 : i32 to vector<16xi32>
    %add3A_3591 = arith.addi %mul3A_2880, %add3A_3590 : vector<16xi32>
    tpu.vector_store_idx %arg14[%add3A_3588], %add3A_3591 : memref<1360xi32, #tpu.memory_space<vmem>>[vector<16xi32>], vector<16xi32>,
    %mul3A_3592 = arith.constant 85 : i32
    %mul3A_3593 = vector.broadcast %mul3A_3592 : i32 to vector<16xi32>
    %mul3A_3594 = arith.muli %iota3A, %mul3A_3593 : vector<16xi32>
    %add3A_3595 = arith.constant 79 : i32
    %add3A_3596 = vector.broadcast %add3A_3595 : i32 to vector<16xi32>
    %add3A_3597 = arith.addi %mul3A_3594, %add3A_3596 : vector<16xi32>
    %add3A_3598 = arith.constant 79 : i32
    %add3A_3599 = vector.broadcast %add3A_3598 : i32 to vector<16xi32>
    %add3A_3600 = arith.addi %mul3A_2880, %add3A_3599 : vector<16xi32>
    tpu.vector_store_idx %arg14[%add3A_3597], %add3A_3600 : memref<1360xi32, #tpu.memory_space<vmem>>[vector<16xi32>], vector<16xi32>,
    %mul3A_3601 = arith.constant 85 : i32
    %mul3A_3602 = vector.broadcast %mul3A_3601 : i32 to vector<16xi32>
    %mul3A_3603 = arith.muli %iota3A, %mul3A_3602 : vector<16xi32>
    %add3A_3604 = arith.constant 80 : i32
    %add3A_3605 = vector.broadcast %add3A_3604 : i32 to vector<16xi32>
    %add3A_3606 = arith.addi %mul3A_3603, %add3A_3605 : vector<16xi32>
    %add3A_3607 = arith.constant 80 : i32
    %add3A_3608 = vector.broadcast %add3A_3607 : i32 to vector<16xi32>
    %add3A_3609 = arith.addi %mul3A_2880, %add3A_3608 : vector<16xi32>
    tpu.vector_store_idx %arg14[%add3A_3606], %add3A_3609 : memref<1360xi32, #tpu.memory_space<vmem>>[vector<16xi32>], vector<16xi32>,
    %mul3A_3610 = arith.constant 85 : i32
    %mul3A_3611 = vector.broadcast %mul3A_3610 : i32 to vector<16xi32>
    %mul3A_3612 = arith.muli %iota3A, %mul3A_3611 : vector<16xi32>
    %add3A_3613 = arith.constant 81 : i32
    %add3A_3614 = vector.broadcast %add3A_3613 : i32 to vector<16xi32>
    %add3A_3615 = arith.addi %mul3A_3612, %add3A_3614 : vector<16xi32>
    %add3A_3616 = arith.constant 81 : i32
    %add3A_3617 = vector.broadcast %add3A_3616 : i32 to vector<16xi32>
    %add3A_3618 = arith.addi %mul3A_2880, %add3A_3617 : vector<16xi32>
    tpu.vector_store_idx %arg14[%add3A_3615], %add3A_3618 : memref<1360xi32, #tpu.memory_space<vmem>>[vector<16xi32>], vector<16xi32>,
    %mul3A_3619 = arith.constant 85 : i32
    %mul3A_3620 = vector.broadcast %mul3A_3619 : i32 to vector<16xi32>
    %mul3A_3621 = arith.muli %iota3A, %mul3A_3620 : vector<16xi32>
    %add3A_3622 = arith.constant 82 : i32
    %add3A_3623 = vector.broadcast %add3A_3622 : i32 to vector<16xi32>
    %add3A_3624 = arith.addi %mul3A_3621, %add3A_3623 : vector<16xi32>
    %add3A_3625 = arith.constant 82 : i32
    %add3A_3626 = vector.broadcast %add3A_3625 : i32 to vector<16xi32>
    %add3A_3627 = arith.addi %mul3A_2880, %add3A_3626 : vector<16xi32>
    tpu.vector_store_idx %arg14[%add3A_3624], %add3A_3627 : memref<1360xi32, #tpu.memory_space<vmem>>[vector<16xi32>], vector<16xi32>,
    %mul3A_3628 = arith.constant 85 : i32
    %mul3A_3629 = vector.broadcast %mul3A_3628 : i32 to vector<16xi32>
    %mul3A_3630 = arith.muli %iota3A, %mul3A_3629 : vector<16xi32>
    %add3A_3631 = arith.constant 83 : i32
    %add3A_3632 = vector.broadcast %add3A_3631 : i32 to vector<16xi32>
    %add3A_3633 = arith.addi %mul3A_3630, %add3A_3632 : vector<16xi32>
    %add3A_3634 = arith.constant 83 : i32
    %add3A_3635 = vector.broadcast %add3A_3634 : i32 to vector<16xi32>
    %add3A_3636 = arith.addi %mul3A_2880, %add3A_3635 : vector<16xi32>
    tpu.vector_store_idx %arg14[%add3A_3633], %add3A_3636 : memref<1360xi32, #tpu.memory_space<vmem>>[vector<16xi32>], vector<16xi32>,
    %mul3A_3637 = arith.constant 85 : i32
    %mul3A_3638 = vector.broadcast %mul3A_3637 : i32 to vector<16xi32>
    %mul3A_3639 = arith.muli %iota3A, %mul3A_3638 : vector<16xi32>
    %add3A_3640 = arith.constant 84 : i32
    %add3A_3641 = vector.broadcast %add3A_3640 : i32 to vector<16xi32>
    %add3A_3642 = arith.addi %mul3A_3639, %add3A_3641 : vector<16xi32>
    %add3A_3643 = arith.constant 84 : i32
    %add3A_3644 = vector.broadcast %add3A_3643 : i32 to vector<16xi32>
    %add3A_3645 = arith.addi %mul3A_2880, %add3A_3644 : vector<16xi32>
    tpu.vector_store_idx %arg14[%add3A_3642], %add3A_3645 : memref<1360xi32, #tpu.memory_space<vmem>>[vector<16xi32>], vector<16xi32>,
    %dma_start3A_3646 = arith.constant 0 : i32
    %dma_start3A_3647 = tpu.memref_slice %arg6[%dma_start3A_3646] : memref<16711680xf32, #tpu.memory_space<hbm>> -> memref<16711680xf32, #tpu.memory_space<hbm>>
    tpu.enqueue_indirect_dma source(%dma_start3A_3647 : memref<16711680xf32, #tpu.memory_space<hbm>>) target(%arg15 : memref<1360xf32, #tpu.memory_space<vmem>>) offsets(%arg14 : memref<1360xi32, #tpu.memory_space<vmem>>) semaphore(%arg23 : memref<!tpu.dma_semaphore, #tpu.memory_space<semaphore_mem>>)
    %dma_wait3A_3648 = arith.constant 0 : i32
    %dma_wait3A_3649 = tpu.memref_slice %arg6[%dma_wait3A_3648] : memref<16711680xf32, #tpu.memory_space<hbm>> -> memref<16711680xf32, #tpu.memory_space<hbm>>
    tpu.wait_indirect_dma semaphore(%arg23 : memref<!tpu.dma_semaphore, #tpu.memory_space<semaphore_mem>>) src(%dma_wait3A_3649 : memref<16711680xf32, #tpu.memory_space<hbm>>) dst(%arg15 : memref<1360xf32, #tpu.memory_space<vmem>>)
    %run_scoped3A_3650 = arith.constant 2 : i32
    "tpu.region"() ({
      %run_scoped3A_3696 = tpu.sem_alloc : memref<!tpu.dma_semaphore, #tpu.memory_space<semaphore_mem>>
      %dma_start3A_3697 = arith.constant 0 : i32
      %dma_start3A_3698 = tpu.memref_slice %arg7[%run_scoped3A_3650, %add3A, %dma_start3A_3697] : memref<3x32x1360xf32, #tpu.memory_space<hbm>> -> memref<1x1x1360xf32, #tpu.memory_space<hbm>>
      %dma_start3A_3699 = tpu.memref_squeeze %dma_start3A_3698 : memref<1x1x1360xf32, #tpu.memory_space<hbm>> -> memref<1360xf32, #tpu.memory_space<hbm>>
      %dma_start3A_3700 = arith.constant 0 : i32
      %dma_start3A_3701 = tpu.memref_slice %arg7[%run_scoped3A_3650, %add3A, %dma_start3A_3700] : memref<3x32x1360xf32, #tpu.memory_space<hbm>> -> memref<1x1x1360xf32, #tpu.memory_space<hbm>>
      %dma_start3A_3702 = tpu.memref_squeeze %dma_start3A_3701 : memref<1x1x1360xf32, #tpu.memory_space<hbm>> -> memref<1360xf32, #tpu.memory_space<hbm>>
      tpu.enqueue_dma source(%arg15 : memref<1360xf32, #tpu.memory_space<vmem>>) target(%dma_start3A_3702 : memref<1360xf32, #tpu.memory_space<hbm>>) target_semaphore(%run_scoped3A_3696 : memref<!tpu.dma_semaphore, #tpu.memory_space<semaphore_mem>>)
      %dma_wait3A_3703 = arith.constant 0 : i32
      %dma_wait3A_3704 = tpu.memref_slice %arg7[%run_scoped3A_3650, %add3A, %dma_wait3A_3703] : memref<3x32x1360xf32, #tpu.memory_space<hbm>> -> memref<1x1x1360xf32, #tpu.memory_space<hbm>>
      %dma_wait3A_3705 = tpu.memref_squeeze %dma_wait3A_3704 : memref<1x1x1360xf32, #tpu.memory_space<hbm>> -> memref<1360xf32, #tpu.memory_space<hbm>>
      %dma_wait3A_3706 = arith.constant 0 : i32
      %dma_wait3A_3707 = tpu.memref_slice %arg7[%run_scoped3A_3650, %add3A, %dma_wait3A_3706] : memref<3x32x1360xf32, #tpu.memory_space<hbm>> -> memref<1x1x1360xf32, #tpu.memory_space<hbm>>
      %dma_wait3A_3708 = tpu.memref_squeeze %dma_wait3A_3707 : memref<1x1x1360xf32, #tpu.memory_space<hbm>> -> memref<1360xf32, #tpu.memory_space<hbm>>
      tpu.wait_dma2 semaphore(%run_scoped3A_3696 : memref<!tpu.dma_semaphore, #tpu.memory_space<semaphore_mem>>) src(%arg15 : memref<1360xf32, #tpu.memory_space<vmem>>) dst(%dma_wait3A_3708 : memref<1360xf32, #tpu.memory_space<hbm>>)
      tpu.yield
    }) : () -> ()
    %mul3A_3651 = arith.constant 384 : i32
    %mul3A_3652 = arith.muli %add3A, %mul3A_3651 : i32
    %scan3A_3653 = arith.constant 0 : i32
    %scan3A_3654 = arith.constant 0 : i32
    %scan3A_3655 = arith.constant 24 : i32
    %scan3A_3656 = arith.addi %scan3A_3654, %scan3A_3655 : i32
    %scan3A_3657 = arith.constant 1 : i32
    %scan3A_3658 = scf.for %scan3A_3696 = %scan3A_3654 to %scan3A_3656 step %scan3A_3657 iter_args(%scan3A_3697 = %scan3A_3653) -> (i32)  : i32 {
      %mul3A_3698 = arith.constant 16 : i32
      %mul3A_3699 = arith.muli %scan3A_3696, %mul3A_3698 : i32
      %add3A_3700 = arith.addi %mul3A_3652, %mul3A_3699 : i32
      %add3A_3701 = vector.broadcast %add3A_3700 : i32 to vector<16xi32>
      %add3A_3702 = arith.addi %add3A_3701, %iota3A : vector<16xi32>
      %mul3A_3703 = arith.constant 85 : i32
      %mul3A_3704 = vector.broadcast %mul3A_3703 : i32 to vector<16xi32>
      %mul3A_3705 = arith.muli %add3A_3702, %mul3A_3704 : vector<16xi32>
      %add3A_3706 = arith.constant 4 : i32
      %add3A_3707 = vector.broadcast %add3A_3706 : i32 to vector<16xi32>
      %add3A_3708 = arith.addi %mul3A_3705, %add3A_3707 : vector<16xi32>
      %mul3A_3709 = arith.constant 16 : i32
      %mul3A_3710 = arith.muli %scan3A_3696, %mul3A_3709 : i32
      %swap3A_3711 = arith.index_cast %mul3A_3710 : i32 to index
      %swap3A_3712 = tpu.vector_load %arg17[%swap3A_3711] {strides = array<i32>} : memref<384xi32, #tpu.memory_space<vmem>>, vector<16xi32>,
      tpu.vector_store %arg17[%swap3A_3711], %add3A_3708 {strides = array<i32>} : memref<384xi32, #tpu.memory_space<vmem>>, vector<16xi32>,
      %scan3A_3713 = arith.constant 0 : i32
      scf.yield %scan3A_3713 : i32
    }
    %scan3A_3659 = arith.constant 24 : i32
    %dma_start3A_3660 = arith.constant 0 : i32
    %dma_start3A_3661 = tpu.memref_slice %arg4[%dma_start3A_3660] : memref<1044480xf32, #tpu.memory_space<hbm>> -> memref<1044480xf32, #tpu.memory_space<hbm>>
    tpu.enqueue_indirect_dma source(%dma_start3A_3661 : memref<1044480xf32, #tpu.memory_space<hbm>>) target(%arg20 : memref<384xf32, #tpu.memory_space<vmem>>) offsets(%arg17 : memref<384xi32, #tpu.memory_space<vmem>>) semaphore(%arg23 : memref<!tpu.dma_semaphore, #tpu.memory_space<semaphore_mem>>)
    %dma_wait3A_3662 = arith.constant 0 : i32
    %dma_wait3A_3663 = tpu.memref_slice %arg4[%dma_wait3A_3662] : memref<1044480xf32, #tpu.memory_space<hbm>> -> memref<1044480xf32, #tpu.memory_space<hbm>>
    tpu.wait_indirect_dma semaphore(%arg23 : memref<!tpu.dma_semaphore, #tpu.memory_space<semaphore_mem>>) src(%dma_wait3A_3663 : memref<1044480xf32, #tpu.memory_space<hbm>>) dst(%arg20 : memref<384xf32, #tpu.memory_space<vmem>>)
    %add3A_3664 = arith.constant 0 : i32
    %add3A_3665 = arith.addi %add3A_3664, %mul3A_3652 : i32
    "tpu.region"() ({
      %run_scoped3A_3696 = tpu.sem_alloc : memref<!tpu.dma_semaphore, #tpu.memory_space<semaphore_mem>>
      %dma_start3A_3697 = tpu.memref_slice %arg9[%add3A_3665] : memref<258048xf32, #tpu.memory_space<hbm>> -> memref<384xf32, #tpu.memory_space<hbm>>
      %dma_start3A_3698 = tpu.memref_slice %arg9[%add3A_3665] : memref<258048xf32, #tpu.memory_space<hbm>> -> memref<384xf32, #tpu.memory_space<hbm>>
      tpu.enqueue_dma source(%arg20 : memref<384xf32, #tpu.memory_space<vmem>>) target(%dma_start3A_3698 : memref<384xf32, #tpu.memory_space<hbm>>) target_semaphore(%run_scoped3A_3696 : memref<!tpu.dma_semaphore, #tpu.memory_space<semaphore_mem>>)
      %dma_wait3A_3699 = tpu.memref_slice %arg9[%add3A_3665] : memref<258048xf32, #tpu.memory_space<hbm>> -> memref<384xf32, #tpu.memory_space<hbm>>
      %dma_wait3A_3700 = tpu.memref_slice %arg9[%add3A_3665] : memref<258048xf32, #tpu.memory_space<hbm>> -> memref<384xf32, #tpu.memory_space<hbm>>
      tpu.wait_dma2 semaphore(%run_scoped3A_3696 : memref<!tpu.dma_semaphore, #tpu.memory_space<semaphore_mem>>) src(%arg20 : memref<384xf32, #tpu.memory_space<vmem>>) dst(%dma_wait3A_3700 : memref<384xf32, #tpu.memory_space<hbm>>)
      tpu.yield
    }) : () -> ()
    %mul3A_3666 = arith.constant 1536 : i32
    %mul3A_3667 = arith.muli %add3A, %mul3A_3666 : i32
    %scan3A_3668 = arith.constant 0 : i32
    %scan3A_3669 = arith.constant 0 : i32
    %scan3A_3670 = arith.constant 96 : i32
    %scan3A_3671 = arith.addi %scan3A_3669, %scan3A_3670 : i32
    %scan3A_3672 = arith.constant 1 : i32
    %scan3A_3673 = scf.for %scan3A_3696 = %scan3A_3669 to %scan3A_3671 step %scan3A_3672 iter_args(%scan3A_3697 = %scan3A_3668) -> (i32)  : i32 {
      %mul3A_3698 = arith.constant 16 : i32
      %mul3A_3699 = arith.muli %scan3A_3696, %mul3A_3698 : i32
      %add3A_3700 = arith.addi %mul3A_3667, %mul3A_3699 : i32
      %add3A_3701 = vector.broadcast %add3A_3700 : i32 to vector<16xi32>
      %add3A_3702 = arith.addi %add3A_3701, %iota3A : vector<16xi32>
      %mul3A_3703 = arith.constant 85 : i32
      %mul3A_3704 = vector.broadcast %mul3A_3703 : i32 to vector<16xi32>
      %mul3A_3705 = arith.muli %add3A_3702, %mul3A_3704 : vector<16xi32>
      %add3A_3706 = arith.constant 4 : i32
      %add3A_3707 = vector.broadcast %add3A_3706 : i32 to vector<16xi32>
      %add3A_3708 = arith.addi %mul3A_3705, %add3A_3707 : vector<16xi32>
      %mul3A_3709 = arith.constant 16 : i32
      %mul3A_3710 = arith.muli %scan3A_3696, %mul3A_3709 : i32
      %swap3A_3711 = arith.index_cast %mul3A_3710 : i32 to index
      %swap3A_3712 = tpu.vector_load %arg18[%swap3A_3711] {strides = array<i32>} : memref<1536xi32, #tpu.memory_space<vmem>>, vector<16xi32>,
      tpu.vector_store %arg18[%swap3A_3711], %add3A_3708 {strides = array<i32>} : memref<1536xi32, #tpu.memory_space<vmem>>, vector<16xi32>,
      %scan3A_3713 = arith.constant 0 : i32
      scf.yield %scan3A_3713 : i32
    }
    %scan3A_3674 = arith.constant 96 : i32
    %dma_start3A_3675 = arith.constant 0 : i32
    %dma_start3A_3676 = tpu.memref_slice %arg5[%dma_start3A_3675] : memref<4177920xf32, #tpu.memory_space<hbm>> -> memref<4177920xf32, #tpu.memory_space<hbm>>
    tpu.enqueue_indirect_dma source(%dma_start3A_3676 : memref<4177920xf32, #tpu.memory_space<hbm>>) target(%arg21 : memref<1536xf32, #tpu.memory_space<vmem>>) offsets(%arg18 : memref<1536xi32, #tpu.memory_space<vmem>>) semaphore(%arg23 : memref<!tpu.dma_semaphore, #tpu.memory_space<semaphore_mem>>)
    %dma_wait3A_3677 = arith.constant 0 : i32
    %dma_wait3A_3678 = tpu.memref_slice %arg5[%dma_wait3A_3677] : memref<4177920xf32, #tpu.memory_space<hbm>> -> memref<4177920xf32, #tpu.memory_space<hbm>>
    tpu.wait_indirect_dma semaphore(%arg23 : memref<!tpu.dma_semaphore, #tpu.memory_space<semaphore_mem>>) src(%dma_wait3A_3678 : memref<4177920xf32, #tpu.memory_space<hbm>>) dst(%arg21 : memref<1536xf32, #tpu.memory_space<vmem>>)
    %add3A_3679 = arith.constant 12288 : i32
    %add3A_3680 = arith.addi %add3A_3679, %mul3A_3667 : i32
    "tpu.region"() ({
      %run_scoped3A_3696 = tpu.sem_alloc : memref<!tpu.dma_semaphore, #tpu.memory_space<semaphore_mem>>
      %dma_start3A_3697 = tpu.memref_slice %arg9[%add3A_3680] : memref<258048xf32, #tpu.memory_space<hbm>> -> memref<1536xf32, #tpu.memory_space<hbm>>
      %dma_start3A_3698 = tpu.memref_slice %arg9[%add3A_3680] : memref<258048xf32, #tpu.memory_space<hbm>> -> memref<1536xf32, #tpu.memory_space<hbm>>
      tpu.enqueue_dma source(%arg21 : memref<1536xf32, #tpu.memory_space<vmem>>) target(%dma_start3A_3698 : memref<1536xf32, #tpu.memory_space<hbm>>) target_semaphore(%run_scoped3A_3696 : memref<!tpu.dma_semaphore, #tpu.memory_space<semaphore_mem>>)
      %dma_wait3A_3699 = tpu.memref_slice %arg9[%add3A_3680] : memref<258048xf32, #tpu.memory_space<hbm>> -> memref<1536xf32, #tpu.memory_space<hbm>>
      %dma_wait3A_3700 = tpu.memref_slice %arg9[%add3A_3680] : memref<258048xf32, #tpu.memory_space<hbm>> -> memref<1536xf32, #tpu.memory_space<hbm>>
      tpu.wait_dma2 semaphore(%run_scoped3A_3696 : memref<!tpu.dma_semaphore, #tpu.memory_space<semaphore_mem>>) src(%arg21 : memref<1536xf32, #tpu.memory_space<vmem>>) dst(%dma_wait3A_3700 : memref<1536xf32, #tpu.memory_space<hbm>>)
      tpu.yield
    }) : () -> ()
    %mul3A_3681 = arith.constant 6144 : i32
    %mul3A_3682 = arith.muli %add3A, %mul3A_3681 : i32
    %scan3A_3683 = arith.constant 0 : i32
    %scan3A_3684 = arith.constant 0 : i32
    %scan3A_3685 = arith.constant 384 : i32
    %scan3A_3686 = arith.addi %scan3A_3684, %scan3A_3685 : i32
    %scan3A_3687 = arith.constant 1 : i32
    %scan3A_3688 = scf.for %scan3A_3696 = %scan3A_3684 to %scan3A_3686 step %scan3A_3687 iter_args(%scan3A_3697 = %scan3A_3683) -> (i32)  : i32 {
      %mul3A_3698 = arith.constant 16 : i32
      %mul3A_3699 = arith.muli %scan3A_3696, %mul3A_3698 : i32
      %add3A_3700 = arith.addi %mul3A_3682, %mul3A_3699 : i32
      %add3A_3701 = vector.broadcast %add3A_3700 : i32 to vector<16xi32>
      %add3A_3702 = arith.addi %add3A_3701, %iota3A : vector<16xi32>
      %mul3A_3703 = arith.constant 85 : i32
      %mul3A_3704 = vector.broadcast %mul3A_3703 : i32 to vector<16xi32>
      %mul3A_3705 = arith.muli %add3A_3702, %mul3A_3704 : vector<16xi32>
      %add3A_3706 = arith.constant 4 : i32
      %add3A_3707 = vector.broadcast %add3A_3706 : i32 to vector<16xi32>
      %add3A_3708 = arith.addi %mul3A_3705, %add3A_3707 : vector<16xi32>
      %mul3A_3709 = arith.constant 16 : i32
      %mul3A_3710 = arith.muli %scan3A_3696, %mul3A_3709 : i32
      %swap3A_3711 = arith.index_cast %mul3A_3710 : i32 to index
      %swap3A_3712 = tpu.vector_load %arg19[%swap3A_3711] {strides = array<i32>} : memref<6144xi32, #tpu.memory_space<vmem>>, vector<16xi32>,
      tpu.vector_store %arg19[%swap3A_3711], %add3A_3708 {strides = array<i32>} : memref<6144xi32, #tpu.memory_space<vmem>>, vector<16xi32>,
      %scan3A_3713 = arith.constant 0 : i32
      scf.yield %scan3A_3713 : i32
    }
    %scan3A_3689 = arith.constant 384 : i32
    %dma_start3A_3690 = arith.constant 0 : i32
    %dma_start3A_3691 = tpu.memref_slice %arg6[%dma_start3A_3690] : memref<16711680xf32, #tpu.memory_space<hbm>> -> memref<16711680xf32, #tpu.memory_space<hbm>>
    tpu.enqueue_indirect_dma source(%dma_start3A_3691 : memref<16711680xf32, #tpu.memory_space<hbm>>) target(%arg22 : memref<6144xf32, #tpu.memory_space<vmem>>) offsets(%arg19 : memref<6144xi32, #tpu.memory_space<vmem>>) semaphore(%arg23 : memref<!tpu.dma_semaphore, #tpu.memory_space<semaphore_mem>>)
    %dma_wait3A_3692 = arith.constant 0 : i32
    %dma_wait3A_3693 = tpu.memref_slice %arg6[%dma_wait3A_3692] : memref<16711680xf32, #tpu.memory_space<hbm>> -> memref<16711680xf32, #tpu.memory_space<hbm>>
    tpu.wait_indirect_dma semaphore(%arg23 : memref<!tpu.dma_semaphore, #tpu.memory_space<semaphore_mem>>) src(%dma_wait3A_3693 : memref<16711680xf32, #tpu.memory_space<hbm>>) dst(%arg22 : memref<6144xf32, #tpu.memory_space<vmem>>)
    %add3A_3694 = arith.constant 61440 : i32
    %add3A_3695 = arith.addi %add3A_3694, %mul3A_3682 : i32
    "tpu.region"() ({
      %run_scoped3A_3696 = tpu.sem_alloc : memref<!tpu.dma_semaphore, #tpu.memory_space<semaphore_mem>>
      %dma_start3A_3697 = tpu.memref_slice %arg9[%add3A_3695] : memref<258048xf32, #tpu.memory_space<hbm>> -> memref<6144xf32, #tpu.memory_space<hbm>>
      %dma_start3A_3698 = tpu.memref_slice %arg9[%add3A_3695] : memref<258048xf32, #tpu.memory_space<hbm>> -> memref<6144xf32, #tpu.memory_space<hbm>>
      tpu.enqueue_dma source(%arg22 : memref<6144xf32, #tpu.memory_space<vmem>>) target(%dma_start3A_3698 : memref<6144xf32, #tpu.memory_space<hbm>>) target_semaphore(%run_scoped3A_3696 : memref<!tpu.dma_semaphore, #tpu.memory_space<semaphore_mem>>)
      %dma_wait3A_3699 = tpu.memref_slice %arg9[%add3A_3695] : memref<258048xf32, #tpu.memory_space<hbm>> -> memref<6144xf32, #tpu.memory_space<hbm>>
      %dma_wait3A_3700 = tpu.memref_slice %arg9[%add3A_3695] : memref<258048xf32, #tpu.memory_space<hbm>> -> memref<6144xf32, #tpu.memory_space<hbm>>
      tpu.wait_dma2 semaphore(%run_scoped3A_3696 : memref<!tpu.dma_semaphore, #tpu.memory_space<semaphore_mem>>) src(%arg22 : memref<6144xf32, #tpu.memory_space<vmem>>) dst(%dma_wait3A_3700 : memref<6144xf32, #tpu.memory_space<hbm>>)
      tpu.yield
    }) : () -> ()
    return
  }
}

module attributes {stable_mosaic.version = 14 : i64} {
  func.func @_final_body(%arg0: memref<3x512x85xf32, #tpu.memory_space<vmem>>, %arg1: memref<3x512x8xf32, #tpu.memory_space<vmem>>, %arg2: memref<2016x128xf32, #tpu.memory_space<vmem>>, %arg3: memref<1x1xf32, #tpu.memory_space<vmem>>) attributes {dimension_semantics = [], scalar_prefetch = 0 : i64, scratch_operands = 0 : i64, tpu.core_type = #tpu.core_type<tc>} {
    %iota3A = tpu.iota {dimensions = array<i32: 1>} : vector<512x85xi32>
    %get3A = arith.constant 0 : index
    %get3A_0 = arith.constant 0 : index
    %get3A_1 = arith.constant 0 : index
    %get3A_2 = vector.load %arg0[%get3A, %get3A_0, %get3A_1] : memref<3x512x85xf32, #tpu.memory_space<vmem>>, vector<1x512x85xf32>
    %get3A_3 = vector.shape_cast %get3A_2 : vector<1x512x85xf32> to vector<512x85xf32>
    %log3A = math.log %get3A_3 : vector<512x85xf32>
    %jit3A = arith.constant -1.000000e+02 : f32
    %max3A = vector.broadcast %jit3A : f32 to vector<512x85xf32>
    %max3A_4 = arith.maximumf %max3A, %log3A : vector<512x85xf32>
    %sub3A = arith.constant 1.000000e+00 : f32
    %sub3A_5 = vector.broadcast %sub3A : f32 to vector<512x85xf32>
    %sub3A_6 = arith.subf %sub3A_5, %get3A_3 : vector<512x85xf32>
    %log3A_7 = math.log %sub3A_6 : vector<512x85xf32>
    %jit3A_8 = arith.constant -1.000000e+02 : f32
    %max3A_9 = vector.broadcast %jit3A_8 : f32 to vector<512x85xf32>
    %max3A_10 = arith.maximumf %max3A_9, %log3A_7 : vector<512x85xf32>
    %get3A_11 = arith.constant 0 : index
    %get3A_12 = arith.constant 0 : index
    %get3A_13 = arith.constant 0 : index
    %get3A_14 = vector.load %arg1[%get3A_11, %get3A_12, %get3A_13] : memref<3x512x8xf32, #tpu.memory_space<vmem>>, vector<1x512x1xf32>
    %get3A_15 = vector.shape_cast %get3A_14 : vector<1x512x1xf32> to vector<512x1xf32>
    %get3A_16 = arith.constant 0 : index
    %get3A_17 = arith.constant 0 : index
    %get3A_18 = arith.constant 1 : index
    %get3A_19 = vector.load %arg1[%get3A_16, %get3A_17, %get3A_18] : memref<3x512x8xf32, #tpu.memory_space<vmem>>, vector<1x512x1xf32>
    %get3A_20 = vector.shape_cast %get3A_19 : vector<1x512x1xf32> to vector<512x1xf32>
    %get3A_21 = arith.constant 0 : index
    %get3A_22 = arith.constant 0 : index
    %get3A_23 = arith.constant 2 : index
    %get3A_24 = vector.load %arg1[%get3A_21, %get3A_22, %get3A_23] : memref<3x512x8xf32, #tpu.memory_space<vmem>>, vector<1x512x1xf32>
    %get3A_25 = vector.shape_cast %get3A_24 : vector<1x512x1xf32> to vector<512x1xf32>
    %get3A_26 = arith.constant 0 : index
    %get3A_27 = arith.constant 0 : index
    %get3A_28 = arith.constant 3 : index
    %get3A_29 = vector.load %arg1[%get3A_26, %get3A_27, %get3A_28] : memref<3x512x8xf32, #tpu.memory_space<vmem>>, vector<1x512x1xf32>
    %get3A_30 = vector.shape_cast %get3A_29 : vector<1x512x1xf32> to vector<512x1xf32>
    %get3A_31 = arith.constant 0 : index
    %get3A_32 = arith.constant 0 : index
    %get3A_33 = arith.constant 4 : index
    %get3A_34 = vector.load %arg1[%get3A_31, %get3A_32, %get3A_33] : memref<3x512x8xf32, #tpu.memory_space<vmem>>, vector<1x512x1xf32>
    %get3A_35 = vector.shape_cast %get3A_34 : vector<1x512x1xf32> to vector<512x1xf32>
    %get3A_36 = arith.constant 0 : index
    %get3A_37 = arith.constant 0 : index
    %get3A_38 = arith.constant 5 : index
    %get3A_39 = vector.load %arg1[%get3A_36, %get3A_37, %get3A_38] : memref<3x512x8xf32, #tpu.memory_space<vmem>>, vector<1x512x1xf32>
    %get3A_40 = vector.shape_cast %get3A_39 : vector<1x512x1xf32> to vector<512x1xf32>
    %get3A_41 = arith.constant 0 : index
    %get3A_42 = arith.constant 0 : index
    %get3A_43 = arith.constant 6 : index
    %get3A_44 = vector.load %arg1[%get3A_41, %get3A_42, %get3A_43] : memref<3x512x8xf32, #tpu.memory_space<vmem>>, vector<1x512x1xf32>
    %get3A_45 = vector.shape_cast %get3A_44 : vector<1x512x1xf32> to vector<512x1xf32>
    %convert_element_type3A = arith.fptosi %get3A_45 : vector<512x1xf32> to vector<512x1xi32>
    %add3A = arith.constant 1.000000e-16 : f32
    %add3A_46 = vector.broadcast %add3A : f32 to vector<512x1xf32>
    %add3A_47 = arith.addf %get3A_35, %add3A_46 : vector<512x1xf32>
    %log3A_48 = math.log %add3A_47 : vector<512x1xf32>
    %add3A_49 = arith.constant 1.000000e-16 : f32
    %add3A_50 = vector.broadcast %add3A_49 : f32 to vector<512x1xf32>
    %add3A_51 = arith.addf %get3A_40, %add3A_50 : vector<512x1xf32>
    %log3A_52 = math.log %add3A_51 : vector<512x1xf32>
    %eq3A = arith.constant 0 : i32
    %eq3A_53 = vector.broadcast %eq3A : i32 to vector<512x85xi32>
    %eq3A_54 = arith.cmpi eq, %iota3A, %eq3A_53 : vector<512x85xi32>
    %eq3A_55 = arith.constant 1 : i32
    %eq3A_56 = vector.broadcast %eq3A_55 : i32 to vector<512x85xi32>
    %eq3A_57 = arith.cmpi eq, %iota3A, %eq3A_56 : vector<512x85xi32>
    %eq3A_58 = arith.constant 2 : i32
    %eq3A_59 = vector.broadcast %eq3A_58 : i32 to vector<512x85xi32>
    %eq3A_60 = arith.cmpi eq, %iota3A, %eq3A_59 : vector<512x85xi32>
    %broadcast_in_dim3A = vector.shape_cast %log3A_48 : vector<512x1xf32> to vector<512x1xf32>
    %broadcast_in_dim3A_61 = vector.broadcast %broadcast_in_dim3A : vector<512x1xf32> to vector<512x85xf32>
    %broadcast_in_dim3A_62 = vector.shape_cast %log3A_52 : vector<512x1xf32> to vector<512x1xf32>
    %broadcast_in_dim3A_63 = vector.broadcast %broadcast_in_dim3A_62 : vector<512x1xf32> to vector<512x85xf32>
    %select_n3A = arith.select %eq3A_60, %broadcast_in_dim3A_61, %broadcast_in_dim3A_63 : vector<512x85xi1>, vector<512x85xf32>
    %broadcast_in_dim3A_64 = vector.shape_cast %get3A_30 : vector<512x1xf32> to vector<512x1xf32>
    %broadcast_in_dim3A_65 = vector.broadcast %broadcast_in_dim3A_64 : vector<512x1xf32> to vector<512x85xf32>
    %select_n3A_66 = arith.select %eq3A_57, %broadcast_in_dim3A_65, %select_n3A : vector<512x85xi1>, vector<512x85xf32>
    %broadcast_in_dim3A_67 = vector.shape_cast %get3A_25 : vector<512x1xf32> to vector<512x1xf32>
    %broadcast_in_dim3A_68 = vector.broadcast %broadcast_in_dim3A_67 : vector<512x1xf32> to vector<512x85xf32>
    %select_n3A_69 = arith.select %eq3A_54, %broadcast_in_dim3A_68, %select_n3A_66 : vector<512x85xi1>, vector<512x85xf32>
    %lt3A = arith.constant 4 : i32
    %lt3A_70 = vector.broadcast %lt3A : i32 to vector<512x85xi32>
    %lt3A_71 = arith.cmpi slt, %iota3A, %lt3A_70 : vector<512x85xi32>
    %sub3A_72 = arith.subf %get3A_3, %select_n3A_69 : vector<512x85xf32>
    %integer_pow3A = arith.mulf %sub3A_72, %sub3A_72 : vector<512x85xf32>
    %jit3A_73 = arith.constant 0.000000e+00 : f32
    %broadcast_in_dim3A_74 = vector.broadcast %jit3A_73 : f32 to vector<512x85xf32>
    %select_n3A_75 = arith.select %lt3A_71, %integer_pow3A, %broadcast_in_dim3A_74 : vector<512x85xi1>, vector<512x85xf32>
    %eq3A_76 = arith.constant 4 : i32
    %eq3A_77 = vector.broadcast %eq3A_76 : i32 to vector<512x85xi32>
    %eq3A_78 = arith.cmpi eq, %iota3A, %eq3A_77 : vector<512x85xi32>
    %neg3A = arith.constant 0.000000e+00 : f32
    %neg3A_79 = vector.broadcast %neg3A : f32 to vector<512x85xf32>
    %neg3A_80 = arith.subf %neg3A_79, %max3A_4 : vector<512x85xf32>
    %mul3A = arith.constant 5.000000e-01 : f32
    %mul3A_81 = vector.broadcast %mul3A : f32 to vector<512x85xf32>
    %mul3A_82 = arith.mulf %mul3A_81, %max3A_10 : vector<512x85xf32>
    %add3A_83 = arith.addf %neg3A_80, %mul3A_82 : vector<512x85xf32>
    %jit3A_84 = arith.constant 0.000000e+00 : f32
    %broadcast_in_dim3A_85 = vector.broadcast %jit3A_84 : f32 to vector<512x85xf32>
    %select_n3A_86 = arith.select %eq3A_78, %add3A_83, %broadcast_in_dim3A_85 : vector<512x85xi1>, vector<512x85xf32>
    %add3A_87 = arith.addf %select_n3A_75, %select_n3A_86 : vector<512x85xf32>
    %ge3A = arith.constant 5 : i32
    %ge3A_88 = vector.broadcast %ge3A : i32 to vector<512x85xi32>
    %ge3A_89 = arith.cmpi sge, %iota3A, %ge3A_88 : vector<512x85xi32>
    %neg3A_90 = arith.constant 0.000000e+00 : f32
    %neg3A_91 = vector.broadcast %neg3A_90 : f32 to vector<512x85xf32>
    %neg3A_92 = arith.subf %neg3A_91, %max3A_10 : vector<512x85xf32>
    %jit3A_93 = arith.constant 0.000000e+00 : f32
    %broadcast_in_dim3A_94 = vector.broadcast %jit3A_93 : f32 to vector<512x85xf32>
    %select_n3A_95 = arith.select %ge3A_89, %neg3A_92, %broadcast_in_dim3A_94 : vector<512x85xi1>, vector<512x85xf32>
    %add3A_96 = arith.addf %add3A_87, %select_n3A_95 : vector<512x85xf32>
    %add3A_97 = arith.constant 5 : i32
    %add3A_98 = vector.broadcast %add3A_97 : i32 to vector<512x1xi32>
    %add3A_99 = arith.addi %convert_element_type3A, %add3A_98 : vector<512x1xi32>
    %eq3A_100 = vector.broadcast %add3A_99 : vector<512x1xi32> to vector<512x85xi32>
    %eq3A_101 = arith.cmpi eq, %iota3A, %eq3A_100 : vector<512x85xi32>
    %neg3A_102 = arith.constant 0.000000e+00 : f32
    %neg3A_103 = vector.broadcast %neg3A_102 : f32 to vector<512x85xf32>
    %neg3A_104 = arith.subf %neg3A_103, %max3A_4 : vector<512x85xf32>
    %add3A_105 = arith.addf %neg3A_104, %max3A_10 : vector<512x85xf32>
    %jit3A_106 = arith.constant 0.000000e+00 : f32
    %broadcast_in_dim3A_107 = vector.broadcast %jit3A_106 : f32 to vector<512x85xf32>
    %select_n3A_108 = arith.select %eq3A_101, %add3A_105, %broadcast_in_dim3A_107 : vector<512x85xi1>, vector<512x85xf32>
    %mul3A_109 = vector.broadcast %get3A_15 : vector<512x1xf32> to vector<512x85xf32>
    %mul3A_110 = arith.mulf %mul3A_109, %add3A_96 : vector<512x85xf32>
    %reduce_sum3A = vector.shape_cast %mul3A_110 : vector<512x85xf32> to vector<1x512x85xf32>
    %reduce_sum3A_111 = arith.constant dense<0.000000e+00> : vector<1xf32>
    %reduce_sum3A_112 = vector.multi_reduction <add>, %reduce_sum3A, %reduce_sum3A_111 [1, 2] : vector<1x512x85xf32> to vector<1xf32>
    %reduce_sum3A_113 = vector.shape_cast %reduce_sum3A_112 : vector<1xf32> to vector<1x1x1xf32>
    %reduce_sum3A_114 = vector.extract %reduce_sum3A_113[0, 0, 0] : f32 from vector<1x1x1xf32>
    %mul3A_115 = vector.broadcast %get3A_20 : vector<512x1xf32> to vector<512x85xf32>
    %mul3A_116 = arith.mulf %mul3A_115, %select_n3A_108 : vector<512x85xf32>
    %reduce_sum3A_117 = vector.shape_cast %mul3A_116 : vector<512x85xf32> to vector<1x512x85xf32>
    %reduce_sum3A_118 = arith.constant dense<0.000000e+00> : vector<1xf32>
    %reduce_sum3A_119 = vector.multi_reduction <add>, %reduce_sum3A_117, %reduce_sum3A_118 [1, 2] : vector<1x512x85xf32> to vector<1xf32>
    %reduce_sum3A_120 = vector.shape_cast %reduce_sum3A_119 : vector<1xf32> to vector<1x1x1xf32>
    %reduce_sum3A_121 = vector.extract %reduce_sum3A_120[0, 0, 0] : f32 from vector<1x1x1xf32>
    %add3A_122 = arith.addf %reduce_sum3A_114, %reduce_sum3A_121 : f32
    %add3A_123 = arith.constant 0.000000e+00 : f32
    %add3A_124 = arith.addf %add3A_123, %add3A_122 : f32
    %get3A_125 = arith.constant 1 : index
    %get3A_126 = arith.constant 0 : index
    %get3A_127 = arith.constant 0 : index
    %get3A_128 = vector.load %arg0[%get3A_125, %get3A_126, %get3A_127] : memref<3x512x85xf32, #tpu.memory_space<vmem>>, vector<1x512x85xf32>
    %get3A_129 = vector.shape_cast %get3A_128 : vector<1x512x85xf32> to vector<512x85xf32>
    %log3A_130 = math.log %get3A_129 : vector<512x85xf32>
    %jit3A_131 = arith.constant -1.000000e+02 : f32
    %max3A_132 = vector.broadcast %jit3A_131 : f32 to vector<512x85xf32>
    %max3A_133 = arith.maximumf %max3A_132, %log3A_130 : vector<512x85xf32>
    %sub3A_134 = arith.constant 1.000000e+00 : f32
    %sub3A_135 = vector.broadcast %sub3A_134 : f32 to vector<512x85xf32>
    %sub3A_136 = arith.subf %sub3A_135, %get3A_129 : vector<512x85xf32>
    %log3A_137 = math.log %sub3A_136 : vector<512x85xf32>
    %jit3A_138 = arith.constant -1.000000e+02 : f32
    %max3A_139 = vector.broadcast %jit3A_138 : f32 to vector<512x85xf32>
    %max3A_140 = arith.maximumf %max3A_139, %log3A_137 : vector<512x85xf32>
    %get3A_141 = arith.constant 1 : index
    %get3A_142 = arith.constant 0 : index
    %get3A_143 = arith.constant 0 : index
    %get3A_144 = vector.load %arg1[%get3A_141, %get3A_142, %get3A_143] : memref<3x512x8xf32, #tpu.memory_space<vmem>>, vector<1x512x1xf32>
    %get3A_145 = vector.shape_cast %get3A_144 : vector<1x512x1xf32> to vector<512x1xf32>
    %get3A_146 = arith.constant 1 : index
    %get3A_147 = arith.constant 0 : index
    %get3A_148 = arith.constant 1 : index
    %get3A_149 = vector.load %arg1[%get3A_146, %get3A_147, %get3A_148] : memref<3x512x8xf32, #tpu.memory_space<vmem>>, vector<1x512x1xf32>
    %get3A_150 = vector.shape_cast %get3A_149 : vector<1x512x1xf32> to vector<512x1xf32>
    %get3A_151 = arith.constant 1 : index
    %get3A_152 = arith.constant 0 : index
    %get3A_153 = arith.constant 2 : index
    %get3A_154 = vector.load %arg1[%get3A_151, %get3A_152, %get3A_153] : memref<3x512x8xf32, #tpu.memory_space<vmem>>, vector<1x512x1xf32>
    %get3A_155 = vector.shape_cast %get3A_154 : vector<1x512x1xf32> to vector<512x1xf32>
    %get3A_156 = arith.constant 1 : index
    %get3A_157 = arith.constant 0 : index
    %get3A_158 = arith.constant 3 : index
    %get3A_159 = vector.load %arg1[%get3A_156, %get3A_157, %get3A_158] : memref<3x512x8xf32, #tpu.memory_space<vmem>>, vector<1x512x1xf32>
    %get3A_160 = vector.shape_cast %get3A_159 : vector<1x512x1xf32> to vector<512x1xf32>
    %get3A_161 = arith.constant 1 : index
    %get3A_162 = arith.constant 0 : index
    %get3A_163 = arith.constant 4 : index
    %get3A_164 = vector.load %arg1[%get3A_161, %get3A_162, %get3A_163] : memref<3x512x8xf32, #tpu.memory_space<vmem>>, vector<1x512x1xf32>
    %get3A_165 = vector.shape_cast %get3A_164 : vector<1x512x1xf32> to vector<512x1xf32>
    %get3A_166 = arith.constant 1 : index
    %get3A_167 = arith.constant 0 : index
    %get3A_168 = arith.constant 5 : index
    %get3A_169 = vector.load %arg1[%get3A_166, %get3A_167, %get3A_168] : memref<3x512x8xf32, #tpu.memory_space<vmem>>, vector<1x512x1xf32>
    %get3A_170 = vector.shape_cast %get3A_169 : vector<1x512x1xf32> to vector<512x1xf32>
    %get3A_171 = arith.constant 1 : index
    %get3A_172 = arith.constant 0 : index
    %get3A_173 = arith.constant 6 : index
    %get3A_174 = vector.load %arg1[%get3A_171, %get3A_172, %get3A_173] : memref<3x512x8xf32, #tpu.memory_space<vmem>>, vector<1x512x1xf32>
    %get3A_175 = vector.shape_cast %get3A_174 : vector<1x512x1xf32> to vector<512x1xf32>
    %convert_element_type3A_176 = arith.fptosi %get3A_175 : vector<512x1xf32> to vector<512x1xi32>
    %add3A_177 = arith.constant 1.000000e-16 : f32
    %add3A_178 = vector.broadcast %add3A_177 : f32 to vector<512x1xf32>
    %add3A_179 = arith.addf %get3A_165, %add3A_178 : vector<512x1xf32>
    %log3A_180 = math.log %add3A_179 : vector<512x1xf32>
    %add3A_181 = arith.constant 1.000000e-16 : f32
    %add3A_182 = vector.broadcast %add3A_181 : f32 to vector<512x1xf32>
    %add3A_183 = arith.addf %get3A_170, %add3A_182 : vector<512x1xf32>
    %log3A_184 = math.log %add3A_183 : vector<512x1xf32>
    %eq3A_185 = arith.constant 0 : i32
    %eq3A_186 = vector.broadcast %eq3A_185 : i32 to vector<512x85xi32>
    %eq3A_187 = arith.cmpi eq, %iota3A, %eq3A_186 : vector<512x85xi32>
    %eq3A_188 = arith.constant 1 : i32
    %eq3A_189 = vector.broadcast %eq3A_188 : i32 to vector<512x85xi32>
    %eq3A_190 = arith.cmpi eq, %iota3A, %eq3A_189 : vector<512x85xi32>
    %eq3A_191 = arith.constant 2 : i32
    %eq3A_192 = vector.broadcast %eq3A_191 : i32 to vector<512x85xi32>
    %eq3A_193 = arith.cmpi eq, %iota3A, %eq3A_192 : vector<512x85xi32>
    %broadcast_in_dim3A_194 = vector.shape_cast %log3A_180 : vector<512x1xf32> to vector<512x1xf32>
    %broadcast_in_dim3A_195 = vector.broadcast %broadcast_in_dim3A_194 : vector<512x1xf32> to vector<512x85xf32>
    %broadcast_in_dim3A_196 = vector.shape_cast %log3A_184 : vector<512x1xf32> to vector<512x1xf32>
    %broadcast_in_dim3A_197 = vector.broadcast %broadcast_in_dim3A_196 : vector<512x1xf32> to vector<512x85xf32>
    %select_n3A_198 = arith.select %eq3A_193, %broadcast_in_dim3A_195, %broadcast_in_dim3A_197 : vector<512x85xi1>, vector<512x85xf32>
    %broadcast_in_dim3A_199 = vector.shape_cast %get3A_160 : vector<512x1xf32> to vector<512x1xf32>
    %broadcast_in_dim3A_200 = vector.broadcast %broadcast_in_dim3A_199 : vector<512x1xf32> to vector<512x85xf32>
    %select_n3A_201 = arith.select %eq3A_190, %broadcast_in_dim3A_200, %select_n3A_198 : vector<512x85xi1>, vector<512x85xf32>
    %broadcast_in_dim3A_202 = vector.shape_cast %get3A_155 : vector<512x1xf32> to vector<512x1xf32>
    %broadcast_in_dim3A_203 = vector.broadcast %broadcast_in_dim3A_202 : vector<512x1xf32> to vector<512x85xf32>
    %select_n3A_204 = arith.select %eq3A_187, %broadcast_in_dim3A_203, %select_n3A_201 : vector<512x85xi1>, vector<512x85xf32>
    %lt3A_205 = arith.constant 4 : i32
    %lt3A_206 = vector.broadcast %lt3A_205 : i32 to vector<512x85xi32>
    %lt3A_207 = arith.cmpi slt, %iota3A, %lt3A_206 : vector<512x85xi32>
    %sub3A_208 = arith.subf %get3A_129, %select_n3A_204 : vector<512x85xf32>
    %integer_pow3A_209 = arith.mulf %sub3A_208, %sub3A_208 : vector<512x85xf32>
    %jit3A_210 = arith.constant 0.000000e+00 : f32
    %broadcast_in_dim3A_211 = vector.broadcast %jit3A_210 : f32 to vector<512x85xf32>
    %select_n3A_212 = arith.select %lt3A_207, %integer_pow3A_209, %broadcast_in_dim3A_211 : vector<512x85xi1>, vector<512x85xf32>
    %eq3A_213 = arith.constant 4 : i32
    %eq3A_214 = vector.broadcast %eq3A_213 : i32 to vector<512x85xi32>
    %eq3A_215 = arith.cmpi eq, %iota3A, %eq3A_214 : vector<512x85xi32>
    %neg3A_216 = arith.constant 0.000000e+00 : f32
    %neg3A_217 = vector.broadcast %neg3A_216 : f32 to vector<512x85xf32>
    %neg3A_218 = arith.subf %neg3A_217, %max3A_133 : vector<512x85xf32>
    %mul3A_219 = arith.constant 5.000000e-01 : f32
    %mul3A_220 = vector.broadcast %mul3A_219 : f32 to vector<512x85xf32>
    %mul3A_221 = arith.mulf %mul3A_220, %max3A_140 : vector<512x85xf32>
    %add3A_222 = arith.addf %neg3A_218, %mul3A_221 : vector<512x85xf32>
    %jit3A_223 = arith.constant 0.000000e+00 : f32
    %broadcast_in_dim3A_224 = vector.broadcast %jit3A_223 : f32 to vector<512x85xf32>
    %select_n3A_225 = arith.select %eq3A_215, %add3A_222, %broadcast_in_dim3A_224 : vector<512x85xi1>, vector<512x85xf32>
    %add3A_226 = arith.addf %select_n3A_212, %select_n3A_225 : vector<512x85xf32>
    %ge3A_227 = arith.constant 5 : i32
    %ge3A_228 = vector.broadcast %ge3A_227 : i32 to vector<512x85xi32>
    %ge3A_229 = arith.cmpi sge, %iota3A, %ge3A_228 : vector<512x85xi32>
    %neg3A_230 = arith.constant 0.000000e+00 : f32
    %neg3A_231 = vector.broadcast %neg3A_230 : f32 to vector<512x85xf32>
    %neg3A_232 = arith.subf %neg3A_231, %max3A_140 : vector<512x85xf32>
    %jit3A_233 = arith.constant 0.000000e+00 : f32
    %broadcast_in_dim3A_234 = vector.broadcast %jit3A_233 : f32 to vector<512x85xf32>
    %select_n3A_235 = arith.select %ge3A_229, %neg3A_232, %broadcast_in_dim3A_234 : vector<512x85xi1>, vector<512x85xf32>
    %add3A_236 = arith.addf %add3A_226, %select_n3A_235 : vector<512x85xf32>
    %add3A_237 = arith.constant 5 : i32
    %add3A_238 = vector.broadcast %add3A_237 : i32 to vector<512x1xi32>
    %add3A_239 = arith.addi %convert_element_type3A_176, %add3A_238 : vector<512x1xi32>
    %eq3A_240 = vector.broadcast %add3A_239 : vector<512x1xi32> to vector<512x85xi32>
    %eq3A_241 = arith.cmpi eq, %iota3A, %eq3A_240 : vector<512x85xi32>
    %neg3A_242 = arith.constant 0.000000e+00 : f32
    %neg3A_243 = vector.broadcast %neg3A_242 : f32 to vector<512x85xf32>
    %neg3A_244 = arith.subf %neg3A_243, %max3A_133 : vector<512x85xf32>
    %add3A_245 = arith.addf %neg3A_244, %max3A_140 : vector<512x85xf32>
    %jit3A_246 = arith.constant 0.000000e+00 : f32
    %broadcast_in_dim3A_247 = vector.broadcast %jit3A_246 : f32 to vector<512x85xf32>
    %select_n3A_248 = arith.select %eq3A_241, %add3A_245, %broadcast_in_dim3A_247 : vector<512x85xi1>, vector<512x85xf32>
    %mul3A_249 = vector.broadcast %get3A_145 : vector<512x1xf32> to vector<512x85xf32>
    %mul3A_250 = arith.mulf %mul3A_249, %add3A_236 : vector<512x85xf32>
    %reduce_sum3A_251 = vector.shape_cast %mul3A_250 : vector<512x85xf32> to vector<1x512x85xf32>
    %reduce_sum3A_252 = arith.constant dense<0.000000e+00> : vector<1xf32>
    %reduce_sum3A_253 = vector.multi_reduction <add>, %reduce_sum3A_251, %reduce_sum3A_252 [1, 2] : vector<1x512x85xf32> to vector<1xf32>
    %reduce_sum3A_254 = vector.shape_cast %reduce_sum3A_253 : vector<1xf32> to vector<1x1x1xf32>
    %reduce_sum3A_255 = vector.extract %reduce_sum3A_254[0, 0, 0] : f32 from vector<1x1x1xf32>
    %mul3A_256 = vector.broadcast %get3A_150 : vector<512x1xf32> to vector<512x85xf32>
    %mul3A_257 = arith.mulf %mul3A_256, %select_n3A_248 : vector<512x85xf32>
    %reduce_sum3A_258 = vector.shape_cast %mul3A_257 : vector<512x85xf32> to vector<1x512x85xf32>
    %reduce_sum3A_259 = arith.constant dense<0.000000e+00> : vector<1xf32>
    %reduce_sum3A_260 = vector.multi_reduction <add>, %reduce_sum3A_258, %reduce_sum3A_259 [1, 2] : vector<1x512x85xf32> to vector<1xf32>
    %reduce_sum3A_261 = vector.shape_cast %reduce_sum3A_260 : vector<1xf32> to vector<1x1x1xf32>
    %reduce_sum3A_262 = vector.extract %reduce_sum3A_261[0, 0, 0] : f32 from vector<1x1x1xf32>
    %add3A_263 = arith.addf %reduce_sum3A_255, %reduce_sum3A_262 : f32
    %add3A_264 = arith.addf %add3A_124, %add3A_263 : f32
    %get3A_265 = arith.constant 2 : index
    %get3A_266 = arith.constant 0 : index
    %get3A_267 = arith.constant 0 : index
    %get3A_268 = vector.load %arg0[%get3A_265, %get3A_266, %get3A_267] : memref<3x512x85xf32, #tpu.memory_space<vmem>>, vector<1x512x85xf32>
    %get3A_269 = vector.shape_cast %get3A_268 : vector<1x512x85xf32> to vector<512x85xf32>
    %log3A_270 = math.log %get3A_269 : vector<512x85xf32>
    %jit3A_271 = arith.constant -1.000000e+02 : f32
    %max3A_272 = vector.broadcast %jit3A_271 : f32 to vector<512x85xf32>
    %max3A_273 = arith.maximumf %max3A_272, %log3A_270 : vector<512x85xf32>
    %sub3A_274 = arith.constant 1.000000e+00 : f32
    %sub3A_275 = vector.broadcast %sub3A_274 : f32 to vector<512x85xf32>
    %sub3A_276 = arith.subf %sub3A_275, %get3A_269 : vector<512x85xf32>
    %log3A_277 = math.log %sub3A_276 : vector<512x85xf32>
    %jit3A_278 = arith.constant -1.000000e+02 : f32
    %max3A_279 = vector.broadcast %jit3A_278 : f32 to vector<512x85xf32>
    %max3A_280 = arith.maximumf %max3A_279, %log3A_277 : vector<512x85xf32>
    %get3A_281 = arith.constant 2 : index
    %get3A_282 = arith.constant 0 : index
    %get3A_283 = arith.constant 0 : index
    %get3A_284 = vector.load %arg1[%get3A_281, %get3A_282, %get3A_283] : memref<3x512x8xf32, #tpu.memory_space<vmem>>, vector<1x512x1xf32>
    %get3A_285 = vector.shape_cast %get3A_284 : vector<1x512x1xf32> to vector<512x1xf32>
    %get3A_286 = arith.constant 2 : index
    %get3A_287 = arith.constant 0 : index
    %get3A_288 = arith.constant 1 : index
    %get3A_289 = vector.load %arg1[%get3A_286, %get3A_287, %get3A_288] : memref<3x512x8xf32, #tpu.memory_space<vmem>>, vector<1x512x1xf32>
    %get3A_290 = vector.shape_cast %get3A_289 : vector<1x512x1xf32> to vector<512x1xf32>
    %get3A_291 = arith.constant 2 : index
    %get3A_292 = arith.constant 0 : index
    %get3A_293 = arith.constant 2 : index
    %get3A_294 = vector.load %arg1[%get3A_291, %get3A_292, %get3A_293] : memref<3x512x8xf32, #tpu.memory_space<vmem>>, vector<1x512x1xf32>
    %get3A_295 = vector.shape_cast %get3A_294 : vector<1x512x1xf32> to vector<512x1xf32>
    %get3A_296 = arith.constant 2 : index
    %get3A_297 = arith.constant 0 : index
    %get3A_298 = arith.constant 3 : index
    %get3A_299 = vector.load %arg1[%get3A_296, %get3A_297, %get3A_298] : memref<3x512x8xf32, #tpu.memory_space<vmem>>, vector<1x512x1xf32>
    %get3A_300 = vector.shape_cast %get3A_299 : vector<1x512x1xf32> to vector<512x1xf32>
    %get3A_301 = arith.constant 2 : index
    %get3A_302 = arith.constant 0 : index
    %get3A_303 = arith.constant 4 : index
    %get3A_304 = vector.load %arg1[%get3A_301, %get3A_302, %get3A_303] : memref<3x512x8xf32, #tpu.memory_space<vmem>>, vector<1x512x1xf32>
    %get3A_305 = vector.shape_cast %get3A_304 : vector<1x512x1xf32> to vector<512x1xf32>
    %get3A_306 = arith.constant 2 : index
    %get3A_307 = arith.constant 0 : index
    %get3A_308 = arith.constant 5 : index
    %get3A_309 = vector.load %arg1[%get3A_306, %get3A_307, %get3A_308] : memref<3x512x8xf32, #tpu.memory_space<vmem>>, vector<1x512x1xf32>
    %get3A_310 = vector.shape_cast %get3A_309 : vector<1x512x1xf32> to vector<512x1xf32>
    %get3A_311 = arith.constant 2 : index
    %get3A_312 = arith.constant 0 : index
    %get3A_313 = arith.constant 6 : index
    %get3A_314 = vector.load %arg1[%get3A_311, %get3A_312, %get3A_313] : memref<3x512x8xf32, #tpu.memory_space<vmem>>, vector<1x512x1xf32>
    %get3A_315 = vector.shape_cast %get3A_314 : vector<1x512x1xf32> to vector<512x1xf32>
    %convert_element_type3A_316 = arith.fptosi %get3A_315 : vector<512x1xf32> to vector<512x1xi32>
    %add3A_317 = arith.constant 1.000000e-16 : f32
    %add3A_318 = vector.broadcast %add3A_317 : f32 to vector<512x1xf32>
    %add3A_319 = arith.addf %get3A_305, %add3A_318 : vector<512x1xf32>
    %log3A_320 = math.log %add3A_319 : vector<512x1xf32>
    %add3A_321 = arith.constant 1.000000e-16 : f32
    %add3A_322 = vector.broadcast %add3A_321 : f32 to vector<512x1xf32>
    %add3A_323 = arith.addf %get3A_310, %add3A_322 : vector<512x1xf32>
    %log3A_324 = math.log %add3A_323 : vector<512x1xf32>
    %eq3A_325 = arith.constant 0 : i32
    %eq3A_326 = vector.broadcast %eq3A_325 : i32 to vector<512x85xi32>
    %eq3A_327 = arith.cmpi eq, %iota3A, %eq3A_326 : vector<512x85xi32>
    %eq3A_328 = arith.constant 1 : i32
    %eq3A_329 = vector.broadcast %eq3A_328 : i32 to vector<512x85xi32>
    %eq3A_330 = arith.cmpi eq, %iota3A, %eq3A_329 : vector<512x85xi32>
    %eq3A_331 = arith.constant 2 : i32
    %eq3A_332 = vector.broadcast %eq3A_331 : i32 to vector<512x85xi32>
    %eq3A_333 = arith.cmpi eq, %iota3A, %eq3A_332 : vector<512x85xi32>
    %broadcast_in_dim3A_334 = vector.shape_cast %log3A_320 : vector<512x1xf32> to vector<512x1xf32>
    %broadcast_in_dim3A_335 = vector.broadcast %broadcast_in_dim3A_334 : vector<512x1xf32> to vector<512x85xf32>
    %broadcast_in_dim3A_336 = vector.shape_cast %log3A_324 : vector<512x1xf32> to vector<512x1xf32>
    %broadcast_in_dim3A_337 = vector.broadcast %broadcast_in_dim3A_336 : vector<512x1xf32> to vector<512x85xf32>
    %select_n3A_338 = arith.select %eq3A_333, %broadcast_in_dim3A_335, %broadcast_in_dim3A_337 : vector<512x85xi1>, vector<512x85xf32>
    %broadcast_in_dim3A_339 = vector.shape_cast %get3A_300 : vector<512x1xf32> to vector<512x1xf32>
    %broadcast_in_dim3A_340 = vector.broadcast %broadcast_in_dim3A_339 : vector<512x1xf32> to vector<512x85xf32>
    %select_n3A_341 = arith.select %eq3A_330, %broadcast_in_dim3A_340, %select_n3A_338 : vector<512x85xi1>, vector<512x85xf32>
    %broadcast_in_dim3A_342 = vector.shape_cast %get3A_295 : vector<512x1xf32> to vector<512x1xf32>
    %broadcast_in_dim3A_343 = vector.broadcast %broadcast_in_dim3A_342 : vector<512x1xf32> to vector<512x85xf32>
    %select_n3A_344 = arith.select %eq3A_327, %broadcast_in_dim3A_343, %select_n3A_341 : vector<512x85xi1>, vector<512x85xf32>
    %lt3A_345 = arith.constant 4 : i32
    %lt3A_346 = vector.broadcast %lt3A_345 : i32 to vector<512x85xi32>
    %lt3A_347 = arith.cmpi slt, %iota3A, %lt3A_346 : vector<512x85xi32>
    %sub3A_348 = arith.subf %get3A_269, %select_n3A_344 : vector<512x85xf32>
    %integer_pow3A_349 = arith.mulf %sub3A_348, %sub3A_348 : vector<512x85xf32>
    %jit3A_350 = arith.constant 0.000000e+00 : f32
    %broadcast_in_dim3A_351 = vector.broadcast %jit3A_350 : f32 to vector<512x85xf32>
    %select_n3A_352 = arith.select %lt3A_347, %integer_pow3A_349, %broadcast_in_dim3A_351 : vector<512x85xi1>, vector<512x85xf32>
    %eq3A_353 = arith.constant 4 : i32
    %eq3A_354 = vector.broadcast %eq3A_353 : i32 to vector<512x85xi32>
    %eq3A_355 = arith.cmpi eq, %iota3A, %eq3A_354 : vector<512x85xi32>
    %neg3A_356 = arith.constant 0.000000e+00 : f32
    %neg3A_357 = vector.broadcast %neg3A_356 : f32 to vector<512x85xf32>
    %neg3A_358 = arith.subf %neg3A_357, %max3A_273 : vector<512x85xf32>
    %mul3A_359 = arith.constant 5.000000e-01 : f32
    %mul3A_360 = vector.broadcast %mul3A_359 : f32 to vector<512x85xf32>
    %mul3A_361 = arith.mulf %mul3A_360, %max3A_280 : vector<512x85xf32>
    %add3A_362 = arith.addf %neg3A_358, %mul3A_361 : vector<512x85xf32>
    %jit3A_363 = arith.constant 0.000000e+00 : f32
    %broadcast_in_dim3A_364 = vector.broadcast %jit3A_363 : f32 to vector<512x85xf32>
    %select_n3A_365 = arith.select %eq3A_355, %add3A_362, %broadcast_in_dim3A_364 : vector<512x85xi1>, vector<512x85xf32>
    %add3A_366 = arith.addf %select_n3A_352, %select_n3A_365 : vector<512x85xf32>
    %ge3A_367 = arith.constant 5 : i32
    %ge3A_368 = vector.broadcast %ge3A_367 : i32 to vector<512x85xi32>
    %ge3A_369 = arith.cmpi sge, %iota3A, %ge3A_368 : vector<512x85xi32>
    %neg3A_370 = arith.constant 0.000000e+00 : f32
    %neg3A_371 = vector.broadcast %neg3A_370 : f32 to vector<512x85xf32>
    %neg3A_372 = arith.subf %neg3A_371, %max3A_280 : vector<512x85xf32>
    %jit3A_373 = arith.constant 0.000000e+00 : f32
    %broadcast_in_dim3A_374 = vector.broadcast %jit3A_373 : f32 to vector<512x85xf32>
    %select_n3A_375 = arith.select %ge3A_369, %neg3A_372, %broadcast_in_dim3A_374 : vector<512x85xi1>, vector<512x85xf32>
    %add3A_376 = arith.addf %add3A_366, %select_n3A_375 : vector<512x85xf32>
    %add3A_377 = arith.constant 5 : i32
    %add3A_378 = vector.broadcast %add3A_377 : i32 to vector<512x1xi32>
    %add3A_379 = arith.addi %convert_element_type3A_316, %add3A_378 : vector<512x1xi32>
    %eq3A_380 = vector.broadcast %add3A_379 : vector<512x1xi32> to vector<512x85xi32>
    %eq3A_381 = arith.cmpi eq, %iota3A, %eq3A_380 : vector<512x85xi32>
    %neg3A_382 = arith.constant 0.000000e+00 : f32
    %neg3A_383 = vector.broadcast %neg3A_382 : f32 to vector<512x85xf32>
    %neg3A_384 = arith.subf %neg3A_383, %max3A_273 : vector<512x85xf32>
    %add3A_385 = arith.addf %neg3A_384, %max3A_280 : vector<512x85xf32>
    %jit3A_386 = arith.constant 0.000000e+00 : f32
    %broadcast_in_dim3A_387 = vector.broadcast %jit3A_386 : f32 to vector<512x85xf32>
    %select_n3A_388 = arith.select %eq3A_381, %add3A_385, %broadcast_in_dim3A_387 : vector<512x85xi1>, vector<512x85xf32>
    %mul3A_389 = vector.broadcast %get3A_285 : vector<512x1xf32> to vector<512x85xf32>
    %mul3A_390 = arith.mulf %mul3A_389, %add3A_376 : vector<512x85xf32>
    %reduce_sum3A_391 = vector.shape_cast %mul3A_390 : vector<512x85xf32> to vector<1x512x85xf32>
    %reduce_sum3A_392 = arith.constant dense<0.000000e+00> : vector<1xf32>
    %reduce_sum3A_393 = vector.multi_reduction <add>, %reduce_sum3A_391, %reduce_sum3A_392 [1, 2] : vector<1x512x85xf32> to vector<1xf32>
    %reduce_sum3A_394 = vector.shape_cast %reduce_sum3A_393 : vector<1xf32> to vector<1x1x1xf32>
    %reduce_sum3A_395 = vector.extract %reduce_sum3A_394[0, 0, 0] : f32 from vector<1x1x1xf32>
    %mul3A_396 = vector.broadcast %get3A_290 : vector<512x1xf32> to vector<512x85xf32>
    %mul3A_397 = arith.mulf %mul3A_396, %select_n3A_388 : vector<512x85xf32>
    %reduce_sum3A_398 = vector.shape_cast %mul3A_397 : vector<512x85xf32> to vector<1x512x85xf32>
    %reduce_sum3A_399 = arith.constant dense<0.000000e+00> : vector<1xf32>
    %reduce_sum3A_400 = vector.multi_reduction <add>, %reduce_sum3A_398, %reduce_sum3A_399 [1, 2] : vector<1x512x85xf32> to vector<1xf32>
    %reduce_sum3A_401 = vector.shape_cast %reduce_sum3A_400 : vector<1xf32> to vector<1x1x1xf32>
    %reduce_sum3A_402 = vector.extract %reduce_sum3A_401[0, 0, 0] : f32 from vector<1x1x1xf32>
    %add3A_403 = arith.addf %reduce_sum3A_395, %reduce_sum3A_402 : f32
    %add3A_404 = arith.addf %add3A_264, %add3A_403 : f32
    %get3A_405 = arith.constant 0 : index
    %get3A_406 = arith.constant 0 : index
    %get3A_407 = vector.load %arg2[%get3A_405, %get3A_406] : memref<2016x128xf32, #tpu.memory_space<vmem>>, vector<2016x128xf32>
    %sub3A_408 = arith.constant 1.000000e+00 : f32
    %sub3A_409 = vector.broadcast %sub3A_408 : f32 to vector<2016x128xf32>
    %sub3A_410 = arith.subf %sub3A_409, %get3A_407 : vector<2016x128xf32>
    %log3A_411 = math.log %sub3A_410 : vector<2016x128xf32>
    %jit3A_412 = arith.constant -1.000000e+02 : f32
    %max3A_413 = vector.broadcast %jit3A_412 : f32 to vector<2016x128xf32>
    %max3A_414 = arith.maximumf %max3A_413, %log3A_411 : vector<2016x128xf32>
    %neg3A_415 = arith.constant 0.000000e+00 : f32
    %neg3A_416 = vector.broadcast %neg3A_415 : f32 to vector<2016x128xf32>
    %neg3A_417 = arith.subf %neg3A_416, %max3A_414 : vector<2016x128xf32>
    %reduce_sum3A_418 = vector.shape_cast %neg3A_417 : vector<2016x128xf32> to vector<1x2016x128xf32>
    %reduce_sum3A_419 = arith.constant dense<0.000000e+00> : vector<1xf32>
    %reduce_sum3A_420 = vector.multi_reduction <add>, %reduce_sum3A_418, %reduce_sum3A_419 [1, 2] : vector<1x2016x128xf32> to vector<1xf32>
    %reduce_sum3A_421 = vector.shape_cast %reduce_sum3A_420 : vector<1xf32> to vector<1x1x1xf32>
    %reduce_sum3A_422 = vector.extract %reduce_sum3A_421[0, 0, 0] : f32 from vector<1x1x1xf32>
    %mul3A_423 = arith.constant 5.000000e-01 : f32
    %mul3A_424 = arith.mulf %mul3A_423, %reduce_sum3A_422 : f32
    %add3A_425 = arith.addf %mul3A_424, %add3A_404 : f32
    %div3A = arith.constant 1.600000e+01 : f32
    %div3A_426 = arith.divf %add3A_425, %div3A : f32
    %reshape3A = vector.broadcast %div3A_426 : f32 to vector<1x1xf32>
    %swap3A = arith.constant 0 : index
    %swap3A_427 = arith.constant 0 : index
    %swap3A_428 = vector.load %arg3[%swap3A, %swap3A_427] : memref<1x1xf32, #tpu.memory_space<vmem>>, vector<1x1xf32>
    tpu.vector_store %arg3[%swap3A, %swap3A_427], %reshape3A {strides = array<i32>} : memref<1x1xf32, #tpu.memory_space<vmem>>, vector<1x1xf32>,
    return
  }
}

</mosaic_0001>

<sc_bundles>
// kernel: kernel.4.cloned.1.call-start
scs
__scs_entry_jumppad:
0x0: {  	(pc) =	sbr.rel $0x88, $3  }
0x1: {  	(tag) =	ssettag $0x0;
	lr =	simm.s32 $0x1  }
0x2: {  	[smem:$0x3F9C] =	sst lr;
	_ =	strace $0xD0000000  }
0x3: {  	_ = 	snop  }
0x4: {  	_ = 	snop  }
0x5: {  	_ = 	snop  }
0x6: {  	_ = 	snop  }
0x7: {  	_ = 	snop  }
__scs_overlays_trampoline_lowered:
0x8: {  	[smem:$0x3FAB] =	sst s0  }
0x9: {  	[smem:$0x3FAC] =	sst s1  }
0xa: {  	[smem:$0x3FAD] =	sst s2  }
0xb: {  	[smem:$0x3FAE] =	sst s3  }
0xc: {  	[smem:$0x3FAF] =	sst s4  }
0xd: {  	[smem:$0x3FB0] =	sst s5  }
0xe: {  	[smem:$0x3FB1] =	sst s6  }
0xf: {  	[smem:$0x3FB2] =	sst s7  }
0x10: {  	[smem:$0x3FB3] =	sst s8  }
0x11: {  	[smem:$0x3FB4] =	sst s9;
	s0 =	simm.s32 @!p0 $0x0  }
0x12: {  	s1 =	sld [smem:$0x3F9A];
	s0 =	simm.s32 @p0 $0x1  }
0x13: {  	[smem:$0x3FB5] =	sst s0;
	s0 =	simm.s32 @!p1 $0x0  }
0x14: {  	s2 =	sld [smem:$0x3F99];
	s0 =	simm.s32 @p1 $0x1  }
0x15: {  	[smem:$0x3FB6] =	sst s0;
	s0 =	simm.s32 @!p2 $0x0  }
0x16: {  	s3 =	sld [smem:$0x3FDB];
	s0 =	simm.s32 @p2 $0x1  }
0x17: {  	s4 =	simm.s32 $0x1BF5;
	[smem:$0x3FB8] =	sst s0  }
0x18: {  	s0 =	sld [smem:$0x3F9B];
	_ =	swait.ge [sflag:s4], $0x0  }
0x19: {  	s7 =	sld [smem:$0x3F9C]  }
0x1a: {  	s8 =	sadd.s32 $0xFFFFE003, lr  }
0x1b: {  	s9 =	sadd.s32 $0xFFFFFEF7, lr;
	s5 =	simm.s32 $0xFFFFFFFF;
	p2 =	slt.u32 s8, $0xFFFFF086  }
0x1c: {  	p1 =	slt.u32 s9, $0xF7A;
	s5 =	simm.s32 @!p2 $0x0  }
0x1d: {  	s5 =	simm.s32 @p1 $0x1;
	p0 =	seq.s32 s7, s2  }
0x1e: {  	s7 =	smul.u32 @!p0 $0xF7A, s2;
	p2 =	seq.s32 @!p0 s5, $0x0  }
0x1f: {  	s9 =	smul.u32 $0xF7A, s1;
	s8 =	simm.s32 @!p0 $0x1BF5;
	p2 =	por !p2, p0  }
0x20: {  	[sflag:s8] =	ssyncset.s32 @!p0 $0xFFFFF086;
	s6 =	sadd.s32 @!p0 s3, s7;
	s7 =	simm.s32 @!p0 $0x108  }
0x21: {  	s3 =	sadd.s32 s3, s9;
	s6 =	sadd.s32 @!p0 $0x88, s6;
	s7 =	simm.s32 @p2 $0x1082  }
0x22: {  	[simem:s7], [sflag:s8] =	dma.local @!p0 [hbm:s6], $0xF7A  }
0x23: {  	s9 =	sor.u32 $0xD0000000, s2;
	s6 =	simm.s32 $0x108;
	_ =	swait.ge @!p0 [sflag:s8], $0x0  }
0x24: {  	s3 =	sadd.s32 $0x88, s3;
	s6 =	simm.s32 @!p1 $0x1082;
	[sflag:s4] =	ssyncset.s32 $0xFFFFF086  }
0x25: {  	[simem:s6], [sflag:s4] =	dma.local [hbm:s3], $0xF7A  }
0x26: {  	[smem:$0x3F9C] =	sst s1;
	(tag) =	ssettag s2;
	_ =	strace s9  }
0x27: {  	s1 =	sld [smem:$0x3FAC]  }
0x28: {  	s2 =	sld [smem:$0x3FAD]  }
0x29: {  	s4 =	sld [smem:$0x3FAF]  }
0x2a: {  	p0 =	seq.s32 s5, $0x0;
	s5 =	sld [smem:$0x3FB0]  }
0x2b: {  	s6 =	sld [smem:$0x3FB1]  }
0x2c: {  	s7 =	sld [smem:$0x3FB2]  }
0x2d: {  	s3 =	simm.s32 $0x108;
	s8 =	sld [smem:$0x3FB3]  }
0x2e: {  	s3 =	simm.s32 @!p0 $0x1082;
	s9 =	sld [smem:$0x3FB4]  }
0x2f: {  	lr =	sadd.s32 s0, s3;
	s0 =	sld [smem:$0x3FAB]  }
0x30: {  	s3 =	sld [smem:$0x3FAE]  }
0x31: {  	[smem:$0x3FB7] =	sst s10  }
0x32: {  	s10 =	sld [smem:$0x3FB5];
	_ =	sdelay $0x3  }
0x33: {  	p0 =	seq.s32 s10, $0x1;
	s10 =	sld [smem:$0x3FB7];
	_ =	sdelay $0x3  }
0x34: {  	[smem:$0x3FB7] =	sst s10  }
0x35: {  	s10 =	sld [smem:$0x3FB6];
	_ =	sdelay $0x3  }
0x36: {  	p1 =	seq.s32 s10, $0x1;
	s10 =	sld [smem:$0x3FB7];
	_ =	sdelay $0x3  }
0x37: {  	[smem:$0x3FB7] =	sst s10  }
0x38: {  	s10 =	sld [smem:$0x3FB8]  }
0x39: {  	_ = 	snop;
	(pc) =	sbr.ind lr, $3  }
0x3a: {  	_ = 	snop  }
0x3b: {  	_ = 	snop  }
0x3c: {  	p2 =	seq.s32 s10, $0x1;
	s10 =	sld [smem:$0x3FB7]  }
0x3d: {  	_ =	shalt  }
0x3e: {  	_ =	shalt  }
0x3f: {  	_ =	shalt  }
0x40: {  	_ =	shalt  }
0x41: {  	_ =	shalt  }
0x42: {  	_ =	shalt  }
0x43: {  	_ =	shalt  }
0x44: {  	_ =	shalt  }
0x45: {  	_ =	shalt  }
0x46: {  	_ =	shalt  }
0x47: {  	_ =	shalt  }
0x48: {  	_ =	shalt  }
0x49: {  	_ =	shalt  }
0x4a: {  	_ =	shalt  }
0x4b: {  	_ =	shalt  }
0x4c: {  	_ =	shalt  }
0x4d: {  	_ =	shalt  }
0x4e: {  	_ =	shalt  }
0x4f: {  	_ =	shalt  }
0x50: {  	_ =	shalt  }
0x51: {  	_ =	shalt  }
0x52: {  	_ =	shalt  }
0x53: {  	_ =	shalt  }
0x54: {  	_ =	shalt  }
0x55: {  	_ =	shalt  }
0x56: {  	_ =	shalt  }
0x57: {  	_ =	shalt  }
0x58: {  	_ =	shalt  }
0x59: {  	_ =	shalt  }
0x5a: {  	_ =	shalt  }
0x5b: {  	_ =	shalt  }
0x5c: {  	_ =	shalt  }
0x5d: {  	_ =	shalt  }
0x5e: {  	_ =	shalt  }
0x5f: {  	_ =	shalt  }
0x60: {  	_ =	shalt  }
0x61: {  	_ =	shalt  }
0x62: {  	_ =	shalt  }
0x63: {  	_ =	shalt  }
0x64: {  	_ =	shalt  }
0x65: {  	_ =	shalt  }
0x66: {  	_ =	shalt  }
0x67: {  	_ =	shalt  }
0x68: {  	_ =	shalt  }
0x69: {  	_ =	shalt  }
0x6a: {  	_ =	shalt  }
0x6b: {  	_ =	shalt  }
0x6c: {  	_ =	shalt  }
0x6d: {  	_ =	shalt  }
0x6e: {  	_ =	shalt  }
0x6f: {  	_ =	shalt  }
0x70: {  	_ =	shalt  }
0x71: {  	_ =	shalt  }
0x72: {  	_ =	shalt  }
0x73: {  	_ =	shalt  }
0x74: {  	_ =	shalt  }
0x75: {  	_ =	shalt  }
0x76: {  	_ =	shalt  }
0x77: {  	_ =	shalt  }
0x78: {  	_ =	shalt  }
0x79: {  	_ =	shalt  }
0x7a: {  	_ =	shalt  }
0x7b: {  	_ =	shalt  }
0x7c: {  	_ =	shalt  }
0x7d: {  	_ =	shalt  }
0x7e: {  	_ =	shalt  }
0x7f: {  	_ =	shalt  }
0x80: {  	_ =	shalt  }
0x81: {  	_ =	shalt  }
0x82: {  	_ =	shalt  }
0x83: {  	_ =	shalt  }
0x84: {  	_ =	shalt  }
0x85: {  	_ =	shalt  }
0x86: {  	_ =	shalt  }
0x87: {  	_ =	shalt  }
.Lfunc_end0:
.L_simem_size_0:
called_computation_lowered:
.L_overlay_start_0:
0x88: {  	s2 =	sld [smem:$0x3FD9]  }
0x89: {  	s3 =	sld [smem:$0x3FFE];
	_ =	sdelay $0x1  }
0x8a: {  	s1 =	srdreg.scid  }
0x8b: {  	s0 =	sand.u32 $0x1, s1  }
0x8c: {  	s16 =	sshll.u32 s0, $0xA;
	s2 =	sadd.s32 s3, s2  }
0x8d: {  	s2 =	sadd.s32 s2, s16  }
0x8e: {  	[smem:$0x3FC3] =	sst s2  }
0x8f: {  	_ = 	snop  }
0x90: {  	(tm) =	ssettm $0x1  }
0x91: {  	s17 =	sld [smem:$0x3FFB];
	_ =	sdelay $0x3  }
0x92: {  	_ =	strace s17  }
0x93: {  	s2 =	sld [smem:$0x3FFC];
	_ =	sdelay $0x3  }
0x94: {  	_ =	strace s2  }
0x95: {  	s2 =	sld [smem:$0x3FFD];
	_ =	sdelay $0x3  }
0x96: {  	_ =	strace s2  }
0x97: {  	_ =	strace $0x8FFFFFFF  }
0x98: {  	s18 =	sld [smem:$0x3FDB];
	_ =	sdelay $0x1  }
0x99: {  	s19 =	simm.s32 $_scs_section_size  }
0x9a: {  	s4 =	simm.s32 $_size__tile_overlayer_lowered;
	s5 =	simm.s32 $_tile_overlayer_lowered  }
0x9b: {  	s22 =	simm.s32 $0x1BFF;
	s21 =	sshll.u32 s5, $0x1;
	s2 =	sadd.s32 s19, s18  }
0x9c: {  	s6 =	simm.s32 $0x0;
	s20 =	sshll.u32 s4, $0x1;
	s4 =	sadd.s32 s21, s2  }
0x9d: {  	[timem:s6], [sflag:s22] =	dma.local [hbm:s4], s20  }
0x9e: {  	_ =	swait.ge [sflag:s22], s20  }
0x9f: {  	s3 =	ssub.s32 $0x0, s20;
	[sflag:s22] =	ssyncset.done $0x0  }
0xa0: {  	[sflag:s22] =	ssyncadd.s32 s3;
	_ =	sdelay $0x1  }
0xa1: {  	s23 =	simm.s32 $0x1B8B  }
0xa2: {  	_ =	swait.ge [sflag:s23], $0x1  }
0xa3: {  	[sflag:s23] =	ssyncset.done $0x0  }
0xa4: {  	s25 =	simm.s32 $0x1B8E;
	s24 =	sld [smem:$0x3FFE];
	[sflag:s23] =	ssyncadd.s32 $0xFFFFFFFF  }
0xa5: {  	s26 =	simm.s32 $execute0_lowered;
	[smem:$0x3FD2] =	sst s25  }
0xa6: {  	s4 =	sshll.u32 s26, $0x1;
	_ =	strace $0x80000046;
	[dreg:$0x1] =	wrdreg $0xFFFFFFFF  }
0xa7: {  	s28 =	simm.s32 $_size_execute0_lowered;
	s2 =	sadd.s32 s2, s4;
	[dreg:$0x0] =	wrdreg $0x0  }
0xa8: {  	s4 =	sshll.u32 s28, $0x1;
	[dreg:$0x2] =	wrdreg s2  }
0xa9: {  	[dreg:$0x3] =	wrdreg s4  }
0xaa: {  	[dreg:$0x4] =	wrdreg $0xC0  }
0xab: {  	_ =	task [dreg:s6], $0x5FFFF  }
0xac: {  	[dreg:$0x1] =	wrdreg $0xFFFFFFFF  }
0xad: {  	[dreg:$0x0] =	wrdreg $0x60  }
0xae: {  	[dreg:$0x2] =	wrdreg s24  }
0xaf: {  	[dreg:$0x3] =	wrdreg $0x9  }
0xb0: {  	_ =	task.clear_ibuf [dreg:s6], $0x4FFFF;
	_ =	strace $0x90000046  }
0xb1: {  	s29 =	simm.s32 $0x9;
	_ =	strace $0x80000048  }
0xb2: {  	_ =	swait.ge [sflag:s29], $0x1  }
0xb3: {  	[sflag:s29] =	ssyncadd.s32 $0xFFFFFFFF  }
0xb4: {  	_ =	strace $0x90000048  }
0xb5: {  	_ =	sfence  }
0xb6: {  	s30 =	sld [smem:$0x0];
	_ =	sdelay $0x2  }
0xb7: {  	s31 =	sshll.u32 s1, $0xD;
	s1 =	sshrl.u32 s1, $0x2  }
0xb8: {  	s3 =	sand.u32 $0x4000, s31;
	s1 =	sadd.s32 s1, s30  }
0xb9: {  	s0 =	sor.u32 s3, s0;
	s1 =	sshll.u32 s1, $0x11  }
0xba: {  	s0 =	sor.u32 s1, s0  }
0xbb: {  	s0 =	sadd.s32 $0x8F2B, s0  }
0xbc: {  	[sflag:s0] =	ssyncadd.remote.s32 $0x1  }
0xbd: {  	_ =	sfence.sel $0xFFFF  }
0xbe: {  	[dreg:$0x0] =	wrdreg $0xFFFFFFFF;
	(pc) =	sbr.abs _section_cstart, $3  }
0xbf: {  	[dreg:$0x1] =	wrdreg $0xFFFFFFFF  }
0xc0: {  	_ =	task.clear_ibuf [dreg:s6], $0x2FFFF;
	_ =	strace $0x9FFFFFFF  }
0xc1: {  	(tm) =	ssettm $0x7FFFFFFF  }
tec
execute0_lowered:
.L_overlay_start_1:
0x0: {  	(tag) =	ssettag $0x1  }
0x1: {  	s0 =	srdreg.scid;
	s23 =	stileid.u32  }
0x2: {  	s3 =	simm.s32 $0x1;
	s8 =	rddreg [dreg:$0x0];
	s2 =	simm.s32 $0x0  }
0x3: {  	s28 =	simm.s32 $0x1E0;
	s29 =	simm.s32 $0x550;
	s1 =	sand.u32 $0x1, s0  }
0x4: {  	s30 =	simm.s32 $0x730;
	[smem:$0x7FF] =	sst s2;
	s0 =	sshll.u32 s1, $0x4  }
0x5: {  	s31 =	simm.s32 $0x2E00;
	_ =	strace $0x80000047;
	s7 =	sor.u32 s23, s0  }
0x6: {  	s21 =	ssub.s32 $0x2, s1;
	s0 =	sand.u32 $0x1, s23;
	s6 =	smul.u32 $0x550, s7  }
0x7: {  	s16 =	sshrl.u32 s21, $0x1;
	p0 =	seq.s32 s7, $0x0;
	s22 =	smul.u32 $0x180, s7  }
0x8: {  	p1 =	seq.s32 s0, $0x1;
	s4 =	sshrl.u32 s7, $0x1;
	s24 =	smul.u32 $0x600, s7  }
0x9: {  	s20 =	sshll.u32 s7, $0x4;
	s7 =	smul.u32 $0x1800, s7;
	p0 =	por !p0, !p1  }
0xa: {  	s13 =	sadd.s32 s20, s8;
	s20 =	smul.u32 $0x180, s23;
	p0 =	por !p0, !p0  }
0xb: {  	v0 =	vlaneseq.u32;
	s11 =	sshrl.u32 s6, $0x3;
	s6 =	sadd.s32 $0xA0400, s8;
	s15 =	sadd.s32 $0x29E400, s13  }
0xc: {  	v3 =	vmul.u32 $0x8, v0;
	s25 =	sadd.s32 $0x29E600, s13;
	s13 =	sadd.s32 $0x29E800, s13;
	s26 =	sshrl.u32 s24, $0x3  }
0xd: {  	s7 =	sshrl.u32 s7, $0x3;
	s24 =	sshll.u32 s0, $0x4;
	[dreg:$0x2] =	wrdreg s15  }
0xe: {  	v4 =	vor.u32 $0x1, v3;
	[tilespmem:$0x1FF90] =	vst v3;
	s3 =	simm.s32 @!p0 $0x0;
	s14 =	sadd.s32 s11, s8;
	[dreg:$0x4] =	wrdreg s25  }
0xf: {  	v58 =	vor.u32 $0x2, v3;
	[tilespmem:$0x1FF20] =	vst v4;
	s15 =	sshrl.u32 s22, $0x3;
	s22 =	smul.u32 $0x600, s23;
	p0 =	seq.s32 s0, $0x0  }
0x10: {  	v59 =	vor.u32 $0x3, v3;
	[tilespmem:$0x1FF30] =	vst v58;
	s0 =	simm.s32 $0x3400;
	s9 =	ssub.s32 s4, s3;
	s4 =	sadd.s32 $0xE00, s8  }
0x11: {  	v61 =	vor.u32 $0x80, v3;
	[tilespmem:$0x1FF40] =	vst v59;
	v1 =	vor.u32 s24, v0;
	s24 =	simm.s32 $0x0;
	s17 =	sadd.s32 $0x29EA00, s14;
	s11 =	sadd.s32 $0x29FF40, s14  }
0x12: {  	v62 =	vor.u32 $0x81, v3;
	[tilespmem:$0x1FF60] =	vst v61;
	s14 =	sadd.s32 $0x2A1480, s14;
	s3 =	sshll.u32 s9, $0x5;
	s19 =	sshll.u32 s9, $0x2  }
0x13: {  	v63 =	vor.u32 $0x82, v3;
	[tilespmem:$0x1FF70] =	vst v62;
	s9 =	smul.u32 $0x3, s9;
	[dreg:$0x3] =	wrdreg s17;
	s18 =	sand.u32 $0x1FFFFFE0, s3  }
0x14: {  	v14 =	vmul.u32 $0x55, v0;
	v3 =	vor.u32 $0x83, v3;
	[tilespmem:$0x1FF80] =	vst v63;
	s5 =	sand.u32 $0x1FFFFFFC, s19;
	s3 =	simm.s32 $0x1;
	s19 =	smul.u32 $0x1800, s1  }
0x15: {  	[tilespmem:$0x1FFA0] =	vst v3;
	s10 =	sadd.s32 s18, s8;
	s12 =	sadd.s32 s5, s8;
	s5 =	sadd.s32 $0x20C00, s8;
	v2 =	vmov s9  }
0x16: {  	s8 =	sadd.s32 $0x2A2A00, s8;
	s18 =	ssub.s32 s21, s16;
	s21 =	smul.u32 $0x6000, s1;
	[tilespmem:$0x1FF10] =	vst v2;
	v2 =	vmul.u32 $0xFFFFFFFF, v0;
	v0 =	vadd.s32 $0x1, v14  }
0x17: {  	s1 =	smul.u32 $0x18000, s1;
	s10 =	sadd.s32 $0xC00, s10;
	s12 =	sadd.s32 $0xA00, s12;
	[tilespmem:$0x1FFC0] =	vst v0;
	v0 =	vadd.s32 $0x2, v14  }
0x18: {  	s15 =	sadd.s32 s8, s15;
	s25 =	sadd.s32 s8, s26;
	s7 =	sadd.s32 s8, s7;
	v60 =	vadd.s32 $0xFFFFFFFF, v2;
	[tilespmem:$0x1FFD0] =	vst v0  }
0x19: {  	s26 =	smul.u32 $0x1800, s23;
	s18 =	smax.u32 s18, $0x1;
	s19 =	sadd.s32 s20, s19;
	v2 =	vadd.s32 $0xFFFFFFEF, v2;
	[tilespmem:$0x1FF50] =	vst v60  }
0x1a: {  	s23 =	simm.s32 $0x120;
	s16 =	sadd.s32 $0x600, s25;
	s17 =	sadd.s32 $0x1E00, s7;
	v0 =	vadd.s32 $0x3, v14;
	[tilespmem:$0x1FFB0] =	vst v2  }
0x1b: {  	s20 =	sadd.s32 s22, s21;
	s22 =	simm.s32 $0x2;
	s25 =	simm.s32 $0x180;
	[tilespmem:$0x1FFE0] =	vst v0;
	v0 =	vadd.s32 $0x5, v14  }
0x1c: {  	vm0 =	vmxor vm0, vm0;
	v21 =	vadd.s32 $0x4, v14;
	s21 =	sadd.s32 s26, s1;
	s26 =	simm.s32 $0xC80;
	s1 =	simm.s32 $0x2C80;
	[tilespmem:$0x1FFF0] =	vst v0  }
.LBB2_1:
0x1d: {  	[tilespmem:s2], [sflag:$0x2] =	stream.linear.gather [hbm4b:s10+s2], $0x100, $0x38;
	[tilespmem:$0x4C00] =	vst v63  }
0x1e: {  	_ =	swait.ge [sflag:s22], $0x100  }
0x1f: {  	[sflag:s22] =	ssyncset.done $0x0  }
0x20: {  	s7 =	simm.s32 $0x100;
	[sflag:s22] =	ssyncadd.s32 $0xFFFFFF00  }
0x21: {  	[tilespmem:s7], [sflag:$0x2] =	stream.linear.gather [hbm4b:s12+s2], $0x20, $0x38;
	[tilespmem:$0x4C00] =	vst v63  }
0x22: {  	_ =	swait.ge [sflag:s22], $0x20  }
0x23: {  	v0 =	vld [tilespmem:$0x1FF90];
	_ =	sdelay $0x5  }
0x24: {  	[sflag:s22] =	ssyncset.done $0x0  }
0x25: {  	[sflag:s22] =	ssyncadd.s32 $0xFFFFFFE0  }
0x26: {  	v3 =	vld.idx.msk [tilespmem:v0+s2+$0x0], $0xffff  }
0x27: {  	v0 =	vld [tilespmem:$0x1FF20];
	_ =	sdelay $0x7  }
0x28: {  	v4 =	vld.idx.msk [tilespmem:v0+s2+$0x0], $0xffff  }
0x29: {  	v0 =	vld [tilespmem:$0x1FF30];
	_ =	sdelay $0x7  }
0x2a: {  	v5 =	vld.idx.msk [tilespmem:v0+s2+$0x0], $0xffff  }
0x2b: {  	v0 =	vld [tilespmem:$0x1FF40];
	_ =	sdelay $0x2  }
0x2c: {  	v11 =	vld [tilespmem:$0x1FF80];
	_ =	sdelay $0x4  }
0x2d: {  	v6 =	vld.idx.msk [tilespmem:v0+s2+$0x0], $0xffff  }
0x2e: {  	v8 =	vld [tilespmem:$0x1FF60]  }
0x2f: {  	v10 =	vld [tilespmem:$0x1FF70]  }
0x30: {  	v12 =	vld.idx.msk [tilespmem:v11+s2+$0x0], $0xffff  }
0x31: {  	v11 =	vld [tilespmem:$0x1FFA0]  }
0x32: {  	v0 =	vsub.f32 v5, v3;
	v7 =	vsub.f32 v6, v4;
	_ =	sdelay $0x1  }
0x33: {  	v2 =	vmul.f32 $5.120000000e+02, v0;
	v0 =	vmul.f32 $5.120000000e+02, v7;
	_ =	sdelay $0x1  }
0x34: {  	v7 =	vmul.f32 v0, v2  }
0x35: {  	v8 =	vld.idx.msk [tilespmem:v8+s2+$0x0], $0xffff;
	v3 =	vadd.f32 v5, v3;
	v5 =	vmin.f32 v2, $1.230769250e+01;
	v9 =	vmin.f32 v0, $1.600000000e+01  }
0x36: {  	v10 =	vld.idx.msk [tilespmem:v10+s2+$0x0], $0xffff;
	v9 =	vmul.f32 v9, v5;
	v5 =	vadd.f32 $1.969230800e+02, v7  }
0x37: {  	v13 =	vld.idx.msk [tilespmem:v11+s2+$0x0], $0xffff;
	v3 =	vmul.f32 $5.000000000e-01, v3  }
0x38: {  	v11 =	vmin.f32 v2, $1.969230840e+01;
	v15 =	vmin.f32 v0, $3.692307660e+01;
	v5 =	vsub.f32 v5, v9  }
0x39: {  	v6 =	vadd.f32 v6, v4;
	v11 =	vmul.f32 v15, v11;
	v4 =	vadd.f32 $7.271005860e+02, v7  }
0x3a: {  	v16 =	vmin.f32 v0, $2.830769160e+01;
	v15 =	vadd.f32 $1.000000020e-16, v5;
	v5 =	vmin.f32 v2, $4.061538310e+01  }
0x3b: {  	v7 =	vadd.f32 $1.149727780e+03, v7;
	v4 =	vsub.f32 v4, v11;
	v16 =	vmul.f32 v16, v5  }
0x3c: {  	v17 =	vsub.f32 v13, v10;
	v5 =	vmul.f32 $1.600000000e+01, v3;
	v3 =	vsub.f32 v12, v8  }
0x3d: {  	(erf) = vrcp.f32 v15;
	v15 =	vadd.f32 $1.000000020e-16, v4;
	v7 =	vsub.f32 v7, v16  }
0x3e: {  	v4 =	vmul.f32 $5.120000000e+02, v3;
	v3 =	vmul.f32 $5.120000000e+02, v17  }
0x3f: {  	(erf) = vrcp.f32 v15;
	v7 =	vadd.f32 $1.000000020e-16, v7  }
0x40: {  	v6 =	vmul.f32 $5.000000000e-01, v6;
	v15 =	vmin.f32 v4, $1.230769250e+01;
	v18 =	vmul.f32 v3, v4  }
0x41: {  	v17 =	vmin.f32 v3, $1.600000000e+01;
	v19 =	vmin.f32 v4, $1.969230840e+01;
	(erf) = vrcp.f32 v7  }
0x42: {  	v20 =	vmin.f32 v3, $3.692307660e+01;
	v15 =	vmul.f32 v17, v15;
	v17 =	vadd.f32 $1.969230800e+02, v18  }
0x43: {  	v19 =	vmul.f32 v20, v19;
	v7 =	vmul.f32 $1.600000000e+01, v6;
	v6 =	vadd.f32 $7.271005860e+02, v18  }
0x44: {  	v22 =	vmin.f32 v3, $2.830769160e+01;
	v20 =	vmin.f32 v4, $4.061538310e+01;
	v17 =	vsub.f32 v17, v15  }
0x45: {  	v20 =	vmul.f32 v22, v20;
	v18 =	vadd.f32 $1.149727780e+03, v18;
	v23 =	vsub.f32 v6, v19  }
0x46: {  	v22 =	vtrunc.f32 v5;
	v17 =	vadd.f32 $1.000000020e-16, v17  }
0x47: {  	v24 =	vtrunc.f32 v7;
	v18 =	vsub.f32 v18, v20;
	v25 =	vpop (erf);
	v23 =	vadd.f32 $1.000000020e-16, v23  }
0x48: {  	v6 =	vld [tilespmem:$0x100];
	v25 =	vmul.f32 v25, v9;
	v9 =	vpop (erf);
	(erf) = vrcp.f32 v17  }
0x49: {  	v18 =	vadd.f32 $1.000000020e-16, v18;
	v17 =	vmul.f32 v9, v11;
	(erf) = vrcp.f32 v23  }
0x4a: {  	v11 =	vcvt.f32.s32 v22;
	v9 =	vcvt.f32.s32 v24;
	v22 =	vpop (erf)  }
0x4b: {  	v24 =	vld [tilespmem:$0x1FF10];
	vm2 =	vgt.f32 v17, v25;
	(erf) = vrcp.f32 v18;
	v16 =	vmul.f32 v22, v16  }
0x4c: {  	v10 =	vadd.f32 v13, v10;
	v17 =	vsel vm2, v17, v25  }
0x4d: {  	v18 =	vor.u32 v11, v6;
	v25 =	vimm.s32 $0x0;
	vm3 =	vgt.f32 v16, v17  }
0x4e: {  	v18 =	vor.u32 v9, v18;
	v16 =	vsel vm2, $0x1, v25;
	vm3 =	vmneg vm3  }
0x4f: {  	v8 =	vadd.f32 v12, v8;
	vm5 =	vgt.s32 v18, $0xFFFFFFFF;
	v18 =	vnsel vm3, $0x2, v16  }
0x50: {  	v28 =	vld [tilespmem:$0x1FF50];
	v23 =	vmul.f32 $5.000000000e-01, v10;
	vm1 =	vlt.s32 v11, $0x10;
	v16 =	vadd.s32 v24, v18  }
0x51: {  	vm4 =	vlt.s32 v9, $0x10;
	v12 =	vpop (erf);
	v13 =	vshll.u32 v16, $0x8;
	v16 =	vshll.u32 v9, $0x4  }
0x52: {  	vm1 =	vmand vm1, vm4;
	v22 =	vmul.f32 $5.000000000e-01, v8;
	v17 =	vpop (erf);
	v16 =	vadd.s32 v11, v16  }
0x53: {  	v15 =	vmul.f32 v12, v15;
	v8 =	vadd.s32 v13, v16;
	v16 =	vmul.f32 v17, v19  }
0x54: {  	v10 =	vld [tilespmem:$0x110];
	vm1 =	vmand vm1, vm5;
	v12 =	vmul.f32 $1.600000000e+01, v23;
	v13 =	vmul.f32 $1.600000000e+01, v22;
	v17 =	vpop (erf)  }
0x55: {  	v26 =	vsel vm1, v8, v28;
	v19 =	vmul.f32 v17, v20;
	vm5 =	vgt.f32 v16, v15  }
0x56: {  	v20 =	vmul.u32 $0x50, v8;
	v17 =	vtrunc.f32 v13;
	v15 =	vsel vm5, v16, v15  }
0x57: {  	v17 =	vcvt.f32.s32 v17;
	v16 =	vtrunc.f32 v12;
	vm4 =	vgt.f32 v19, v15  }
0x58: {  	v16 =	vcvt.f32.s32 v16;
	v15 =	vsel vm5, $0x1, v25;
	vm6 =	vmneg vm4  }
0x59: {  	v20 =	vadd.s32 v6, v20;
	v22 =	vor.u32 v17, v10;
	v19 =	vnsel vm6, $0x2, v15  }
0x5a: {  	v15 =	vor.u32 v16, v22;
	v23 =	vshll.u32 v16, $0x4;
	v22 =	vadd.s32 v24, v19;
	v24 =	vld [tilespmem:$0x1FFB0]  }
0x5b: {  	vm4 =	vlt.s32 v17, $0x10;
	v23 =	vadd.s32 v17, v23;
	v22 =	vshll.u32 v22, $0x8  }
0x5c: {  	vm7 =	vlt.s32 v16, $0x10;
	vm8 =	vgt.s32 v15, $0xFFFFFFFF;
	v15 =	vadd.s32 v22, v23  }
0x5d: {  	vm4 =	vmand vm4, vm7;
	v23 =	vmov s2;
	v22 =	vmul.u32 $0x50, v15  }
0x5e: {  	[tilespmem:$0x120] =	vst v26;
	v20 =	vsel vm1, v20, v28;
	vm4 =	vmand vm4, vm8  }
0x5f: {  	[tilespmem:$0x180] =	vst v20;
	v27 =	vsel vm4, v15, v24;
	v22 =	vadd.s32 v10, v22  }
0x60: {  	[tilespmem:$0x130] =	vst v27;
	v22 =	vsel vm4, v22, v24  }
0x61: {  	s7 =	simm.s32 $0x1;
	[tilespmem:$0x190] =	vst v22  }
0x62: {  	v25 =	vmov s7;
	v63 =	vld.idx.msk [tilespmem:v23+s25+$0x0], $0xffff  }
0x63: {  	v24 =	vld.idx.msk [tilespmem:v23+s23+$0x0], $0xffff;
	_ =	sdelay $0x2  }
0x64: {  	vm9 =	vlt.u32 v1, s2;
	vm7 =	vmmov vm0;
	v20 =	vpsel p0, v20, v22  }
0x65: {  	s8 =	simm.s32 $0x2;
	vm8 =	vmmov vm0;
	v22 =	vpsel p0, v26, v27;
	v23 =	vld.idx.msk [tilespmem:v25+s25+$0x0], $0xffff;
	vm10 =	veq.s32 v20, v63  }
.LBB2_2:
0x66: {  	p1 =	sne.s32 s8, $0x1F;
	vm11 =	veq.s32 v22, v24;
	v24 =	vld.idx.msk [tilespmem:v25+s23+$0x0], $0xffff;
	v25 =	vmov s8;
	vm10 =	vmand vm9, vm10;
	s9 =	smov.u32 s8;
	s8 =	sadd.s32 $0x1, s8  }
.Ltmp0:
0x67: {  	vm9 =	vmand vm9, vm11;
	vm8 =	vmor vm8, vm10;
	(pc) =	sbr.rel @p1 .LBB2_2-.Ltmp0, $2  }
0x68: {  	vm7 =	vmor vm7, vm9;
	_ =	sdelay $0x2  }
0x69: {  	vm9 =	vlt.u32 v1, s7;
	s7 =	smov.u32 s9;
	vm10 =	veq.s32 v20, v23;
	v23 =	vld.idx.msk [tilespmem:v25+s25+$0x0], $0xffff  }
0x6a: {  	vm2 =	vmand vm2, vm3  }
0x6b: {  	vm3 =	veq.s32 v18, $0x0;
	v27 =	vimm.f32 $4.061538310e+01;
	v28 =	vimm.f32 $2.830769160e+01  }
0x6c: {  	v11 =	vcvt.s32.f32 v11;
	v18 =	vsel vm2, $0x419D89D9, v27;
	v26 =	vsel vm2, $0x4213B13B, v28  }
0x6d: {  	vm2 =	vmand vm5, vm6;
	v18 =	vsel vm3, $0x4144EC4F, v18;
	v26 =	vsel vm3, $0x41800000, v26  }
0x6e: {  	vm3 =	veq.s32 v19, $0x0;
	(erf) = vrcp.f32 v18;
	v18 =	vsel vm2, $0x419D89D9, v27  }
0x6f: {  	v19 =	vsel vm2, $0x4213B13B, v28;
	(erf) = vrcp.f32 v26;
	v18 =	vsel vm3, $0x4144EC4F, v18  }
0x70: {  	v25 =	vld.idx.msk [tilespmem:v25+s23+$0x0], $0xffff;
	v9 =	vcvt.s32.f32 v9;
	v19 =	vsel vm3, $0x41800000, v19;
	(erf) = vrcp.f32 v18  }
0x71: {  	vm4 =	vmmov @p0 vm1;
	v16 =	vcvt.s32.f32 v16;
	(erf) = vrcp.f32 v19  }
0x72: {  	vm5 =	vlt.u32 v1, s7;
	v5 =	vsub.f32 v5, v11;
	v11 =	vcvt.s32.f32 v17  }
0x73: {  	v7 =	vsub.f32 v7, v9;
	v9 =	vsub.f32 v12, v16;
	vm2 =	veq.s32 v22, v24  }
0x74: {  	vm3 =	vmand vm9, vm10;
	vm2 =	vmand vm9, vm2;
	vm6 =	veq.s32 v20, v23  }
0x75: {  	v11 =	vsub.f32 v13, v11;
	vm3 =	vmor vm8, vm3;
	vm8 =	veq.s32 v22, v25  }
0x76: {  	vm6 =	vmand vm5, vm6;
	vm2 =	vmor vm7, vm2;
	vm5 =	vmand vm5, vm8  }
0x77: {  	v7 =	vpsel p0, v7, v9;
	vm3 =	vmor vm3, vm6;
	vm2 =	vmor vm2, vm5;
	v17 =	vpop (erf)  }
0x78: {  	[tilespmem:$0xCB0] =	vst v7;
	v5 =	vpsel p0, v5, v11;
	vm1 =	vmneg vm2;
	vm2 =	vmneg vm3;
	v18 =	vpop (erf)  }
0x79: {  	v19 =	vimm.f32 $0.0e+00;
	[tilespmem:$0xCA0] =	vst v5;
	vm1 =	vmand vm4, vm1;
	vm2 =	vmand vm4, vm2;
	v12 =	vpop (erf)  }
0x7a: {  	[tilespmem:$0xCF0] =	vst v19;
	v13 =	vsel vm1, $0x3F800000, v19;
	v2 =	vmul.f32 v17, v2;
	v4 =	vmul.f32 v12, v4;
	v12 =	vpop (erf)  }
0x7b: {  	[tilespmem:$0xC80] =	vst v13;
	v13 =	vsel vm2, $0x3F800000, v19;
	v0 =	vmul.f32 v18, v0;
	v3 =	vmul.f32 v12, v3  }
0x7c: {  	[tilespmem:$0xC90] =	vst v13;
	v2 =	vpsel p0, v2, v4;
	v4 =	vpsel p0, v6, v10  }
0x7d: {  	v0 =	vpsel p0, v0, v3;
	[tilespmem:$0xCC0] =	vst v2;
	v2 =	vcvt.s32.f32 v4  }
0x7e: {  	[tilespmem:$0xCD0] =	vst v0  }
0x7f: {  	s8 =	rddreg [dreg:$0x2];
	s7 =	simm.s32 $0x0;
	[tilespmem:$0xCE0] =	vst v2  }
0x80: {  	[hbm4b:s8+s7] =	stream.linear.scatter [tilespmem:s26], [sflag:$0x2], $0x80, $0x38;
	[tilespmem:$0x4C00] =	vst v63  }
0x81: {  	_ =	swait.ge [sflag:s22], $0x80  }
0x82: {  	v2 =	vld [tilespmem:$0x1FFC0]  }
0x83: {  	v0 =	vpsel p0, v8, v15  }
0x84: {  	vm1 =	vgt.s32 v0, $0x0  }
0x85: {  	v0 =	vnsel vm1, $0x0, v0  }
0x86: {  	v0 =	vmin.u32 v0, $0x2FFF  }
0x87: {  	[sflag:s22] =	ssyncset.done $0x0;
	v44 =	vmul.u32 $0x55, v0  }
0x88: {  	[sflag:s22] =	ssyncadd.s32 $0xFFFFFF80  }
0x89: {  	[tilespmem:v14+s28+$0x0] =	vst.idx.msk $0xffff, v44;
	v0 =	vadd.s32 $0x1, v44  }
0x8a: {  	[tilespmem:v2+s28+$0x0] =	vst.idx.msk $0xffff, v0;
	v2 =	vld [tilespmem:$0x1FFD0];
	_ =	sdelay $0x6  }
0x8b: {  	v0 =	vadd.s32 $0x2, v44  }
0x8c: {  	[tilespmem:v2+s28+$0x0] =	vst.idx.msk $0xffff, v0;
	v2 =	vld [tilespmem:$0x1FFE0];
	_ =	sdelay $0x6  }
0x8d: {  	v0 =	vadd.s32 $0x3, v44  }
0x8e: {  	[tilespmem:v2+s28+$0x0] =	vst.idx.msk $0xffff, v0;
	v2 =	vld [tilespmem:$0x1FFF0];
	_ =	sdelay $0x1  }
0x8f: {  	v3 =	vadd.s32 $0x6, v14  }
0x90: {  	v4 =	vadd.s32 $0x7, v14;
	[tilespmem:$0x1FC40] =	vst v3  }
0x91: {  	v5 =	vadd.s32 $0x8, v14;
	[tilespmem:$0x1FC50] =	vst v4  }
0x92: {  	v6 =	vadd.s32 $0x9, v14;
	[tilespmem:$0x1FC60] =	vst v5  }
0x93: {  	[tilespmem:$0x1FC70] =	vst v6;
	v0 =	vadd.s32 $0x4, v44  }
0x94: {  	[tilespmem:v21+s28+$0x0] =	vst.idx.msk $0xffff, v0;
	v0 =	vadd.s32 $0x5, v44  }
0x95: {  	[tilespmem:v2+s28+$0x0] =	vst.idx.msk $0xffff, v0;
	v0 =	vadd.s32 $0x6, v44  }
0x96: {  	v2 =	vadd.s32 $0xA, v14;
	[tilespmem:v3+s28+$0x0] =	vst.idx.msk $0xffff, v0  }
0x97: {  	v0 =	vadd.s32 $0x7, v44;
	[tilespmem:$0x1FC80] =	vst v2  }
0x98: {  	v3 =	vadd.s32 $0xB, v14;
	[tilespmem:v4+s28+$0x0] =	vst.idx.msk $0xffff, v0  }
0x99: {  	v0 =	vadd.s32 $0x8, v44;
	[tilespmem:$0x1FC90] =	vst v3  }
0x9a: {  	v4 =	vadd.s32 $0xC, v14;
	[tilespmem:v5+s28+$0x0] =	vst.idx.msk $0xffff, v0  }
0x9b: {  	v0 =	vadd.s32 $0x9, v44;
	[tilespmem:$0x1FCA0] =	vst v4  }
0x9c: {  	v5 =	vadd.s32 $0xD, v14;
	[tilespmem:v6+s28+$0x0] =	vst.idx.msk $0xffff, v0  }
0x9d: {  	v0 =	vadd.s32 $0xA, v44;
	[tilespmem:$0x1FCB0] =	vst v5  }
0x9e: {  	v6 =	vadd.s32 $0xE, v14;
	[tilespmem:v2+s28+$0x0] =	vst.idx.msk $0xffff, v0  }
0x9f: {  	v0 =	vadd.s32 $0xB, v44;
	[tilespmem:$0x1FCC0] =	vst v6  }
0xa0: {  	v2 =	vadd.s32 $0xF, v14;
	[tilespmem:v3+s28+$0x0] =	vst.idx.msk $0xffff, v0  }
0xa1: {  	v0 =	vadd.s32 $0xC, v44;
	[tilespmem:$0x1FCD0] =	vst v2  }
0xa2: {  	v3 =	vadd.s32 $0x10, v14;
	[tilespmem:v4+s28+$0x0] =	vst.idx.msk $0xffff, v0  }
0xa3: {  	v0 =	vadd.s32 $0xD, v44;
	[tilespmem:$0x1FCE0] =	vst v3  }
0xa4: {  	v4 =	vadd.s32 $0x11, v14;
	[tilespmem:v5+s28+$0x0] =	vst.idx.msk $0xffff, v0  }
0xa5: {  	v0 =	vadd.s32 $0xE, v44;
	[tilespmem:$0x1FCF0] =	vst v4  }
0xa6: {  	v5 =	vadd.s32 $0x12, v14;
	[tilespmem:v6+s28+$0x0] =	vst.idx.msk $0xffff, v0  }
0xa7: {  	v0 =	vadd.s32 $0xF, v44;
	[tilespmem:$0x1FD00] =	vst v5  }
0xa8: {  	v6 =	vadd.s32 $0x13, v14;
	[tilespmem:v2+s28+$0x0] =	vst.idx.msk $0xffff, v0  }
0xa9: {  	v0 =	vadd.s32 $0x10, v44;
	[tilespmem:$0x1FD10] =	vst v6  }
0xaa: {  	v2 =	vadd.s32 $0x14, v14;
	[tilespmem:v3+s28+$0x0] =	vst.idx.msk $0xffff, v0  }
0xab: {  	v0 =	vadd.s32 $0x11, v44;
	[tilespmem:$0x1FD20] =	vst v2  }
0xac: {  	v3 =	vadd.s32 $0x15, v14;
	[tilespmem:v4+s28+$0x0] =	vst.idx.msk $0xffff, v0  }
0xad: {  	v0 =	vadd.s32 $0x12, v44;
	[tilespmem:$0x1FD30] =	vst v3  }
0xae: {  	v4 =	vadd.s32 $0x16, v14;
	[tilespmem:v5+s28+$0x0] =	vst.idx.msk $0xffff, v0  }
0xaf: {  	v0 =	vadd.s32 $0x13, v44;
	[tilespmem:$0x1FD40] =	vst v4  }
0xb0: {  	v5 =	vadd.s32 $0x17, v14;
	[tilespmem:v6+s28+$0x0] =	vst.idx.msk $0xffff, v0  }
0xb1: {  	v0 =	vadd.s32 $0x14, v44;
	[tilespmem:$0x1FD50] =	vst v5  }
0xb2: {  	v6 =	vadd.s32 $0x18, v14;
	[tilespmem:v2+s28+$0x0] =	vst.idx.msk $0xffff, v0  }
0xb3: {  	v0 =	vadd.s32 $0x15, v44;
	[tilespmem:$0x1FD60] =	vst v6  }
0xb4: {  	v2 =	vadd.s32 $0x19, v14;
	[tilespmem:v3+s28+$0x0] =	vst.idx.msk $0xffff, v0  }
0xb5: {  	v0 =	vadd.s32 $0x16, v44;
	[tilespmem:$0x1FD70] =	vst v2  }
0xb6: {  	v3 =	vadd.s32 $0x1A, v14;
	[tilespmem:v4+s28+$0x0] =	vst.idx.msk $0xffff, v0  }
0xb7: {  	v0 =	vadd.s32 $0x17, v44;
	[tilespmem:$0x1FD80] =	vst v3  }
0xb8: {  	v4 =	vadd.s32 $0x1B, v14;
	[tilespmem:v5+s28+$0x0] =	vst.idx.msk $0xffff, v0  }
0xb9: {  	v0 =	vadd.s32 $0x18, v44;
	[tilespmem:$0x1FD90] =	vst v4  }
0xba: {  	v5 =	vadd.s32 $0x1C, v14;
	[tilespmem:v6+s28+$0x0] =	vst.idx.msk $0xffff, v0  }
0xbb: {  	v0 =	vadd.s32 $0x19, v44;
	[tilespmem:$0x1FDA0] =	vst v5  }
0xbc: {  	v6 =	vadd.s32 $0x1D, v14;
	[tilespmem:v2+s28+$0x0] =	vst.idx.msk $0xffff, v0  }
0xbd: {  	v0 =	vadd.s32 $0x1A, v44;
	[tilespmem:$0x1FDB0] =	vst v6  }
0xbe: {  	v2 =	vadd.s32 $0x1E, v14;
	[tilespmem:v3+s28+$0x0] =	vst.idx.msk $0xffff, v0  }
0xbf: {  	v0 =	vadd.s32 $0x1B, v44;
	[tilespmem:$0x1FDC0] =	vst v2  }
0xc0: {  	v3 =	vadd.s32 $0x1F, v14;
	[tilespmem:v4+s28+$0x0] =	vst.idx.msk $0xffff, v0  }
0xc1: {  	v0 =	vadd.s32 $0x1C, v44;
	[tilespmem:$0x1FDD0] =	vst v3  }
0xc2: {  	v4 =	vadd.s32 $0x20, v14;
	[tilespmem:v5+s28+$0x0] =	vst.idx.msk $0xffff, v0  }
0xc3: {  	v0 =	vadd.s32 $0x1D, v44;
	[tilespmem:$0x1FDE0] =	vst v4  }
0xc4: {  	v5 =	vadd.s32 $0x21, v14;
	[tilespmem:v6+s28+$0x0] =	vst.idx.msk $0xffff, v0  }
0xc5: {  	v0 =	vadd.s32 $0x1E, v44;
	[tilespmem:$0x1FDF0] =	vst v5  }
0xc6: {  	v6 =	vadd.s32 $0x22, v14;
	[tilespmem:v2+s28+$0x0] =	vst.idx.msk $0xffff, v0  }
0xc7: {  	v0 =	vadd.s32 $0x1F, v44;
	[tilespmem:$0x1FE00] =	vst v6  }
0xc8: {  	v2 =	vadd.s32 $0x23, v14;
	[tilespmem:v3+s28+$0x0] =	vst.idx.msk $0xffff, v0  }
0xc9: {  	v0 =	vadd.s32 $0x20, v44;
	[tilespmem:$0x1FE10] =	vst v2  }
0xca: {  	v3 =	vadd.s32 $0x24, v14;
	[tilespmem:v4+s28+$0x0] =	vst.idx.msk $0xffff, v0  }
0xcb: {  	v0 =	vadd.s32 $0x21, v44;
	[tilespmem:$0x1FE20] =	vst v3  }
0xcc: {  	v4 =	vadd.s32 $0x25, v14;
	[tilespmem:v5+s28+$0x0] =	vst.idx.msk $0xffff, v0  }
0xcd: {  	v0 =	vadd.s32 $0x22, v44;
	[tilespmem:$0x1FE30] =	vst v4  }
0xce: {  	v5 =	vadd.s32 $0x26, v14;
	[tilespmem:v6+s28+$0x0] =	vst.idx.msk $0xffff, v0  }
0xcf: {  	v0 =	vadd.s32 $0x23, v44;
	[tilespmem:$0x1FE40] =	vst v5  }
0xd0: {  	v6 =	vadd.s32 $0x27, v14;
	[tilespmem:v2+s28+$0x0] =	vst.idx.msk $0xffff, v0  }
0xd1: {  	v0 =	vadd.s32 $0x24, v44;
	[tilespmem:$0x1FE50] =	vst v6  }
0xd2: {  	v2 =	vadd.s32 $0x28, v14;
	[tilespmem:v3+s28+$0x0] =	vst.idx.msk $0xffff, v0  }
0xd3: {  	v0 =	vadd.s32 $0x25, v44;
	[tilespmem:$0x1FE60] =	vst v2  }
0xd4: {  	v3 =	vadd.s32 $0x29, v14;
	[tilespmem:v4+s28+$0x0] =	vst.idx.msk $0xffff, v0  }
0xd5: {  	v0 =	vadd.s32 $0x26, v44;
	[tilespmem:$0x1FE70] =	vst v3  }
0xd6: {  	v4 =	vadd.s32 $0x2A, v14;
	[tilespmem:v5+s28+$0x0] =	vst.idx.msk $0xffff, v0  }
0xd7: {  	v0 =	vadd.s32 $0x27, v44;
	[tilespmem:$0x1FE80] =	vst v4  }
0xd8: {  	v5 =	vadd.s32 $0x2B, v14;
	[tilespmem:v6+s28+$0x0] =	vst.idx.msk $0xffff, v0  }
0xd9: {  	v0 =	vadd.s32 $0x28, v44;
	[tilespmem:$0x1FE90] =	vst v5  }
0xda: {  	v6 =	vadd.s32 $0x2C, v14;
	[tilespmem:v2+s28+$0x0] =	vst.idx.msk $0xffff, v0  }
0xdb: {  	v0 =	vadd.s32 $0x29, v44;
	[tilespmem:$0x1FEA0] =	vst v6  }
0xdc: {  	v2 =	vadd.s32 $0x2D, v14;
	[tilespmem:v3+s28+$0x0] =	vst.idx.msk $0xffff, v0  }
0xdd: {  	v0 =	vadd.s32 $0x2A, v44;
	[tilespmem:$0x1FEB0] =	vst v2  }
0xde: {  	v3 =	vadd.s32 $0x2E, v14;
	[tilespmem:v4+s28+$0x0] =	vst.idx.msk $0xffff, v0  }
0xdf: {  	v0 =	vadd.s32 $0x2B, v44;
	[tilespmem:$0x1FEC0] =	vst v3  }
0xe0: {  	v4 =	vadd.s32 $0x2F, v14;
	[tilespmem:v5+s28+$0x0] =	vst.idx.msk $0xffff, v0  }
0xe1: {  	v0 =	vadd.s32 $0x2C, v44;
	[tilespmem:$0x1FED0] =	vst v4  }
0xe2: {  	v5 =	vadd.s32 $0x30, v14;
	[tilespmem:v6+s28+$0x0] =	vst.idx.msk $0xffff, v0  }
0xe3: {  	v0 =	vadd.s32 $0x2D, v44;
	[tilespmem:$0x1FEE0] =	vst v5  }
0xe4: {  	v6 =	vadd.s32 $0x31, v14;
	[tilespmem:v2+s28+$0x0] =	vst.idx.msk $0xffff, v0  }
0xe5: {  	v0 =	vadd.s32 $0x2E, v44;
	[tilespmem:$0x1FEF0] =	vst v6  }
0xe6: {  	v2 =	vadd.s32 $0x32, v14;
	[tilespmem:v3+s28+$0x0] =	vst.idx.msk $0xffff, v0  }
0xe7: {  	v0 =	vadd.s32 $0x2F, v44;
	v3 =	vadd.s32 $0x33, v14;
	[tilespmem:$0x1FF00] =	vst v2  }
0xe8: {  	[tilespmem:v4+s28+$0x0] =	vst.idx.msk $0xffff, v0;
	v0 =	vadd.s32 $0x30, v44;
	v4 =	vadd.s32 $0x34, v14  }
0xe9: {  	[tilespmem:v5+s28+$0x0] =	vst.idx.msk $0xffff, v0;
	v0 =	vadd.s32 $0x31, v44;
	v5 =	vadd.s32 $0x35, v14  }
0xea: {  	v8 =	vadd.s32 $0x36, v14;
	[tilespmem:v6+s28+$0x0] =	vst.idx.msk $0xffff, v0;
	v0 =	vadd.s32 $0x32, v44  }
0xeb: {  	v9 =	vadd.s32 $0x37, v14;
	[tilespmem:v2+s28+$0x0] =	vst.idx.msk $0xffff, v0;
	v0 =	vadd.s32 $0x33, v44  }
0xec: {  	v10 =	vadd.s32 $0x38, v14;
	[tilespmem:v3+s28+$0x0] =	vst.idx.msk $0xffff, v0;
	v0 =	vadd.s32 $0x34, v44  }
0xed: {  	v11 =	vadd.s32 $0x39, v14;
	[tilespmem:v4+s28+$0x0] =	vst.idx.msk $0xffff, v0;
	v0 =	vadd.s32 $0x35, v44  }
0xee: {  	v17 =	vadd.s32 $0x3A, v14;
	[tilespmem:v5+s28+$0x0] =	vst.idx.msk $0xffff, v0;
	v0 =	vadd.s32 $0x36, v44  }
0xef: {  	v18 =	vadd.s32 $0x3B, v14;
	[tilespmem:v8+s28+$0x0] =	vst.idx.msk $0xffff, v0;
	v0 =	vadd.s32 $0x37, v44  }
0xf0: {  	v20 =	vadd.s32 $0x3C, v14;
	[tilespmem:v9+s28+$0x0] =	vst.idx.msk $0xffff, v0;
	v0 =	vadd.s32 $0x38, v44  }
0xf1: {  	v23 =	vadd.s32 $0x3D, v14;
	[tilespmem:v10+s28+$0x0] =	vst.idx.msk $0xffff, v0;
	v0 =	vadd.s32 $0x39, v44  }
0xf2: {  	v2 =	vadd.s32 $0x3A, v44;
	[tilespmem:v11+s28+$0x0] =	vst.idx.msk $0xffff, v0;
	v0 =	vadd.s32 $0x3E, v14  }
0xf3: {  	v16 =	vadd.s32 $0x3F, v14;
	[tilespmem:v17+s28+$0x0] =	vst.idx.msk $0xffff, v2;
	v2 =	vadd.s32 $0x3B, v44  }
0xf4: {  	v7 =	vadd.s32 $0x3C, v44;
	[tilespmem:v18+s28+$0x0] =	vst.idx.msk $0xffff, v2;
	v2 =	vadd.s32 $0x40, v14  }
0xf5: {  	v12 =	vadd.s32 $0x3D, v44;
	[tilespmem:v20+s28+$0x0] =	vst.idx.msk $0xffff, v7;
	v7 =	vadd.s32 $0x41, v14  }
0xf6: {  	v13 =	vadd.s32 $0x3E, v44;
	[tilespmem:v23+s28+$0x0] =	vst.idx.msk $0xffff, v12;
	v12 =	vadd.s32 $0x42, v14  }
0xf7: {  	v26 =	vadd.s32 $0x43, v14;
	[tilespmem:v0+s28+$0x0] =	vst.idx.msk $0xffff, v13;
	v13 =	vadd.s32 $0x3F, v44  }
0xf8: {  	v27 =	vadd.s32 $0x44, v14;
	[tilespmem:v16+s28+$0x0] =	vst.idx.msk $0xffff, v13;
	v13 =	vadd.s32 $0x40, v44  }
0xf9: {  	v28 =	vadd.s32 $0x45, v14;
	[tilespmem:v2+s28+$0x0] =	vst.idx.msk $0xffff, v13;
	v13 =	vadd.s32 $0x41, v44  }
0xfa: {  	v29 =	vadd.s32 $0x46, v14;
	[tilespmem:v7+s28+$0x0] =	vst.idx.msk $0xffff, v13;
	v13 =	vadd.s32 $0x42, v44  }
0xfb: {  	v30 =	vadd.s32 $0x47, v14;
	[tilespmem:v12+s28+$0x0] =	vst.idx.msk $0xffff, v13;
	v13 =	vadd.s32 $0x43, v44  }
0xfc: {  	v31 =	vadd.s32 $0x48, v14;
	[tilespmem:v26+s28+$0x0] =	vst.idx.msk $0xffff, v13;
	v13 =	vadd.s32 $0x44, v44  }
0xfd: {  	v32 =	vadd.s32 $0x49, v14;
	[tilespmem:v27+s28+$0x0] =	vst.idx.msk $0xffff, v13;
	v13 =	vadd.s32 $0x45, v44  }
0xfe: {  	v33 =	vadd.s32 $0x4A, v14;
	[tilespmem:v28+s28+$0x0] =	vst.idx.msk $0xffff, v13;
	v13 =	vadd.s32 $0x46, v44  }
0xff: {  	v34 =	vadd.s32 $0x4B, v14;
	[tilespmem:v29+s28+$0x0] =	vst.idx.msk $0xffff, v13;
	v13 =	vadd.s32 $0x47, v44  }
0x100: {  	v35 =	vadd.s32 $0x4C, v14;
	[tilespmem:v30+s28+$0x0] =	vst.idx.msk $0xffff, v13;
	v13 =	vadd.s32 $0x48, v44  }
0x101: {  	v36 =	vadd.s32 $0x4D, v14;
	[tilespmem:v31+s28+$0x0] =	vst.idx.msk $0xffff, v13;
	v13 =	vadd.s32 $0x49, v44  }
0x102: {  	v37 =	vadd.s32 $0x4E, v14;
	[tilespmem:v32+s28+$0x0] =	vst.idx.msk $0xffff, v13;
	v13 =	vadd.s32 $0x4A, v44  }
0x103: {  	v38 =	vadd.s32 $0x4F, v14;
	[tilespmem:v33+s28+$0x0] =	vst.idx.msk $0xffff, v13;
	v13 =	vadd.s32 $0x4B, v44  }
0x104: {  	v39 =	vadd.s32 $0x50, v14;
	[tilespmem:v34+s28+$0x0] =	vst.idx.msk $0xffff, v13;
	v13 =	vadd.s32 $0x4C, v44  }
0x105: {  	v40 =	vadd.s32 $0x51, v14;
	[tilespmem:v35+s28+$0x0] =	vst.idx.msk $0xffff, v13;
	v13 =	vadd.s32 $0x4D, v44  }
0x106: {  	v41 =	vadd.s32 $0x52, v14;
	[tilespmem:v36+s28+$0x0] =	vst.idx.msk $0xffff, v13;
	v13 =	vadd.s32 $0x4E, v44  }
0x107: {  	v42 =	vadd.s32 $0x53, v14;
	[tilespmem:v37+s28+$0x0] =	vst.idx.msk $0xffff, v13;
	v13 =	vadd.s32 $0x4F, v44  }
0x108: {  	v43 =	vadd.s32 $0x54, v14;
	[tilespmem:v38+s28+$0x0] =	vst.idx.msk $0xffff, v13;
	v13 =	vadd.s32 $0x50, v44  }
0x109: {  	[tilespmem:v39+s28+$0x0] =	vst.idx.msk $0xffff, v13;
	v13 =	vadd.s32 $0x51, v44  }
0x10a: {  	[tilespmem:v40+s28+$0x0] =	vst.idx.msk $0xffff, v13;
	v13 =	vadd.s32 $0x52, v44  }
0x10b: {  	[tilespmem:v41+s28+$0x0] =	vst.idx.msk $0xffff, v13;
	v13 =	vadd.s32 $0x53, v44  }
0x10c: {  	[tilespmem:v42+s28+$0x0] =	vst.idx.msk $0xffff, v13;
	v13 =	vadd.s32 $0x54, v44  }
0x10d: {  	[tilespmem:v43+s28+$0x0] =	vst.idx.msk $0xffff, v13  }
0x10e: {  	[tilespmem:s30], [sflag:$0x1] =	stream.indirect.gather [hbm4b:s4+s29], $0x1, s28, s29, $0xb8;
	[tilespmem:$0x4C00] =	vst v63  }
0x10f: {  	_ =	swait.ge [sflag:s3], $0x550  }
0x110: {  	[sflag:s3] =	ssyncset.done $0x0  }
0x111: {  	s9 =	rddreg [dreg:$0x3];
	[sflag:s3] =	ssyncadd.s32 $0xFFFFFAB0  }
0x112: {  	[hbm4b:s9+s7] =	stream.linear.scatter [tilespmem:s30], [sflag:$0x2], $0x550, $0x38;
	[tilespmem:$0x4C00] =	vst v63  }
0x113: {  	_ =	swait.ge [sflag:s22], $0x550  }
0x114: {  	v22 =	vld [tilespmem:$0x1FF40];
	_ =	sdelay $0x5  }
0x115: {  	[sflag:s22] =	ssyncset.done $0x0  }
0x116: {  	[sflag:s22] =	ssyncadd.s32 $0xFFFFFAB0  }
0x117: {  	v48 =	vld.idx.msk [tilespmem:v22+s7+$0x0], $0xffff  }
0x118: {  	v22 =	vld [tilespmem:$0x1FF60];
	_ =	sdelay $0x7  }
0x119: {  	v50 =	vld.idx.msk [tilespmem:v22+s7+$0x0], $0xffff  }
0x11a: {  	v22 =	vld [tilespmem:$0x1FF70];
	_ =	sdelay $0x4  }
0x11b: {  	v13 =	vld [tilespmem:$0x1FF90]  }
0x11c: {  	v15 =	vld [tilespmem:$0x1FF20]  }
0x11d: {  	v19 =	vld [tilespmem:$0x1FF30]  }
0x11e: {  	v52 =	vld.idx.msk [tilespmem:v22+s7+$0x0], $0xffff  }
0x11f: {  	v22 =	vld [tilespmem:$0x1FF80];
	_ =	sdelay $0x4  }
0x120: {  	v13 =	vld.idx.msk [tilespmem:v13+s7+$0x0], $0xffff  }
0x121: {  	v15 =	vld.idx.msk [tilespmem:v15+s7+$0x0], $0xffff  }
0x122: {  	v19 =	vld.idx.msk [tilespmem:v19+s7+$0x0], $0xffff  }
0x123: {  	v53 =	vld.idx.msk [tilespmem:v22+s7+$0x0], $0xffff  }
0x124: {  	v22 =	vld [tilespmem:$0x1FFA0];
	_ =	sdelay $0x2  }
0x125: {  	v59 =	vsub.f32 v19, v13;
	v46 =	vsub.f32 v48, v15;
	_ =	sdelay $0x1  }
0x126: {  	v45 =	vmul.f32 $5.120000000e+02, v59;
	v44 =	vmul.f32 $5.120000000e+02, v46;
	_ =	sdelay $0x1  }
0x127: {  	v49 =	vmul.f32 v44, v45  }
0x128: {  	v60 =	vmin.f32 v45, $3.692307660e+01;
	v47 =	vmin.f32 v44, $7.507691950e+01;
	v54 =	vld.idx.msk [tilespmem:v22+s7+$0x0], $0xffff  }
0x129: {  	v58 =	vmul.f32 v47, v60;
	v61 =	vadd.f32 $2.772071040e+03, v49  }
0x12a: {  	v51 =	vmin.f32 v45, $7.630769340e+01;
	v55 =	vmin.f32 v44, $5.538461690e+01  }
0x12b: {  	v51 =	vmul.f32 v55, v51;
	v55 =	vsub.f32 v61, v58  }
0x12c: {  	v56 =	vsub.f32 v53, v50  }
0x12d: {  	v55 =	vadd.f32 $1.000000020e-16, v55;
	v57 =	vsub.f32 v54, v52  }
0x12e: {  	v47 =	vmul.f32 $5.120000000e+02, v56;
	v56 =	vadd.f32 $4.226271970e+03, v49  }
0x12f: {  	v59 =	vmin.f32 v44, $1.464615330e+02;
	(erf) = vrcp.f32 v55;
	v46 =	vmul.f32 $5.120000000e+02, v57  }
0x130: {  	v49 =	vadd.f32 $1.063536130e+04, v49;
	v56 =	vsub.f32 v56, v51;
	v57 =	vmin.f32 v45, $7.261538690e+01  }
0x131: {  	v60 =	vmin.f32 v47, $3.692307660e+01;
	v57 =	vmul.f32 v59, v57;
	v61 =	vmin.f32 v46, $7.507691950e+01  }
0x132: {  	v56 =	vadd.f32 $1.000000020e-16, v56;
	v59 =	vmul.f32 v61, v60;
	v60 =	vmul.f32 v46, v47  }
0x133: {  	v22 =	vmin.f32 v47, $7.261538690e+01;
	v62 =	vmin.f32 v46, $5.538461690e+01;
	v61 =	vmin.f32 v47, $7.630769340e+01  }
0x134: {  	(erf) = vrcp.f32 v56;
	v61 =	vmul.f32 v62, v61;
	v62 =	vadd.f32 $2.772071040e+03, v60  }
0x135: {  	v24 =	vmin.f32 v46, $1.464615330e+02;
	v49 =	vsub.f32 v49, v57;
	v63 =	vadd.f32 $4.226271970e+03, v60  }
0x136: {  	v22 =	vmul.f32 v24, v22;
	v60 =	vadd.f32 $1.063536130e+04, v60;
	v24 =	vsub.f32 v62, v59  }
0x137: {  	v49 =	vadd.f32 $1.000000020e-16, v49;
	v62 =	vsub.f32 v63, v61  }
0x138: {  	v63 =	vsub.f32 v60, v22;
	v24 =	vadd.f32 $1.000000020e-16, v24  }
0x139: {  	(erf) = vrcp.f32 v49;
	v55 =	vadd.f32 $1.000000020e-16, v62  }
0x13a: {  	(erf) = vrcp.f32 v24;
	v24 =	vadd.f32 $1.000000020e-16, v63  }
0x13b: {  	(erf) = vrcp.f32 v55  }
0x13c: {  	(erf) = vrcp.f32 v24  }
0x13d: {  	v13 =	vadd.f32 v19, v13  }
0x13e: {  	v19 =	vpop (erf)  }
0x13f: {  	v15 =	vadd.f32 v48, v15;
	v13 =	vmul.f32 $5.000000000e-01, v13;
	v24 =	vpop (erf)  }
0x140: {  	v19 =	vmul.f32 v19, v58;
	v24 =	vmul.f32 v24, v51  }
0x141: {  	v15 =	vmul.f32 $5.000000000e-01, v15  }
0x142: {  	v58 =	vpop (erf);
	vm1 =	vgt.f32 v24, v19  }
0x143: {  	v55 =	vmul.f32 v58, v57;
	v19 =	vsel vm1, v24, v19;
	v24 =	vadd.f32 v53, v50;
	v60 =	vpop (erf)  }
0x144: {  	v49 =	vmul.f32 $3.200000000e+01, v15;
	v51 =	vmul.f32 $3.200000000e+01, v13;
	v13 =	vpop (erf)  }
0x145: {  	v48 =	vld [tilespmem:$0x100];
	vm3 =	vgt.f32 v55, v19;
	v62 =	vmul.f32 v60, v59;
	v19 =	vmul.f32 $5.000000000e-01, v24;
	v15 =	vpop (erf)  }
0x146: {  	v13 =	vmul.f32 v13, v61;
	v15 =	vmul.f32 v15, v22  }
0x147: {  	v63 =	vadd.f32 v54, v52;
	v22 =	vtrunc.f32 v51;
	v53 =	vmul.f32 $3.200000000e+01, v19  }
0x148: {  	v56 =	vcvt.f32.s32 v22;
	v22 =	vtrunc.f32 v49;
	vm2 =	vgt.f32 v13, v62  }
0x149: {  	v55 =	vcvt.f32.s32 v22;
	v22 =	vmul.f32 $5.000000000e-01, v63;
	v13 =	vsel vm2, v13, v62  }
0x14a: {  	vm5 =	vmneg vm3;
	v24 =	vor.u32 v56, v48;
	vm4 =	vgt.f32 v15, v13  }
0x14b: {  	v50 =	vld [tilespmem:$0x110];
	v15 =	vtrunc.f32 v53;
	v24 =	vor.u32 v55, v24;
	v54 =	vmul.f32 $3.200000000e+01, v22  }
0x14c: {  	v22 =	vimm.s32 $0x0;
	v59 =	vcvt.f32.s32 v15;
	v15 =	vshll.u32 v55, $0x5  }
0x14d: {  	vm6 =	vmneg vm4;
	vm4 =	vlt.s32 v56, $0x20;
	vm7 =	vgt.s32 v24, $0xFFFFFFFF;
	v24 =	vld [tilespmem:$0x1FF10]  }
0x14e: {  	vm8 =	vlt.s32 v55, $0x20;
	v13 =	vsel vm1, $0x1, v22;
	v15 =	vadd.s32 v56, v15  }
0x14f: {  	v22 =	vsel vm2, $0x1, v22;
	v60 =	vnsel vm5, $0x2, v13;
	v13 =	vtrunc.f32 v54  }
0x150: {  	vm4 =	vmand vm4, vm8;
	v19 =	vor.u32 v59, v50;
	v58 =	vcvt.f32.s32 v13  }
0x151: {  	v61 =	vnsel vm6, $0x2, v22;
	vm8 =	vlt.s32 v59, $0x20;
	vm4 =	vmand vm4, vm7  }
0x152: {  	v25 =	vld [tilespmem:$0x1FF50];
	v19 =	vor.u32 v58, v19;
	vm9 =	vlt.s32 v58, $0x20;
	v13 =	vadd.s32 v24, v60  }
0x153: {  	v62 =	vld [tilespmem:$0x1FFB0];
	vm3 =	vgt.s32 v19, $0xFFFFFFFF;
	vm7 =	vmand vm8, vm9;
	v13 =	vshll.u32 v13, $0xA  }
0x154: {  	v52 =	vadd.s32 v13, v15;
	v13 =	vadd.s32 v24, v61;
	v15 =	vshll.u32 v58, $0x5  }
0x155: {  	vm3 =	vmand vm7, vm3;
	v13 =	vshll.u32 v13, $0xA;
	v15 =	vadd.s32 v59, v15  }
0x156: {  	v57 =	vadd.s32 v13, v15;
	v13 =	vmul.u32 $0x50, v52;
	v15 =	vmov s7  }
0x157: {  	v19 =	vsel vm4, v52, v25;
	v22 =	vor.u32 $0x20, v15;
	v15 =	vmul.u32 $0x50, v57  }
0x158: {  	[tilespmem:$0x140] =	vst v19;
	v24 =	vsel vm3, v57, v62;
	v13 =	vadd.s32 v48, v13  }
0x159: {  	[tilespmem:$0x150] =	vst v24;
	v13 =	vsel vm4, v13, v25;
	v15 =	vadd.s32 v50, v15  }
0x15a: {  	v63 =	vsel vm3, v15, v62;
	[tilespmem:$0x1A0] =	vst v13  }
0x15b: {  	s8 =	simm.s32 $0x1;
	[tilespmem:$0x1B0] =	vst v63  }
0x15c: {  	vm8 =	vmmov vm0;
	vm7 =	vmmov vm0;
	v25 =	vmov s8;
	v15 =	vld.idx.msk [tilespmem:v22+s25+$0x0], $0xffff  }
0x15d: {  	s9 =	simm.s32 $0x2;
	v62 =	vpsel p0, v19, v24;
	v19 =	vor.u32 $0x20, v25;
	v63 =	vpsel p0, v13, v63;
	v13 =	vld.idx.msk [tilespmem:v22+s23+$0x0], $0xffff  }
.LBB2_4:
0x15e: {  	_ = 	snop  }
0x15f: {  	p1 =	sne.s32 s9, $0x1F  }
.Ltmp1:
0x160: {  	_ = 	snop;
	(pc) =	sbr.rel @p1 .LBB2_4-.Ltmp1, $4  }
0x161: {  	_ = 	snop  }
0x162: {  	vm9 =	vlt.u32 v1, s7;
	vm10 =	veq.s32 v63, v15;
	vm11 =	veq.s32 v62, v13  }
0x163: {  	v22 =	vmov s9;
	v15 =	vld.idx.msk [tilespmem:v19+s25+$0x0], $0xffff;
	vm10 =	vmand vm9, vm10;
	vm9 =	vmand vm9, vm11  }
0x164: {  	s7 =	smov.u32 s8;
	s8 =	smov.u32 s9;
	s9 =	sadd.s32 $0x1, s9;
	v13 =	vld.idx.msk [tilespmem:v19+s23+$0x0], $0xffff;
	v19 =	vor.u32 $0x20, v22;
	vm8 =	vmor vm8, vm10;
	vm7 =	vmor vm7, vm9  }
0x165: {  	vm1 =	vmand vm1, vm5  }
0x166: {  	vm5 =	veq.s32 v60, $0x0;
	v60 =	vimm.f32 $7.261538690e+01;
	v6 =	vimm.f32 $1.464615330e+02  }
0x167: {  	vm3 =	vmmov @p0 vm4;
	v22 =	vsel vm1, $0x42989D8A, v60;
	v24 =	vsel vm1, $0x425D89D9, v6  }
0x168: {  	vm1 =	vmand vm2, vm6;
	vm2 =	vlt.u32 v1, s7;
	vm6 =	veq.s32 v61, $0x0  }
0x169: {  	v25 =	vld.idx.msk [tilespmem:v19+s25+$0x0], $0xffff;
	v22 =	vsel vm5, $0x4213B13B, v22;
	v24 =	vsel vm5, $0x42962762, v24;
	vm5 =	veq.s32 v63, v15  }
0x16a: {  	v15 =	vld.idx.msk [tilespmem:v19+s23+$0x0], $0xffff;
	(erf) = vrcp.f32 v22;
	v19 =	vsel vm1, $0x42989D8A, v60;
	v22 =	vsel vm1, $0x425D89D9, v6  }
0x16b: {  	(erf) = vrcp.f32 v24;
	v19 =	vsel vm6, $0x4213B13B, v19;
	vm1 =	veq.s32 v62, v13  }
0x16c: {  	v13 =	vsel vm6, $0x42962762, v22;
	vm5 =	vmand vm2, vm5;
	(erf) = vrcp.f32 v19  }
0x16d: {  	v24 =	vcvt.s32.f32 v58;
	vm1 =	vmand vm2, vm1;
	(erf) = vrcp.f32 v13  }
0x16e: {  	vm2 =	vmor vm8, vm5;
	vm5 =	vlt.u32 v1, s8;
	vm6 =	veq.s32 v63, v25  }
0x16f: {  	v19 =	vcvt.s32.f32 v59;
	v63 =	vimm.f32 $0.0e+00;
	vm6 =	vmand vm5, vm6  }
0x170: {  	v13 =	vcvt.s32.f32 v56;
	vm1 =	vmor vm7, vm1;
	v24 =	vsub.f32 v54, v24  }
0x171: {  	vm2 =	vmor vm2, vm6;
	v19 =	vsub.f32 v53, v19;
	vm8 =	veq.s32 v62, v15  }
0x172: {  	v15 =	vcvt.s32.f32 v55;
	vm2 =	vmneg vm2;
	vm5 =	vmand vm5, vm8  }
0x173: {  	v13 =	vsub.f32 v51, v13;
	vm2 =	vmand vm3, vm2;
	vm1 =	vmor vm1, vm5;
	v22 =	vpop (erf)  }
0x174: {  	[tilespmem:$0xCF0] =	vst v63;
	v15 =	vsub.f32 v49, v15;
	v58 =	vsel vm2, $0x3F800000, v63;
	vm1 =	vmneg vm1;
	v25 =	vpop (erf)  }
0x175: {  	v13 =	vpsel p0, v13, v19;
	[tilespmem:$0xC90] =	vst v58;
	vm1 =	vmand vm3, vm1;
	v56 =	vpop (erf)  }
0x176: {  	[tilespmem:$0xCA0] =	vst v13;
	v15 =	vpsel p0, v15, v24;
	v22 =	vmul.f32 v22, v45;
	v59 =	vmul.f32 v56, v47;
	v60 =	vpop (erf)  }
0x177: {  	v55 =	vsel vm1, $0x3F800000, v63;
	[tilespmem:$0xCB0] =	vst v15;
	v19 =	vmul.f32 v25, v44;
	v25 =	vmul.f32 v60, v46  }
0x178: {  	[tilespmem:$0xC80] =	vst v55;
	v13 =	vpsel p0, v22, v59;
	v22 =	vpsel p0, v48, v50  }
0x179: {  	v15 =	vpsel p0, v19, v25;
	[tilespmem:$0xCC0] =	vst v13;
	v13 =	vcvt.s32.f32 v22  }
0x17a: {  	[tilespmem:$0xCD0] =	vst v15  }
0x17b: {  	s9 =	rddreg [dreg:$0x4];
	s7 =	simm.s32 $0x0;
	[tilespmem:$0xCE0] =	vst v13  }
0x17c: {  	v15 =	vpsel p0, v52, v57;
	[hbm4b:s9+s7] =	stream.linear.scatter [tilespmem:s26], [sflag:$0x2], $0x80, $0x38;
	[tilespmem:$0x4C00] =	vst v63  }
0x17d: {  	vm1 =	vgt.s32 v15, $0x0;
	_ =	swait.ge [sflag:s22], $0x80  }
0x17e: {  	v13 =	vnsel vm1, $0x0, v15;
	v15 =	vld [tilespmem:$0x1FFC0];
	_ =	sdelay $0x3  }
0x17f: {  	v13 =	vmin.u32 v13, $0xBFFF  }
0x180: {  	[sflag:s22] =	ssyncset.done $0x0;
	v61 =	vmul.u32 $0x55, v13  }
0x181: {  	[sflag:s22] =	ssyncadd.s32 $0xFFFFFF80  }
0x182: {  	[tilespmem:v14+s28+$0x0] =	vst.idx.msk $0xffff, v61;
	v13 =	vadd.s32 $0x1, v61  }
0x183: {  	[tilespmem:v15+s28+$0x0] =	vst.idx.msk $0xffff, v13;
	v15 =	vld [tilespmem:$0x1FFD0];
	_ =	sdelay $0x6  }
0x184: {  	v13 =	vadd.s32 $0x2, v61  }
0x185: {  	[tilespmem:v15+s28+$0x0] =	vst.idx.msk $0xffff, v13;
	v15 =	vld [tilespmem:$0x1FFE0];
	_ =	sdelay $0x1  }
0x186: {  	v6 =	vld [tilespmem:$0x1FFF0];
	_ =	sdelay $0x4  }
0x187: {  	v13 =	vadd.s32 $0x3, v61  }
0x188: {  	[tilespmem:v15+s28+$0x0] =	vst.idx.msk $0xffff, v13;
	v13 =	vadd.s32 $0x4, v61  }
0x189: {  	[tilespmem:v21+s28+$0x0] =	vst.idx.msk $0xffff, v13;
	v13 =	vadd.s32 $0x5, v61  }
0x18a: {  	[tilespmem:v6+s28+$0x0] =	vst.idx.msk $0xffff, v13;
	v6 =	vld [tilespmem:$0x1FC40];
	_ =	sdelay $0x6  }
0x18b: {  	v13 =	vadd.s32 $0x6, v61  }
0x18c: {  	[tilespmem:v6+s28+$0x0] =	vst.idx.msk $0xffff, v13;
	v6 =	vld [tilespmem:$0x1FC50];
	_ =	sdelay $0x6  }
0x18d: {  	v13 =	vadd.s32 $0x7, v61  }
0x18e: {  	[tilespmem:v6+s28+$0x0] =	vst.idx.msk $0xffff, v13;
	v6 =	vld [tilespmem:$0x1FC60];
	_ =	sdelay $0x6  }
0x18f: {  	v13 =	vadd.s32 $0x8, v61  }
0x190: {  	[tilespmem:v6+s28+$0x0] =	vst.idx.msk $0xffff, v13;
	v6 =	vld [tilespmem:$0x1FC70];
	_ =	sdelay $0x6  }
0x191: {  	v13 =	vadd.s32 $0x9, v61  }
0x192: {  	[tilespmem:v6+s28+$0x0] =	vst.idx.msk $0xffff, v13;
	v6 =	vld [tilespmem:$0x1FC80];
	_ =	sdelay $0x6  }
0x193: {  	v13 =	vadd.s32 $0xA, v61  }
0x194: {  	[tilespmem:v6+s28+$0x0] =	vst.idx.msk $0xffff, v13;
	v6 =	vld [tilespmem:$0x1FC90];
	_ =	sdelay $0x6  }
0x195: {  	v13 =	vadd.s32 $0xB, v61  }
0x196: {  	[tilespmem:v6+s28+$0x0] =	vst.idx.msk $0xffff, v13;
	v6 =	vld [tilespmem:$0x1FCA0];
	_ =	sdelay $0x6  }
0x197: {  	v13 =	vadd.s32 $0xC, v61  }
0x198: {  	[tilespmem:v6+s28+$0x0] =	vst.idx.msk $0xffff, v13;
	v6 =	vld [tilespmem:$0x1FCB0];
	_ =	sdelay $0x6  }
0x199: {  	v13 =	vadd.s32 $0xD, v61  }
0x19a: {  	[tilespmem:v6+s28+$0x0] =	vst.idx.msk $0xffff, v13;
	v6 =	vld [tilespmem:$0x1FCC0];
	_ =	sdelay $0x6  }
0x19b: {  	v13 =	vadd.s32 $0xE, v61  }
0x19c: {  	[tilespmem:v6+s28+$0x0] =	vst.idx.msk $0xffff, v13;
	v6 =	vld [tilespmem:$0x1FCD0];
	_ =	sdelay $0x6  }
0x19d: {  	v13 =	vadd.s32 $0xF, v61  }
0x19e: {  	[tilespmem:v6+s28+$0x0] =	vst.idx.msk $0xffff, v13;
	v6 =	vld [tilespmem:$0x1FCE0];
	_ =	sdelay $0x6  }
0x19f: {  	v13 =	vadd.s32 $0x10, v61  }
0x1a0: {  	[tilespmem:v6+s28+$0x0] =	vst.idx.msk $0xffff, v13;
	v6 =	vld [tilespmem:$0x1FCF0];
	_ =	sdelay $0x6  }
0x1a1: {  	v13 =	vadd.s32 $0x11, v61  }
0x1a2: {  	[tilespmem:v6+s28+$0x0] =	vst.idx.msk $0xffff, v13;
	v6 =	vld [tilespmem:$0x1FD00];
	_ =	sdelay $0x6  }
0x1a3: {  	v13 =	vadd.s32 $0x12, v61  }
0x1a4: {  	[tilespmem:v6+s28+$0x0] =	vst.idx.msk $0xffff, v13;
	v6 =	vld [tilespmem:$0x1FD10];
	_ =	sdelay $0x6  }
0x1a5: {  	v13 =	vadd.s32 $0x13, v61  }
0x1a6: {  	[tilespmem:v6+s28+$0x0] =	vst.idx.msk $0xffff, v13;
	v6 =	vld [tilespmem:$0x1FD20];
	_ =	sdelay $0x6  }
0x1a7: {  	v13 =	vadd.s32 $0x14, v61  }
0x1a8: {  	[tilespmem:v6+s28+$0x0] =	vst.idx.msk $0xffff, v13;
	v6 =	vld [tilespmem:$0x1FD30];
	_ =	sdelay $0x6  }
0x1a9: {  	v13 =	vadd.s32 $0x15, v61  }
0x1aa: {  	[tilespmem:v6+s28+$0x0] =	vst.idx.msk $0xffff, v13;
	v6 =	vld [tilespmem:$0x1FD40];
	_ =	sdelay $0x6  }
0x1ab: {  	v13 =	vadd.s32 $0x16, v61  }
0x1ac: {  	[tilespmem:v6+s28+$0x0] =	vst.idx.msk $0xffff, v13;
	v6 =	vld [tilespmem:$0x1FD50];
	_ =	sdelay $0x6  }
0x1ad: {  	v13 =	vadd.s32 $0x17, v61  }
0x1ae: {  	[tilespmem:v6+s28+$0x0] =	vst.idx.msk $0xffff, v13;
	v6 =	vld [tilespmem:$0x1FD60];
	_ =	sdelay $0x6  }
0x1af: {  	v13 =	vadd.s32 $0x18, v61  }
0x1b0: {  	[tilespmem:v6+s28+$0x0] =	vst.idx.msk $0xffff, v13;
	v6 =	vld [tilespmem:$0x1FD70];
	_ =	sdelay $0x6  }
0x1b1: {  	v13 =	vadd.s32 $0x19, v61  }
0x1b2: {  	[tilespmem:v6+s28+$0x0] =	vst.idx.msk $0xffff, v13;
	v6 =	vld [tilespmem:$0x1FD80];
	_ =	sdelay $0x6  }
0x1b3: {  	v13 =	vadd.s32 $0x1A, v61  }
0x1b4: {  	[tilespmem:v6+s28+$0x0] =	vst.idx.msk $0xffff, v13;
	v6 =	vld [tilespmem:$0x1FD90];
	_ =	sdelay $0x6  }
0x1b5: {  	v13 =	vadd.s32 $0x1B, v61  }
0x1b6: {  	[tilespmem:v6+s28+$0x0] =	vst.idx.msk $0xffff, v13;
	v6 =	vld [tilespmem:$0x1FDA0];
	_ =	sdelay $0x6  }
0x1b7: {  	v13 =	vadd.s32 $0x1C, v61  }
0x1b8: {  	[tilespmem:v6+s28+$0x0] =	vst.idx.msk $0xffff, v13;
	v6 =	vld [tilespmem:$0x1FDB0];
	_ =	sdelay $0x6  }
0x1b9: {  	v13 =	vadd.s32 $0x1D, v61  }
0x1ba: {  	[tilespmem:v6+s28+$0x0] =	vst.idx.msk $0xffff, v13;
	v6 =	vld [tilespmem:$0x1FDC0];
	_ =	sdelay $0x6  }
0x1bb: {  	v13 =	vadd.s32 $0x1E, v61  }
0x1bc: {  	[tilespmem:v6+s28+$0x0] =	vst.idx.msk $0xffff, v13;
	v6 =	vld [tilespmem:$0x1FDD0];
	_ =	sdelay $0x6  }
0x1bd: {  	v13 =	vadd.s32 $0x1F, v61  }
0x1be: {  	[tilespmem:v6+s28+$0x0] =	vst.idx.msk $0xffff, v13;
	v6 =	vld [tilespmem:$0x1FDE0];
	_ =	sdelay $0x6  }
0x1bf: {  	v13 =	vadd.s32 $0x20, v61  }
0x1c0: {  	[tilespmem:v6+s28+$0x0] =	vst.idx.msk $0xffff, v13;
	v6 =	vld [tilespmem:$0x1FDF0];
	_ =	sdelay $0x6  }
0x1c1: {  	v13 =	vadd.s32 $0x21, v61  }
0x1c2: {  	[tilespmem:v6+s28+$0x0] =	vst.idx.msk $0xffff, v13;
	v6 =	vld [tilespmem:$0x1FE00];
	_ =	sdelay $0x6  }
0x1c3: {  	v13 =	vadd.s32 $0x22, v61  }
0x1c4: {  	[tilespmem:v6+s28+$0x0] =	vst.idx.msk $0xffff, v13;
	v6 =	vld [tilespmem:$0x1FE10];
	_ =	sdelay $0x6  }
0x1c5: {  	v13 =	vadd.s32 $0x23, v61  }
0x1c6: {  	[tilespmem:v6+s28+$0x0] =	vst.idx.msk $0xffff, v13;
	v6 =	vld [tilespmem:$0x1FE20];
	_ =	sdelay $0x6  }
0x1c7: {  	v13 =	vadd.s32 $0x24, v61  }
0x1c8: {  	[tilespmem:v6+s28+$0x0] =	vst.idx.msk $0xffff, v13;
	v6 =	vld [tilespmem:$0x1FE30];
	_ =	sdelay $0x6  }
0x1c9: {  	v13 =	vadd.s32 $0x25, v61  }
0x1ca: {  	[tilespmem:v6+s28+$0x0] =	vst.idx.msk $0xffff, v13;
	v6 =	vld [tilespmem:$0x1FE40];
	_ =	sdelay $0x6  }
0x1cb: {  	v13 =	vadd.s32 $0x26, v61  }
0x1cc: {  	[tilespmem:v6+s28+$0x0] =	vst.idx.msk $0xffff, v13;
	v6 =	vld [tilespmem:$0x1FE50];
	_ =	sdelay $0x6  }
0x1cd: {  	v13 =	vadd.s32 $0x27, v61  }
0x1ce: {  	[tilespmem:v6+s28+$0x0] =	vst.idx.msk $0xffff, v13;
	v6 =	vld [tilespmem:$0x1FE60];
	_ =	sdelay $0x6  }
0x1cf: {  	v13 =	vadd.s32 $0x28, v61  }
0x1d0: {  	[tilespmem:v6+s28+$0x0] =	vst.idx.msk $0xffff, v13;
	v6 =	vld [tilespmem:$0x1FE70];
	_ =	sdelay $0x6  }
0x1d1: {  	v13 =	vadd.s32 $0x29, v61  }
0x1d2: {  	[tilespmem:v6+s28+$0x0] =	vst.idx.msk $0xffff, v13;
	v6 =	vld [tilespmem:$0x1FE80];
	_ =	sdelay $0x6  }
0x1d3: {  	v13 =	vadd.s32 $0x2A, v61  }
0x1d4: {  	[tilespmem:v6+s28+$0x0] =	vst.idx.msk $0xffff, v13;
	v6 =	vld [tilespmem:$0x1FE90];
	_ =	sdelay $0x6  }
0x1d5: {  	v13 =	vadd.s32 $0x2B, v61  }
0x1d6: {  	[tilespmem:v6+s28+$0x0] =	vst.idx.msk $0xffff, v13;
	v6 =	vld [tilespmem:$0x1FEA0];
	_ =	sdelay $0x6  }
0x1d7: {  	v13 =	vadd.s32 $0x2C, v61  }
0x1d8: {  	[tilespmem:v6+s28+$0x0] =	vst.idx.msk $0xffff, v13;
	v6 =	vld [tilespmem:$0x1FEB0];
	_ =	sdelay $0x6  }
0x1d9: {  	v13 =	vadd.s32 $0x2D, v61  }
0x1da: {  	[tilespmem:v6+s28+$0x0] =	vst.idx.msk $0xffff, v13;
	v6 =	vld [tilespmem:$0x1FEC0];
	_ =	sdelay $0x6  }
0x1db: {  	v13 =	vadd.s32 $0x2E, v61  }
0x1dc: {  	[tilespmem:v6+s28+$0x0] =	vst.idx.msk $0xffff, v13;
	v6 =	vld [tilespmem:$0x1FED0];
	_ =	sdelay $0x6  }
0x1dd: {  	v13 =	vadd.s32 $0x2F, v61  }
0x1de: {  	[tilespmem:v6+s28+$0x0] =	vst.idx.msk $0xffff, v13;
	v6 =	vld [tilespmem:$0x1FEE0];
	_ =	sdelay $0x6  }
0x1df: {  	v13 =	vadd.s32 $0x30, v61  }
0x1e0: {  	[tilespmem:v6+s28+$0x0] =	vst.idx.msk $0xffff, v13;
	v6 =	vld [tilespmem:$0x1FEF0];
	_ =	sdelay $0x6  }
0x1e1: {  	v13 =	vadd.s32 $0x31, v61  }
0x1e2: {  	[tilespmem:v6+s28+$0x0] =	vst.idx.msk $0xffff, v13;
	v6 =	vld [tilespmem:$0x1FF00];
	_ =	sdelay $0x6  }
0x1e3: {  	v13 =	vadd.s32 $0x32, v61  }
0x1e4: {  	[tilespmem:v6+s28+$0x0] =	vst.idx.msk $0xffff, v13;
	v13 =	vadd.s32 $0x33, v61  }
0x1e5: {  	[tilespmem:v3+s28+$0x0] =	vst.idx.msk $0xffff, v13;
	v13 =	vadd.s32 $0x34, v61  }
0x1e6: {  	[tilespmem:v4+s28+$0x0] =	vst.idx.msk $0xffff, v13;
	v13 =	vadd.s32 $0x35, v61  }
0x1e7: {  	[tilespmem:v5+s28+$0x0] =	vst.idx.msk $0xffff, v13;
	v13 =	vadd.s32 $0x36, v61  }
0x1e8: {  	[tilespmem:v8+s28+$0x0] =	vst.idx.msk $0xffff, v13;
	v13 =	vadd.s32 $0x37, v61  }
0x1e9: {  	[tilespmem:v9+s28+$0x0] =	vst.idx.msk $0xffff, v13;
	v13 =	vadd.s32 $0x38, v61  }
0x1ea: {  	[tilespmem:v10+s28+$0x0] =	vst.idx.msk $0xffff, v13;
	v13 =	vadd.s32 $0x39, v61  }
0x1eb: {  	[tilespmem:v11+s28+$0x0] =	vst.idx.msk $0xffff, v13;
	v13 =	vadd.s32 $0x3A, v61  }
0x1ec: {  	[tilespmem:v17+s28+$0x0] =	vst.idx.msk $0xffff, v13;
	v13 =	vadd.s32 $0x3B, v61  }
0x1ed: {  	[tilespmem:v18+s28+$0x0] =	vst.idx.msk $0xffff, v13;
	v13 =	vadd.s32 $0x3C, v61  }
0x1ee: {  	[tilespmem:v20+s28+$0x0] =	vst.idx.msk $0xffff, v13;
	v13 =	vadd.s32 $0x3D, v61  }
0x1ef: {  	[tilespmem:v23+s28+$0x0] =	vst.idx.msk $0xffff, v13;
	v13 =	vadd.s32 $0x3E, v61  }
0x1f0: {  	[tilespmem:v0+s28+$0x0] =	vst.idx.msk $0xffff, v13;
	v13 =	vadd.s32 $0x3F, v61  }
0x1f1: {  	[tilespmem:v16+s28+$0x0] =	vst.idx.msk $0xffff, v13;
	v13 =	vadd.s32 $0x40, v61  }
0x1f2: {  	[tilespmem:v2+s28+$0x0] =	vst.idx.msk $0xffff, v13;
	v13 =	vadd.s32 $0x41, v61  }
0x1f3: {  	[tilespmem:v7+s28+$0x0] =	vst.idx.msk $0xffff, v13;
	v13 =	vadd.s32 $0x42, v61  }
0x1f4: {  	[tilespmem:v12+s28+$0x0] =	vst.idx.msk $0xffff, v13;
	v13 =	vadd.s32 $0x43, v61  }
0x1f5: {  	[tilespmem:v26+s28+$0x0] =	vst.idx.msk $0xffff, v13;
	v13 =	vadd.s32 $0x44, v61  }
0x1f6: {  	[tilespmem:v27+s28+$0x0] =	vst.idx.msk $0xffff, v13;
	v13 =	vadd.s32 $0x45, v61  }
0x1f7: {  	[tilespmem:v28+s28+$0x0] =	vst.idx.msk $0xffff, v13;
	v13 =	vadd.s32 $0x46, v61  }
0x1f8: {  	[tilespmem:v29+s28+$0x0] =	vst.idx.msk $0xffff, v13;
	v13 =	vadd.s32 $0x47, v61  }
0x1f9: {  	[tilespmem:v30+s28+$0x0] =	vst.idx.msk $0xffff, v13;
	v13 =	vadd.s32 $0x48, v61  }
0x1fa: {  	[tilespmem:v31+s28+$0x0] =	vst.idx.msk $0xffff, v13;
	v13 =	vadd.s32 $0x49, v61  }
0x1fb: {  	[tilespmem:v32+s28+$0x0] =	vst.idx.msk $0xffff, v13;
	v13 =	vadd.s32 $0x4A, v61  }
0x1fc: {  	[tilespmem:v33+s28+$0x0] =	vst.idx.msk $0xffff, v13;
	v13 =	vadd.s32 $0x4B, v61  }
0x1fd: {  	[tilespmem:v34+s28+$0x0] =	vst.idx.msk $0xffff, v13;
	v13 =	vadd.s32 $0x4C, v61  }
0x1fe: {  	[tilespmem:v35+s28+$0x0] =	vst.idx.msk $0xffff, v13;
	v13 =	vadd.s32 $0x4D, v61  }
0x1ff: {  	[tilespmem:v36+s28+$0x0] =	vst.idx.msk $0xffff, v13;
	v13 =	vadd.s32 $0x4E, v61  }
0x200: {  	[tilespmem:v37+s28+$0x0] =	vst.idx.msk $0xffff, v13;
	v13 =	vadd.s32 $0x4F, v61  }
0x201: {  	[tilespmem:v38+s28+$0x0] =	vst.idx.msk $0xffff, v13;
	v13 =	vadd.s32 $0x50, v61  }
0x202: {  	[tilespmem:v39+s28+$0x0] =	vst.idx.msk $0xffff, v13;
	v13 =	vadd.s32 $0x51, v61  }
0x203: {  	[tilespmem:v40+s28+$0x0] =	vst.idx.msk $0xffff, v13;
	v13 =	vadd.s32 $0x52, v61  }
0x204: {  	[tilespmem:v41+s28+$0x0] =	vst.idx.msk $0xffff, v13;
	v13 =	vadd.s32 $0x53, v61  }
0x205: {  	[tilespmem:v42+s28+$0x0] =	vst.idx.msk $0xffff, v13;
	v13 =	vadd.s32 $0x54, v61  }
0x206: {  	[tilespmem:v43+s28+$0x0] =	vst.idx.msk $0xffff, v13  }
0x207: {  	[tilespmem:s30], [sflag:$0x1] =	stream.indirect.gather [hbm4b:s5+s29], $0x1, s28, s29, $0xb8;
	[tilespmem:$0x4C00] =	vst v63  }
0x208: {  	_ =	swait.ge [sflag:s3], $0x550  }
0x209: {  	[sflag:s3] =	ssyncset.done $0x0  }
0x20a: {  	[sflag:s3] =	ssyncadd.s32 $0xFFFFFAB0  }
0x20b: {  	[hbm4b:s11+s7] =	stream.linear.scatter [tilespmem:s30], [sflag:$0x2], $0x550, $0x38;
	[tilespmem:$0x4C00] =	vst v63  }
0x20c: {  	_ =	swait.ge [sflag:s22], $0x550  }
0x20d: {  	v15 =	vld [tilespmem:$0x1FF20]  }
0x20e: {  	v22 =	vld [tilespmem:$0x1FF40];
	_ =	sdelay $0x1  }
0x20f: {  	v13 =	vld [tilespmem:$0x1FF90]  }
0x210: {  	v19 =	vld [tilespmem:$0x1FF30];
	_ =	sdelay $0x1  }
0x211: {  	[sflag:s22] =	ssyncset.done $0x0  }
0x212: {  	[sflag:s22] =	ssyncadd.s32 $0xFFFFFAB0  }
0x213: {  	v15 =	vld.idx.msk [tilespmem:v15+s7+$0x0], $0xffff  }
0x214: {  	v22 =	vld.idx.msk [tilespmem:v22+s7+$0x0], $0xffff  }
0x215: {  	v63 =	vld [tilespmem:$0x1FF70]  }
0x216: {  	v13 =	vld.idx.msk [tilespmem:v13+s7+$0x0], $0xffff  }
0x217: {  	v19 =	vld.idx.msk [tilespmem:v19+s7+$0x0], $0xffff  }
0x218: {  	v50 =	vld [tilespmem:$0x1FFA0]  }
0x219: {  	v25 =	vsub.f32 v22, v15  }
0x21a: {  	v49 =	vld [tilespmem:$0x1FF80]  }
0x21b: {  	v44 =	vmul.f32 $5.120000000e+02, v25;
	v25 =	vld [tilespmem:$0x1FF60]  }
0x21c: {  	v24 =	vsub.f32 v19, v13;
	_ =	sdelay $0x1  }
0x21d: {  	v45 =	vmul.f32 $5.120000000e+02, v24  }
0x21e: {  	v51 =	vld.idx.msk [tilespmem:v63+s7+$0x0], $0xffff  }
0x21f: {  	v55 =	vld.idx.msk [tilespmem:v50+s7+$0x0], $0xffff;
	v13 =	vadd.f32 v19, v13;
	v24 =	vmul.f32 v44, v45  }
0x220: {  	v19 =	vmin.f32 v45, $1.427692260e+02;
	v62 =	vmin.f32 v44, $1.107692340e+02;
	v52 =	vmin.f32 v45, $1.920000000e+02  }
0x221: {  	v53 =	vld.idx.msk [tilespmem:v49+s7+$0x0], $0xffff;
	v54 =	vmin.f32 v44, $2.436923070e+02;
	v19 =	vmul.f32 v62, v19;
	v48 =	vadd.f32 $1.581443750e+04, v24  }
0x222: {  	v15 =	vadd.f32 v22, v15;
	v22 =	vmul.f32 v54, v52;
	v56 =	vadd.f32 $4.678892190e+04, v24;
	v25 =	vld.idx.msk [tilespmem:v25+s7+$0x0], $0xffff  }
0x223: {  	v46 =	vsub.f32 v48, v19  }
0x224: {  	v59 =	vsub.f32 v55, v51;
	v13 =	vmul.f32 $5.000000000e-01, v13;
	v47 =	vsub.f32 v56, v22  }
0x225: {  	v57 =	vmin.f32 v45, $4.590769350e+02;
	v58 =	vmin.f32 v44, $4.012307740e+02;
	v46 =	vadd.f32 $1.000000020e-16, v46  }
0x226: {  	v24 =	vadd.f32 $1.841957810e+05, v24;
	v56 =	vmul.f32 v58, v57;
	v60 =	vadd.f32 $1.000000020e-16, v47  }
0x227: {  	v50 =	vmul.f32 $6.400000000e+01, v13;
	(erf) = vrcp.f32 v46;
	v13 =	vsub.f32 v53, v25  }
0x228: {  	v24 =	vsub.f32 v24, v56;
	(erf) = vrcp.f32 v60  }
0x229: {  	v46 =	vmul.f32 $5.120000000e+02, v59;
	v47 =	vmul.f32 $5.120000000e+02, v13  }
0x22a: {  	v13 =	vmul.f32 $5.000000000e-01, v15;
	v15 =	vadd.f32 $1.000000020e-16, v24  }
0x22b: {  	v48 =	vmin.f32 v46, $1.107692340e+02;
	v62 =	vmin.f32 v46, $2.436923070e+02;
	v52 =	vmul.f32 v46, v47  }
0x22c: {  	v24 =	vmin.f32 v47, $1.427692260e+02;
	(erf) = vrcp.f32 v15;
	v61 =	vmin.f32 v47, $1.920000000e+02  }
0x22d: {  	v60 =	vmin.f32 v47, $4.590769350e+02;
	v15 =	vmul.f32 v48, v24;
	v24 =	vadd.f32 $1.581443750e+04, v52  }
0x22e: {  	v49 =	vmul.f32 $6.400000000e+01, v13;
	v13 =	vmul.f32 v62, v61;
	v63 =	vadd.f32 $4.678892190e+04, v52  }
0x22f: {  	v54 =	vtrunc.f32 v50;
	v61 =	vmin.f32 v46, $4.012307740e+02;
	v24 =	vsub.f32 v24, v15  }
0x230: {  	v57 =	vmul.f32 v61, v60;
	v52 =	vadd.f32 $1.841957810e+05, v52;
	v60 =	vpop (erf);
	v58 =	vsub.f32 v63, v13  }
0x231: {  	v54 =	vcvt.f32.s32 v54;
	v48 =	vld [tilespmem:$0x100];
	v19 =	vmul.f32 v60, v19;
	v60 =	vpop (erf);
	v24 =	vadd.f32 $1.000000020e-16, v24  }
0x232: {  	v52 =	vsub.f32 v52, v57;
	v22 =	vmul.f32 v60, v22;
	v58 =	vadd.f32 $1.000000020e-16, v58  }
0x233: {  	vm1 =	vlt.s32 v54, $0x40;
	v59 =	vtrunc.f32 v49;
	(erf) = vrcp.f32 v24  }
0x234: {  	vm2 =	vgt.f32 v22, v19;
	v24 =	vadd.f32 $1.000000020e-16, v52;
	(erf) = vrcp.f32 v58  }
0x235: {  	v61 =	vimm.s32 $0x0;
	v52 =	vcvt.f32.s32 v59;
	v19 =	vsel vm2, v22, v19;
	v62 =	vpop (erf)  }
0x236: {  	v56 =	vmul.f32 v62, v56;
	(erf) = vrcp.f32 v24;
	v24 =	vor.u32 v54, v48;
	v62 =	vld [tilespmem:$0x1FF10]  }
0x237: {  	vm4 =	vlt.s32 v52, $0x40;
	v22 =	vor.u32 v52, v24;
	v24 =	vadd.f32 v53, v25  }
0x238: {  	vm3 =	vgt.f32 v56, v19;
	v19 =	vsel vm2, $0x1, v61;
	vm5 =	vgt.s32 v22, $0xFFFFFFFF  }
0x239: {  	vm3 =	vmneg vm3;
	v22 =	vmul.f32 $5.000000000e-01, v24;
	v24 =	vadd.f32 v55, v51  }
0x23a: {  	vm1 =	vmand vm1, vm4;
	v60 =	vnsel vm3, $0x2, v19  }
0x23b: {  	v19 =	vadd.s32 v62, v60;
	v55 =	vmul.f32 $6.400000000e+01, v22;
	v22 =	vmul.f32 $5.000000000e-01, v24  }
0x23c: {  	vm1 =	vmand vm1, vm5;
	v19 =	vshll.u32 v19, $0xC;
	v25 =	vpop (erf)  }
0x23d: {  	v51 =	vshll.u32 v52, $0x6;
	v56 =	vmul.f32 $6.400000000e+01, v22;
	v22 =	vtrunc.f32 v55;
	v63 =	vpop (erf)  }
0x23e: {  	v53 =	vld [tilespmem:$0x110];
	v51 =	vadd.s32 v54, v51;
	v15 =	vmul.f32 v25, v15;
	v13 =	vmul.f32 v63, v13  }
0x23f: {  	v51 =	vadd.s32 v19, v51;
	v25 =	vld [tilespmem:$0x1FF50];
	v58 =	vcvt.f32.s32 v22;
	v19 =	vpop (erf);
	v22 =	vtrunc.f32 v56  }
0x240: {  	v19 =	vmul.f32 v19, v57;
	v59 =	vcvt.f32.s32 v22;
	vm5 =	vgt.f32 v13, v15  }
0x241: {  	v13 =	vsel vm5, v13, v15  }
0x242: {  	v15 =	vmul.u32 $0x50, v51;
	vm8 =	vlt.s32 v59, $0x40;
	vm4 =	vgt.f32 v19, v13  }
0x243: {  	v13 =	vor.u32 v58, v53;
	v19 =	vsel vm5, $0x1, v61;
	vm6 =	vmneg vm4  }
0x244: {  	v24 =	vsel vm1, v51, v25;
	v13 =	vor.u32 v59, v13;
	v61 =	vnsel vm6, $0x2, v19  }
0x245: {  	vm7 =	vgt.s32 v13, $0xFFFFFFFF;
	v19 =	vshll.u32 v59, $0x6;
	v13 =	vadd.s32 v62, v61;
	v62 =	vld [tilespmem:$0x1FFB0]  }
0x246: {  	vm4 =	vlt.s32 v58, $0x40;
	v19 =	vadd.s32 v58, v19;
	v13 =	vshll.u32 v13, $0xC  }
0x247: {  	vm4 =	vmand vm4, vm8;
	v57 =	vadd.s32 v13, v19;
	v13 =	vmov s7  }
0x248: {  	v19 =	vmul.u32 $0x50, v57;
	v22 =	vor.u32 $0x40, v13;
	v13 =	vadd.s32 v48, v15  }
0x249: {  	[tilespmem:$0x160] =	vst v24;
	vm4 =	vmand vm4, vm7;
	v13 =	vsel vm1, v13, v25  }
0x24a: {  	v15 =	vsel vm4, v57, v62;
	v19 =	vadd.s32 v53, v19;
	[tilespmem:$0x1C0] =	vst v13  }
0x24b: {  	[tilespmem:$0x170] =	vst v15;
	v25 =	vsel vm4, v19, v62  }
0x24c: {  	s8 =	simm.s32 $0x1;
	[tilespmem:$0x1D0] =	vst v25  }
0x24d: {  	v63 =	vmov s8;
	vm8 =	vmmov vm0;
	vm7 =	vmmov vm0;
	v19 =	vld.idx.msk [tilespmem:v22+s25+$0x0], $0xffff  }
0x24e: {  	s9 =	simm.s32 $0x2;
	v62 =	vpsel p0, v24, v15;
	v15 =	vpsel p0, v13, v25;
	v13 =	vor.u32 $0x40, v63;
	v63 =	vld.idx.msk [tilespmem:v22+s23+$0x0], $0xffff  }
.LBB2_6:
0x24f: {  	_ = 	snop  }
0x250: {  	p1 =	sne.s32 s9, $0x1F  }
.Ltmp2:
0x251: {  	_ = 	snop;
	(pc) =	sbr.rel @p1 .LBB2_6-.Ltmp2, $4  }
0x252: {  	_ = 	snop  }
0x253: {  	vm9 =	vlt.u32 v1, s7;
	vm10 =	veq.s32 v15, v19;
	vm11 =	veq.s32 v62, v63  }
0x254: {  	v22 =	vmov s9;
	v19 =	vld.idx.msk [tilespmem:v13+s25+$0x0], $0xffff;
	vm10 =	vmand vm9, vm10;
	vm9 =	vmand vm9, vm11  }
0x255: {  	s7 =	smov.u32 s8;
	s8 =	smov.u32 s9;
	s9 =	sadd.s32 $0x1, s9;
	v63 =	vld.idx.msk [tilespmem:v13+s23+$0x0], $0xffff;
	v13 =	vor.u32 $0x40, v22;
	vm8 =	vmor vm8, vm10;
	vm7 =	vmor vm7, vm9  }
0x256: {  	_ =	sdelay $0x3  }
0x257: {  	v22 =	vld.idx.msk [tilespmem:v13+s25+$0x0], $0xffff;
	_ =	sdelay $0x2  }
0x258: {  	vm2 =	vmand vm2, vm3;
	vm3 =	veq.s32 v60, $0x0;
	v6 =	vimm.f32 $4.590769350e+02  }
0x259: {  	vm5 =	vmand vm5, vm6;
	v24 =	vsel vm2, $0x43400000, v6;
	vm9 =	veq.s32 v15, v19  }
0x25a: {  	v13 =	vld.idx.msk [tilespmem:v13+s23+$0x0], $0xffff;
	vm10 =	veq.s32 v15, v22;
	v15 =	vsel vm3, $0x430EC4EC, v24;
	v22 =	vimm.f32 $4.012307740e+02  }
0x25b: {  	vm14 =	vlt.u32 v1, s8;
	(erf) = vrcp.f32 v15;
	v15 =	vsel vm2, $0x4373B13B, v22  }
0x25c: {  	v25 =	vsel vm5, $0x43400000, v6;
	vm2 =	veq.s32 v61, $0x0;
	v15 =	vsel vm3, $0x42DD89D9, v15  }
0x25d: {  	v60 =	vsel vm5, $0x4373B13B, v22;
	(erf) = vrcp.f32 v15;
	v15 =	vsel vm2, $0x430EC4EC, v25  }
0x25e: {  	vm4 =	vmmov @p0 vm1;
	(erf) = vrcp.f32 v15;
	v15 =	vsel vm2, $0x42DD89D9, v60  }
0x25f: {  	vm12 =	veq.s32 v62, v13;
	v61 =	vcvt.s32.f32 v54;
	(erf) = vrcp.f32 v15  }
0x260: {  	v6 =	vimm.f32 $0.0e+00;
	vm15 =	vmand vm14, vm10;
	vm5 =	vmand vm14, vm12  }
0x261: {  	v22 =	vcvt.s32.f32 v59;
	vm3 =	vlt.u32 v1, s7;
	v13 =	vsub.f32 v50, v61  }
0x262: {  	vm13 =	vmand vm3, vm9;
	vm2 =	veq.s32 v62, v63;
	v62 =	vcvt.s32.f32 v58  }
0x263: {  	v22 =	vsub.f32 v56, v22;
	vm2 =	vmand vm3, vm2;
	v15 =	vcvt.s32.f32 v52  }
0x264: {  	vm3 =	vmor vm8, vm13;
	vm2 =	vmor vm7, vm2;
	v19 =	vsub.f32 v55, v62  }
0x265: {  	vm3 =	vmor vm3, vm15;
	vm2 =	vmor vm2, vm5;
	v15 =	vsub.f32 v49, v15;
	v63 =	vpop (erf)  }
0x266: {  	[tilespmem:$0xCF0] =	vst v6;
	vm1 =	vmneg vm2;
	vm2 =	vmneg vm3;
	v13 =	vpsel p0, v13, v19;
	v25 =	vpop (erf)  }
0x267: {  	vm1 =	vmand vm4, vm1;
	vm2 =	vmand vm4, vm2;
	v15 =	vpsel p0, v15, v22;
	[tilespmem:$0xCA0] =	vst v13;
	v56 =	vpop (erf)  }
0x268: {  	v55 =	vsel vm1, $0x3F800000, v6;
	[tilespmem:$0xCB0] =	vst v15;
	v24 =	vmul.f32 v63, v45;
	v59 =	vmul.f32 v56, v47;
	v60 =	vpop (erf)  }
0x269: {  	v58 =	vsel vm2, $0x3F800000, v6;
	[tilespmem:$0xC80] =	vst v55;
	v25 =	vmul.f32 v25, v44;
	v19 =	vmul.f32 v60, v46  }
0x26a: {  	v22 =	vpsel p0, v48, v53;
	[tilespmem:$0xC90] =	vst v58;
	v13 =	vpsel p0, v24, v59  }
0x26b: {  	v15 =	vpsel p0, v25, v19;
	[tilespmem:$0xCC0] =	vst v13;
	v13 =	vcvt.s32.f32 v22  }
0x26c: {  	[tilespmem:$0xCD0] =	vst v15  }
0x26d: {  	s9 =	simm.s32 $0x0;
	[tilespmem:$0xCE0] =	vst v13  }
0x26e: {  	v15 =	vpsel p0, v51, v57;
	[hbm4b:s13+s9] =	stream.linear.scatter [tilespmem:s26], [sflag:$0x2], $0x80, $0x38;
	[tilespmem:$0x4C00] =	vst v63  }
0x26f: {  	vm1 =	vgt.s32 v15, $0x0;
	_ =	swait.ge [sflag:s22], $0x80  }
0x270: {  	v13 =	vnsel vm1, $0x0, v15;
	v15 =	vld [tilespmem:$0x1FFC0];
	_ =	sdelay $0x3  }
0x271: {  	v13 =	vmin.u32 v13, $0x2FFFF  }
0x272: {  	[sflag:s22] =	ssyncset.done $0x0;
	v44 =	vmul.u32 $0x55, v13  }
0x273: {  	[sflag:s22] =	ssyncadd.s32 $0xFFFFFF80  }
0x274: {  	[tilespmem:v14+s28+$0x0] =	vst.idx.msk $0xffff, v44;
	v13 =	vadd.s32 $0x1, v44  }
0x275: {  	[tilespmem:v15+s28+$0x0] =	vst.idx.msk $0xffff, v13;
	v15 =	vld [tilespmem:$0x1FFD0];
	_ =	sdelay $0x6  }
0x276: {  	v13 =	vadd.s32 $0x2, v44  }
0x277: {  	[tilespmem:v15+s28+$0x0] =	vst.idx.msk $0xffff, v13;
	v15 =	vld [tilespmem:$0x1FFE0];
	_ =	sdelay $0x1  }
0x278: {  	v61 =	vld [tilespmem:$0x1FFF0]  }
0x279: {  	v62 =	vld [tilespmem:$0x1FC40]  }
0x27a: {  	v63 =	vld [tilespmem:$0x1FC50]  }
0x27b: {  	v19 =	vld [tilespmem:$0x1FC60]  }
0x27c: {  	v24 =	vld [tilespmem:$0x1FC70]  }
0x27d: {  	v25 =	vld [tilespmem:$0x1FC80];
	v13 =	vadd.s32 $0x3, v44  }
0x27e: {  	v45 =	vld [tilespmem:$0x1FC90];
	[tilespmem:v15+s28+$0x0] =	vst.idx.msk $0xffff, v13;
	v13 =	vadd.s32 $0x4, v44  }
0x27f: {  	v46 =	vld [tilespmem:$0x1FCA0];
	[tilespmem:v21+s28+$0x0] =	vst.idx.msk $0xffff, v13;
	v13 =	vadd.s32 $0x5, v44  }
0x280: {  	v47 =	vld [tilespmem:$0x1FCB0];
	[tilespmem:v61+s28+$0x0] =	vst.idx.msk $0xffff, v13;
	v13 =	vadd.s32 $0x6, v44  }
0x281: {  	v48 =	vld [tilespmem:$0x1FCC0];
	[tilespmem:v62+s28+$0x0] =	vst.idx.msk $0xffff, v13;
	v13 =	vadd.s32 $0x7, v44  }
0x282: {  	v49 =	vld [tilespmem:$0x1FCD0];
	[tilespmem:v63+s28+$0x0] =	vst.idx.msk $0xffff, v13;
	v13 =	vadd.s32 $0x8, v44  }
0x283: {  	v50 =	vld [tilespmem:$0x1FCE0];
	[tilespmem:v19+s28+$0x0] =	vst.idx.msk $0xffff, v13;
	v13 =	vadd.s32 $0x9, v44  }
0x284: {  	v51 =	vld [tilespmem:$0x1FCF0];
	[tilespmem:v24+s28+$0x0] =	vst.idx.msk $0xffff, v13;
	v13 =	vadd.s32 $0xA, v44  }
0x285: {  	v52 =	vld [tilespmem:$0x1FD00];
	[tilespmem:v25+s28+$0x0] =	vst.idx.msk $0xffff, v13;
	v13 =	vadd.s32 $0xB, v44  }
0x286: {  	v53 =	vld [tilespmem:$0x1FD10];
	[tilespmem:v45+s28+$0x0] =	vst.idx.msk $0xffff, v13;
	v13 =	vadd.s32 $0xC, v44  }
0x287: {  	v54 =	vld [tilespmem:$0x1FD20];
	[tilespmem:v46+s28+$0x0] =	vst.idx.msk $0xffff, v13;
	v13 =	vadd.s32 $0xD, v44  }
0x288: {  	v55 =	vld [tilespmem:$0x1FD30];
	[tilespmem:v47+s28+$0x0] =	vst.idx.msk $0xffff, v13;
	v13 =	vadd.s32 $0xE, v44  }
0x289: {  	v56 =	vld [tilespmem:$0x1FD40];
	[tilespmem:v48+s28+$0x0] =	vst.idx.msk $0xffff, v13;
	v13 =	vadd.s32 $0xF, v44  }
0x28a: {  	v57 =	vld [tilespmem:$0x1FD50];
	[tilespmem:v49+s28+$0x0] =	vst.idx.msk $0xffff, v13;
	v13 =	vadd.s32 $0x10, v44  }
0x28b: {  	v58 =	vld [tilespmem:$0x1FD60];
	[tilespmem:v50+s28+$0x0] =	vst.idx.msk $0xffff, v13;
	v13 =	vadd.s32 $0x11, v44  }
0x28c: {  	v59 =	vld [tilespmem:$0x1FD70];
	[tilespmem:v51+s28+$0x0] =	vst.idx.msk $0xffff, v13;
	v13 =	vadd.s32 $0x12, v44  }
0x28d: {  	v60 =	vld [tilespmem:$0x1FD80];
	[tilespmem:v52+s28+$0x0] =	vst.idx.msk $0xffff, v13;
	v13 =	vadd.s32 $0x13, v44  }
0x28e: {  	v61 =	vld [tilespmem:$0x1FD90];
	[tilespmem:v53+s28+$0x0] =	vst.idx.msk $0xffff, v13;
	v13 =	vadd.s32 $0x14, v44  }
0x28f: {  	v62 =	vld [tilespmem:$0x1FDA0];
	[tilespmem:v54+s28+$0x0] =	vst.idx.msk $0xffff, v13;
	v13 =	vadd.s32 $0x15, v44  }
0x290: {  	v63 =	vld [tilespmem:$0x1FDB0];
	[tilespmem:v55+s28+$0x0] =	vst.idx.msk $0xffff, v13;
	v13 =	vadd.s32 $0x16, v44  }
0x291: {  	v19 =	vld [tilespmem:$0x1FDC0];
	[tilespmem:v56+s28+$0x0] =	vst.idx.msk $0xffff, v13;
	v13 =	vadd.s32 $0x17, v44  }
0x292: {  	v24 =	vld [tilespmem:$0x1FDD0];
	[tilespmem:v57+s28+$0x0] =	vst.idx.msk $0xffff, v13;
	v13 =	vadd.s32 $0x18, v44  }
0x293: {  	v25 =	vld [tilespmem:$0x1FDE0];
	[tilespmem:v58+s28+$0x0] =	vst.idx.msk $0xffff, v13;
	v13 =	vadd.s32 $0x19, v44  }
0x294: {  	v45 =	vld [tilespmem:$0x1FDF0];
	[tilespmem:v59+s28+$0x0] =	vst.idx.msk $0xffff, v13;
	v13 =	vadd.s32 $0x1A, v44  }
0x295: {  	v46 =	vld [tilespmem:$0x1FE00];
	[tilespmem:v60+s28+$0x0] =	vst.idx.msk $0xffff, v13;
	v13 =	vadd.s32 $0x1B, v44  }
0x296: {  	v47 =	vld [tilespmem:$0x1FE10];
	[tilespmem:v61+s28+$0x0] =	vst.idx.msk $0xffff, v13;
	v13 =	vadd.s32 $0x1C, v44  }
0x297: {  	v48 =	vld [tilespmem:$0x1FE20];
	[tilespmem:v62+s28+$0x0] =	vst.idx.msk $0xffff, v13;
	v13 =	vadd.s32 $0x1D, v44  }
0x298: {  	v49 =	vld [tilespmem:$0x1FE30];
	[tilespmem:v63+s28+$0x0] =	vst.idx.msk $0xffff, v13;
	v13 =	vadd.s32 $0x1E, v44  }
0x299: {  	v50 =	vld [tilespmem:$0x1FE40];
	[tilespmem:v19+s28+$0x0] =	vst.idx.msk $0xffff, v13;
	v13 =	vadd.s32 $0x1F, v44  }
0x29a: {  	v51 =	vld [tilespmem:$0x1FE50];
	[tilespmem:v24+s28+$0x0] =	vst.idx.msk $0xffff, v13;
	v13 =	vadd.s32 $0x20, v44  }
0x29b: {  	v52 =	vld [tilespmem:$0x1FE60];
	[tilespmem:v25+s28+$0x0] =	vst.idx.msk $0xffff, v13;
	v13 =	vadd.s32 $0x21, v44  }
0x29c: {  	v53 =	vld [tilespmem:$0x1FE70];
	[tilespmem:v45+s28+$0x0] =	vst.idx.msk $0xffff, v13;
	v13 =	vadd.s32 $0x22, v44  }
0x29d: {  	v54 =	vld [tilespmem:$0x1FE80];
	[tilespmem:v46+s28+$0x0] =	vst.idx.msk $0xffff, v13;
	v13 =	vadd.s32 $0x23, v44  }
0x29e: {  	v55 =	vld [tilespmem:$0x1FE90];
	[tilespmem:v47+s28+$0x0] =	vst.idx.msk $0xffff, v13;
	v13 =	vadd.s32 $0x24, v44  }
0x29f: {  	v56 =	vld [tilespmem:$0x1FEA0];
	[tilespmem:v48+s28+$0x0] =	vst.idx.msk $0xffff, v13;
	v13 =	vadd.s32 $0x25, v44  }
0x2a0: {  	v57 =	vld [tilespmem:$0x1FEB0];
	[tilespmem:v49+s28+$0x0] =	vst.idx.msk $0xffff, v13;
	v13 =	vadd.s32 $0x26, v44  }
0x2a1: {  	v58 =	vld [tilespmem:$0x1FEC0];
	[tilespmem:v50+s28+$0x0] =	vst.idx.msk $0xffff, v13;
	v13 =	vadd.s32 $0x27, v44  }
0x2a2: {  	v59 =	vld [tilespmem:$0x1FED0];
	[tilespmem:v51+s28+$0x0] =	vst.idx.msk $0xffff, v13;
	v13 =	vadd.s32 $0x28, v44  }
0x2a3: {  	v60 =	vld [tilespmem:$0x1FEE0];
	[tilespmem:v52+s28+$0x0] =	vst.idx.msk $0xffff, v13;
	v13 =	vadd.s32 $0x29, v44  }
0x2a4: {  	v61 =	vld [tilespmem:$0x1FEF0];
	[tilespmem:v53+s28+$0x0] =	vst.idx.msk $0xffff, v13;
	v13 =	vadd.s32 $0x2A, v44  }
0x2a5: {  	v62 =	vld [tilespmem:$0x1FF00];
	[tilespmem:v54+s28+$0x0] =	vst.idx.msk $0xffff, v13;
	v13 =	vadd.s32 $0x2B, v44  }
0x2a6: {  	[tilespmem:v55+s28+$0x0] =	vst.idx.msk $0xffff, v13;
	v13 =	vadd.s32 $0x2C, v44  }
0x2a7: {  	[tilespmem:v56+s28+$0x0] =	vst.idx.msk $0xffff, v13;
	v13 =	vadd.s32 $0x2D, v44  }
0x2a8: {  	[tilespmem:v57+s28+$0x0] =	vst.idx.msk $0xffff, v13;
	v13 =	vadd.s32 $0x2E, v44  }
0x2a9: {  	[tilespmem:v58+s28+$0x0] =	vst.idx.msk $0xffff, v13;
	v13 =	vadd.s32 $0x2F, v44  }
0x2aa: {  	[tilespmem:v59+s28+$0x0] =	vst.idx.msk $0xffff, v13;
	v13 =	vadd.s32 $0x30, v44  }
0x2ab: {  	[tilespmem:v60+s28+$0x0] =	vst.idx.msk $0xffff, v13;
	v13 =	vadd.s32 $0x31, v44  }
0x2ac: {  	[tilespmem:v61+s28+$0x0] =	vst.idx.msk $0xffff, v13;
	v13 =	vadd.s32 $0x32, v44  }
0x2ad: {  	v63 =	vadd.s32 $0x33, v44;
	[tilespmem:v62+s28+$0x0] =	vst.idx.msk $0xffff, v13  }
0x2ae: {  	[tilespmem:v3+s28+$0x0] =	vst.idx.msk $0xffff, v63;
	v3 =	vadd.s32 $0x34, v44  }
0x2af: {  	[tilespmem:v4+s28+$0x0] =	vst.idx.msk $0xffff, v3;
	v3 =	vadd.s32 $0x35, v44  }
0x2b0: {  	[tilespmem:v5+s28+$0x0] =	vst.idx.msk $0xffff, v3;
	v3 =	vadd.s32 $0x36, v44  }
0x2b1: {  	[tilespmem:v8+s28+$0x0] =	vst.idx.msk $0xffff, v3;
	v3 =	vadd.s32 $0x37, v44  }
0x2b2: {  	[tilespmem:v9+s28+$0x0] =	vst.idx.msk $0xffff, v3;
	v3 =	vadd.s32 $0x38, v44  }
0x2b3: {  	[tilespmem:v10+s28+$0x0] =	vst.idx.msk $0xffff, v3;
	v3 =	vadd.s32 $0x39, v44  }
0x2b4: {  	[tilespmem:v11+s28+$0x0] =	vst.idx.msk $0xffff, v3;
	v3 =	vadd.s32 $0x3A, v44  }
0x2b5: {  	[tilespmem:v17+s28+$0x0] =	vst.idx.msk $0xffff, v3;
	v3 =	vadd.s32 $0x3B, v44  }
0x2b6: {  	[tilespmem:v18+s28+$0x0] =	vst.idx.msk $0xffff, v3;
	v3 =	vadd.s32 $0x3C, v44  }
0x2b7: {  	[tilespmem:v20+s28+$0x0] =	vst.idx.msk $0xffff, v3;
	v3 =	vadd.s32 $0x3D, v44  }
0x2b8: {  	[tilespmem:v23+s28+$0x0] =	vst.idx.msk $0xffff, v3;
	v3 =	vadd.s32 $0x3E, v44  }
0x2b9: {  	[tilespmem:v0+s28+$0x0] =	vst.idx.msk $0xffff, v3;
	v0 =	vadd.s32 $0x3F, v44  }
0x2ba: {  	[tilespmem:v16+s28+$0x0] =	vst.idx.msk $0xffff, v0;
	v0 =	vadd.s32 $0x40, v44  }
0x2bb: {  	[tilespmem:v2+s28+$0x0] =	vst.idx.msk $0xffff, v0;
	v0 =	vadd.s32 $0x41, v44  }
0x2bc: {  	[tilespmem:v7+s28+$0x0] =	vst.idx.msk $0xffff, v0;
	v0 =	vadd.s32 $0x42, v44  }
0x2bd: {  	[tilespmem:v12+s28+$0x0] =	vst.idx.msk $0xffff, v0;
	v0 =	vadd.s32 $0x43, v44  }
0x2be: {  	[tilespmem:v26+s28+$0x0] =	vst.idx.msk $0xffff, v0;
	v0 =	vadd.s32 $0x44, v44  }
0x2bf: {  	[tilespmem:v27+s28+$0x0] =	vst.idx.msk $0xffff, v0;
	v0 =	vadd.s32 $0x45, v44  }
0x2c0: {  	[tilespmem:v28+s28+$0x0] =	vst.idx.msk $0xffff, v0;
	v0 =	vadd.s32 $0x46, v44  }
0x2c1: {  	[tilespmem:v29+s28+$0x0] =	vst.idx.msk $0xffff, v0;
	v0 =	vadd.s32 $0x47, v44  }
0x2c2: {  	[tilespmem:v30+s28+$0x0] =	vst.idx.msk $0xffff, v0;
	v0 =	vadd.s32 $0x48, v44  }
0x2c3: {  	[tilespmem:v31+s28+$0x0] =	vst.idx.msk $0xffff, v0;
	v0 =	vadd.s32 $0x49, v44  }
0x2c4: {  	[tilespmem:v32+s28+$0x0] =	vst.idx.msk $0xffff, v0;
	v0 =	vadd.s32 $0x4A, v44  }
0x2c5: {  	[tilespmem:v33+s28+$0x0] =	vst.idx.msk $0xffff, v0;
	v0 =	vadd.s32 $0x4B, v44  }
0x2c6: {  	[tilespmem:v34+s28+$0x0] =	vst.idx.msk $0xffff, v0;
	v0 =	vadd.s32 $0x4C, v44  }
0x2c7: {  	[tilespmem:v35+s28+$0x0] =	vst.idx.msk $0xffff, v0;
	v0 =	vadd.s32 $0x4D, v44  }
0x2c8: {  	[tilespmem:v36+s28+$0x0] =	vst.idx.msk $0xffff, v0;
	v0 =	vadd.s32 $0x4E, v44  }
0x2c9: {  	[tilespmem:v37+s28+$0x0] =	vst.idx.msk $0xffff, v0;
	v0 =	vadd.s32 $0x4F, v44  }
0x2ca: {  	[tilespmem:v38+s28+$0x0] =	vst.idx.msk $0xffff, v0;
	v0 =	vadd.s32 $0x50, v44  }
0x2cb: {  	[tilespmem:v39+s28+$0x0] =	vst.idx.msk $0xffff, v0;
	v0 =	vadd.s32 $0x51, v44  }
0x2cc: {  	[tilespmem:v40+s28+$0x0] =	vst.idx.msk $0xffff, v0;
	v0 =	vadd.s32 $0x52, v44  }
0x2cd: {  	[tilespmem:v41+s28+$0x0] =	vst.idx.msk $0xffff, v0;
	v0 =	vadd.s32 $0x53, v44  }
0x2ce: {  	[tilespmem:v42+s28+$0x0] =	vst.idx.msk $0xffff, v0;
	v0 =	vadd.s32 $0x54, v44  }
0x2cf: {  	[tilespmem:v43+s28+$0x0] =	vst.idx.msk $0xffff, v0  }
0x2d0: {  	[tilespmem:s30], [sflag:$0x1] =	stream.indirect.gather [hbm4b:s6+s29], $0x1, s28, s29, $0xb8;
	[tilespmem:$0x4C00] =	vst v63  }
0x2d1: {  	_ =	swait.ge [sflag:s3], $0x550  }
0x2d2: {  	v0 =	vmov s19;
	[sflag:s3] =	ssyncset.done $0x0  }
0x2d3: {  	v0 =	vmul.u32 $0x55, v0;
	[sflag:s3] =	ssyncadd.s32 $0xFFFFFAB0  }
0x2d4: {  	[hbm4b:s14+s9] =	stream.linear.scatter [tilespmem:s30], [sflag:$0x2], $0x550, $0x38;
	[tilespmem:$0x4C00] =	vst v63  }
0x2d5: {  	v0 =	vbroadcast v0, $0x0;
	_ =	swait.ge [sflag:s22], $0x550  }
0x2d6: {  	s8 =	sadd.s32 $0x10, s19;
	[sflag:s22] =	ssyncset.done $0x0  }
0x2d7: {  	s7 =	simm.s32 $0x40;
	v0 =	vadd.s32 v21, v0;
	s9 =	simm.s32 $0x0;
	[sflag:s22] =	ssyncadd.s32 $0xFFFFFAB0  }
.LBB2_8:
0x2d8: {  	v2 =	vmov s8;
	p1 =	sne.s32 s7, $0x5C0;
	[tilespmem:s9+$0xD00] =	vst v0;
	s9 =	smov.u32 s7;
	s7 =	sadd.s32 $0x40, s7  }
.Ltmp3:
0x2d9: {  	v0 =	vmul.u32 $0x55, v2;
	(pc) =	sbr.rel @p1 .LBB2_8-.Ltmp3, $3  }
0x2da: {  	_ = 	snop  }
0x2db: {  	v0 =	vbroadcast v0, $0x0;
	_ =	sdelay $0x1  }
0x2dc: {  	s8 =	sadd.s32 $0x10, s8;
	s9 =	sshra.s32 s9, $0x2;
	v0 =	vadd.s32 v21, v0  }
0x2dd: {  	[tilespmem:s9+$0xD00] =	vst v0;
	s7 =	simm.s32 $0xD00  }
0x2de: {  	[tilespmem:s1], [sflag:$0x1] =	stream.indirect.gather [hbm4b:s4+s25], $0x1, s7, s25, $0xb8;
	[tilespmem:$0x4C00] =	vst v63  }
0x2df: {  	_ =	swait.ge [sflag:s3], $0x180  }
0x2e0: {  	v0 =	vmov s20;
	[sflag:s3] =	ssyncset.done $0x0  }
0x2e1: {  	s9 =	simm.s32 $0x0;
	v0 =	vmul.u32 $0x55, v0;
	[sflag:s3] =	ssyncadd.s32 $0xFFFFFE80  }
0x2e2: {  	[hbm4b:s15+s9] =	stream.linear.scatter [tilespmem:s1], [sflag:$0x2], $0x180, $0x38;
	[tilespmem:$0x4C00] =	vst v63  }
0x2e3: {  	v0 =	vbroadcast v0, $0x0;
	_ =	swait.ge [sflag:s22], $0x180  }
0x2e4: {  	s8 =	sadd.s32 $0x10, s20;
	[sflag:s22] =	ssyncset.done $0x0  }
0x2e5: {  	s7 =	simm.s32 $0x40;
	v0 =	vadd.s32 v21, v0;
	s9 =	simm.s32 $0x0;
	[sflag:s22] =	ssyncadd.s32 $0xFFFFFE80  }
.LBB2_10:
0x2e6: {  	v2 =	vmov s8;
	p1 =	sne.s32 s7, $0x17C0;
	[tilespmem:s9+$0xE80] =	vst v0;
	s9 =	smov.u32 s7;
	s7 =	sadd.s32 $0x40, s7  }
.Ltmp4:
0x2e7: {  	v0 =	vmul.u32 $0x55, v2;
	(pc) =	sbr.rel @p1 .LBB2_10-.Ltmp4, $3  }
0x2e8: {  	_ = 	snop  }
0x2e9: {  	v0 =	vbroadcast v0, $0x0;
	_ =	sdelay $0x1  }
0x2ea: {  	s8 =	sadd.s32 $0x10, s8;
	s9 =	sshra.s32 s9, $0x2;
	v0 =	vadd.s32 v21, v0  }
0x2eb: {  	[tilespmem:s9+$0xE80] =	vst v0;
	s7 =	simm.s32 $0x600;
	s8 =	simm.s32 $0xE80  }
0x2ec: {  	[tilespmem:s31], [sflag:$0x1] =	stream.indirect.gather [hbm4b:s5+s7], $0x1, s8, s7, $0xb8;
	[tilespmem:$0x4C00] =	vst v63  }
0x2ed: {  	_ =	swait.ge [sflag:s3], $0x600  }
0x2ee: {  	v0 =	vmov s21;
	[sflag:s3] =	ssyncset.done $0x0  }
0x2ef: {  	s9 =	simm.s32 $0x0;
	v0 =	vmul.u32 $0x55, v0;
	[sflag:s3] =	ssyncadd.s32 $0xFFFFFA00  }
0x2f0: {  	[hbm4b:s16+s9] =	stream.linear.scatter [tilespmem:s31], [sflag:$0x2], $0x600, $0x38;
	[tilespmem:$0x4C00] =	vst v63  }
0x2f1: {  	v0 =	vbroadcast v0, $0x0;
	_ =	swait.ge [sflag:s22], $0x600  }
0x2f2: {  	s7 =	simm.s32 $0x40;
	[sflag:s22] =	ssyncset.done $0x0  }
0x2f3: {  	s8 =	sadd.s32 $0x10, s21;
	v0 =	vadd.s32 v21, v0;
	s9 =	simm.s32 $0x0;
	[sflag:s22] =	ssyncadd.s32 $0xFFFFFA00  }
.LBB2_12:
0x2f4: {  	v2 =	vmov s8;
	p1 =	sne.s32 s7, $0x5FC0;
	[tilespmem:s9+$0x1480] =	vst v0;
	s9 =	smov.u32 s7;
	s7 =	sadd.s32 $0x40, s7  }
.Ltmp5:
0x2f5: {  	v0 =	vmul.u32 $0x55, v2;
	(pc) =	sbr.rel @p1 .LBB2_12-.Ltmp5, $3  }
0x2f6: {  	_ = 	snop  }
0x2f7: {  	v0 =	vbroadcast v0, $0x0;
	_ =	sdelay $0x1  }
0x2f8: {  	s8 =	sadd.s32 $0x10, s8;
	s9 =	sshra.s32 s9, $0x2;
	v0 =	vadd.s32 v21, v0  }
0x2f9: {  	[tilespmem:s9+$0x1480] =	vst v0;
	s7 =	simm.s32 $0x1800;
	s8 =	simm.s32 $0x1480  }
0x2fa: {  	[tilespmem:s0], [sflag:$0x1] =	stream.indirect.gather [hbm4b:s6+s7], $0x1, s8, s7, $0xb8;
	[tilespmem:$0x4C00] =	vst v63  }
0x2fb: {  	s24 =	sadd.s32 $0x1, s24;
	_ =	swait.ge [sflag:s3], $0x1800  }
0x2fc: {  	p1 =	sne.s32 s24, s18;
	[sflag:s3] =	ssyncset.done $0x0  }
.Ltmp6:
0x2fd: {  	[sflag:s3] =	ssyncadd.s32 $0xFFFFE800;
	(pc) =	sbr.rel @p1 .LBB2_1-.Ltmp6, $4  }
0x2fe: {  	[hbm4b:s17+s2] =	stream.linear.scatter [tilespmem:s0], [sflag:$0x2], $0x1800, $0x38;
	[tilespmem:$0x4C00] =	vst v63  }
0x2ff: {  	_ =	swait.ge [sflag:s22], $0x1800  }
0x300: {  	[sflag:s22] =	ssyncset.done $0x0  }
0x301: {  	[sflag:s22] =	ssyncadd.s32 $0xFFFFE800  }
0x302: {  	_ =	sfence.sel $0x180000  }
0x303: {  	[bflag:$0x0] =	sbarrier.arrive $0xFFFF  }
0x304: {  	_ =	strace $0x90000047  }
0x305: {  	s0 =	stileid.u32;
	[bflag:$0x2] =	sbarrier.arrive $0xFFFF  }
0x306: {  	p0 =	sne.s32 s0, $0x0;
	s0 =	rddreg [dreg:$0x1]  }
0x307: {  	s0 =	sadd.s32 @!p0 $0x100000, s0  }
0x308: {  	[sflag:s0] =	ssyncadd.tile.s32 @!p0 $0x1;
	_ =	shalt  }
.Lfunc_end2:
_tile_overlayer_lowered:
.L_overlay_start_2:
0x309: {  	(tag) =	ssettag $0x2  }
0x30a: {  	s0 =	rddreg [dreg:$0x0];
	s2 =	stileid.u32  }
0x30b: {  	s1 =	rddreg [dreg:$0x1];
	p0 =	sne.s32 s2, $0x0  }
0x30c: {  	s3 =	rddreg [dreg:$0x2];
	[bflag:$0x3] =	sbarrier.arrive $0xFFFF;
	s2 =	simm.s32 @!p0 $0x1C02  }
0x30d: {  	[timem:s3], [sflag:s2] =	dma.local @!p0 [hbm:s0], s1  }
0x30e: {  	s0 =	simm.s32 @!p0 $0x2  }
0x30f: {  	_ =	swait.ge @!p0 [sflag:s0], s1  }
0x310: {  	s1 =	ssub.s32 @!p0 $0x0, s1;
	[sflag:s0] =	ssyncset.done @!p0 $0x0  }
0x311: {  	[sflag:s0] =	ssyncadd.s32 @!p0 s1  }
0x312: {  	[bflag:$0x3] =	sbarrier.arrive $0xFFFF  }
0x313: {  	_ =	shalt  }

</sc_bundles>
